<compile_context>
chip_gen: v7x
topology: tpu7x:2x2x1
jax: 0.10.2.dev20260603
libtpu: 0.0.44.dev20260713+nightly
codegen_flags: <defaults>
</compile_context>

<pallas_src>
import functools

import jax
import jax.numpy as jnp
from jax import lax
from jax.experimental import pallas as pl
from jax.experimental.pallas import tpu as pltpu
from jax.experimental.pallas import tpu_sc as plsc

_N = 100000
_E = 1600000
_M = 32
_NC = 2
_NS = 16
_LANES = 128
_GPC = 8
_CHUNK = _LANES * _GPC
_EPAD = 1605632
_G = _EPAD // _LANES
_NP = 102400
_Q = _NP // 8
_QB = 512
_GB = _Q // _QB
_NR = _NP
_RPT = _NR // _NS
_ZC = 400


def _make_segsum(split_edges: bool, table_rows: int):
  eps = _EPAD // (_NC * _NS) if split_edges else _EPAD // _NS
  nchunks = eps // _CHUNK
  gps = eps // _LANES
  mesh = plsc.VectorSubcoreMesh(core_axis_name="c", subcore_axis_name="s",
                                num_cores=_NC, num_subcores=_NS)

  def body(table, src_g, dst_g, out, src_v, dst_v, rows_v, acc, sem):
    c = lax.axis_index("c")
    s = lax.axis_index("s")

    def zrow(i, _):
      rows_v[i, :] = jnp.zeros((16,), jnp.float32)
      return 0
    lax.fori_loop(0, _ZC, zrow, 0)
    row0 = s * _RPT

    def zacc(j, _):
      pltpu.sync_copy(rows_v.at[pl.ds(0, _ZC)],
                      acc.at[pl.ds(row0 + j * _ZC, _ZC)])
      return 0
    lax.fori_loop(0, _RPT // _ZC, zacc, 0)
    plsc.subcore_barrier()

    gbase = (c * _NS + s) * gps if split_edges else s * gps

    def chunk(i, _):
      g0 = gbase + i * _GPC
      if split_edges:
        pltpu.sync_copy(src_g.at[pl.ds(g0, _GPC)], src_v)
      else:
        pltpu.sync_copy(src_g.at[c, pl.ds(g0, _GPC)], src_v)
      pltpu.sync_copy(dst_g.at[pl.ds(g0, _GPC)], dst_v)
      cps = [pltpu.async_copy(table.at[src_v.at[j]],
                              rows_v.at[pl.ds(j * _LANES, _LANES)], sem)
             for j in range(_GPC)]
      for j in range(_GPC):
        cps[j].wait()
      for j in range(_GPC):
        pltpu.sync_copy(rows_v.at[pl.ds(j * _LANES, _LANES)],
                        acc.at[dst_v.at[j]], add=True)
      return 0
    lax.fori_loop(0, nchunks, chunk, 0)
    plsc.subcore_barrier()
    pltpu.sync_copy(acc.at[pl.ds(row0, _RPT)], out.at[c, pl.ds(row0, _RPT)])

  del table_rows
  return pl.kernel(
      body,
      out_type=jax.ShapeDtypeStruct((_NC, _NR, 16), jnp.float32),
      mesh=mesh,
      scratch_types=[
          pltpu.VMEM((_GPC, _LANES), jnp.int32),
          pltpu.VMEM((_GPC, _LANES), jnp.int32),
          pltpu.VMEM((_CHUNK, 16), jnp.float32),
          pltpu.VMEM_SHARED((_NR, 16), jnp.float32),
          pltpu.SemaphoreType.DMA,
      ],
      compiler_params=pltpu.CompilerParams(use_tc_tiling_on_sc=False),
  )


def _dot(a, b):
  return jnp.dot(a, b, preferred_element_type=jnp.float32,
                 precision=lax.Precision.HIGHEST)


def _h0_body(x_ref, p_ref, w_ref, hl_ref, hr_ref):
  pb = p_ref[0] + p_ref[1]
  xb = x_ref[...]
  hl_ref[...] = _dot(xb, w_ref[0]) + _dot(pb, w_ref[2])
  hr_ref[...] = _dot(xb, w_ref[1]) + _dot(pb, w_ref[3])


_h0_call = pl.pallas_call(
    _h0_body,
    grid=(_GB,),
    in_specs=[
        pl.BlockSpec((_QB, 128), lambda i: (i, 0)),
        pl.BlockSpec((_NC, _QB, 128), lambda i: (0, i, 0)),
        pl.BlockSpec((4, 128, 128), lambda i: (0, 0, 0)),
    ],
    out_specs=[
        pl.BlockSpec((_QB, 128), lambda i: (i, 0)),
        pl.BlockSpec((_QB, 128), lambda i: (i, 0)),
    ],
    out_shape=[
        jax.ShapeDtypeStruct((_Q, 128), jnp.float32),
        jax.ShapeDtypeStruct((_Q, 128), jnp.float32),
    ],
)


def _make_blk(with_stats: bool):
  def body(hl_ref, hr_ref, m_ref, w_ref, ol_ref, or_ref, *rest):
    hl = hl_ref[...]
    hr = hr_ref[...]
    ml = m_ref[0]
    mr = m_ref[1]
    tl = (_dot(ml, w_ref[0]) + _dot(mr, w_ref[1])
          + _dot(hl, w_ref[2]) + _dot(hr, w_ref[3]))
    tr = (_dot(ml, w_ref[4]) + _dot(mr, w_ref[5])
          + _dot(hl, w_ref[6]) + _dot(hr, w_ref[7]))
    ol = hl + jnp.maximum(tl, 0.0)
    orr = hr + jnp.maximum(tr, 0.0)
    ol_ref[...] = ol
    or_ref[...] = orr
    if with_stats:
      st_ref = rest[0]

      @pl.when(pl.program_id(0) == 0)
      def _():
        st_ref[...] = jnp.zeros_like(st_ref)

      sums = jnp.stack([jnp.sum(ol, axis=0), jnp.sum(orr, axis=0),
                        jnp.sum(ol * ol, axis=0), jnp.sum(orr * orr, axis=0)])
      st_ref[...] += jnp.pad(sums, ((0, 4), (0, 0)))

  in_specs = [
      pl.BlockSpec((_QB, 128), lambda i: (i, 0)),
      pl.BlockSpec((_QB, 128), lambda i: (i, 0)),
      pl.BlockSpec((_NC, _QB, 128), lambda i: (0, i, 0)),
      pl.BlockSpec((8, 128, 128), lambda i: (0, 0, 0)),
  ]
  half = jax.ShapeDtypeStruct((_Q, 128), jnp.float32)
  if with_stats:
    return pl.pallas_call(
        body,
        grid=(_GB,),
        in_specs=in_specs,
        out_specs=[
            pl.BlockSpec((_QB, 128), lambda i: (i, 0)),
            pl.BlockSpec((_QB, 128), lambda i: (i, 0)),
            pl.BlockSpec((8, 128), lambda i: (0, 0)),
        ],
        out_shape=[half, half, jax.ShapeDtypeStruct((8, 128), jnp.float32)],
    )
  return pl.pallas_call(
      body,
      grid=(_GB,),
      in_specs=in_specs,
      out_specs=[
          pl.BlockSpec((_QB, 128), lambda i: (i, 0)),
          pl.BlockSpec((_QB, 128), lambda i: (i, 0)),
      ],
      out_shape=[half, half],
  )


def _head_body(hl_ref, hr_ref, ss_ref, wll_ref, wlr_ref, by_ref, w1l_ref,
               w1r_ref, b1_ref, wc1_ref, bc1_ref, wc2_ref, bc2_ref,
               y_ref, fv_ref, off_ref):
  hbl = jnp.maximum(hl_ref[...] * ss_ref[0:1] + ss_ref[1:2], 0.0)
  hbr = jnp.maximum(hr_ref[...] * ss_ref[2:3] + ss_ref[3:4], 0.0)
  y_ref[...] = _dot(hbl, wll_ref[...]) + _dot(hbr, wlr_ref[...]) + by_ref[...]
  fv = _dot(hbl, w1l_ref[...]) + _dot(hbr, w1r_ref[...]) + b1_ref[...]
  fv_ref[...] = fv
  t = jnp.maximum(_dot(fv, wc1_ref[...]) + bc1_ref[...], 0.0)
  off_ref[...] = _dot(t, wc2_ref[...]) + bc2_ref[...]


_head_call = pl.pallas_call(
    _head_body,
    grid=(_GB,),
    in_specs=[
        pl.BlockSpec((_QB, 128), lambda i: (i, 0)),
        pl.BlockSpec((_QB, 128), lambda i: (i, 0)),
        pl.BlockSpec((4, 128), lambda i: (0, 0)),
        pl.BlockSpec((128, 160), lambda i: (0, 0)),
        pl.BlockSpec((128, 160), lambda i: (0, 0)),
        pl.BlockSpec((1, 160), lambda i: (0, 0)),
        pl.BlockSpec((128, 256), lambda i: (0, 0)),
        pl.BlockSpec((128, 256), lambda i: (0, 0)),
        pl.BlockSpec((1, 256), lambda i: (0, 0)),
        pl.BlockSpec((256, 256), lambda i: (0, 0)),
        pl.BlockSpec((1, 256), lambda i: (0, 0)),
        pl.BlockSpec((256, 24), lambda i: (0, 0)),
        pl.BlockSpec((1, 24), lambda i: (0, 0)),
    ],
    out_specs=[
        pl.BlockSpec((_QB, 160), lambda i: (i, 0)),
        pl.BlockSpec((_QB, 256), lambda i: (i, 0)),
        pl.BlockSpec((_QB, 24), lambda i: (i, 0)),
    ],
    out_shape=[
        jax.ShapeDtypeStruct((_Q, 160), jnp.float32),
        jax.ShapeDtypeStruct((_Q, 256), jnp.float32),
        jax.ShapeDtypeStruct((_Q, 24), jnp.float32),
    ],
)

_make_segsum = functools.lru_cache(maxsize=None)(_make_segsum)


def _seg_split(table, src_g, dst_g):
  return _make_segsum(True, _NP)(table, src_g, dst_g)


def _seg_feat(table, src_g, dst_g):
  return _make_segsum(False, 2 * _NP)(table, src_g, dst_g)


_blk_call = _make_blk(with_stats=False)
_blk_stats_call = _make_blk(with_stats=True)


def _bd8(a):
  return jnp.kron(jnp.eye(8, dtype=a.dtype), a)


def kernel(x, edge_index, W_in_self, W_in_nbr, Wb1_self, Wb1_nbr, Wb2_self,
           Wb2_nbr, bn_gamma, bn_beta, W_lin, b_lin, W_lin1, b_lin1, W_c1,
           b_c1, W_c2, b_c2):
  src = edge_index[0]
  dst = edge_index[1]
  npad = _EPAD - _E
  src_p = jnp.concatenate([src, jnp.full((npad,), _N, jnp.int32)])
  dst_p = jnp.concatenate([dst, jnp.zeros((npad,), jnp.int32)])
  src1_g = src_p.reshape(_G, _LANES)
  dst_g = dst_p.reshape(_G, _LANES)
  src2_g = jnp.stack([src_p, src_p + _NP]).reshape(_NC, _G, _LANES)

  x16p = jnp.pad(x, ((0, _NP - _N), (0, 13))).reshape(_Q, 128)

  W16s = jnp.pad(W_in_self, ((0, 13), (0, 0)))
  W16n = jnp.pad(W_in_nbr, ((0, 13), (0, 0)))
  wh0 = jnp.stack([_bd8(W16s[:, :16]), _bd8(W16s[:, 16:]),
                   _bd8(W16n[:, :16]), _bd8(W16n[:, 16:])])

  def blkw(Ws, Wn):
    return jnp.stack([
        _bd8(Wn[:16, :16]), _bd8(Wn[16:, :16]),
        _bd8(Ws[:16, :16]), _bd8(Ws[16:, :16]),
        _bd8(Wn[:16, 16:]), _bd8(Wn[16:, 16:]),
        _bd8(Ws[:16, 16:]), _bd8(Ws[16:, 16:])])

  w1 = blkw(Wb1_self, Wb1_nbr)
  w2 = blkw(Wb2_self, Wb2_nbr)

  p0 = _seg_split(x16p.reshape(_NP, 16), src1_g, dst_g)
  h0l, h0r = _h0_call(x16p, p0.reshape(_NC, _Q, 128), wh0)
  tab1 = jnp.concatenate([h0l, h0r]).reshape(2 * _NP, 16)
  m1 = _seg_feat(tab1, src2_g, dst_g)
  h1l, h1r = _blk_call(h0l, h0r, m1.reshape(_NC, _Q, 128), w1)
  tab2 = jnp.concatenate([h1l, h1r]).reshape(2 * _NP, 16)
  m2 = _seg_feat(tab2, src2_g, dst_g)
  h2l, h2r, st = _blk_stats_call(h1l, h1r, m2.reshape(_NC, _Q, 128), w2)

  nf = jnp.float32(_N)
  mean = jnp.concatenate([st[0].reshape(8, 16).sum(0),
                          st[1].reshape(8, 16).sum(0)]) / nf
  sq = jnp.concatenate([st[2].reshape(8, 16).sum(0),
                        st[3].reshape(8, 16).sum(0)]) / nf
  inv = lax.rsqrt(sq - mean * mean + 1e-5)
  scale = inv * bn_gamma
  shift = bn_beta - mean * scale
  ss = jnp.stack([jnp.tile(scale[:16], 8), jnp.tile(shift[:16], 8),
                  jnp.tile(scale[16:], 8), jnp.tile(shift[16:], 8)])

  yp, fvp, offp = _head_call(
      h2l, h2r, ss,
      _bd8(W_lin[:16, :]), _bd8(W_lin[16:, :]), jnp.tile(b_lin, 8)[None, :],
      _bd8(W_lin1[:16, :]), _bd8(W_lin1[16:, :]),
      jnp.tile(b_lin1, 8)[None, :],
      _bd8(W_c1), jnp.tile(b_c1, 8)[None, :],
      _bd8(W_c2), jnp.tile(b_c2, 8)[None, :])
  y = yp.reshape(_NP, 20)[:_N]
  fv = fvp.reshape(_NP, _M)[:_N]
  off = offp.reshape(_NP, 3)[:_N]
  return (y, fv, off)

# --- scband reference (transcript-rebuilt; emitter-appended) ---
"""Pipeline reference for scband-scn-33749853012578 (READ-ONLY COPY).

The authoritative reference and input builder live on the scoring server;
editing this copy changes nothing except your own understanding.
"""

import jax, jax.numpy as jnp
import numpy as np

N = 100000
E = 1600000
M = 32

def _glorot(k, shape):
    return jax.random.normal(k, shape, dtype=jnp.float32) * (1.0 / np.sqrt(shape[0]))

def setup_inputs(seed: int = 0) -> dict:
    key = jax.random.key(seed)
    ks = jax.random.split(key, 16)
    inp = {}
    inp["x"] = jax.random.normal(ks[0], (N, 3), dtype=jnp.float32)
    inp["edge_index"] = jax.random.randint(ks[1], (2, E), 0, N, dtype=jnp.int32)
    # input submanifold conv (3 -> m), decomposed into self + neighbor weights
    inp["W_in_self"] = _glorot(ks[2], (3, M))
    inp["W_in_nbr"] = _glorot(ks[3], (3, M))
    # UNet approximated as block_reps=2 residual message-passing blocks at width m
    inp["Wb1_self"] = _glorot(ks[4], (M, M))
    inp["Wb1_nbr"] = _glorot(ks[5], (M, M))
    inp["Wb2_self"] = _glorot(ks[6], (M, M))
    inp["Wb2_nbr"] = _glorot(ks[7], (M, M))
    # BatchNormReLU(m)
    inp["bn_gamma"] = jnp.ones((M,), dtype=jnp.float32)
    inp["bn_beta"] = jnp.zeros((M,), dtype=jnp.float32)
    # heads
    inp["W_lin"] = _glorot(ks[8], (M, 20))
    inp["b_lin"] = jnp.zeros((20,), dtype=jnp.float32)
    inp["W_lin1"] = _glorot(ks[9], (M, M))
    inp["b_lin1"] = jnp.zeros((M,), dtype=jnp.float32)
    inp["W_c1"] = _glorot(ks[10], (M, M))
    inp["b_c1"] = jnp.zeros((M,), dtype=jnp.float32)
    inp["W_c2"] = _glorot(ks[11], (M, 3))
    inp["b_c2"] = jnp.zeros((3,), dtype=jnp.float32)
    return inp

def reference(x, edge_index, W_in_self, W_in_nbr, Wb1_self, Wb1_nbr, Wb2_self, Wb2_nbr,
              bn_gamma, bn_beta, W_lin, b_lin, W_lin1, b_lin1, W_c1, b_c1, W_c2, b_c2):
    src = edge_index[0]
    dst = edge_index[1]
    # SubmanifoldConvolution(3 -> m): self contribution + neighbor gather/scatter-add
    h = x @ W_in_self + jax.ops.segment_sum(x[src] @ W_in_nbr, dst, num_segments=N)
    # UNet(block_reps=2, residual_blocks=True) -> 2 residual sparse-conv blocks
    msg = jax.ops.segment_sum(h[src] @ Wb1_nbr, dst, num_segments=N)
    h = h + jax.nn.relu(msg + h @ Wb1_self)
    msg = jax.ops.segment_sum(h[src] @ Wb2_nbr, dst, num_segments=N)
    h = h + jax.nn.relu(msg + h @ Wb2_self)
    # BatchNormReLU(m)
    mean = jnp.mean(h, axis=0)
    var = jnp.var(h, axis=0)
    h = jax.nn.relu((h - mean) / jnp.sqrt(var + 1e-5) * bn_gamma + bn_beta)
    # heads
    y = h @ W_lin + b_lin
    fv = h @ W_lin1 + b_lin1
    offset = jax.nn.relu(fv @ W_c1 + b_c1) @ W_c2 + b_c2
    return (y, fv, offset)

if __name__ == "__main__":
    import jax
    _d = setup_inputs()
    print(jax.jit(kernel)(*tuple(_d.values())))

</pallas_src>

<mosaic_0001>
#map = affine_map<(d0, d1) -> (0, 0)>
#map1 = affine_map<(d0, d1) -> (0, 0, 0)>
module attributes {stable_mosaic.version = 14 : i64} {
  func.func @body(%arg0: i32, %arg1: i32, %arg2: memref<102400x16xf32, #tpu.memory_space<hbm>>, %arg3: memref<12544x128xi32, #tpu.memory_space<hbm>>, %arg4: memref<12544x128xi32, #tpu.memory_space<hbm>>, %arg5: memref<2x102400x16xf32, #tpu.memory_space<hbm>>, %arg6: memref<8x128xi32, #tpu.memory_space<vmem>>, %arg7: memref<8x128xi32, #tpu.memory_space<vmem>>, %arg8: memref<1024x16xf32, #tpu.memory_space<vmem>>, %arg9: memref<102400x16xf32, #tpu.memory_space<vmem_shared>>, %arg10: memref<!tpu.dma_semaphore, #tpu.memory_space<semaphore_mem>>) attributes {dimension_semantics = [#tpu.dimension_semantics<core_parallel>, #tpu.dimension_semantics<subcore_parallel>], iteration_bounds = array<i64: 2, 16>, scalar_prefetch = 0 : i64, scratch_operands = 5 : i64, tpu.core_type = #tpu.core_type<sc_vector_subcore>, window_params = [{transform_indices = #map}, {transform_indices = #map}, {transform_indices = #map}, {transform_indices = #map1}]} {
    %scan3A = arith.constant 0 : i32
    %scan3A_0 = arith.constant 0 : i32
    %scan3A_1 = arith.constant 400 : i32
    %scan3A_2 = arith.addi %scan3A_0, %scan3A_1 : i32
    %scan3A_3 = arith.constant 1 : i32
    %scan3A_4 = scf.for %scan3A_26 = %scan3A_0 to %scan3A_2 step %scan3A_3 iter_args(%scan3A_27 = %scan3A) -> (i32)  : i32 {
      %broadcast_in_dim3A = arith.constant 0.000000e+00 : f32
      %broadcast_in_dim3A_28 = vector.broadcast %broadcast_in_dim3A : f32 to vector<16xf32>
      %swap3A = arith.index_cast %scan3A_26 : i32 to index
      %swap3A_29 = arith.constant 0 : index
      %swap3A_30 = tpu.vector_load %arg8[%swap3A, %swap3A_29] {strides = array<i32>} : memref<1024x16xf32, #tpu.memory_space<vmem>>, vector<1x16xf32>,
      %swap3A_31 = vector.shape_cast %swap3A_30 : vector<1x16xf32> to vector<16xf32>
      %swap3A_32 = vector.shape_cast %broadcast_in_dim3A_28 : vector<16xf32> to vector<1x16xf32>
      tpu.vector_store %arg8[%swap3A, %swap3A_29], %swap3A_32 {strides = array<i32>} : memref<1024x16xf32, #tpu.memory_space<vmem>>, vector<1x16xf32>,
      %scan3A_33 = arith.constant 0 : i32
      scf.yield %scan3A_33 : i32
    }
    %scan3A_5 = arith.constant 400 : i32
    %mul3A = arith.constant 6400 : i32
    %mul3A_6 = arith.muli %arg1, %mul3A : i32
    %scan3A_7 = arith.constant 0 : i32
    %scan3A_8 = arith.constant 0 : i32
    %scan3A_9 = arith.constant 16 : i32
    %scan3A_10 = arith.addi %scan3A_8, %scan3A_9 : i32
    %scan3A_11 = arith.constant 1 : i32
    %scan3A_12 = scf.for %scan3A_26 = %scan3A_8 to %scan3A_10 step %scan3A_11 iter_args(%scan3A_27 = %scan3A_7) -> (i32)  : i32 {
      %mul3A_28 = arith.constant 400 : i32
      %mul3A_29 = arith.muli %scan3A_26, %mul3A_28 : i32
      %add3A_30 = arith.addi %mul3A_6, %mul3A_29 : i32
      "tpu.region"() ({
        %run_scoped3A = tpu.sem_alloc : memref<!tpu.dma_semaphore, #tpu.memory_space<semaphore_mem>>
        %dma_start3A = arith.constant 0 : i32
        %dma_start3A_32 = arith.constant 0 : i32
        %dma_start3A_33 = tpu.memref_slice %arg8[%dma_start3A, %dma_start3A_32] : memref<1024x16xf32, #tpu.memory_space<vmem>> -> memref<400x16xf32, #tpu.memory_space<vmem>>
        %dma_start3A_34 = arith.constant 0 : i32
        %dma_start3A_35 = tpu.memref_slice %arg9[%add3A_30, %dma_start3A_34] : memref<102400x16xf32, #tpu.memory_space<vmem_shared>> -> memref<400x16xf32, #tpu.memory_space<vmem_shared>>
        %dma_start3A_36 = arith.constant 0 : i32
        %dma_start3A_37 = tpu.memref_slice %arg9[%add3A_30, %dma_start3A_36] : memref<102400x16xf32, #tpu.memory_space<vmem_shared>> -> memref<400x16xf32, #tpu.memory_space<vmem_shared>>
        %dma_start3A_38 = arith.constant 0 : i32
        %dma_start3A_39 = arith.constant 0 : i32
        %dma_start3A_40 = tpu.memref_slice %arg8[%dma_start3A_38, %dma_start3A_39] : memref<1024x16xf32, #tpu.memory_space<vmem>> -> memref<400x16xf32, #tpu.memory_space<vmem>>
        tpu.enqueue_dma source(%dma_start3A_40 : memref<400x16xf32, #tpu.memory_space<vmem>>) target(%dma_start3A_37 : memref<400x16xf32, #tpu.memory_space<vmem_shared>>) target_semaphore(%run_scoped3A : memref<!tpu.dma_semaphore, #tpu.memory_space<semaphore_mem>>)
        %dma_wait3A = arith.constant 0 : i32
        %dma_wait3A_41 = arith.constant 0 : i32
        %dma_wait3A_42 = tpu.memref_slice %arg8[%dma_wait3A, %dma_wait3A_41] : memref<1024x16xf32, #tpu.memory_space<vmem>> -> memref<400x16xf32, #tpu.memory_space<vmem>>
        %dma_wait3A_43 = arith.constant 0 : i32
        %dma_wait3A_44 = tpu.memref_slice %arg9[%add3A_30, %dma_wait3A_43] : memref<102400x16xf32, #tpu.memory_space<vmem_shared>> -> memref<400x16xf32, #tpu.memory_space<vmem_shared>>
        %dma_wait3A_45 = arith.constant 0 : i32
        %dma_wait3A_46 = tpu.memref_slice %arg9[%add3A_30, %dma_wait3A_45] : memref<102400x16xf32, #tpu.memory_space<vmem_shared>> -> memref<400x16xf32, #tpu.memory_space<vmem_shared>>
        %dma_wait3A_47 = arith.constant 0 : i32
        %dma_wait3A_48 = arith.constant 0 : i32
        %dma_wait3A_49 = tpu.memref_slice %arg8[%dma_wait3A_47, %dma_wait3A_48] : memref<1024x16xf32, #tpu.memory_space<vmem>> -> memref<400x16xf32, #tpu.memory_space<vmem>>
        tpu.wait_dma2 semaphore(%run_scoped3A : memref<!tpu.dma_semaphore, #tpu.memory_space<semaphore_mem>>) src(%dma_wait3A_49 : memref<400x16xf32, #tpu.memory_space<vmem>>) dst(%dma_wait3A_46 : memref<400x16xf32, #tpu.memory_space<vmem_shared>>)
        tpu.yield
      }) : () -> ()
      %scan3A_31 = arith.constant 0 : i32
      scf.yield %scan3A_31 : i32
    }
    %scan3A_13 = arith.constant 16 : i32
    %barrier3A = arith.constant 0 : index
    tpu.barrier barrier_id(%barrier3A)
    %mul3A_14 = arith.constant 16 : i32
    %mul3A_15 = arith.muli %arg0, %mul3A_14 : i32
    %add3A = arith.addi %mul3A_15, %arg1 : i32
    %mul3A_16 = arith.constant 392 : i32
    %mul3A_17 = arith.muli %add3A, %mul3A_16 : i32
    %scan3A_18 = arith.constant 0 : i32
    %scan3A_19 = arith.constant 0 : i32
    %scan3A_20 = arith.constant 49 : i32
    %scan3A_21 = arith.addi %scan3A_19, %scan3A_20 : i32
    %scan3A_22 = arith.constant 1 : i32
    %scan3A_23 = scf.for %scan3A_26 = %scan3A_19 to %scan3A_21 step %scan3A_22 iter_args(%scan3A_27 = %scan3A_18) -> (i32)  : i32 {
      %mul3A_28 = arith.constant 8 : i32
      %mul3A_29 = arith.muli %scan3A_26, %mul3A_28 : i32
      %add3A_30 = arith.addi %mul3A_17, %mul3A_29 : i32
      "tpu.region"() ({
        %run_scoped3A_197 = tpu.sem_alloc : memref<!tpu.dma_semaphore, #tpu.memory_space<semaphore_mem>>
        %dma_start3A_198 = arith.constant 0 : i32
        %dma_start3A_199 = tpu.memref_slice %arg3[%add3A_30, %dma_start3A_198] : memref<12544x128xi32, #tpu.memory_space<hbm>> -> memref<8x128xi32, #tpu.memory_space<hbm>>
        %dma_start3A_200 = arith.constant 0 : i32
        %dma_start3A_201 = tpu.memref_slice %arg3[%add3A_30, %dma_start3A_200] : memref<12544x128xi32, #tpu.memory_space<hbm>> -> memref<8x128xi32, #tpu.memory_space<hbm>>
        tpu.enqueue_dma source(%dma_start3A_201 : memref<8x128xi32, #tpu.memory_space<hbm>>) target(%arg6 : memref<8x128xi32, #tpu.memory_space<vmem>>) target_semaphore(%run_scoped3A_197 : memref<!tpu.dma_semaphore, #tpu.memory_space<semaphore_mem>>)
        %dma_wait3A_202 = arith.constant 0 : i32
        %dma_wait3A_203 = tpu.memref_slice %arg3[%add3A_30, %dma_wait3A_202] : memref<12544x128xi32, #tpu.memory_space<hbm>> -> memref<8x128xi32, #tpu.memory_space<hbm>>
        %dma_wait3A_204 = arith.constant 0 : i32
        %dma_wait3A_205 = tpu.memref_slice %arg3[%add3A_30, %dma_wait3A_204] : memref<12544x128xi32, #tpu.memory_space<hbm>> -> memref<8x128xi32, #tpu.memory_space<hbm>>
        tpu.wait_dma2 semaphore(%run_scoped3A_197 : memref<!tpu.dma_semaphore, #tpu.memory_space<semaphore_mem>>) src(%dma_wait3A_205 : memref<8x128xi32, #tpu.memory_space<hbm>>) dst(%arg6 : memref<8x128xi32, #tpu.memory_space<vmem>>)
        tpu.yield
      }) : () -> ()
      "tpu.region"() ({
        %run_scoped3A_197 = tpu.sem_alloc : memref<!tpu.dma_semaphore, #tpu.memory_space<semaphore_mem>>
        %dma_start3A_198 = arith.constant 0 : i32
        %dma_start3A_199 = tpu.memref_slice %arg4[%add3A_30, %dma_start3A_198] : memref<12544x128xi32, #tpu.memory_space<hbm>> -> memref<8x128xi32, #tpu.memory_space<hbm>>
        %dma_start3A_200 = arith.constant 0 : i32
        %dma_start3A_201 = tpu.memref_slice %arg4[%add3A_30, %dma_start3A_200] : memref<12544x128xi32, #tpu.memory_space<hbm>> -> memref<8x128xi32, #tpu.memory_space<hbm>>
        tpu.enqueue_dma source(%dma_start3A_201 : memref<8x128xi32, #tpu.memory_space<hbm>>) target(%arg7 : memref<8x128xi32, #tpu.memory_space<vmem>>) target_semaphore(%run_scoped3A_197 : memref<!tpu.dma_semaphore, #tpu.memory_space<semaphore_mem>>)
        %dma_wait3A_202 = arith.constant 0 : i32
        %dma_wait3A_203 = tpu.memref_slice %arg4[%add3A_30, %dma_wait3A_202] : memref<12544x128xi32, #tpu.memory_space<hbm>> -> memref<8x128xi32, #tpu.memory_space<hbm>>
        %dma_wait3A_204 = arith.constant 0 : i32
        %dma_wait3A_205 = tpu.memref_slice %arg4[%add3A_30, %dma_wait3A_204] : memref<12544x128xi32, #tpu.memory_space<hbm>> -> memref<8x128xi32, #tpu.memory_space<hbm>>
        tpu.wait_dma2 semaphore(%run_scoped3A_197 : memref<!tpu.dma_semaphore, #tpu.memory_space<semaphore_mem>>) src(%dma_wait3A_205 : memref<8x128xi32, #tpu.memory_space<hbm>>) dst(%arg7 : memref<8x128xi32, #tpu.memory_space<vmem>>)
        tpu.yield
      }) : () -> ()
      %dma_start3A = arith.constant 0 : i32
      %dma_start3A_31 = arith.constant 0 : i32
      %dma_start3A_32 = arith.constant 0 : i32
      %dma_start3A_33 = tpu.memref_slice %arg8[%dma_start3A_31, %dma_start3A_32] : memref<1024x16xf32, #tpu.memory_space<vmem>> -> memref<128x16xf32, #tpu.memory_space<vmem>>
      %dma_start3A_34 = arith.constant 0 : i32
      %dma_start3A_35 = tpu.memref_slice %arg6[%dma_start3A, %dma_start3A_34] : memref<8x128xi32, #tpu.memory_space<vmem>> -> memref<1x128xi32, #tpu.memory_space<vmem>>
      %dma_start3A_36 = tpu.memref_squeeze %dma_start3A_35 : memref<1x128xi32, #tpu.memory_space<vmem>> -> memref<128xi32, #tpu.memory_space<vmem>>
      %dma_start3A_37 = arith.constant 0 : i32
      %dma_start3A_38 = arith.constant 0 : i32
      %dma_start3A_39 = tpu.memref_slice %arg2[%dma_start3A_37, %dma_start3A_38] : memref<102400x16xf32, #tpu.memory_space<hbm>> -> memref<102400x16xf32, #tpu.memory_space<hbm>>
      tpu.enqueue_indirect_dma source(%dma_start3A_39 : memref<102400x16xf32, #tpu.memory_space<hbm>>) target(%dma_start3A_33 : memref<128x16xf32, #tpu.memory_space<vmem>>) offsets(%dma_start3A_36 : memref<128xi32, #tpu.memory_space<vmem>>) semaphore(%arg10 : memref<!tpu.dma_semaphore, #tpu.memory_space<semaphore_mem>>)
      %dma_start3A_40 = arith.constant 1 : i32
      %dma_start3A_41 = arith.constant 128 : i32
      %dma_start3A_42 = arith.constant 0 : i32
      %dma_start3A_43 = tpu.memref_slice %arg8[%dma_start3A_41, %dma_start3A_42] : memref<1024x16xf32, #tpu.memory_space<vmem>> -> memref<128x16xf32, #tpu.memory_space<vmem>>
      %dma_start3A_44 = arith.constant 0 : i32
      %dma_start3A_45 = tpu.memref_slice %arg6[%dma_start3A_40, %dma_start3A_44] : memref<8x128xi32, #tpu.memory_space<vmem>> -> memref<1x128xi32, #tpu.memory_space<vmem>>
      %dma_start3A_46 = tpu.memref_squeeze %dma_start3A_45 : memref<1x128xi32, #tpu.memory_space<vmem>> -> memref<128xi32, #tpu.memory_space<vmem>>
      %dma_start3A_47 = arith.constant 0 : i32
      %dma_start3A_48 = arith.constant 0 : i32
      %dma_start3A_49 = tpu.memref_slice %arg2[%dma_start3A_47, %dma_start3A_48] : memref<102400x16xf32, #tpu.memory_space<hbm>> -> memref<102400x16xf32, #tpu.memory_space<hbm>>
      tpu.enqueue_indirect_dma source(%dma_start3A_49 : memref<102400x16xf32, #tpu.memory_space<hbm>>) target(%dma_start3A_43 : memref<128x16xf32, #tpu.memory_space<vmem>>) offsets(%dma_start3A_46 : memref<128xi32, #tpu.memory_space<vmem>>) semaphore(%arg10 : memref<!tpu.dma_semaphore, #tpu.memory_space<semaphore_mem>>)
      %dma_start3A_50 = arith.constant 2 : i32
      %dma_start3A_51 = arith.constant 256 : i32
      %dma_start3A_52 = arith.constant 0 : i32
      %dma_start3A_53 = tpu.memref_slice %arg8[%dma_start3A_51, %dma_start3A_52] : memref<1024x16xf32, #tpu.memory_space<vmem>> -> memref<128x16xf32, #tpu.memory_space<vmem>>
      %dma_start3A_54 = arith.constant 0 : i32
      %dma_start3A_55 = tpu.memref_slice %arg6[%dma_start3A_50, %dma_start3A_54] : memref<8x128xi32, #tpu.memory_space<vmem>> -> memref<1x128xi32, #tpu.memory_space<vmem>>
      %dma_start3A_56 = tpu.memref_squeeze %dma_start3A_55 : memref<1x128xi32, #tpu.memory_space<vmem>> -> memref<128xi32, #tpu.memory_space<vmem>>
      %dma_start3A_57 = arith.constant 0 : i32
      %dma_start3A_58 = arith.constant 0 : i32
      %dma_start3A_59 = tpu.memref_slice %arg2[%dma_start3A_57, %dma_start3A_58] : memref<102400x16xf32, #tpu.memory_space<hbm>> -> memref<102400x16xf32, #tpu.memory_space<hbm>>
      tpu.enqueue_indirect_dma source(%dma_start3A_59 : memref<102400x16xf32, #tpu.memory_space<hbm>>) target(%dma_start3A_53 : memref<128x16xf32, #tpu.memory_space<vmem>>) offsets(%dma_start3A_56 : memref<128xi32, #tpu.memory_space<vmem>>) semaphore(%arg10 : memref<!tpu.dma_semaphore, #tpu.memory_space<semaphore_mem>>)
      %dma_start3A_60 = arith.constant 3 : i32
      %dma_start3A_61 = arith.constant 384 : i32
      %dma_start3A_62 = arith.constant 0 : i32
      %dma_start3A_63 = tpu.memref_slice %arg8[%dma_start3A_61, %dma_start3A_62] : memref<1024x16xf32, #tpu.memory_space<vmem>> -> memref<128x16xf32, #tpu.memory_space<vmem>>
      %dma_start3A_64 = arith.constant 0 : i32
      %dma_start3A_65 = tpu.memref_slice %arg6[%dma_start3A_60, %dma_start3A_64] : memref<8x128xi32, #tpu.memory_space<vmem>> -> memref<1x128xi32, #tpu.memory_space<vmem>>
      %dma_start3A_66 = tpu.memref_squeeze %dma_start3A_65 : memref<1x128xi32, #tpu.memory_space<vmem>> -> memref<128xi32, #tpu.memory_space<vmem>>
      %dma_start3A_67 = arith.constant 0 : i32
      %dma_start3A_68 = arith.constant 0 : i32
      %dma_start3A_69 = tpu.memref_slice %arg2[%dma_start3A_67, %dma_start3A_68] : memref<102400x16xf32, #tpu.memory_space<hbm>> -> memref<102400x16xf32, #tpu.memory_space<hbm>>
      tpu.enqueue_indirect_dma source(%dma_start3A_69 : memref<102400x16xf32, #tpu.memory_space<hbm>>) target(%dma_start3A_63 : memref<128x16xf32, #tpu.memory_space<vmem>>) offsets(%dma_start3A_66 : memref<128xi32, #tpu.memory_space<vmem>>) semaphore(%arg10 : memref<!tpu.dma_semaphore, #tpu.memory_space<semaphore_mem>>)
      %dma_start3A_70 = arith.constant 4 : i32
      %dma_start3A_71 = arith.constant 512 : i32
      %dma_start3A_72 = arith.constant 0 : i32
      %dma_start3A_73 = tpu.memref_slice %arg8[%dma_start3A_71, %dma_start3A_72] : memref<1024x16xf32, #tpu.memory_space<vmem>> -> memref<128x16xf32, #tpu.memory_space<vmem>>
      %dma_start3A_74 = arith.constant 0 : i32
      %dma_start3A_75 = tpu.memref_slice %arg6[%dma_start3A_70, %dma_start3A_74] : memref<8x128xi32, #tpu.memory_space<vmem>> -> memref<1x128xi32, #tpu.memory_space<vmem>>
      %dma_start3A_76 = tpu.memref_squeeze %dma_start3A_75 : memref<1x128xi32, #tpu.memory_space<vmem>> -> memref<128xi32, #tpu.memory_space<vmem>>
      %dma_start3A_77 = arith.constant 0 : i32
      %dma_start3A_78 = arith.constant 0 : i32
      %dma_start3A_79 = tpu.memref_slice %arg2[%dma_start3A_77, %dma_start3A_78] : memref<102400x16xf32, #tpu.memory_space<hbm>> -> memref<102400x16xf32, #tpu.memory_space<hbm>>
      tpu.enqueue_indirect_dma source(%dma_start3A_79 : memref<102400x16xf32, #tpu.memory_space<hbm>>) target(%dma_start3A_73 : memref<128x16xf32, #tpu.memory_space<vmem>>) offsets(%dma_start3A_76 : memref<128xi32, #tpu.memory_space<vmem>>) semaphore(%arg10 : memref<!tpu.dma_semaphore, #tpu.memory_space<semaphore_mem>>)
      %dma_start3A_80 = arith.constant 5 : i32
      %dma_start3A_81 = arith.constant 640 : i32
      %dma_start3A_82 = arith.constant 0 : i32
      %dma_start3A_83 = tpu.memref_slice %arg8[%dma_start3A_81, %dma_start3A_82] : memref<1024x16xf32, #tpu.memory_space<vmem>> -> memref<128x16xf32, #tpu.memory_space<vmem>>
      %dma_start3A_84 = arith.constant 0 : i32
      %dma_start3A_85 = tpu.memref_slice %arg6[%dma_start3A_80, %dma_start3A_84] : memref<8x128xi32, #tpu.memory_space<vmem>> -> memref<1x128xi32, #tpu.memory_space<vmem>>
      %dma_start3A_86 = tpu.memref_squeeze %dma_start3A_85 : memref<1x128xi32, #tpu.memory_space<vmem>> -> memref<128xi32, #tpu.memory_space<vmem>>
      %dma_start3A_87 = arith.constant 0 : i32
      %dma_start3A_88 = arith.constant 0 : i32
      %dma_start3A_89 = tpu.memref_slice %arg2[%dma_start3A_87, %dma_start3A_88] : memref<102400x16xf32, #tpu.memory_space<hbm>> -> memref<102400x16xf32, #tpu.memory_space<hbm>>
      tpu.enqueue_indirect_dma source(%dma_start3A_89 : memref<102400x16xf32, #tpu.memory_space<hbm>>) target(%dma_start3A_83 : memref<128x16xf32, #tpu.memory_space<vmem>>) offsets(%dma_start3A_86 : memref<128xi32, #tpu.memory_space<vmem>>) semaphore(%arg10 : memref<!tpu.dma_semaphore, #tpu.memory_space<semaphore_mem>>)
      %dma_start3A_90 = arith.constant 6 : i32
      %dma_start3A_91 = arith.constant 768 : i32
      %dma_start3A_92 = arith.constant 0 : i32
      %dma_start3A_93 = tpu.memref_slice %arg8[%dma_start3A_91, %dma_start3A_92] : memref<1024x16xf32, #tpu.memory_space<vmem>> -> memref<128x16xf32, #tpu.memory_space<vmem>>
      %dma_start3A_94 = arith.constant 0 : i32
      %dma_start3A_95 = tpu.memref_slice %arg6[%dma_start3A_90, %dma_start3A_94] : memref<8x128xi32, #tpu.memory_space<vmem>> -> memref<1x128xi32, #tpu.memory_space<vmem>>
      %dma_start3A_96 = tpu.memref_squeeze %dma_start3A_95 : memref<1x128xi32, #tpu.memory_space<vmem>> -> memref<128xi32, #tpu.memory_space<vmem>>
      %dma_start3A_97 = arith.constant 0 : i32
      %dma_start3A_98 = arith.constant 0 : i32
      %dma_start3A_99 = tpu.memref_slice %arg2[%dma_start3A_97, %dma_start3A_98] : memref<102400x16xf32, #tpu.memory_space<hbm>> -> memref<102400x16xf32, #tpu.memory_space<hbm>>
      tpu.enqueue_indirect_dma source(%dma_start3A_99 : memref<102400x16xf32, #tpu.memory_space<hbm>>) target(%dma_start3A_93 : memref<128x16xf32, #tpu.memory_space<vmem>>) offsets(%dma_start3A_96 : memref<128xi32, #tpu.memory_space<vmem>>) semaphore(%arg10 : memref<!tpu.dma_semaphore, #tpu.memory_space<semaphore_mem>>)
      %dma_start3A_100 = arith.constant 7 : i32
      %dma_start3A_101 = arith.constant 896 : i32
      %dma_start3A_102 = arith.constant 0 : i32
      %dma_start3A_103 = tpu.memref_slice %arg8[%dma_start3A_101, %dma_start3A_102] : memref<1024x16xf32, #tpu.memory_space<vmem>> -> memref<128x16xf32, #tpu.memory_space<vmem>>
      %dma_start3A_104 = arith.constant 0 : i32
      %dma_start3A_105 = tpu.memref_slice %arg6[%dma_start3A_100, %dma_start3A_104] : memref<8x128xi32, #tpu.memory_space<vmem>> -> memref<1x128xi32, #tpu.memory_space<vmem>>
      %dma_start3A_106 = tpu.memref_squeeze %dma_start3A_105 : memref<1x128xi32, #tpu.memory_space<vmem>> -> memref<128xi32, #tpu.memory_space<vmem>>
      %dma_start3A_107 = arith.constant 0 : i32
      %dma_start3A_108 = arith.constant 0 : i32
      %dma_start3A_109 = tpu.memref_slice %arg2[%dma_start3A_107, %dma_start3A_108] : memref<102400x16xf32, #tpu.memory_space<hbm>> -> memref<102400x16xf32, #tpu.memory_space<hbm>>
      tpu.enqueue_indirect_dma source(%dma_start3A_109 : memref<102400x16xf32, #tpu.memory_space<hbm>>) target(%dma_start3A_103 : memref<128x16xf32, #tpu.memory_space<vmem>>) offsets(%dma_start3A_106 : memref<128xi32, #tpu.memory_space<vmem>>) semaphore(%arg10 : memref<!tpu.dma_semaphore, #tpu.memory_space<semaphore_mem>>)
      %dma_wait3A = arith.constant 0 : i32
      %dma_wait3A_110 = arith.constant 0 : i32
      %dma_wait3A_111 = arith.constant 0 : i32
      %dma_wait3A_112 = tpu.memref_slice %arg8[%dma_wait3A_110, %dma_wait3A_111] : memref<1024x16xf32, #tpu.memory_space<vmem>> -> memref<128x16xf32, #tpu.memory_space<vmem>>
      %dma_wait3A_113 = arith.constant 0 : i32
      %dma_wait3A_114 = tpu.memref_slice %arg6[%dma_wait3A, %dma_wait3A_113] : memref<8x128xi32, #tpu.memory_space<vmem>> -> memref<1x128xi32, #tpu.memory_space<vmem>>
      %dma_wait3A_115 = tpu.memref_squeeze %dma_wait3A_114 : memref<1x128xi32, #tpu.memory_space<vmem>> -> memref<128xi32, #tpu.memory_space<vmem>>
      %dma_wait3A_116 = arith.constant 0 : i32
      %dma_wait3A_117 = arith.constant 0 : i32
      %dma_wait3A_118 = tpu.memref_slice %arg2[%dma_wait3A_116, %dma_wait3A_117] : memref<102400x16xf32, #tpu.memory_space<hbm>> -> memref<102400x16xf32, #tpu.memory_space<hbm>>
      tpu.wait_indirect_dma semaphore(%arg10 : memref<!tpu.dma_semaphore, #tpu.memory_space<semaphore_mem>>) src(%dma_wait3A_118 : memref<102400x16xf32, #tpu.memory_space<hbm>>) dst(%dma_wait3A_112 : memref<128x16xf32, #tpu.memory_space<vmem>>)
      %dma_wait3A_119 = arith.constant 1 : i32
      %dma_wait3A_120 = arith.constant 128 : i32
      %dma_wait3A_121 = arith.constant 0 : i32
      %dma_wait3A_122 = tpu.memref_slice %arg8[%dma_wait3A_120, %dma_wait3A_121] : memref<1024x16xf32, #tpu.memory_space<vmem>> -> memref<128x16xf32, #tpu.memory_space<vmem>>
      %dma_wait3A_123 = arith.constant 0 : i32
      %dma_wait3A_124 = tpu.memref_slice %arg6[%dma_wait3A_119, %dma_wait3A_123] : memref<8x128xi32, #tpu.memory_space<vmem>> -> memref<1x128xi32, #tpu.memory_space<vmem>>
      %dma_wait3A_125 = tpu.memref_squeeze %dma_wait3A_124 : memref<1x128xi32, #tpu.memory_space<vmem>> -> memref<128xi32, #tpu.memory_space<vmem>>
      %dma_wait3A_126 = arith.constant 0 : i32
      %dma_wait3A_127 = arith.constant 0 : i32
      %dma_wait3A_128 = tpu.memref_slice %arg2[%dma_wait3A_126, %dma_wait3A_127] : memref<102400x16xf32, #tpu.memory_space<hbm>> -> memref<102400x16xf32, #tpu.memory_space<hbm>>
      tpu.wait_indirect_dma semaphore(%arg10 : memref<!tpu.dma_semaphore, #tpu.memory_space<semaphore_mem>>) src(%dma_wait3A_128 : memref<102400x16xf32, #tpu.memory_space<hbm>>) dst(%dma_wait3A_122 : memref<128x16xf32, #tpu.memory_space<vmem>>)
      %dma_wait3A_129 = arith.constant 2 : i32
      %dma_wait3A_130 = arith.constant 256 : i32
      %dma_wait3A_131 = arith.constant 0 : i32
      %dma_wait3A_132 = tpu.memref_slice %arg8[%dma_wait3A_130, %dma_wait3A_131] : memref<1024x16xf32, #tpu.memory_space<vmem>> -> memref<128x16xf32, #tpu.memory_space<vmem>>
      %dma_wait3A_133 = arith.constant 0 : i32
      %dma_wait3A_134 = tpu.memref_slice %arg6[%dma_wait3A_129, %dma_wait3A_133] : memref<8x128xi32, #tpu.memory_space<vmem>> -> memref<1x128xi32, #tpu.memory_space<vmem>>
      %dma_wait3A_135 = tpu.memref_squeeze %dma_wait3A_134 : memref<1x128xi32, #tpu.memory_space<vmem>> -> memref<128xi32, #tpu.memory_space<vmem>>
      %dma_wait3A_136 = arith.constant 0 : i32
      %dma_wait3A_137 = arith.constant 0 : i32
      %dma_wait3A_138 = tpu.memref_slice %arg2[%dma_wait3A_136, %dma_wait3A_137] : memref<102400x16xf32, #tpu.memory_space<hbm>> -> memref<102400x16xf32, #tpu.memory_space<hbm>>
      tpu.wait_indirect_dma semaphore(%arg10 : memref<!tpu.dma_semaphore, #tpu.memory_space<semaphore_mem>>) src(%dma_wait3A_138 : memref<102400x16xf32, #tpu.memory_space<hbm>>) dst(%dma_wait3A_132 : memref<128x16xf32, #tpu.memory_space<vmem>>)
      %dma_wait3A_139 = arith.constant 3 : i32
      %dma_wait3A_140 = arith.constant 384 : i32
      %dma_wait3A_141 = arith.constant 0 : i32
      %dma_wait3A_142 = tpu.memref_slice %arg8[%dma_wait3A_140, %dma_wait3A_141] : memref<1024x16xf32, #tpu.memory_space<vmem>> -> memref<128x16xf32, #tpu.memory_space<vmem>>
      %dma_wait3A_143 = arith.constant 0 : i32
      %dma_wait3A_144 = tpu.memref_slice %arg6[%dma_wait3A_139, %dma_wait3A_143] : memref<8x128xi32, #tpu.memory_space<vmem>> -> memref<1x128xi32, #tpu.memory_space<vmem>>
      %dma_wait3A_145 = tpu.memref_squeeze %dma_wait3A_144 : memref<1x128xi32, #tpu.memory_space<vmem>> -> memref<128xi32, #tpu.memory_space<vmem>>
      %dma_wait3A_146 = arith.constant 0 : i32
      %dma_wait3A_147 = arith.constant 0 : i32
      %dma_wait3A_148 = tpu.memref_slice %arg2[%dma_wait3A_146, %dma_wait3A_147] : memref<102400x16xf32, #tpu.memory_space<hbm>> -> memref<102400x16xf32, #tpu.memory_space<hbm>>
      tpu.wait_indirect_dma semaphore(%arg10 : memref<!tpu.dma_semaphore, #tpu.memory_space<semaphore_mem>>) src(%dma_wait3A_148 : memref<102400x16xf32, #tpu.memory_space<hbm>>) dst(%dma_wait3A_142 : memref<128x16xf32, #tpu.memory_space<vmem>>)
      %dma_wait3A_149 = arith.constant 4 : i32
      %dma_wait3A_150 = arith.constant 512 : i32
      %dma_wait3A_151 = arith.constant 0 : i32
      %dma_wait3A_152 = tpu.memref_slice %arg8[%dma_wait3A_150, %dma_wait3A_151] : memref<1024x16xf32, #tpu.memory_space<vmem>> -> memref<128x16xf32, #tpu.memory_space<vmem>>
      %dma_wait3A_153 = arith.constant 0 : i32
      %dma_wait3A_154 = tpu.memref_slice %arg6[%dma_wait3A_149, %dma_wait3A_153] : memref<8x128xi32, #tpu.memory_space<vmem>> -> memref<1x128xi32, #tpu.memory_space<vmem>>
      %dma_wait3A_155 = tpu.memref_squeeze %dma_wait3A_154 : memref<1x128xi32, #tpu.memory_space<vmem>> -> memref<128xi32, #tpu.memory_space<vmem>>
      %dma_wait3A_156 = arith.constant 0 : i32
      %dma_wait3A_157 = arith.constant 0 : i32
      %dma_wait3A_158 = tpu.memref_slice %arg2[%dma_wait3A_156, %dma_wait3A_157] : memref<102400x16xf32, #tpu.memory_space<hbm>> -> memref<102400x16xf32, #tpu.memory_space<hbm>>
      tpu.wait_indirect_dma semaphore(%arg10 : memref<!tpu.dma_semaphore, #tpu.memory_space<semaphore_mem>>) src(%dma_wait3A_158 : memref<102400x16xf32, #tpu.memory_space<hbm>>) dst(%dma_wait3A_152 : memref<128x16xf32, #tpu.memory_space<vmem>>)
      %dma_wait3A_159 = arith.constant 5 : i32
      %dma_wait3A_160 = arith.constant 640 : i32
      %dma_wait3A_161 = arith.constant 0 : i32
      %dma_wait3A_162 = tpu.memref_slice %arg8[%dma_wait3A_160, %dma_wait3A_161] : memref<1024x16xf32, #tpu.memory_space<vmem>> -> memref<128x16xf32, #tpu.memory_space<vmem>>
      %dma_wait3A_163 = arith.constant 0 : i32
      %dma_wait3A_164 = tpu.memref_slice %arg6[%dma_wait3A_159, %dma_wait3A_163] : memref<8x128xi32, #tpu.memory_space<vmem>> -> memref<1x128xi32, #tpu.memory_space<vmem>>
      %dma_wait3A_165 = tpu.memref_squeeze %dma_wait3A_164 : memref<1x128xi32, #tpu.memory_space<vmem>> -> memref<128xi32, #tpu.memory_space<vmem>>
      %dma_wait3A_166 = arith.constant 0 : i32
      %dma_wait3A_167 = arith.constant 0 : i32
      %dma_wait3A_168 = tpu.memref_slice %arg2[%dma_wait3A_166, %dma_wait3A_167] : memref<102400x16xf32, #tpu.memory_space<hbm>> -> memref<102400x16xf32, #tpu.memory_space<hbm>>
      tpu.wait_indirect_dma semaphore(%arg10 : memref<!tpu.dma_semaphore, #tpu.memory_space<semaphore_mem>>) src(%dma_wait3A_168 : memref<102400x16xf32, #tpu.memory_space<hbm>>) dst(%dma_wait3A_162 : memref<128x16xf32, #tpu.memory_space<vmem>>)
      %dma_wait3A_169 = arith.constant 6 : i32
      %dma_wait3A_170 = arith.constant 768 : i32
      %dma_wait3A_171 = arith.constant 0 : i32
      %dma_wait3A_172 = tpu.memref_slice %arg8[%dma_wait3A_170, %dma_wait3A_171] : memref<1024x16xf32, #tpu.memory_space<vmem>> -> memref<128x16xf32, #tpu.memory_space<vmem>>
      %dma_wait3A_173 = arith.constant 0 : i32
      %dma_wait3A_174 = tpu.memref_slice %arg6[%dma_wait3A_169, %dma_wait3A_173] : memref<8x128xi32, #tpu.memory_space<vmem>> -> memref<1x128xi32, #tpu.memory_space<vmem>>
      %dma_wait3A_175 = tpu.memref_squeeze %dma_wait3A_174 : memref<1x128xi32, #tpu.memory_space<vmem>> -> memref<128xi32, #tpu.memory_space<vmem>>
      %dma_wait3A_176 = arith.constant 0 : i32
      %dma_wait3A_177 = arith.constant 0 : i32
      %dma_wait3A_178 = tpu.memref_slice %arg2[%dma_wait3A_176, %dma_wait3A_177] : memref<102400x16xf32, #tpu.memory_space<hbm>> -> memref<102400x16xf32, #tpu.memory_space<hbm>>
      tpu.wait_indirect_dma semaphore(%arg10 : memref<!tpu.dma_semaphore, #tpu.memory_space<semaphore_mem>>) src(%dma_wait3A_178 : memref<102400x16xf32, #tpu.memory_space<hbm>>) dst(%dma_wait3A_172 : memref<128x16xf32, #tpu.memory_space<vmem>>)
      %dma_wait3A_179 = arith.constant 7 : i32
      %dma_wait3A_180 = arith.constant 896 : i32
      %dma_wait3A_181 = arith.constant 0 : i32
      %dma_wait3A_182 = tpu.memref_slice %arg8[%dma_wait3A_180, %dma_wait3A_181] : memref<1024x16xf32, #tpu.memory_space<vmem>> -> memref<128x16xf32, #tpu.memory_space<vmem>>
      %dma_wait3A_183 = arith.constant 0 : i32
      %dma_wait3A_184 = tpu.memref_slice %arg6[%dma_wait3A_179, %dma_wait3A_183] : memref<8x128xi32, #tpu.memory_space<vmem>> -> memref<1x128xi32, #tpu.memory_space<vmem>>
      %dma_wait3A_185 = tpu.memref_squeeze %dma_wait3A_184 : memref<1x128xi32, #tpu.memory_space<vmem>> -> memref<128xi32, #tpu.memory_space<vmem>>
      %dma_wait3A_186 = arith.constant 0 : i32
      %dma_wait3A_187 = arith.constant 0 : i32
      %dma_wait3A_188 = tpu.memref_slice %arg2[%dma_wait3A_186, %dma_wait3A_187] : memref<102400x16xf32, #tpu.memory_space<hbm>> -> memref<102400x16xf32, #tpu.memory_space<hbm>>
      tpu.wait_indirect_dma semaphore(%arg10 : memref<!tpu.dma_semaphore, #tpu.memory_space<semaphore_mem>>) src(%dma_wait3A_188 : memref<102400x16xf32, #tpu.memory_space<hbm>>) dst(%dma_wait3A_182 : memref<128x16xf32, #tpu.memory_space<vmem>>)
      %run_scoped3A = arith.constant 0 : i32
      "tpu.region"() ({
        %run_scoped3A_197 = tpu.sem_alloc : memref<!tpu.dma_semaphore, #tpu.memory_space<semaphore_mem>>
        %dma_start3A_198 = arith.constant 0 : i32
        %dma_start3A_199 = arith.constant 0 : i32
        %dma_start3A_200 = tpu.memref_slice %arg8[%dma_start3A_198, %dma_start3A_199] : memref<1024x16xf32, #tpu.memory_space<vmem>> -> memref<128x16xf32, #tpu.memory_space<vmem>>
        %dma_start3A_201 = arith.constant 0 : i32
        %dma_start3A_202 = tpu.memref_slice %arg7[%run_scoped3A, %dma_start3A_201] : memref<8x128xi32, #tpu.memory_space<vmem>> -> memref<1x128xi32, #tpu.memory_space<vmem>>
        %dma_start3A_203 = tpu.memref_squeeze %dma_start3A_202 : memref<1x128xi32, #tpu.memory_space<vmem>> -> memref<128xi32, #tpu.memory_space<vmem>>
        %dma_start3A_204 = arith.constant 0 : i32
        %dma_start3A_205 = arith.constant 0 : i32
        %dma_start3A_206 = tpu.memref_slice %arg9[%dma_start3A_204, %dma_start3A_205] : memref<102400x16xf32, #tpu.memory_space<vmem_shared>> -> memref<102400x16xf32, #tpu.memory_space<vmem_shared>>
        tpu.enqueue_indirect_dma source(%dma_start3A_200 : memref<128x16xf32, #tpu.memory_space<vmem>>) target(%dma_start3A_206 : memref<102400x16xf32, #tpu.memory_space<vmem_shared>>) offsets(%dma_start3A_203 : memref<128xi32, #tpu.memory_space<vmem>>) semaphore(%run_scoped3A_197 : memref<!tpu.dma_semaphore, #tpu.memory_space<semaphore_mem>>) {add = true}
        %dma_wait3A_207 = arith.constant 0 : i32
        %dma_wait3A_208 = arith.constant 0 : i32
        %dma_wait3A_209 = tpu.memref_slice %arg8[%dma_wait3A_207, %dma_wait3A_208] : memref<1024x16xf32, #tpu.memory_space<vmem>> -> memref<128x16xf32, #tpu.memory_space<vmem>>
        %dma_wait3A_210 = arith.constant 0 : i32
        %dma_wait3A_211 = tpu.memref_slice %arg7[%run_scoped3A, %dma_wait3A_210] : memref<8x128xi32, #tpu.memory_space<vmem>> -> memref<1x128xi32, #tpu.memory_space<vmem>>
        %dma_wait3A_212 = tpu.memref_squeeze %dma_wait3A_211 : memref<1x128xi32, #tpu.memory_space<vmem>> -> memref<128xi32, #tpu.memory_space<vmem>>
        %dma_wait3A_213 = arith.constant 0 : i32
        %dma_wait3A_214 = arith.constant 0 : i32
        %dma_wait3A_215 = tpu.memref_slice %arg9[%dma_wait3A_213, %dma_wait3A_214] : memref<102400x16xf32, #tpu.memory_space<vmem_shared>> -> memref<102400x16xf32, #tpu.memory_space<vmem_shared>>
        tpu.wait_indirect_dma semaphore(%run_scoped3A_197 : memref<!tpu.dma_semaphore, #tpu.memory_space<semaphore_mem>>) src(%dma_wait3A_209 : memref<128x16xf32, #tpu.memory_space<vmem>>) dst(%dma_wait3A_215 : memref<102400x16xf32, #tpu.memory_space<vmem_shared>>)
        tpu.yield
      }) : () -> ()
      %run_scoped3A_189 = arith.constant 1 : i32
      "tpu.region"() ({
        %run_scoped3A_197 = tpu.sem_alloc : memref<!tpu.dma_semaphore, #tpu.memory_space<semaphore_mem>>
        %dma_start3A_198 = arith.constant 128 : i32
        %dma_start3A_199 = arith.constant 0 : i32
        %dma_start3A_200 = tpu.memref_slice %arg8[%dma_start3A_198, %dma_start3A_199] : memref<1024x16xf32, #tpu.memory_space<vmem>> -> memref<128x16xf32, #tpu.memory_space<vmem>>
        %dma_start3A_201 = arith.constant 0 : i32
        %dma_start3A_202 = tpu.memref_slice %arg7[%run_scoped3A_189, %dma_start3A_201] : memref<8x128xi32, #tpu.memory_space<vmem>> -> memref<1x128xi32, #tpu.memory_space<vmem>>
        %dma_start3A_203 = tpu.memref_squeeze %dma_start3A_202 : memref<1x128xi32, #tpu.memory_space<vmem>> -> memref<128xi32, #tpu.memory_space<vmem>>
        %dma_start3A_204 = arith.constant 0 : i32
        %dma_start3A_205 = arith.constant 0 : i32
        %dma_start3A_206 = tpu.memref_slice %arg9[%dma_start3A_204, %dma_start3A_205] : memref<102400x16xf32, #tpu.memory_space<vmem_shared>> -> memref<102400x16xf32, #tpu.memory_space<vmem_shared>>
        tpu.enqueue_indirect_dma source(%dma_start3A_200 : memref<128x16xf32, #tpu.memory_space<vmem>>) target(%dma_start3A_206 : memref<102400x16xf32, #tpu.memory_space<vmem_shared>>) offsets(%dma_start3A_203 : memref<128xi32, #tpu.memory_space<vmem>>) semaphore(%run_scoped3A_197 : memref<!tpu.dma_semaphore, #tpu.memory_space<semaphore_mem>>) {add = true}
        %dma_wait3A_207 = arith.constant 128 : i32
        %dma_wait3A_208 = arith.constant 0 : i32
        %dma_wait3A_209 = tpu.memref_slice %arg8[%dma_wait3A_207, %dma_wait3A_208] : memref<1024x16xf32, #tpu.memory_space<vmem>> -> memref<128x16xf32, #tpu.memory_space<vmem>>
        %dma_wait3A_210 = arith.constant 0 : i32
        %dma_wait3A_211 = tpu.memref_slice %arg7[%run_scoped3A_189, %dma_wait3A_210] : memref<8x128xi32, #tpu.memory_space<vmem>> -> memref<1x128xi32, #tpu.memory_space<vmem>>
        %dma_wait3A_212 = tpu.memref_squeeze %dma_wait3A_211 : memref<1x128xi32, #tpu.memory_space<vmem>> -> memref<128xi32, #tpu.memory_space<vmem>>
        %dma_wait3A_213 = arith.constant 0 : i32
        %dma_wait3A_214 = arith.constant 0 : i32
        %dma_wait3A_215 = tpu.memref_slice %arg9[%dma_wait3A_213, %dma_wait3A_214] : memref<102400x16xf32, #tpu.memory_space<vmem_shared>> -> memref<102400x16xf32, #tpu.memory_space<vmem_shared>>
        tpu.wait_indirect_dma semaphore(%run_scoped3A_197 : memref<!tpu.dma_semaphore, #tpu.memory_space<semaphore_mem>>) src(%dma_wait3A_209 : memref<128x16xf32, #tpu.memory_space<vmem>>) dst(%dma_wait3A_215 : memref<102400x16xf32, #tpu.memory_space<vmem_shared>>)
        tpu.yield
      }) : () -> ()
      %run_scoped3A_190 = arith.constant 2 : i32
      "tpu.region"() ({
        %run_scoped3A_197 = tpu.sem_alloc : memref<!tpu.dma_semaphore, #tpu.memory_space<semaphore_mem>>
        %dma_start3A_198 = arith.constant 256 : i32
        %dma_start3A_199 = arith.constant 0 : i32
        %dma_start3A_200 = tpu.memref_slice %arg8[%dma_start3A_198, %dma_start3A_199] : memref<1024x16xf32, #tpu.memory_space<vmem>> -> memref<128x16xf32, #tpu.memory_space<vmem>>
        %dma_start3A_201 = arith.constant 0 : i32
        %dma_start3A_202 = tpu.memref_slice %arg7[%run_scoped3A_190, %dma_start3A_201] : memref<8x128xi32, #tpu.memory_space<vmem>> -> memref<1x128xi32, #tpu.memory_space<vmem>>
        %dma_start3A_203 = tpu.memref_squeeze %dma_start3A_202 : memref<1x128xi32, #tpu.memory_space<vmem>> -> memref<128xi32, #tpu.memory_space<vmem>>
        %dma_start3A_204 = arith.constant 0 : i32
        %dma_start3A_205 = arith.constant 0 : i32
        %dma_start3A_206 = tpu.memref_slice %arg9[%dma_start3A_204, %dma_start3A_205] : memref<102400x16xf32, #tpu.memory_space<vmem_shared>> -> memref<102400x16xf32, #tpu.memory_space<vmem_shared>>
        tpu.enqueue_indirect_dma source(%dma_start3A_200 : memref<128x16xf32, #tpu.memory_space<vmem>>) target(%dma_start3A_206 : memref<102400x16xf32, #tpu.memory_space<vmem_shared>>) offsets(%dma_start3A_203 : memref<128xi32, #tpu.memory_space<vmem>>) semaphore(%run_scoped3A_197 : memref<!tpu.dma_semaphore, #tpu.memory_space<semaphore_mem>>) {add = true}
        %dma_wait3A_207 = arith.constant 256 : i32
        %dma_wait3A_208 = arith.constant 0 : i32
        %dma_wait3A_209 = tpu.memref_slice %arg8[%dma_wait3A_207, %dma_wait3A_208] : memref<1024x16xf32, #tpu.memory_space<vmem>> -> memref<128x16xf32, #tpu.memory_space<vmem>>
        %dma_wait3A_210 = arith.constant 0 : i32
        %dma_wait3A_211 = tpu.memref_slice %arg7[%run_scoped3A_190, %dma_wait3A_210] : memref<8x128xi32, #tpu.memory_space<vmem>> -> memref<1x128xi32, #tpu.memory_space<vmem>>
        %dma_wait3A_212 = tpu.memref_squeeze %dma_wait3A_211 : memref<1x128xi32, #tpu.memory_space<vmem>> -> memref<128xi32, #tpu.memory_space<vmem>>
        %dma_wait3A_213 = arith.constant 0 : i32
        %dma_wait3A_214 = arith.constant 0 : i32
        %dma_wait3A_215 = tpu.memref_slice %arg9[%dma_wait3A_213, %dma_wait3A_214] : memref<102400x16xf32, #tpu.memory_space<vmem_shared>> -> memref<102400x16xf32, #tpu.memory_space<vmem_shared>>
        tpu.wait_indirect_dma semaphore(%run_scoped3A_197 : memref<!tpu.dma_semaphore, #tpu.memory_space<semaphore_mem>>) src(%dma_wait3A_209 : memref<128x16xf32, #tpu.memory_space<vmem>>) dst(%dma_wait3A_215 : memref<102400x16xf32, #tpu.memory_space<vmem_shared>>)
        tpu.yield
      }) : () -> ()
      %run_scoped3A_191 = arith.constant 3 : i32
      "tpu.region"() ({
        %run_scoped3A_197 = tpu.sem_alloc : memref<!tpu.dma_semaphore, #tpu.memory_space<semaphore_mem>>
        %dma_start3A_198 = arith.constant 384 : i32
        %dma_start3A_199 = arith.constant 0 : i32
        %dma_start3A_200 = tpu.memref_slice %arg8[%dma_start3A_198, %dma_start3A_199] : memref<1024x16xf32, #tpu.memory_space<vmem>> -> memref<128x16xf32, #tpu.memory_space<vmem>>
        %dma_start3A_201 = arith.constant 0 : i32
        %dma_start3A_202 = tpu.memref_slice %arg7[%run_scoped3A_191, %dma_start3A_201] : memref<8x128xi32, #tpu.memory_space<vmem>> -> memref<1x128xi32, #tpu.memory_space<vmem>>
        %dma_start3A_203 = tpu.memref_squeeze %dma_start3A_202 : memref<1x128xi32, #tpu.memory_space<vmem>> -> memref<128xi32, #tpu.memory_space<vmem>>
        %dma_start3A_204 = arith.constant 0 : i32
        %dma_start3A_205 = arith.constant 0 : i32
        %dma_start3A_206 = tpu.memref_slice %arg9[%dma_start3A_204, %dma_start3A_205] : memref<102400x16xf32, #tpu.memory_space<vmem_shared>> -> memref<102400x16xf32, #tpu.memory_space<vmem_shared>>
        tpu.enqueue_indirect_dma source(%dma_start3A_200 : memref<128x16xf32, #tpu.memory_space<vmem>>) target(%dma_start3A_206 : memref<102400x16xf32, #tpu.memory_space<vmem_shared>>) offsets(%dma_start3A_203 : memref<128xi32, #tpu.memory_space<vmem>>) semaphore(%run_scoped3A_197 : memref<!tpu.dma_semaphore, #tpu.memory_space<semaphore_mem>>) {add = true}
        %dma_wait3A_207 = arith.constant 384 : i32
        %dma_wait3A_208 = arith.constant 0 : i32
        %dma_wait3A_209 = tpu.memref_slice %arg8[%dma_wait3A_207, %dma_wait3A_208] : memref<1024x16xf32, #tpu.memory_space<vmem>> -> memref<128x16xf32, #tpu.memory_space<vmem>>
        %dma_wait3A_210 = arith.constant 0 : i32
        %dma_wait3A_211 = tpu.memref_slice %arg7[%run_scoped3A_191, %dma_wait3A_210] : memref<8x128xi32, #tpu.memory_space<vmem>> -> memref<1x128xi32, #tpu.memory_space<vmem>>
        %dma_wait3A_212 = tpu.memref_squeeze %dma_wait3A_211 : memref<1x128xi32, #tpu.memory_space<vmem>> -> memref<128xi32, #tpu.memory_space<vmem>>
        %dma_wait3A_213 = arith.constant 0 : i32
        %dma_wait3A_214 = arith.constant 0 : i32
        %dma_wait3A_215 = tpu.memref_slice %arg9[%dma_wait3A_213, %dma_wait3A_214] : memref<102400x16xf32, #tpu.memory_space<vmem_shared>> -> memref<102400x16xf32, #tpu.memory_space<vmem_shared>>
        tpu.wait_indirect_dma semaphore(%run_scoped3A_197 : memref<!tpu.dma_semaphore, #tpu.memory_space<semaphore_mem>>) src(%dma_wait3A_209 : memref<128x16xf32, #tpu.memory_space<vmem>>) dst(%dma_wait3A_215 : memref<102400x16xf32, #tpu.memory_space<vmem_shared>>)
        tpu.yield
      }) : () -> ()
      %run_scoped3A_192 = arith.constant 4 : i32
      "tpu.region"() ({
        %run_scoped3A_197 = tpu.sem_alloc : memref<!tpu.dma_semaphore, #tpu.memory_space<semaphore_mem>>
        %dma_start3A_198 = arith.constant 512 : i32
        %dma_start3A_199 = arith.constant 0 : i32
        %dma_start3A_200 = tpu.memref_slice %arg8[%dma_start3A_198, %dma_start3A_199] : memref<1024x16xf32, #tpu.memory_space<vmem>> -> memref<128x16xf32, #tpu.memory_space<vmem>>
        %dma_start3A_201 = arith.constant 0 : i32
        %dma_start3A_202 = tpu.memref_slice %arg7[%run_scoped3A_192, %dma_start3A_201] : memref<8x128xi32, #tpu.memory_space<vmem>> -> memref<1x128xi32, #tpu.memory_space<vmem>>
        %dma_start3A_203 = tpu.memref_squeeze %dma_start3A_202 : memref<1x128xi32, #tpu.memory_space<vmem>> -> memref<128xi32, #tpu.memory_space<vmem>>
        %dma_start3A_204 = arith.constant 0 : i32
        %dma_start3A_205 = arith.constant 0 : i32
        %dma_start3A_206 = tpu.memref_slice %arg9[%dma_start3A_204, %dma_start3A_205] : memref<102400x16xf32, #tpu.memory_space<vmem_shared>> -> memref<102400x16xf32, #tpu.memory_space<vmem_shared>>
        tpu.enqueue_indirect_dma source(%dma_start3A_200 : memref<128x16xf32, #tpu.memory_space<vmem>>) target(%dma_start3A_206 : memref<102400x16xf32, #tpu.memory_space<vmem_shared>>) offsets(%dma_start3A_203 : memref<128xi32, #tpu.memory_space<vmem>>) semaphore(%run_scoped3A_197 : memref<!tpu.dma_semaphore, #tpu.memory_space<semaphore_mem>>) {add = true}
        %dma_wait3A_207 = arith.constant 512 : i32
        %dma_wait3A_208 = arith.constant 0 : i32
        %dma_wait3A_209 = tpu.memref_slice %arg8[%dma_wait3A_207, %dma_wait3A_208] : memref<1024x16xf32, #tpu.memory_space<vmem>> -> memref<128x16xf32, #tpu.memory_space<vmem>>
        %dma_wait3A_210 = arith.constant 0 : i32
        %dma_wait3A_211 = tpu.memref_slice %arg7[%run_scoped3A_192, %dma_wait3A_210] : memref<8x128xi32, #tpu.memory_space<vmem>> -> memref<1x128xi32, #tpu.memory_space<vmem>>
        %dma_wait3A_212 = tpu.memref_squeeze %dma_wait3A_211 : memref<1x128xi32, #tpu.memory_space<vmem>> -> memref<128xi32, #tpu.memory_space<vmem>>
        %dma_wait3A_213 = arith.constant 0 : i32
        %dma_wait3A_214 = arith.constant 0 : i32
        %dma_wait3A_215 = tpu.memref_slice %arg9[%dma_wait3A_213, %dma_wait3A_214] : memref<102400x16xf32, #tpu.memory_space<vmem_shared>> -> memref<102400x16xf32, #tpu.memory_space<vmem_shared>>
        tpu.wait_indirect_dma semaphore(%run_scoped3A_197 : memref<!tpu.dma_semaphore, #tpu.memory_space<semaphore_mem>>) src(%dma_wait3A_209 : memref<128x16xf32, #tpu.memory_space<vmem>>) dst(%dma_wait3A_215 : memref<102400x16xf32, #tpu.memory_space<vmem_shared>>)
        tpu.yield
      }) : () -> ()
      %run_scoped3A_193 = arith.constant 5 : i32
      "tpu.region"() ({
        %run_scoped3A_197 = tpu.sem_alloc : memref<!tpu.dma_semaphore, #tpu.memory_space<semaphore_mem>>
        %dma_start3A_198 = arith.constant 640 : i32
        %dma_start3A_199 = arith.constant 0 : i32
        %dma_start3A_200 = tpu.memref_slice %arg8[%dma_start3A_198, %dma_start3A_199] : memref<1024x16xf32, #tpu.memory_space<vmem>> -> memref<128x16xf32, #tpu.memory_space<vmem>>
        %dma_start3A_201 = arith.constant 0 : i32
        %dma_start3A_202 = tpu.memref_slice %arg7[%run_scoped3A_193, %dma_start3A_201] : memref<8x128xi32, #tpu.memory_space<vmem>> -> memref<1x128xi32, #tpu.memory_space<vmem>>
        %dma_start3A_203 = tpu.memref_squeeze %dma_start3A_202 : memref<1x128xi32, #tpu.memory_space<vmem>> -> memref<128xi32, #tpu.memory_space<vmem>>
        %dma_start3A_204 = arith.constant 0 : i32
        %dma_start3A_205 = arith.constant 0 : i32
        %dma_start3A_206 = tpu.memref_slice %arg9[%dma_start3A_204, %dma_start3A_205] : memref<102400x16xf32, #tpu.memory_space<vmem_shared>> -> memref<102400x16xf32, #tpu.memory_space<vmem_shared>>
        tpu.enqueue_indirect_dma source(%dma_start3A_200 : memref<128x16xf32, #tpu.memory_space<vmem>>) target(%dma_start3A_206 : memref<102400x16xf32, #tpu.memory_space<vmem_shared>>) offsets(%dma_start3A_203 : memref<128xi32, #tpu.memory_space<vmem>>) semaphore(%run_scoped3A_197 : memref<!tpu.dma_semaphore, #tpu.memory_space<semaphore_mem>>) {add = true}
        %dma_wait3A_207 = arith.constant 640 : i32
        %dma_wait3A_208 = arith.constant 0 : i32
        %dma_wait3A_209 = tpu.memref_slice %arg8[%dma_wait3A_207, %dma_wait3A_208] : memref<1024x16xf32, #tpu.memory_space<vmem>> -> memref<128x16xf32, #tpu.memory_space<vmem>>
        %dma_wait3A_210 = arith.constant 0 : i32
        %dma_wait3A_211 = tpu.memref_slice %arg7[%run_scoped3A_193, %dma_wait3A_210] : memref<8x128xi32, #tpu.memory_space<vmem>> -> memref<1x128xi32, #tpu.memory_space<vmem>>
        %dma_wait3A_212 = tpu.memref_squeeze %dma_wait3A_211 : memref<1x128xi32, #tpu.memory_space<vmem>> -> memref<128xi32, #tpu.memory_space<vmem>>
        %dma_wait3A_213 = arith.constant 0 : i32
        %dma_wait3A_214 = arith.constant 0 : i32
        %dma_wait3A_215 = tpu.memref_slice %arg9[%dma_wait3A_213, %dma_wait3A_214] : memref<102400x16xf32, #tpu.memory_space<vmem_shared>> -> memref<102400x16xf32, #tpu.memory_space<vmem_shared>>
        tpu.wait_indirect_dma semaphore(%run_scoped3A_197 : memref<!tpu.dma_semaphore, #tpu.memory_space<semaphore_mem>>) src(%dma_wait3A_209 : memref<128x16xf32, #tpu.memory_space<vmem>>) dst(%dma_wait3A_215 : memref<102400x16xf32, #tpu.memory_space<vmem_shared>>)
        tpu.yield
      }) : () -> ()
      %run_scoped3A_194 = arith.constant 6 : i32
      "tpu.region"() ({
        %run_scoped3A_197 = tpu.sem_alloc : memref<!tpu.dma_semaphore, #tpu.memory_space<semaphore_mem>>
        %dma_start3A_198 = arith.constant 768 : i32
        %dma_start3A_199 = arith.constant 0 : i32
        %dma_start3A_200 = tpu.memref_slice %arg8[%dma_start3A_198, %dma_start3A_199] : memref<1024x16xf32, #tpu.memory_space<vmem>> -> memref<128x16xf32, #tpu.memory_space<vmem>>
        %dma_start3A_201 = arith.constant 0 : i32
        %dma_start3A_202 = tpu.memref_slice %arg7[%run_scoped3A_194, %dma_start3A_201] : memref<8x128xi32, #tpu.memory_space<vmem>> -> memref<1x128xi32, #tpu.memory_space<vmem>>
        %dma_start3A_203 = tpu.memref_squeeze %dma_start3A_202 : memref<1x128xi32, #tpu.memory_space<vmem>> -> memref<128xi32, #tpu.memory_space<vmem>>
        %dma_start3A_204 = arith.constant 0 : i32
        %dma_start3A_205 = arith.constant 0 : i32
        %dma_start3A_206 = tpu.memref_slice %arg9[%dma_start3A_204, %dma_start3A_205] : memref<102400x16xf32, #tpu.memory_space<vmem_shared>> -> memref<102400x16xf32, #tpu.memory_space<vmem_shared>>
        tpu.enqueue_indirect_dma source(%dma_start3A_200 : memref<128x16xf32, #tpu.memory_space<vmem>>) target(%dma_start3A_206 : memref<102400x16xf32, #tpu.memory_space<vmem_shared>>) offsets(%dma_start3A_203 : memref<128xi32, #tpu.memory_space<vmem>>) semaphore(%run_scoped3A_197 : memref<!tpu.dma_semaphore, #tpu.memory_space<semaphore_mem>>) {add = true}
        %dma_wait3A_207 = arith.constant 768 : i32
        %dma_wait3A_208 = arith.constant 0 : i32
        %dma_wait3A_209 = tpu.memref_slice %arg8[%dma_wait3A_207, %dma_wait3A_208] : memref<1024x16xf32, #tpu.memory_space<vmem>> -> memref<128x16xf32, #tpu.memory_space<vmem>>
        %dma_wait3A_210 = arith.constant 0 : i32
        %dma_wait3A_211 = tpu.memref_slice %arg7[%run_scoped3A_194, %dma_wait3A_210] : memref<8x128xi32, #tpu.memory_space<vmem>> -> memref<1x128xi32, #tpu.memory_space<vmem>>
        %dma_wait3A_212 = tpu.memref_squeeze %dma_wait3A_211 : memref<1x128xi32, #tpu.memory_space<vmem>> -> memref<128xi32, #tpu.memory_space<vmem>>
        %dma_wait3A_213 = arith.constant 0 : i32
        %dma_wait3A_214 = arith.constant 0 : i32
        %dma_wait3A_215 = tpu.memref_slice %arg9[%dma_wait3A_213, %dma_wait3A_214] : memref<102400x16xf32, #tpu.memory_space<vmem_shared>> -> memref<102400x16xf32, #tpu.memory_space<vmem_shared>>
        tpu.wait_indirect_dma semaphore(%run_scoped3A_197 : memref<!tpu.dma_semaphore, #tpu.memory_space<semaphore_mem>>) src(%dma_wait3A_209 : memref<128x16xf32, #tpu.memory_space<vmem>>) dst(%dma_wait3A_215 : memref<102400x16xf32, #tpu.memory_space<vmem_shared>>)
        tpu.yield
      }) : () -> ()
      %run_scoped3A_195 = arith.constant 7 : i32
      "tpu.region"() ({
        %run_scoped3A_197 = tpu.sem_alloc : memref<!tpu.dma_semaphore, #tpu.memory_space<semaphore_mem>>
        %dma_start3A_198 = arith.constant 896 : i32
        %dma_start3A_199 = arith.constant 0 : i32
        %dma_start3A_200 = tpu.memref_slice %arg8[%dma_start3A_198, %dma_start3A_199] : memref<1024x16xf32, #tpu.memory_space<vmem>> -> memref<128x16xf32, #tpu.memory_space<vmem>>
        %dma_start3A_201 = arith.constant 0 : i32
        %dma_start3A_202 = tpu.memref_slice %arg7[%run_scoped3A_195, %dma_start3A_201] : memref<8x128xi32, #tpu.memory_space<vmem>> -> memref<1x128xi32, #tpu.memory_space<vmem>>
        %dma_start3A_203 = tpu.memref_squeeze %dma_start3A_202 : memref<1x128xi32, #tpu.memory_space<vmem>> -> memref<128xi32, #tpu.memory_space<vmem>>
        %dma_start3A_204 = arith.constant 0 : i32
        %dma_start3A_205 = arith.constant 0 : i32
        %dma_start3A_206 = tpu.memref_slice %arg9[%dma_start3A_204, %dma_start3A_205] : memref<102400x16xf32, #tpu.memory_space<vmem_shared>> -> memref<102400x16xf32, #tpu.memory_space<vmem_shared>>
        tpu.enqueue_indirect_dma source(%dma_start3A_200 : memref<128x16xf32, #tpu.memory_space<vmem>>) target(%dma_start3A_206 : memref<102400x16xf32, #tpu.memory_space<vmem_shared>>) offsets(%dma_start3A_203 : memref<128xi32, #tpu.memory_space<vmem>>) semaphore(%run_scoped3A_197 : memref<!tpu.dma_semaphore, #tpu.memory_space<semaphore_mem>>) {add = true}
        %dma_wait3A_207 = arith.constant 896 : i32
        %dma_wait3A_208 = arith.constant 0 : i32
        %dma_wait3A_209 = tpu.memref_slice %arg8[%dma_wait3A_207, %dma_wait3A_208] : memref<1024x16xf32, #tpu.memory_space<vmem>> -> memref<128x16xf32, #tpu.memory_space<vmem>>
        %dma_wait3A_210 = arith.constant 0 : i32
        %dma_wait3A_211 = tpu.memref_slice %arg7[%run_scoped3A_195, %dma_wait3A_210] : memref<8x128xi32, #tpu.memory_space<vmem>> -> memref<1x128xi32, #tpu.memory_space<vmem>>
        %dma_wait3A_212 = tpu.memref_squeeze %dma_wait3A_211 : memref<1x128xi32, #tpu.memory_space<vmem>> -> memref<128xi32, #tpu.memory_space<vmem>>
        %dma_wait3A_213 = arith.constant 0 : i32
        %dma_wait3A_214 = arith.constant 0 : i32
        %dma_wait3A_215 = tpu.memref_slice %arg9[%dma_wait3A_213, %dma_wait3A_214] : memref<102400x16xf32, #tpu.memory_space<vmem_shared>> -> memref<102400x16xf32, #tpu.memory_space<vmem_shared>>
        tpu.wait_indirect_dma semaphore(%run_scoped3A_197 : memref<!tpu.dma_semaphore, #tpu.memory_space<semaphore_mem>>) src(%dma_wait3A_209 : memref<128x16xf32, #tpu.memory_space<vmem>>) dst(%dma_wait3A_215 : memref<102400x16xf32, #tpu.memory_space<vmem_shared>>)
        tpu.yield
      }) : () -> ()
      %scan3A_196 = arith.constant 0 : i32
      scf.yield %scan3A_196 : i32
    }
    %scan3A_24 = arith.constant 49 : i32
    %barrier3A_25 = arith.constant 0 : index
    tpu.barrier barrier_id(%barrier3A_25)
    "tpu.region"() ({
      %run_scoped3A = tpu.sem_alloc : memref<!tpu.dma_semaphore, #tpu.memory_space<semaphore_mem>>
      %dma_start3A = arith.constant 0 : i32
      %dma_start3A_26 = tpu.memref_slice %arg5[%arg0, %mul3A_6, %dma_start3A] : memref<2x102400x16xf32, #tpu.memory_space<hbm>> -> memref<1x6400x16xf32, #tpu.memory_space<hbm>>
      %dma_start3A_27 = tpu.memref_squeeze %dma_start3A_26 : memref<1x6400x16xf32, #tpu.memory_space<hbm>> -> memref<6400x16xf32, #tpu.memory_space<hbm>>
      %dma_start3A_28 = arith.constant 0 : i32
      %dma_start3A_29 = tpu.memref_slice %arg9[%mul3A_6, %dma_start3A_28] : memref<102400x16xf32, #tpu.memory_space<vmem_shared>> -> memref<6400x16xf32, #tpu.memory_space<vmem_shared>>
      tpu.enqueue_dma source(%dma_start3A_29 : memref<6400x16xf32, #tpu.memory_space<vmem_shared>>) target(%dma_start3A_27 : memref<6400x16xf32, #tpu.memory_space<hbm>>) target_semaphore(%run_scoped3A : memref<!tpu.dma_semaphore, #tpu.memory_space<semaphore_mem>>)
      %dma_wait3A = arith.constant 0 : i32
      %dma_wait3A_30 = tpu.memref_slice %arg5[%arg0, %mul3A_6, %dma_wait3A] : memref<2x102400x16xf32, #tpu.memory_space<hbm>> -> memref<1x6400x16xf32, #tpu.memory_space<hbm>>
      %dma_wait3A_31 = tpu.memref_squeeze %dma_wait3A_30 : memref<1x6400x16xf32, #tpu.memory_space<hbm>> -> memref<6400x16xf32, #tpu.memory_space<hbm>>
      %dma_wait3A_32 = arith.constant 0 : i32
      %dma_wait3A_33 = tpu.memref_slice %arg9[%mul3A_6, %dma_wait3A_32] : memref<102400x16xf32, #tpu.memory_space<vmem_shared>> -> memref<6400x16xf32, #tpu.memory_space<vmem_shared>>
      tpu.wait_dma2 semaphore(%run_scoped3A : memref<!tpu.dma_semaphore, #tpu.memory_space<semaphore_mem>>) src(%dma_wait3A_33 : memref<6400x16xf32, #tpu.memory_space<vmem_shared>>) dst(%dma_wait3A_31 : memref<6400x16xf32, #tpu.memory_space<hbm>>)
      tpu.yield
    }) : () -> ()
    return
  }
}

#map = affine_map<(d0, d1) -> (0, 0)>
#map1 = affine_map<(d0, d1) -> (0, 0, 0)>
module attributes {stable_mosaic.version = 14 : i64} {
  func.func @body(%arg0: i32, %arg1: i32, %arg2: memref<204800x16xf32, #tpu.memory_space<hbm>>, %arg3: memref<2x12544x128xi32, #tpu.memory_space<hbm>>, %arg4: memref<12544x128xi32, #tpu.memory_space<hbm>>, %arg5: memref<2x102400x16xf32, #tpu.memory_space<hbm>>, %arg6: memref<8x128xi32, #tpu.memory_space<vmem>>, %arg7: memref<8x128xi32, #tpu.memory_space<vmem>>, %arg8: memref<1024x16xf32, #tpu.memory_space<vmem>>, %arg9: memref<102400x16xf32, #tpu.memory_space<vmem_shared>>, %arg10: memref<!tpu.dma_semaphore, #tpu.memory_space<semaphore_mem>>) attributes {dimension_semantics = [#tpu.dimension_semantics<core_parallel>, #tpu.dimension_semantics<subcore_parallel>], iteration_bounds = array<i64: 2, 16>, scalar_prefetch = 0 : i64, scratch_operands = 5 : i64, tpu.core_type = #tpu.core_type<sc_vector_subcore>, window_params = [{transform_indices = #map}, {transform_indices = #map1}, {transform_indices = #map}, {transform_indices = #map1}]} {
    %scan3A = arith.constant 0 : i32
    %scan3A_0 = arith.constant 0 : i32
    %scan3A_1 = arith.constant 400 : i32
    %scan3A_2 = arith.addi %scan3A_0, %scan3A_1 : i32
    %scan3A_3 = arith.constant 1 : i32
    %scan3A_4 = scf.for %scan3A_24 = %scan3A_0 to %scan3A_2 step %scan3A_3 iter_args(%scan3A_25 = %scan3A) -> (i32)  : i32 {
      %broadcast_in_dim3A = arith.constant 0.000000e+00 : f32
      %broadcast_in_dim3A_26 = vector.broadcast %broadcast_in_dim3A : f32 to vector<16xf32>
      %swap3A = arith.index_cast %scan3A_24 : i32 to index
      %swap3A_27 = arith.constant 0 : index
      %swap3A_28 = tpu.vector_load %arg8[%swap3A, %swap3A_27] {strides = array<i32>} : memref<1024x16xf32, #tpu.memory_space<vmem>>, vector<1x16xf32>,
      %swap3A_29 = vector.shape_cast %swap3A_28 : vector<1x16xf32> to vector<16xf32>
      %swap3A_30 = vector.shape_cast %broadcast_in_dim3A_26 : vector<16xf32> to vector<1x16xf32>
      tpu.vector_store %arg8[%swap3A, %swap3A_27], %swap3A_30 {strides = array<i32>} : memref<1024x16xf32, #tpu.memory_space<vmem>>, vector<1x16xf32>,
      %scan3A_31 = arith.constant 0 : i32
      scf.yield %scan3A_31 : i32
    }
    %scan3A_5 = arith.constant 400 : i32
    %mul3A = arith.constant 6400 : i32
    %mul3A_6 = arith.muli %arg1, %mul3A : i32
    %scan3A_7 = arith.constant 0 : i32
    %scan3A_8 = arith.constant 0 : i32
    %scan3A_9 = arith.constant 16 : i32
    %scan3A_10 = arith.addi %scan3A_8, %scan3A_9 : i32
    %scan3A_11 = arith.constant 1 : i32
    %scan3A_12 = scf.for %scan3A_24 = %scan3A_8 to %scan3A_10 step %scan3A_11 iter_args(%scan3A_25 = %scan3A_7) -> (i32)  : i32 {
      %mul3A_26 = arith.constant 400 : i32
      %mul3A_27 = arith.muli %scan3A_24, %mul3A_26 : i32
      %add3A = arith.addi %mul3A_6, %mul3A_27 : i32
      "tpu.region"() ({
        %run_scoped3A = tpu.sem_alloc : memref<!tpu.dma_semaphore, #tpu.memory_space<semaphore_mem>>
        %dma_start3A = arith.constant 0 : i32
        %dma_start3A_29 = arith.constant 0 : i32
        %dma_start3A_30 = tpu.memref_slice %arg8[%dma_start3A, %dma_start3A_29] : memref<1024x16xf32, #tpu.memory_space<vmem>> -> memref<400x16xf32, #tpu.memory_space<vmem>>
        %dma_start3A_31 = arith.constant 0 : i32
        %dma_start3A_32 = tpu.memref_slice %arg9[%add3A, %dma_start3A_31] : memref<102400x16xf32, #tpu.memory_space<vmem_shared>> -> memref<400x16xf32, #tpu.memory_space<vmem_shared>>
        %dma_start3A_33 = arith.constant 0 : i32
        %dma_start3A_34 = tpu.memref_slice %arg9[%add3A, %dma_start3A_33] : memref<102400x16xf32, #tpu.memory_space<vmem_shared>> -> memref<400x16xf32, #tpu.memory_space<vmem_shared>>
        %dma_start3A_35 = arith.constant 0 : i32
        %dma_start3A_36 = arith.constant 0 : i32
        %dma_start3A_37 = tpu.memref_slice %arg8[%dma_start3A_35, %dma_start3A_36] : memref<1024x16xf32, #tpu.memory_space<vmem>> -> memref<400x16xf32, #tpu.memory_space<vmem>>
        tpu.enqueue_dma source(%dma_start3A_37 : memref<400x16xf32, #tpu.memory_space<vmem>>) target(%dma_start3A_34 : memref<400x16xf32, #tpu.memory_space<vmem_shared>>) target_semaphore(%run_scoped3A : memref<!tpu.dma_semaphore, #tpu.memory_space<semaphore_mem>>)
        %dma_wait3A = arith.constant 0 : i32
        %dma_wait3A_38 = arith.constant 0 : i32
        %dma_wait3A_39 = tpu.memref_slice %arg8[%dma_wait3A, %dma_wait3A_38] : memref<1024x16xf32, #tpu.memory_space<vmem>> -> memref<400x16xf32, #tpu.memory_space<vmem>>
        %dma_wait3A_40 = arith.constant 0 : i32
        %dma_wait3A_41 = tpu.memref_slice %arg9[%add3A, %dma_wait3A_40] : memref<102400x16xf32, #tpu.memory_space<vmem_shared>> -> memref<400x16xf32, #tpu.memory_space<vmem_shared>>
        %dma_wait3A_42 = arith.constant 0 : i32
        %dma_wait3A_43 = tpu.memref_slice %arg9[%add3A, %dma_wait3A_42] : memref<102400x16xf32, #tpu.memory_space<vmem_shared>> -> memref<400x16xf32, #tpu.memory_space<vmem_shared>>
        %dma_wait3A_44 = arith.constant 0 : i32
        %dma_wait3A_45 = arith.constant 0 : i32
        %dma_wait3A_46 = tpu.memref_slice %arg8[%dma_wait3A_44, %dma_wait3A_45] : memref<1024x16xf32, #tpu.memory_space<vmem>> -> memref<400x16xf32, #tpu.memory_space<vmem>>
        tpu.wait_dma2 semaphore(%run_scoped3A : memref<!tpu.dma_semaphore, #tpu.memory_space<semaphore_mem>>) src(%dma_wait3A_46 : memref<400x16xf32, #tpu.memory_space<vmem>>) dst(%dma_wait3A_43 : memref<400x16xf32, #tpu.memory_space<vmem_shared>>)
        tpu.yield
      }) : () -> ()
      %scan3A_28 = arith.constant 0 : i32
      scf.yield %scan3A_28 : i32
    }
    %scan3A_13 = arith.constant 16 : i32
    %barrier3A = arith.constant 0 : index
    tpu.barrier barrier_id(%barrier3A)
    %mul3A_14 = arith.constant 784 : i32
    %mul3A_15 = arith.muli %arg1, %mul3A_14 : i32
    %scan3A_16 = arith.constant 0 : i32
    %scan3A_17 = arith.constant 0 : i32
    %scan3A_18 = arith.constant 98 : i32
    %scan3A_19 = arith.addi %scan3A_17, %scan3A_18 : i32
    %scan3A_20 = arith.constant 1 : i32
    %scan3A_21 = scf.for %scan3A_24 = %scan3A_17 to %scan3A_19 step %scan3A_20 iter_args(%scan3A_25 = %scan3A_16) -> (i32)  : i32 {
      %mul3A_26 = arith.constant 8 : i32
      %mul3A_27 = arith.muli %scan3A_24, %mul3A_26 : i32
      %add3A = arith.addi %mul3A_15, %mul3A_27 : i32
      "tpu.region"() ({
        %run_scoped3A_194 = tpu.sem_alloc : memref<!tpu.dma_semaphore, #tpu.memory_space<semaphore_mem>>
        %dma_start3A_195 = arith.constant 0 : i32
        %dma_start3A_196 = tpu.memref_slice %arg3[%arg0, %add3A, %dma_start3A_195] : memref<2x12544x128xi32, #tpu.memory_space<hbm>> -> memref<1x8x128xi32, #tpu.memory_space<hbm>>
        %dma_start3A_197 = tpu.memref_squeeze %dma_start3A_196 : memref<1x8x128xi32, #tpu.memory_space<hbm>> -> memref<8x128xi32, #tpu.memory_space<hbm>>
        %dma_start3A_198 = arith.constant 0 : i32
        %dma_start3A_199 = tpu.memref_slice %arg3[%arg0, %add3A, %dma_start3A_198] : memref<2x12544x128xi32, #tpu.memory_space<hbm>> -> memref<1x8x128xi32, #tpu.memory_space<hbm>>
        %dma_start3A_200 = tpu.memref_squeeze %dma_start3A_199 : memref<1x8x128xi32, #tpu.memory_space<hbm>> -> memref<8x128xi32, #tpu.memory_space<hbm>>
        tpu.enqueue_dma source(%dma_start3A_200 : memref<8x128xi32, #tpu.memory_space<hbm>>) target(%arg6 : memref<8x128xi32, #tpu.memory_space<vmem>>) target_semaphore(%run_scoped3A_194 : memref<!tpu.dma_semaphore, #tpu.memory_space<semaphore_mem>>)
        %dma_wait3A_201 = arith.constant 0 : i32
        %dma_wait3A_202 = tpu.memref_slice %arg3[%arg0, %add3A, %dma_wait3A_201] : memref<2x12544x128xi32, #tpu.memory_space<hbm>> -> memref<1x8x128xi32, #tpu.memory_space<hbm>>
        %dma_wait3A_203 = tpu.memref_squeeze %dma_wait3A_202 : memref<1x8x128xi32, #tpu.memory_space<hbm>> -> memref<8x128xi32, #tpu.memory_space<hbm>>
        %dma_wait3A_204 = arith.constant 0 : i32
        %dma_wait3A_205 = tpu.memref_slice %arg3[%arg0, %add3A, %dma_wait3A_204] : memref<2x12544x128xi32, #tpu.memory_space<hbm>> -> memref<1x8x128xi32, #tpu.memory_space<hbm>>
        %dma_wait3A_206 = tpu.memref_squeeze %dma_wait3A_205 : memref<1x8x128xi32, #tpu.memory_space<hbm>> -> memref<8x128xi32, #tpu.memory_space<hbm>>
        tpu.wait_dma2 semaphore(%run_scoped3A_194 : memref<!tpu.dma_semaphore, #tpu.memory_space<semaphore_mem>>) src(%dma_wait3A_206 : memref<8x128xi32, #tpu.memory_space<hbm>>) dst(%arg6 : memref<8x128xi32, #tpu.memory_space<vmem>>)
        tpu.yield
      }) : () -> ()
      "tpu.region"() ({
        %run_scoped3A_194 = tpu.sem_alloc : memref<!tpu.dma_semaphore, #tpu.memory_space<semaphore_mem>>
        %dma_start3A_195 = arith.constant 0 : i32
        %dma_start3A_196 = tpu.memref_slice %arg4[%add3A, %dma_start3A_195] : memref<12544x128xi32, #tpu.memory_space<hbm>> -> memref<8x128xi32, #tpu.memory_space<hbm>>
        %dma_start3A_197 = arith.constant 0 : i32
        %dma_start3A_198 = tpu.memref_slice %arg4[%add3A, %dma_start3A_197] : memref<12544x128xi32, #tpu.memory_space<hbm>> -> memref<8x128xi32, #tpu.memory_space<hbm>>
        tpu.enqueue_dma source(%dma_start3A_198 : memref<8x128xi32, #tpu.memory_space<hbm>>) target(%arg7 : memref<8x128xi32, #tpu.memory_space<vmem>>) target_semaphore(%run_scoped3A_194 : memref<!tpu.dma_semaphore, #tpu.memory_space<semaphore_mem>>)
        %dma_wait3A_199 = arith.constant 0 : i32
        %dma_wait3A_200 = tpu.memref_slice %arg4[%add3A, %dma_wait3A_199] : memref<12544x128xi32, #tpu.memory_space<hbm>> -> memref<8x128xi32, #tpu.memory_space<hbm>>
        %dma_wait3A_201 = arith.constant 0 : i32
        %dma_wait3A_202 = tpu.memref_slice %arg4[%add3A, %dma_wait3A_201] : memref<12544x128xi32, #tpu.memory_space<hbm>> -> memref<8x128xi32, #tpu.memory_space<hbm>>
        tpu.wait_dma2 semaphore(%run_scoped3A_194 : memref<!tpu.dma_semaphore, #tpu.memory_space<semaphore_mem>>) src(%dma_wait3A_202 : memref<8x128xi32, #tpu.memory_space<hbm>>) dst(%arg7 : memref<8x128xi32, #tpu.memory_space<vmem>>)
        tpu.yield
      }) : () -> ()
      %dma_start3A = arith.constant 0 : i32
      %dma_start3A_28 = arith.constant 0 : i32
      %dma_start3A_29 = arith.constant 0 : i32
      %dma_start3A_30 = tpu.memref_slice %arg8[%dma_start3A_28, %dma_start3A_29] : memref<1024x16xf32, #tpu.memory_space<vmem>> -> memref<128x16xf32, #tpu.memory_space<vmem>>
      %dma_start3A_31 = arith.constant 0 : i32
      %dma_start3A_32 = tpu.memref_slice %arg6[%dma_start3A, %dma_start3A_31] : memref<8x128xi32, #tpu.memory_space<vmem>> -> memref<1x128xi32, #tpu.memory_space<vmem>>
      %dma_start3A_33 = tpu.memref_squeeze %dma_start3A_32 : memref<1x128xi32, #tpu.memory_space<vmem>> -> memref<128xi32, #tpu.memory_space<vmem>>
      %dma_start3A_34 = arith.constant 0 : i32
      %dma_start3A_35 = arith.constant 0 : i32
      %dma_start3A_36 = tpu.memref_slice %arg2[%dma_start3A_34, %dma_start3A_35] : memref<204800x16xf32, #tpu.memory_space<hbm>> -> memref<204800x16xf32, #tpu.memory_space<hbm>>
      tpu.enqueue_indirect_dma source(%dma_start3A_36 : memref<204800x16xf32, #tpu.memory_space<hbm>>) target(%dma_start3A_30 : memref<128x16xf32, #tpu.memory_space<vmem>>) offsets(%dma_start3A_33 : memref<128xi32, #tpu.memory_space<vmem>>) semaphore(%arg10 : memref<!tpu.dma_semaphore, #tpu.memory_space<semaphore_mem>>)
      %dma_start3A_37 = arith.constant 1 : i32
      %dma_start3A_38 = arith.constant 128 : i32
      %dma_start3A_39 = arith.constant 0 : i32
      %dma_start3A_40 = tpu.memref_slice %arg8[%dma_start3A_38, %dma_start3A_39] : memref<1024x16xf32, #tpu.memory_space<vmem>> -> memref<128x16xf32, #tpu.memory_space<vmem>>
      %dma_start3A_41 = arith.constant 0 : i32
      %dma_start3A_42 = tpu.memref_slice %arg6[%dma_start3A_37, %dma_start3A_41] : memref<8x128xi32, #tpu.memory_space<vmem>> -> memref<1x128xi32, #tpu.memory_space<vmem>>
      %dma_start3A_43 = tpu.memref_squeeze %dma_start3A_42 : memref<1x128xi32, #tpu.memory_space<vmem>> -> memref<128xi32, #tpu.memory_space<vmem>>
      %dma_start3A_44 = arith.constant 0 : i32
      %dma_start3A_45 = arith.constant 0 : i32
      %dma_start3A_46 = tpu.memref_slice %arg2[%dma_start3A_44, %dma_start3A_45] : memref<204800x16xf32, #tpu.memory_space<hbm>> -> memref<204800x16xf32, #tpu.memory_space<hbm>>
      tpu.enqueue_indirect_dma source(%dma_start3A_46 : memref<204800x16xf32, #tpu.memory_space<hbm>>) target(%dma_start3A_40 : memref<128x16xf32, #tpu.memory_space<vmem>>) offsets(%dma_start3A_43 : memref<128xi32, #tpu.memory_space<vmem>>) semaphore(%arg10 : memref<!tpu.dma_semaphore, #tpu.memory_space<semaphore_mem>>)
      %dma_start3A_47 = arith.constant 2 : i32
      %dma_start3A_48 = arith.constant 256 : i32
      %dma_start3A_49 = arith.constant 0 : i32
      %dma_start3A_50 = tpu.memref_slice %arg8[%dma_start3A_48, %dma_start3A_49] : memref<1024x16xf32, #tpu.memory_space<vmem>> -> memref<128x16xf32, #tpu.memory_space<vmem>>
      %dma_start3A_51 = arith.constant 0 : i32
      %dma_start3A_52 = tpu.memref_slice %arg6[%dma_start3A_47, %dma_start3A_51] : memref<8x128xi32, #tpu.memory_space<vmem>> -> memref<1x128xi32, #tpu.memory_space<vmem>>
      %dma_start3A_53 = tpu.memref_squeeze %dma_start3A_52 : memref<1x128xi32, #tpu.memory_space<vmem>> -> memref<128xi32, #tpu.memory_space<vmem>>
      %dma_start3A_54 = arith.constant 0 : i32
      %dma_start3A_55 = arith.constant 0 : i32
      %dma_start3A_56 = tpu.memref_slice %arg2[%dma_start3A_54, %dma_start3A_55] : memref<204800x16xf32, #tpu.memory_space<hbm>> -> memref<204800x16xf32, #tpu.memory_space<hbm>>
      tpu.enqueue_indirect_dma source(%dma_start3A_56 : memref<204800x16xf32, #tpu.memory_space<hbm>>) target(%dma_start3A_50 : memref<128x16xf32, #tpu.memory_space<vmem>>) offsets(%dma_start3A_53 : memref<128xi32, #tpu.memory_space<vmem>>) semaphore(%arg10 : memref<!tpu.dma_semaphore, #tpu.memory_space<semaphore_mem>>)
      %dma_start3A_57 = arith.constant 3 : i32
      %dma_start3A_58 = arith.constant 384 : i32
      %dma_start3A_59 = arith.constant 0 : i32
      %dma_start3A_60 = tpu.memref_slice %arg8[%dma_start3A_58, %dma_start3A_59] : memref<1024x16xf32, #tpu.memory_space<vmem>> -> memref<128x16xf32, #tpu.memory_space<vmem>>
      %dma_start3A_61 = arith.constant 0 : i32
      %dma_start3A_62 = tpu.memref_slice %arg6[%dma_start3A_57, %dma_start3A_61] : memref<8x128xi32, #tpu.memory_space<vmem>> -> memref<1x128xi32, #tpu.memory_space<vmem>>
      %dma_start3A_63 = tpu.memref_squeeze %dma_start3A_62 : memref<1x128xi32, #tpu.memory_space<vmem>> -> memref<128xi32, #tpu.memory_space<vmem>>
      %dma_start3A_64 = arith.constant 0 : i32
      %dma_start3A_65 = arith.constant 0 : i32
      %dma_start3A_66 = tpu.memref_slice %arg2[%dma_start3A_64, %dma_start3A_65] : memref<204800x16xf32, #tpu.memory_space<hbm>> -> memref<204800x16xf32, #tpu.memory_space<hbm>>
      tpu.enqueue_indirect_dma source(%dma_start3A_66 : memref<204800x16xf32, #tpu.memory_space<hbm>>) target(%dma_start3A_60 : memref<128x16xf32, #tpu.memory_space<vmem>>) offsets(%dma_start3A_63 : memref<128xi32, #tpu.memory_space<vmem>>) semaphore(%arg10 : memref<!tpu.dma_semaphore, #tpu.memory_space<semaphore_mem>>)
      %dma_start3A_67 = arith.constant 4 : i32
      %dma_start3A_68 = arith.constant 512 : i32
      %dma_start3A_69 = arith.constant 0 : i32
      %dma_start3A_70 = tpu.memref_slice %arg8[%dma_start3A_68, %dma_start3A_69] : memref<1024x16xf32, #tpu.memory_space<vmem>> -> memref<128x16xf32, #tpu.memory_space<vmem>>
      %dma_start3A_71 = arith.constant 0 : i32
      %dma_start3A_72 = tpu.memref_slice %arg6[%dma_start3A_67, %dma_start3A_71] : memref<8x128xi32, #tpu.memory_space<vmem>> -> memref<1x128xi32, #tpu.memory_space<vmem>>
      %dma_start3A_73 = tpu.memref_squeeze %dma_start3A_72 : memref<1x128xi32, #tpu.memory_space<vmem>> -> memref<128xi32, #tpu.memory_space<vmem>>
      %dma_start3A_74 = arith.constant 0 : i32
      %dma_start3A_75 = arith.constant 0 : i32
      %dma_start3A_76 = tpu.memref_slice %arg2[%dma_start3A_74, %dma_start3A_75] : memref<204800x16xf32, #tpu.memory_space<hbm>> -> memref<204800x16xf32, #tpu.memory_space<hbm>>
      tpu.enqueue_indirect_dma source(%dma_start3A_76 : memref<204800x16xf32, #tpu.memory_space<hbm>>) target(%dma_start3A_70 : memref<128x16xf32, #tpu.memory_space<vmem>>) offsets(%dma_start3A_73 : memref<128xi32, #tpu.memory_space<vmem>>) semaphore(%arg10 : memref<!tpu.dma_semaphore, #tpu.memory_space<semaphore_mem>>)
      %dma_start3A_77 = arith.constant 5 : i32
      %dma_start3A_78 = arith.constant 640 : i32
      %dma_start3A_79 = arith.constant 0 : i32
      %dma_start3A_80 = tpu.memref_slice %arg8[%dma_start3A_78, %dma_start3A_79] : memref<1024x16xf32, #tpu.memory_space<vmem>> -> memref<128x16xf32, #tpu.memory_space<vmem>>
      %dma_start3A_81 = arith.constant 0 : i32
      %dma_start3A_82 = tpu.memref_slice %arg6[%dma_start3A_77, %dma_start3A_81] : memref<8x128xi32, #tpu.memory_space<vmem>> -> memref<1x128xi32, #tpu.memory_space<vmem>>
      %dma_start3A_83 = tpu.memref_squeeze %dma_start3A_82 : memref<1x128xi32, #tpu.memory_space<vmem>> -> memref<128xi32, #tpu.memory_space<vmem>>
      %dma_start3A_84 = arith.constant 0 : i32
      %dma_start3A_85 = arith.constant 0 : i32
      %dma_start3A_86 = tpu.memref_slice %arg2[%dma_start3A_84, %dma_start3A_85] : memref<204800x16xf32, #tpu.memory_space<hbm>> -> memref<204800x16xf32, #tpu.memory_space<hbm>>
      tpu.enqueue_indirect_dma source(%dma_start3A_86 : memref<204800x16xf32, #tpu.memory_space<hbm>>) target(%dma_start3A_80 : memref<128x16xf32, #tpu.memory_space<vmem>>) offsets(%dma_start3A_83 : memref<128xi32, #tpu.memory_space<vmem>>) semaphore(%arg10 : memref<!tpu.dma_semaphore, #tpu.memory_space<semaphore_mem>>)
      %dma_start3A_87 = arith.constant 6 : i32
      %dma_start3A_88 = arith.constant 768 : i32
      %dma_start3A_89 = arith.constant 0 : i32
      %dma_start3A_90 = tpu.memref_slice %arg8[%dma_start3A_88, %dma_start3A_89] : memref<1024x16xf32, #tpu.memory_space<vmem>> -> memref<128x16xf32, #tpu.memory_space<vmem>>
      %dma_start3A_91 = arith.constant 0 : i32
      %dma_start3A_92 = tpu.memref_slice %arg6[%dma_start3A_87, %dma_start3A_91] : memref<8x128xi32, #tpu.memory_space<vmem>> -> memref<1x128xi32, #tpu.memory_space<vmem>>
      %dma_start3A_93 = tpu.memref_squeeze %dma_start3A_92 : memref<1x128xi32, #tpu.memory_space<vmem>> -> memref<128xi32, #tpu.memory_space<vmem>>
      %dma_start3A_94 = arith.constant 0 : i32
      %dma_start3A_95 = arith.constant 0 : i32
      %dma_start3A_96 = tpu.memref_slice %arg2[%dma_start3A_94, %dma_start3A_95] : memref<204800x16xf32, #tpu.memory_space<hbm>> -> memref<204800x16xf32, #tpu.memory_space<hbm>>
      tpu.enqueue_indirect_dma source(%dma_start3A_96 : memref<204800x16xf32, #tpu.memory_space<hbm>>) target(%dma_start3A_90 : memref<128x16xf32, #tpu.memory_space<vmem>>) offsets(%dma_start3A_93 : memref<128xi32, #tpu.memory_space<vmem>>) semaphore(%arg10 : memref<!tpu.dma_semaphore, #tpu.memory_space<semaphore_mem>>)
      %dma_start3A_97 = arith.constant 7 : i32
      %dma_start3A_98 = arith.constant 896 : i32
      %dma_start3A_99 = arith.constant 0 : i32
      %dma_start3A_100 = tpu.memref_slice %arg8[%dma_start3A_98, %dma_start3A_99] : memref<1024x16xf32, #tpu.memory_space<vmem>> -> memref<128x16xf32, #tpu.memory_space<vmem>>
      %dma_start3A_101 = arith.constant 0 : i32
      %dma_start3A_102 = tpu.memref_slice %arg6[%dma_start3A_97, %dma_start3A_101] : memref<8x128xi32, #tpu.memory_space<vmem>> -> memref<1x128xi32, #tpu.memory_space<vmem>>
      %dma_start3A_103 = tpu.memref_squeeze %dma_start3A_102 : memref<1x128xi32, #tpu.memory_space<vmem>> -> memref<128xi32, #tpu.memory_space<vmem>>
      %dma_start3A_104 = arith.constant 0 : i32
      %dma_start3A_105 = arith.constant 0 : i32
      %dma_start3A_106 = tpu.memref_slice %arg2[%dma_start3A_104, %dma_start3A_105] : memref<204800x16xf32, #tpu.memory_space<hbm>> -> memref<204800x16xf32, #tpu.memory_space<hbm>>
      tpu.enqueue_indirect_dma source(%dma_start3A_106 : memref<204800x16xf32, #tpu.memory_space<hbm>>) target(%dma_start3A_100 : memref<128x16xf32, #tpu.memory_space<vmem>>) offsets(%dma_start3A_103 : memref<128xi32, #tpu.memory_space<vmem>>) semaphore(%arg10 : memref<!tpu.dma_semaphore, #tpu.memory_space<semaphore_mem>>)
      %dma_wait3A = arith.constant 0 : i32
      %dma_wait3A_107 = arith.constant 0 : i32
      %dma_wait3A_108 = arith.constant 0 : i32
      %dma_wait3A_109 = tpu.memref_slice %arg8[%dma_wait3A_107, %dma_wait3A_108] : memref<1024x16xf32, #tpu.memory_space<vmem>> -> memref<128x16xf32, #tpu.memory_space<vmem>>
      %dma_wait3A_110 = arith.constant 0 : i32
      %dma_wait3A_111 = tpu.memref_slice %arg6[%dma_wait3A, %dma_wait3A_110] : memref<8x128xi32, #tpu.memory_space<vmem>> -> memref<1x128xi32, #tpu.memory_space<vmem>>
      %dma_wait3A_112 = tpu.memref_squeeze %dma_wait3A_111 : memref<1x128xi32, #tpu.memory_space<vmem>> -> memref<128xi32, #tpu.memory_space<vmem>>
      %dma_wait3A_113 = arith.constant 0 : i32
      %dma_wait3A_114 = arith.constant 0 : i32
      %dma_wait3A_115 = tpu.memref_slice %arg2[%dma_wait3A_113, %dma_wait3A_114] : memref<204800x16xf32, #tpu.memory_space<hbm>> -> memref<204800x16xf32, #tpu.memory_space<hbm>>
      tpu.wait_indirect_dma semaphore(%arg10 : memref<!tpu.dma_semaphore, #tpu.memory_space<semaphore_mem>>) src(%dma_wait3A_115 : memref<204800x16xf32, #tpu.memory_space<hbm>>) dst(%dma_wait3A_109 : memref<128x16xf32, #tpu.memory_space<vmem>>)
      %dma_wait3A_116 = arith.constant 1 : i32
      %dma_wait3A_117 = arith.constant 128 : i32
      %dma_wait3A_118 = arith.constant 0 : i32
      %dma_wait3A_119 = tpu.memref_slice %arg8[%dma_wait3A_117, %dma_wait3A_118] : memref<1024x16xf32, #tpu.memory_space<vmem>> -> memref<128x16xf32, #tpu.memory_space<vmem>>
      %dma_wait3A_120 = arith.constant 0 : i32
      %dma_wait3A_121 = tpu.memref_slice %arg6[%dma_wait3A_116, %dma_wait3A_120] : memref<8x128xi32, #tpu.memory_space<vmem>> -> memref<1x128xi32, #tpu.memory_space<vmem>>
      %dma_wait3A_122 = tpu.memref_squeeze %dma_wait3A_121 : memref<1x128xi32, #tpu.memory_space<vmem>> -> memref<128xi32, #tpu.memory_space<vmem>>
      %dma_wait3A_123 = arith.constant 0 : i32
      %dma_wait3A_124 = arith.constant 0 : i32
      %dma_wait3A_125 = tpu.memref_slice %arg2[%dma_wait3A_123, %dma_wait3A_124] : memref<204800x16xf32, #tpu.memory_space<hbm>> -> memref<204800x16xf32, #tpu.memory_space<hbm>>
      tpu.wait_indirect_dma semaphore(%arg10 : memref<!tpu.dma_semaphore, #tpu.memory_space<semaphore_mem>>) src(%dma_wait3A_125 : memref<204800x16xf32, #tpu.memory_space<hbm>>) dst(%dma_wait3A_119 : memref<128x16xf32, #tpu.memory_space<vmem>>)
      %dma_wait3A_126 = arith.constant 2 : i32
      %dma_wait3A_127 = arith.constant 256 : i32
      %dma_wait3A_128 = arith.constant 0 : i32
      %dma_wait3A_129 = tpu.memref_slice %arg8[%dma_wait3A_127, %dma_wait3A_128] : memref<1024x16xf32, #tpu.memory_space<vmem>> -> memref<128x16xf32, #tpu.memory_space<vmem>>
      %dma_wait3A_130 = arith.constant 0 : i32
      %dma_wait3A_131 = tpu.memref_slice %arg6[%dma_wait3A_126, %dma_wait3A_130] : memref<8x128xi32, #tpu.memory_space<vmem>> -> memref<1x128xi32, #tpu.memory_space<vmem>>
      %dma_wait3A_132 = tpu.memref_squeeze %dma_wait3A_131 : memref<1x128xi32, #tpu.memory_space<vmem>> -> memref<128xi32, #tpu.memory_space<vmem>>
      %dma_wait3A_133 = arith.constant 0 : i32
      %dma_wait3A_134 = arith.constant 0 : i32
      %dma_wait3A_135 = tpu.memref_slice %arg2[%dma_wait3A_133, %dma_wait3A_134] : memref<204800x16xf32, #tpu.memory_space<hbm>> -> memref<204800x16xf32, #tpu.memory_space<hbm>>
      tpu.wait_indirect_dma semaphore(%arg10 : memref<!tpu.dma_semaphore, #tpu.memory_space<semaphore_mem>>) src(%dma_wait3A_135 : memref<204800x16xf32, #tpu.memory_space<hbm>>) dst(%dma_wait3A_129 : memref<128x16xf32, #tpu.memory_space<vmem>>)
      %dma_wait3A_136 = arith.constant 3 : i32
      %dma_wait3A_137 = arith.constant 384 : i32
      %dma_wait3A_138 = arith.constant 0 : i32
      %dma_wait3A_139 = tpu.memref_slice %arg8[%dma_wait3A_137, %dma_wait3A_138] : memref<1024x16xf32, #tpu.memory_space<vmem>> -> memref<128x16xf32, #tpu.memory_space<vmem>>
      %dma_wait3A_140 = arith.constant 0 : i32
      %dma_wait3A_141 = tpu.memref_slice %arg6[%dma_wait3A_136, %dma_wait3A_140] : memref<8x128xi32, #tpu.memory_space<vmem>> -> memref<1x128xi32, #tpu.memory_space<vmem>>
      %dma_wait3A_142 = tpu.memref_squeeze %dma_wait3A_141 : memref<1x128xi32, #tpu.memory_space<vmem>> -> memref<128xi32, #tpu.memory_space<vmem>>
      %dma_wait3A_143 = arith.constant 0 : i32
      %dma_wait3A_144 = arith.constant 0 : i32
      %dma_wait3A_145 = tpu.memref_slice %arg2[%dma_wait3A_143, %dma_wait3A_144] : memref<204800x16xf32, #tpu.memory_space<hbm>> -> memref<204800x16xf32, #tpu.memory_space<hbm>>
      tpu.wait_indirect_dma semaphore(%arg10 : memref<!tpu.dma_semaphore, #tpu.memory_space<semaphore_mem>>) src(%dma_wait3A_145 : memref<204800x16xf32, #tpu.memory_space<hbm>>) dst(%dma_wait3A_139 : memref<128x16xf32, #tpu.memory_space<vmem>>)
      %dma_wait3A_146 = arith.constant 4 : i32
      %dma_wait3A_147 = arith.constant 512 : i32
      %dma_wait3A_148 = arith.constant 0 : i32
      %dma_wait3A_149 = tpu.memref_slice %arg8[%dma_wait3A_147, %dma_wait3A_148] : memref<1024x16xf32, #tpu.memory_space<vmem>> -> memref<128x16xf32, #tpu.memory_space<vmem>>
      %dma_wait3A_150 = arith.constant 0 : i32
      %dma_wait3A_151 = tpu.memref_slice %arg6[%dma_wait3A_146, %dma_wait3A_150] : memref<8x128xi32, #tpu.memory_space<vmem>> -> memref<1x128xi32, #tpu.memory_space<vmem>>
      %dma_wait3A_152 = tpu.memref_squeeze %dma_wait3A_151 : memref<1x128xi32, #tpu.memory_space<vmem>> -> memref<128xi32, #tpu.memory_space<vmem>>
      %dma_wait3A_153 = arith.constant 0 : i32
      %dma_wait3A_154 = arith.constant 0 : i32
      %dma_wait3A_155 = tpu.memref_slice %arg2[%dma_wait3A_153, %dma_wait3A_154] : memref<204800x16xf32, #tpu.memory_space<hbm>> -> memref<204800x16xf32, #tpu.memory_space<hbm>>
      tpu.wait_indirect_dma semaphore(%arg10 : memref<!tpu.dma_semaphore, #tpu.memory_space<semaphore_mem>>) src(%dma_wait3A_155 : memref<204800x16xf32, #tpu.memory_space<hbm>>) dst(%dma_wait3A_149 : memref<128x16xf32, #tpu.memory_space<vmem>>)
      %dma_wait3A_156 = arith.constant 5 : i32
      %dma_wait3A_157 = arith.constant 640 : i32
      %dma_wait3A_158 = arith.constant 0 : i32
      %dma_wait3A_159 = tpu.memref_slice %arg8[%dma_wait3A_157, %dma_wait3A_158] : memref<1024x16xf32, #tpu.memory_space<vmem>> -> memref<128x16xf32, #tpu.memory_space<vmem>>
      %dma_wait3A_160 = arith.constant 0 : i32
      %dma_wait3A_161 = tpu.memref_slice %arg6[%dma_wait3A_156, %dma_wait3A_160] : memref<8x128xi32, #tpu.memory_space<vmem>> -> memref<1x128xi32, #tpu.memory_space<vmem>>
      %dma_wait3A_162 = tpu.memref_squeeze %dma_wait3A_161 : memref<1x128xi32, #tpu.memory_space<vmem>> -> memref<128xi32, #tpu.memory_space<vmem>>
      %dma_wait3A_163 = arith.constant 0 : i32
      %dma_wait3A_164 = arith.constant 0 : i32
      %dma_wait3A_165 = tpu.memref_slice %arg2[%dma_wait3A_163, %dma_wait3A_164] : memref<204800x16xf32, #tpu.memory_space<hbm>> -> memref<204800x16xf32, #tpu.memory_space<hbm>>
      tpu.wait_indirect_dma semaphore(%arg10 : memref<!tpu.dma_semaphore, #tpu.memory_space<semaphore_mem>>) src(%dma_wait3A_165 : memref<204800x16xf32, #tpu.memory_space<hbm>>) dst(%dma_wait3A_159 : memref<128x16xf32, #tpu.memory_space<vmem>>)
      %dma_wait3A_166 = arith.constant 6 : i32
      %dma_wait3A_167 = arith.constant 768 : i32
      %dma_wait3A_168 = arith.constant 0 : i32
      %dma_wait3A_169 = tpu.memref_slice %arg8[%dma_wait3A_167, %dma_wait3A_168] : memref<1024x16xf32, #tpu.memory_space<vmem>> -> memref<128x16xf32, #tpu.memory_space<vmem>>
      %dma_wait3A_170 = arith.constant 0 : i32
      %dma_wait3A_171 = tpu.memref_slice %arg6[%dma_wait3A_166, %dma_wait3A_170] : memref<8x128xi32, #tpu.memory_space<vmem>> -> memref<1x128xi32, #tpu.memory_space<vmem>>
      %dma_wait3A_172 = tpu.memref_squeeze %dma_wait3A_171 : memref<1x128xi32, #tpu.memory_space<vmem>> -> memref<128xi32, #tpu.memory_space<vmem>>
      %dma_wait3A_173 = arith.constant 0 : i32
      %dma_wait3A_174 = arith.constant 0 : i32
      %dma_wait3A_175 = tpu.memref_slice %arg2[%dma_wait3A_173, %dma_wait3A_174] : memref<204800x16xf32, #tpu.memory_space<hbm>> -> memref<204800x16xf32, #tpu.memory_space<hbm>>
      tpu.wait_indirect_dma semaphore(%arg10 : memref<!tpu.dma_semaphore, #tpu.memory_space<semaphore_mem>>) src(%dma_wait3A_175 : memref<204800x16xf32, #tpu.memory_space<hbm>>) dst(%dma_wait3A_169 : memref<128x16xf32, #tpu.memory_space<vmem>>)
      %dma_wait3A_176 = arith.constant 7 : i32
      %dma_wait3A_177 = arith.constant 896 : i32
      %dma_wait3A_178 = arith.constant 0 : i32
      %dma_wait3A_179 = tpu.memref_slice %arg8[%dma_wait3A_177, %dma_wait3A_178] : memref<1024x16xf32, #tpu.memory_space<vmem>> -> memref<128x16xf32, #tpu.memory_space<vmem>>
      %dma_wait3A_180 = arith.constant 0 : i32
      %dma_wait3A_181 = tpu.memref_slice %arg6[%dma_wait3A_176, %dma_wait3A_180] : memref<8x128xi32, #tpu.memory_space<vmem>> -> memref<1x128xi32, #tpu.memory_space<vmem>>
      %dma_wait3A_182 = tpu.memref_squeeze %dma_wait3A_181 : memref<1x128xi32, #tpu.memory_space<vmem>> -> memref<128xi32, #tpu.memory_space<vmem>>
      %dma_wait3A_183 = arith.constant 0 : i32
      %dma_wait3A_184 = arith.constant 0 : i32
      %dma_wait3A_185 = tpu.memref_slice %arg2[%dma_wait3A_183, %dma_wait3A_184] : memref<204800x16xf32, #tpu.memory_space<hbm>> -> memref<204800x16xf32, #tpu.memory_space<hbm>>
      tpu.wait_indirect_dma semaphore(%arg10 : memref<!tpu.dma_semaphore, #tpu.memory_space<semaphore_mem>>) src(%dma_wait3A_185 : memref<204800x16xf32, #tpu.memory_space<hbm>>) dst(%dma_wait3A_179 : memref<128x16xf32, #tpu.memory_space<vmem>>)
      %run_scoped3A = arith.constant 0 : i32
      "tpu.region"() ({
        %run_scoped3A_194 = tpu.sem_alloc : memref<!tpu.dma_semaphore, #tpu.memory_space<semaphore_mem>>
        %dma_start3A_195 = arith.constant 0 : i32
        %dma_start3A_196 = arith.constant 0 : i32
        %dma_start3A_197 = tpu.memref_slice %arg8[%dma_start3A_195, %dma_start3A_196] : memref<1024x16xf32, #tpu.memory_space<vmem>> -> memref<128x16xf32, #tpu.memory_space<vmem>>
        %dma_start3A_198 = arith.constant 0 : i32
        %dma_start3A_199 = tpu.memref_slice %arg7[%run_scoped3A, %dma_start3A_198] : memref<8x128xi32, #tpu.memory_space<vmem>> -> memref<1x128xi32, #tpu.memory_space<vmem>>
        %dma_start3A_200 = tpu.memref_squeeze %dma_start3A_199 : memref<1x128xi32, #tpu.memory_space<vmem>> -> memref<128xi32, #tpu.memory_space<vmem>>
        %dma_start3A_201 = arith.constant 0 : i32
        %dma_start3A_202 = arith.constant 0 : i32
        %dma_start3A_203 = tpu.memref_slice %arg9[%dma_start3A_201, %dma_start3A_202] : memref<102400x16xf32, #tpu.memory_space<vmem_shared>> -> memref<102400x16xf32, #tpu.memory_space<vmem_shared>>
        tpu.enqueue_indirect_dma source(%dma_start3A_197 : memref<128x16xf32, #tpu.memory_space<vmem>>) target(%dma_start3A_203 : memref<102400x16xf32, #tpu.memory_space<vmem_shared>>) offsets(%dma_start3A_200 : memref<128xi32, #tpu.memory_space<vmem>>) semaphore(%run_scoped3A_194 : memref<!tpu.dma_semaphore, #tpu.memory_space<semaphore_mem>>) {add = true}
        %dma_wait3A_204 = arith.constant 0 : i32
        %dma_wait3A_205 = arith.constant 0 : i32
        %dma_wait3A_206 = tpu.memref_slice %arg8[%dma_wait3A_204, %dma_wait3A_205] : memref<1024x16xf32, #tpu.memory_space<vmem>> -> memref<128x16xf32, #tpu.memory_space<vmem>>
        %dma_wait3A_207 = arith.constant 0 : i32
        %dma_wait3A_208 = tpu.memref_slice %arg7[%run_scoped3A, %dma_wait3A_207] : memref<8x128xi32, #tpu.memory_space<vmem>> -> memref<1x128xi32, #tpu.memory_space<vmem>>
        %dma_wait3A_209 = tpu.memref_squeeze %dma_wait3A_208 : memref<1x128xi32, #tpu.memory_space<vmem>> -> memref<128xi32, #tpu.memory_space<vmem>>
        %dma_wait3A_210 = arith.constant 0 : i32
        %dma_wait3A_211 = arith.constant 0 : i32
        %dma_wait3A_212 = tpu.memref_slice %arg9[%dma_wait3A_210, %dma_wait3A_211] : memref<102400x16xf32, #tpu.memory_space<vmem_shared>> -> memref<102400x16xf32, #tpu.memory_space<vmem_shared>>
        tpu.wait_indirect_dma semaphore(%run_scoped3A_194 : memref<!tpu.dma_semaphore, #tpu.memory_space<semaphore_mem>>) src(%dma_wait3A_206 : memref<128x16xf32, #tpu.memory_space<vmem>>) dst(%dma_wait3A_212 : memref<102400x16xf32, #tpu.memory_space<vmem_shared>>)
        tpu.yield
      }) : () -> ()
      %run_scoped3A_186 = arith.constant 1 : i32
      "tpu.region"() ({
        %run_scoped3A_194 = tpu.sem_alloc : memref<!tpu.dma_semaphore, #tpu.memory_space<semaphore_mem>>
        %dma_start3A_195 = arith.constant 128 : i32
        %dma_start3A_196 = arith.constant 0 : i32
        %dma_start3A_197 = tpu.memref_slice %arg8[%dma_start3A_195, %dma_start3A_196] : memref<1024x16xf32, #tpu.memory_space<vmem>> -> memref<128x16xf32, #tpu.memory_space<vmem>>
        %dma_start3A_198 = arith.constant 0 : i32
        %dma_start3A_199 = tpu.memref_slice %arg7[%run_scoped3A_186, %dma_start3A_198] : memref<8x128xi32, #tpu.memory_space<vmem>> -> memref<1x128xi32, #tpu.memory_space<vmem>>
        %dma_start3A_200 = tpu.memref_squeeze %dma_start3A_199 : memref<1x128xi32, #tpu.memory_space<vmem>> -> memref<128xi32, #tpu.memory_space<vmem>>
        %dma_start3A_201 = arith.constant 0 : i32
        %dma_start3A_202 = arith.constant 0 : i32
        %dma_start3A_203 = tpu.memref_slice %arg9[%dma_start3A_201, %dma_start3A_202] : memref<102400x16xf32, #tpu.memory_space<vmem_shared>> -> memref<102400x16xf32, #tpu.memory_space<vmem_shared>>
        tpu.enqueue_indirect_dma source(%dma_start3A_197 : memref<128x16xf32, #tpu.memory_space<vmem>>) target(%dma_start3A_203 : memref<102400x16xf32, #tpu.memory_space<vmem_shared>>) offsets(%dma_start3A_200 : memref<128xi32, #tpu.memory_space<vmem>>) semaphore(%run_scoped3A_194 : memref<!tpu.dma_semaphore, #tpu.memory_space<semaphore_mem>>) {add = true}
        %dma_wait3A_204 = arith.constant 128 : i32
        %dma_wait3A_205 = arith.constant 0 : i32
        %dma_wait3A_206 = tpu.memref_slice %arg8[%dma_wait3A_204, %dma_wait3A_205] : memref<1024x16xf32, #tpu.memory_space<vmem>> -> memref<128x16xf32, #tpu.memory_space<vmem>>
        %dma_wait3A_207 = arith.constant 0 : i32
        %dma_wait3A_208 = tpu.memref_slice %arg7[%run_scoped3A_186, %dma_wait3A_207] : memref<8x128xi32, #tpu.memory_space<vmem>> -> memref<1x128xi32, #tpu.memory_space<vmem>>
        %dma_wait3A_209 = tpu.memref_squeeze %dma_wait3A_208 : memref<1x128xi32, #tpu.memory_space<vmem>> -> memref<128xi32, #tpu.memory_space<vmem>>
        %dma_wait3A_210 = arith.constant 0 : i32
        %dma_wait3A_211 = arith.constant 0 : i32
        %dma_wait3A_212 = tpu.memref_slice %arg9[%dma_wait3A_210, %dma_wait3A_211] : memref<102400x16xf32, #tpu.memory_space<vmem_shared>> -> memref<102400x16xf32, #tpu.memory_space<vmem_shared>>
        tpu.wait_indirect_dma semaphore(%run_scoped3A_194 : memref<!tpu.dma_semaphore, #tpu.memory_space<semaphore_mem>>) src(%dma_wait3A_206 : memref<128x16xf32, #tpu.memory_space<vmem>>) dst(%dma_wait3A_212 : memref<102400x16xf32, #tpu.memory_space<vmem_shared>>)
        tpu.yield
      }) : () -> ()
      %run_scoped3A_187 = arith.constant 2 : i32
      "tpu.region"() ({
        %run_scoped3A_194 = tpu.sem_alloc : memref<!tpu.dma_semaphore, #tpu.memory_space<semaphore_mem>>
        %dma_start3A_195 = arith.constant 256 : i32
        %dma_start3A_196 = arith.constant 0 : i32
        %dma_start3A_197 = tpu.memref_slice %arg8[%dma_start3A_195, %dma_start3A_196] : memref<1024x16xf32, #tpu.memory_space<vmem>> -> memref<128x16xf32, #tpu.memory_space<vmem>>
        %dma_start3A_198 = arith.constant 0 : i32
        %dma_start3A_199 = tpu.memref_slice %arg7[%run_scoped3A_187, %dma_start3A_198] : memref<8x128xi32, #tpu.memory_space<vmem>> -> memref<1x128xi32, #tpu.memory_space<vmem>>
        %dma_start3A_200 = tpu.memref_squeeze %dma_start3A_199 : memref<1x128xi32, #tpu.memory_space<vmem>> -> memref<128xi32, #tpu.memory_space<vmem>>
        %dma_start3A_201 = arith.constant 0 : i32
        %dma_start3A_202 = arith.constant 0 : i32
        %dma_start3A_203 = tpu.memref_slice %arg9[%dma_start3A_201, %dma_start3A_202] : memref<102400x16xf32, #tpu.memory_space<vmem_shared>> -> memref<102400x16xf32, #tpu.memory_space<vmem_shared>>
        tpu.enqueue_indirect_dma source(%dma_start3A_197 : memref<128x16xf32, #tpu.memory_space<vmem>>) target(%dma_start3A_203 : memref<102400x16xf32, #tpu.memory_space<vmem_shared>>) offsets(%dma_start3A_200 : memref<128xi32, #tpu.memory_space<vmem>>) semaphore(%run_scoped3A_194 : memref<!tpu.dma_semaphore, #tpu.memory_space<semaphore_mem>>) {add = true}
        %dma_wait3A_204 = arith.constant 256 : i32
        %dma_wait3A_205 = arith.constant 0 : i32
        %dma_wait3A_206 = tpu.memref_slice %arg8[%dma_wait3A_204, %dma_wait3A_205] : memref<1024x16xf32, #tpu.memory_space<vmem>> -> memref<128x16xf32, #tpu.memory_space<vmem>>
        %dma_wait3A_207 = arith.constant 0 : i32
        %dma_wait3A_208 = tpu.memref_slice %arg7[%run_scoped3A_187, %dma_wait3A_207] : memref<8x128xi32, #tpu.memory_space<vmem>> -> memref<1x128xi32, #tpu.memory_space<vmem>>
        %dma_wait3A_209 = tpu.memref_squeeze %dma_wait3A_208 : memref<1x128xi32, #tpu.memory_space<vmem>> -> memref<128xi32, #tpu.memory_space<vmem>>
        %dma_wait3A_210 = arith.constant 0 : i32
        %dma_wait3A_211 = arith.constant 0 : i32
        %dma_wait3A_212 = tpu.memref_slice %arg9[%dma_wait3A_210, %dma_wait3A_211] : memref<102400x16xf32, #tpu.memory_space<vmem_shared>> -> memref<102400x16xf32, #tpu.memory_space<vmem_shared>>
        tpu.wait_indirect_dma semaphore(%run_scoped3A_194 : memref<!tpu.dma_semaphore, #tpu.memory_space<semaphore_mem>>) src(%dma_wait3A_206 : memref<128x16xf32, #tpu.memory_space<vmem>>) dst(%dma_wait3A_212 : memref<102400x16xf32, #tpu.memory_space<vmem_shared>>)
        tpu.yield
      }) : () -> ()
      %run_scoped3A_188 = arith.constant 3 : i32
      "tpu.region"() ({
        %run_scoped3A_194 = tpu.sem_alloc : memref<!tpu.dma_semaphore, #tpu.memory_space<semaphore_mem>>
        %dma_start3A_195 = arith.constant 384 : i32
        %dma_start3A_196 = arith.constant 0 : i32
        %dma_start3A_197 = tpu.memref_slice %arg8[%dma_start3A_195, %dma_start3A_196] : memref<1024x16xf32, #tpu.memory_space<vmem>> -> memref<128x16xf32, #tpu.memory_space<vmem>>
        %dma_start3A_198 = arith.constant 0 : i32
        %dma_start3A_199 = tpu.memref_slice %arg7[%run_scoped3A_188, %dma_start3A_198] : memref<8x128xi32, #tpu.memory_space<vmem>> -> memref<1x128xi32, #tpu.memory_space<vmem>>
        %dma_start3A_200 = tpu.memref_squeeze %dma_start3A_199 : memref<1x128xi32, #tpu.memory_space<vmem>> -> memref<128xi32, #tpu.memory_space<vmem>>
        %dma_start3A_201 = arith.constant 0 : i32
        %dma_start3A_202 = arith.constant 0 : i32
        %dma_start3A_203 = tpu.memref_slice %arg9[%dma_start3A_201, %dma_start3A_202] : memref<102400x16xf32, #tpu.memory_space<vmem_shared>> -> memref<102400x16xf32, #tpu.memory_space<vmem_shared>>
        tpu.enqueue_indirect_dma source(%dma_start3A_197 : memref<128x16xf32, #tpu.memory_space<vmem>>) target(%dma_start3A_203 : memref<102400x16xf32, #tpu.memory_space<vmem_shared>>) offsets(%dma_start3A_200 : memref<128xi32, #tpu.memory_space<vmem>>) semaphore(%run_scoped3A_194 : memref<!tpu.dma_semaphore, #tpu.memory_space<semaphore_mem>>) {add = true}
        %dma_wait3A_204 = arith.constant 384 : i32
        %dma_wait3A_205 = arith.constant 0 : i32
        %dma_wait3A_206 = tpu.memref_slice %arg8[%dma_wait3A_204, %dma_wait3A_205] : memref<1024x16xf32, #tpu.memory_space<vmem>> -> memref<128x16xf32, #tpu.memory_space<vmem>>
        %dma_wait3A_207 = arith.constant 0 : i32
        %dma_wait3A_208 = tpu.memref_slice %arg7[%run_scoped3A_188, %dma_wait3A_207] : memref<8x128xi32, #tpu.memory_space<vmem>> -> memref<1x128xi32, #tpu.memory_space<vmem>>
        %dma_wait3A_209 = tpu.memref_squeeze %dma_wait3A_208 : memref<1x128xi32, #tpu.memory_space<vmem>> -> memref<128xi32, #tpu.memory_space<vmem>>
        %dma_wait3A_210 = arith.constant 0 : i32
        %dma_wait3A_211 = arith.constant 0 : i32
        %dma_wait3A_212 = tpu.memref_slice %arg9[%dma_wait3A_210, %dma_wait3A_211] : memref<102400x16xf32, #tpu.memory_space<vmem_shared>> -> memref<102400x16xf32, #tpu.memory_space<vmem_shared>>
        tpu.wait_indirect_dma semaphore(%run_scoped3A_194 : memref<!tpu.dma_semaphore, #tpu.memory_space<semaphore_mem>>) src(%dma_wait3A_206 : memref<128x16xf32, #tpu.memory_space<vmem>>) dst(%dma_wait3A_212 : memref<102400x16xf32, #tpu.memory_space<vmem_shared>>)
        tpu.yield
      }) : () -> ()
      %run_scoped3A_189 = arith.constant 4 : i32
      "tpu.region"() ({
        %run_scoped3A_194 = tpu.sem_alloc : memref<!tpu.dma_semaphore, #tpu.memory_space<semaphore_mem>>
        %dma_start3A_195 = arith.constant 512 : i32
        %dma_start3A_196 = arith.constant 0 : i32
        %dma_start3A_197 = tpu.memref_slice %arg8[%dma_start3A_195, %dma_start3A_196] : memref<1024x16xf32, #tpu.memory_space<vmem>> -> memref<128x16xf32, #tpu.memory_space<vmem>>
        %dma_start3A_198 = arith.constant 0 : i32
        %dma_start3A_199 = tpu.memref_slice %arg7[%run_scoped3A_189, %dma_start3A_198] : memref<8x128xi32, #tpu.memory_space<vmem>> -> memref<1x128xi32, #tpu.memory_space<vmem>>
        %dma_start3A_200 = tpu.memref_squeeze %dma_start3A_199 : memref<1x128xi32, #tpu.memory_space<vmem>> -> memref<128xi32, #tpu.memory_space<vmem>>
        %dma_start3A_201 = arith.constant 0 : i32
        %dma_start3A_202 = arith.constant 0 : i32
        %dma_start3A_203 = tpu.memref_slice %arg9[%dma_start3A_201, %dma_start3A_202] : memref<102400x16xf32, #tpu.memory_space<vmem_shared>> -> memref<102400x16xf32, #tpu.memory_space<vmem_shared>>
        tpu.enqueue_indirect_dma source(%dma_start3A_197 : memref<128x16xf32, #tpu.memory_space<vmem>>) target(%dma_start3A_203 : memref<102400x16xf32, #tpu.memory_space<vmem_shared>>) offsets(%dma_start3A_200 : memref<128xi32, #tpu.memory_space<vmem>>) semaphore(%run_scoped3A_194 : memref<!tpu.dma_semaphore, #tpu.memory_space<semaphore_mem>>) {add = true}
        %dma_wait3A_204 = arith.constant 512 : i32
        %dma_wait3A_205 = arith.constant 0 : i32
        %dma_wait3A_206 = tpu.memref_slice %arg8[%dma_wait3A_204, %dma_wait3A_205] : memref<1024x16xf32, #tpu.memory_space<vmem>> -> memref<128x16xf32, #tpu.memory_space<vmem>>
        %dma_wait3A_207 = arith.constant 0 : i32
        %dma_wait3A_208 = tpu.memref_slice %arg7[%run_scoped3A_189, %dma_wait3A_207] : memref<8x128xi32, #tpu.memory_space<vmem>> -> memref<1x128xi32, #tpu.memory_space<vmem>>
        %dma_wait3A_209 = tpu.memref_squeeze %dma_wait3A_208 : memref<1x128xi32, #tpu.memory_space<vmem>> -> memref<128xi32, #tpu.memory_space<vmem>>
        %dma_wait3A_210 = arith.constant 0 : i32
        %dma_wait3A_211 = arith.constant 0 : i32
        %dma_wait3A_212 = tpu.memref_slice %arg9[%dma_wait3A_210, %dma_wait3A_211] : memref<102400x16xf32, #tpu.memory_space<vmem_shared>> -> memref<102400x16xf32, #tpu.memory_space<vmem_shared>>
        tpu.wait_indirect_dma semaphore(%run_scoped3A_194 : memref<!tpu.dma_semaphore, #tpu.memory_space<semaphore_mem>>) src(%dma_wait3A_206 : memref<128x16xf32, #tpu.memory_space<vmem>>) dst(%dma_wait3A_212 : memref<102400x16xf32, #tpu.memory_space<vmem_shared>>)
        tpu.yield
      }) : () -> ()
      %run_scoped3A_190 = arith.constant 5 : i32
      "tpu.region"() ({
        %run_scoped3A_194 = tpu.sem_alloc : memref<!tpu.dma_semaphore, #tpu.memory_space<semaphore_mem>>
        %dma_start3A_195 = arith.constant 640 : i32
        %dma_start3A_196 = arith.constant 0 : i32
        %dma_start3A_197 = tpu.memref_slice %arg8[%dma_start3A_195, %dma_start3A_196] : memref<1024x16xf32, #tpu.memory_space<vmem>> -> memref<128x16xf32, #tpu.memory_space<vmem>>
        %dma_start3A_198 = arith.constant 0 : i32
        %dma_start3A_199 = tpu.memref_slice %arg7[%run_scoped3A_190, %dma_start3A_198] : memref<8x128xi32, #tpu.memory_space<vmem>> -> memref<1x128xi32, #tpu.memory_space<vmem>>
        %dma_start3A_200 = tpu.memref_squeeze %dma_start3A_199 : memref<1x128xi32, #tpu.memory_space<vmem>> -> memref<128xi32, #tpu.memory_space<vmem>>
        %dma_start3A_201 = arith.constant 0 : i32
        %dma_start3A_202 = arith.constant 0 : i32
        %dma_start3A_203 = tpu.memref_slice %arg9[%dma_start3A_201, %dma_start3A_202] : memref<102400x16xf32, #tpu.memory_space<vmem_shared>> -> memref<102400x16xf32, #tpu.memory_space<vmem_shared>>
        tpu.enqueue_indirect_dma source(%dma_start3A_197 : memref<128x16xf32, #tpu.memory_space<vmem>>) target(%dma_start3A_203 : memref<102400x16xf32, #tpu.memory_space<vmem_shared>>) offsets(%dma_start3A_200 : memref<128xi32, #tpu.memory_space<vmem>>) semaphore(%run_scoped3A_194 : memref<!tpu.dma_semaphore, #tpu.memory_space<semaphore_mem>>) {add = true}
        %dma_wait3A_204 = arith.constant 640 : i32
        %dma_wait3A_205 = arith.constant 0 : i32
        %dma_wait3A_206 = tpu.memref_slice %arg8[%dma_wait3A_204, %dma_wait3A_205] : memref<1024x16xf32, #tpu.memory_space<vmem>> -> memref<128x16xf32, #tpu.memory_space<vmem>>
        %dma_wait3A_207 = arith.constant 0 : i32
        %dma_wait3A_208 = tpu.memref_slice %arg7[%run_scoped3A_190, %dma_wait3A_207] : memref<8x128xi32, #tpu.memory_space<vmem>> -> memref<1x128xi32, #tpu.memory_space<vmem>>
        %dma_wait3A_209 = tpu.memref_squeeze %dma_wait3A_208 : memref<1x128xi32, #tpu.memory_space<vmem>> -> memref<128xi32, #tpu.memory_space<vmem>>
        %dma_wait3A_210 = arith.constant 0 : i32
        %dma_wait3A_211 = arith.constant 0 : i32
        %dma_wait3A_212 = tpu.memref_slice %arg9[%dma_wait3A_210, %dma_wait3A_211] : memref<102400x16xf32, #tpu.memory_space<vmem_shared>> -> memref<102400x16xf32, #tpu.memory_space<vmem_shared>>
        tpu.wait_indirect_dma semaphore(%run_scoped3A_194 : memref<!tpu.dma_semaphore, #tpu.memory_space<semaphore_mem>>) src(%dma_wait3A_206 : memref<128x16xf32, #tpu.memory_space<vmem>>) dst(%dma_wait3A_212 : memref<102400x16xf32, #tpu.memory_space<vmem_shared>>)
        tpu.yield
      }) : () -> ()
      %run_scoped3A_191 = arith.constant 6 : i32
      "tpu.region"() ({
        %run_scoped3A_194 = tpu.sem_alloc : memref<!tpu.dma_semaphore, #tpu.memory_space<semaphore_mem>>
        %dma_start3A_195 = arith.constant 768 : i32
        %dma_start3A_196 = arith.constant 0 : i32
        %dma_start3A_197 = tpu.memref_slice %arg8[%dma_start3A_195, %dma_start3A_196] : memref<1024x16xf32, #tpu.memory_space<vmem>> -> memref<128x16xf32, #tpu.memory_space<vmem>>
        %dma_start3A_198 = arith.constant 0 : i32
        %dma_start3A_199 = tpu.memref_slice %arg7[%run_scoped3A_191, %dma_start3A_198] : memref<8x128xi32, #tpu.memory_space<vmem>> -> memref<1x128xi32, #tpu.memory_space<vmem>>
        %dma_start3A_200 = tpu.memref_squeeze %dma_start3A_199 : memref<1x128xi32, #tpu.memory_space<vmem>> -> memref<128xi32, #tpu.memory_space<vmem>>
        %dma_start3A_201 = arith.constant 0 : i32
        %dma_start3A_202 = arith.constant 0 : i32
        %dma_start3A_203 = tpu.memref_slice %arg9[%dma_start3A_201, %dma_start3A_202] : memref<102400x16xf32, #tpu.memory_space<vmem_shared>> -> memref<102400x16xf32, #tpu.memory_space<vmem_shared>>
        tpu.enqueue_indirect_dma source(%dma_start3A_197 : memref<128x16xf32, #tpu.memory_space<vmem>>) target(%dma_start3A_203 : memref<102400x16xf32, #tpu.memory_space<vmem_shared>>) offsets(%dma_start3A_200 : memref<128xi32, #tpu.memory_space<vmem>>) semaphore(%run_scoped3A_194 : memref<!tpu.dma_semaphore, #tpu.memory_space<semaphore_mem>>) {add = true}
        %dma_wait3A_204 = arith.constant 768 : i32
        %dma_wait3A_205 = arith.constant 0 : i32
        %dma_wait3A_206 = tpu.memref_slice %arg8[%dma_wait3A_204, %dma_wait3A_205] : memref<1024x16xf32, #tpu.memory_space<vmem>> -> memref<128x16xf32, #tpu.memory_space<vmem>>
        %dma_wait3A_207 = arith.constant 0 : i32
        %dma_wait3A_208 = tpu.memref_slice %arg7[%run_scoped3A_191, %dma_wait3A_207] : memref<8x128xi32, #tpu.memory_space<vmem>> -> memref<1x128xi32, #tpu.memory_space<vmem>>
        %dma_wait3A_209 = tpu.memref_squeeze %dma_wait3A_208 : memref<1x128xi32, #tpu.memory_space<vmem>> -> memref<128xi32, #tpu.memory_space<vmem>>
        %dma_wait3A_210 = arith.constant 0 : i32
        %dma_wait3A_211 = arith.constant 0 : i32
        %dma_wait3A_212 = tpu.memref_slice %arg9[%dma_wait3A_210, %dma_wait3A_211] : memref<102400x16xf32, #tpu.memory_space<vmem_shared>> -> memref<102400x16xf32, #tpu.memory_space<vmem_shared>>
        tpu.wait_indirect_dma semaphore(%run_scoped3A_194 : memref<!tpu.dma_semaphore, #tpu.memory_space<semaphore_mem>>) src(%dma_wait3A_206 : memref<128x16xf32, #tpu.memory_space<vmem>>) dst(%dma_wait3A_212 : memref<102400x16xf32, #tpu.memory_space<vmem_shared>>)
        tpu.yield
      }) : () -> ()
      %run_scoped3A_192 = arith.constant 7 : i32
      "tpu.region"() ({
        %run_scoped3A_194 = tpu.sem_alloc : memref<!tpu.dma_semaphore, #tpu.memory_space<semaphore_mem>>
        %dma_start3A_195 = arith.constant 896 : i32
        %dma_start3A_196 = arith.constant 0 : i32
        %dma_start3A_197 = tpu.memref_slice %arg8[%dma_start3A_195, %dma_start3A_196] : memref<1024x16xf32, #tpu.memory_space<vmem>> -> memref<128x16xf32, #tpu.memory_space<vmem>>
        %dma_start3A_198 = arith.constant 0 : i32
        %dma_start3A_199 = tpu.memref_slice %arg7[%run_scoped3A_192, %dma_start3A_198] : memref<8x128xi32, #tpu.memory_space<vmem>> -> memref<1x128xi32, #tpu.memory_space<vmem>>
        %dma_start3A_200 = tpu.memref_squeeze %dma_start3A_199 : memref<1x128xi32, #tpu.memory_space<vmem>> -> memref<128xi32, #tpu.memory_space<vmem>>
        %dma_start3A_201 = arith.constant 0 : i32
        %dma_start3A_202 = arith.constant 0 : i32
        %dma_start3A_203 = tpu.memref_slice %arg9[%dma_start3A_201, %dma_start3A_202] : memref<102400x16xf32, #tpu.memory_space<vmem_shared>> -> memref<102400x16xf32, #tpu.memory_space<vmem_shared>>
        tpu.enqueue_indirect_dma source(%dma_start3A_197 : memref<128x16xf32, #tpu.memory_space<vmem>>) target(%dma_start3A_203 : memref<102400x16xf32, #tpu.memory_space<vmem_shared>>) offsets(%dma_start3A_200 : memref<128xi32, #tpu.memory_space<vmem>>) semaphore(%run_scoped3A_194 : memref<!tpu.dma_semaphore, #tpu.memory_space<semaphore_mem>>) {add = true}
        %dma_wait3A_204 = arith.constant 896 : i32
        %dma_wait3A_205 = arith.constant 0 : i32
        %dma_wait3A_206 = tpu.memref_slice %arg8[%dma_wait3A_204, %dma_wait3A_205] : memref<1024x16xf32, #tpu.memory_space<vmem>> -> memref<128x16xf32, #tpu.memory_space<vmem>>
        %dma_wait3A_207 = arith.constant 0 : i32
        %dma_wait3A_208 = tpu.memref_slice %arg7[%run_scoped3A_192, %dma_wait3A_207] : memref<8x128xi32, #tpu.memory_space<vmem>> -> memref<1x128xi32, #tpu.memory_space<vmem>>
        %dma_wait3A_209 = tpu.memref_squeeze %dma_wait3A_208 : memref<1x128xi32, #tpu.memory_space<vmem>> -> memref<128xi32, #tpu.memory_space<vmem>>
        %dma_wait3A_210 = arith.constant 0 : i32
        %dma_wait3A_211 = arith.constant 0 : i32
        %dma_wait3A_212 = tpu.memref_slice %arg9[%dma_wait3A_210, %dma_wait3A_211] : memref<102400x16xf32, #tpu.memory_space<vmem_shared>> -> memref<102400x16xf32, #tpu.memory_space<vmem_shared>>
        tpu.wait_indirect_dma semaphore(%run_scoped3A_194 : memref<!tpu.dma_semaphore, #tpu.memory_space<semaphore_mem>>) src(%dma_wait3A_206 : memref<128x16xf32, #tpu.memory_space<vmem>>) dst(%dma_wait3A_212 : memref<102400x16xf32, #tpu.memory_space<vmem_shared>>)
        tpu.yield
      }) : () -> ()
      %scan3A_193 = arith.constant 0 : i32
      scf.yield %scan3A_193 : i32
    }
    %scan3A_22 = arith.constant 98 : i32
    %barrier3A_23 = arith.constant 0 : index
    tpu.barrier barrier_id(%barrier3A_23)
    "tpu.region"() ({
      %run_scoped3A = tpu.sem_alloc : memref<!tpu.dma_semaphore, #tpu.memory_space<semaphore_mem>>
      %dma_start3A = arith.constant 0 : i32
      %dma_start3A_24 = tpu.memref_slice %arg5[%arg0, %mul3A_6, %dma_start3A] : memref<2x102400x16xf32, #tpu.memory_space<hbm>> -> memref<1x6400x16xf32, #tpu.memory_space<hbm>>
      %dma_start3A_25 = tpu.memref_squeeze %dma_start3A_24 : memref<1x6400x16xf32, #tpu.memory_space<hbm>> -> memref<6400x16xf32, #tpu.memory_space<hbm>>
      %dma_start3A_26 = arith.constant 0 : i32
      %dma_start3A_27 = tpu.memref_slice %arg9[%mul3A_6, %dma_start3A_26] : memref<102400x16xf32, #tpu.memory_space<vmem_shared>> -> memref<6400x16xf32, #tpu.memory_space<vmem_shared>>
      tpu.enqueue_dma source(%dma_start3A_27 : memref<6400x16xf32, #tpu.memory_space<vmem_shared>>) target(%dma_start3A_25 : memref<6400x16xf32, #tpu.memory_space<hbm>>) target_semaphore(%run_scoped3A : memref<!tpu.dma_semaphore, #tpu.memory_space<semaphore_mem>>)
      %dma_wait3A = arith.constant 0 : i32
      %dma_wait3A_28 = tpu.memref_slice %arg5[%arg0, %mul3A_6, %dma_wait3A] : memref<2x102400x16xf32, #tpu.memory_space<hbm>> -> memref<1x6400x16xf32, #tpu.memory_space<hbm>>
      %dma_wait3A_29 = tpu.memref_squeeze %dma_wait3A_28 : memref<1x6400x16xf32, #tpu.memory_space<hbm>> -> memref<6400x16xf32, #tpu.memory_space<hbm>>
      %dma_wait3A_30 = arith.constant 0 : i32
      %dma_wait3A_31 = tpu.memref_slice %arg9[%mul3A_6, %dma_wait3A_30] : memref<102400x16xf32, #tpu.memory_space<vmem_shared>> -> memref<6400x16xf32, #tpu.memory_space<vmem_shared>>
      tpu.wait_dma2 semaphore(%run_scoped3A : memref<!tpu.dma_semaphore, #tpu.memory_space<semaphore_mem>>) src(%dma_wait3A_31 : memref<6400x16xf32, #tpu.memory_space<vmem_shared>>) dst(%dma_wait3A_29 : memref<6400x16xf32, #tpu.memory_space<hbm>>)
      tpu.yield
    }) : () -> ()
    return
  }
}

#map = affine_map<(d0, d1) -> (0, 0)>
#map1 = affine_map<(d0, d1) -> (0, 0, 0)>
module attributes {stable_mosaic.version = 14 : i64} {
  func.func @body(%arg0: i32, %arg1: i32, %arg2: memref<204800x16xf32, #tpu.memory_space<hbm>>, %arg3: memref<2x12544x128xi32, #tpu.memory_space<hbm>>, %arg4: memref<12544x128xi32, #tpu.memory_space<hbm>>, %arg5: memref<2x102400x16xf32, #tpu.memory_space<hbm>>, %arg6: memref<8x128xi32, #tpu.memory_space<vmem>>, %arg7: memref<8x128xi32, #tpu.memory_space<vmem>>, %arg8: memref<1024x16xf32, #tpu.memory_space<vmem>>, %arg9: memref<102400x16xf32, #tpu.memory_space<vmem_shared>>, %arg10: memref<!tpu.dma_semaphore, #tpu.memory_space<semaphore_mem>>) attributes {dimension_semantics = [#tpu.dimension_semantics<core_parallel>, #tpu.dimension_semantics<subcore_parallel>], iteration_bounds = array<i64: 2, 16>, scalar_prefetch = 0 : i64, scratch_operands = 5 : i64, tpu.core_type = #tpu.core_type<sc_vector_subcore>, window_params = [{transform_indices = #map}, {transform_indices = #map1}, {transform_indices = #map}, {transform_indices = #map1}]} {
    %scan3A = arith.constant 0 : i32
    %scan3A_0 = arith.constant 0 : i32
    %scan3A_1 = arith.constant 400 : i32
    %scan3A_2 = arith.addi %scan3A_0, %scan3A_1 : i32
    %scan3A_3 = arith.constant 1 : i32
    %scan3A_4 = scf.for %scan3A_24 = %scan3A_0 to %scan3A_2 step %scan3A_3 iter_args(%scan3A_25 = %scan3A) -> (i32)  : i32 {
      %broadcast_in_dim3A = arith.constant 0.000000e+00 : f32
      %broadcast_in_dim3A_26 = vector.broadcast %broadcast_in_dim3A : f32 to vector<16xf32>
      %swap3A = arith.index_cast %scan3A_24 : i32 to index
      %swap3A_27 = arith.constant 0 : index
      %swap3A_28 = tpu.vector_load %arg8[%swap3A, %swap3A_27] {strides = array<i32>} : memref<1024x16xf32, #tpu.memory_space<vmem>>, vector<1x16xf32>,
      %swap3A_29 = vector.shape_cast %swap3A_28 : vector<1x16xf32> to vector<16xf32>
      %swap3A_30 = vector.shape_cast %broadcast_in_dim3A_26 : vector<16xf32> to vector<1x16xf32>
      tpu.vector_store %arg8[%swap3A, %swap3A_27], %swap3A_30 {strides = array<i32>} : memref<1024x16xf32, #tpu.memory_space<vmem>>, vector<1x16xf32>,
      %scan3A_31 = arith.constant 0 : i32
      scf.yield %scan3A_31 : i32
    }
    %scan3A_5 = arith.constant 400 : i32
    %mul3A = arith.constant 6400 : i32
    %mul3A_6 = arith.muli %arg1, %mul3A : i32
    %scan3A_7 = arith.constant 0 : i32
    %scan3A_8 = arith.constant 0 : i32
    %scan3A_9 = arith.constant 16 : i32
    %scan3A_10 = arith.addi %scan3A_8, %scan3A_9 : i32
    %scan3A_11 = arith.constant 1 : i32
    %scan3A_12 = scf.for %scan3A_24 = %scan3A_8 to %scan3A_10 step %scan3A_11 iter_args(%scan3A_25 = %scan3A_7) -> (i32)  : i32 {
      %mul3A_26 = arith.constant 400 : i32
      %mul3A_27 = arith.muli %scan3A_24, %mul3A_26 : i32
      %add3A = arith.addi %mul3A_6, %mul3A_27 : i32
      "tpu.region"() ({
        %run_scoped3A = tpu.sem_alloc : memref<!tpu.dma_semaphore, #tpu.memory_space<semaphore_mem>>
        %dma_start3A = arith.constant 0 : i32
        %dma_start3A_29 = arith.constant 0 : i32
        %dma_start3A_30 = tpu.memref_slice %arg8[%dma_start3A, %dma_start3A_29] : memref<1024x16xf32, #tpu.memory_space<vmem>> -> memref<400x16xf32, #tpu.memory_space<vmem>>
        %dma_start3A_31 = arith.constant 0 : i32
        %dma_start3A_32 = tpu.memref_slice %arg9[%add3A, %dma_start3A_31] : memref<102400x16xf32, #tpu.memory_space<vmem_shared>> -> memref<400x16xf32, #tpu.memory_space<vmem_shared>>
        %dma_start3A_33 = arith.constant 0 : i32
        %dma_start3A_34 = tpu.memref_slice %arg9[%add3A, %dma_start3A_33] : memref<102400x16xf32, #tpu.memory_space<vmem_shared>> -> memref<400x16xf32, #tpu.memory_space<vmem_shared>>
        %dma_start3A_35 = arith.constant 0 : i32
        %dma_start3A_36 = arith.constant 0 : i32
        %dma_start3A_37 = tpu.memref_slice %arg8[%dma_start3A_35, %dma_start3A_36] : memref<1024x16xf32, #tpu.memory_space<vmem>> -> memref<400x16xf32, #tpu.memory_space<vmem>>
        tpu.enqueue_dma source(%dma_start3A_37 : memref<400x16xf32, #tpu.memory_space<vmem>>) target(%dma_start3A_34 : memref<400x16xf32, #tpu.memory_space<vmem_shared>>) target_semaphore(%run_scoped3A : memref<!tpu.dma_semaphore, #tpu.memory_space<semaphore_mem>>)
        %dma_wait3A = arith.constant 0 : i32
        %dma_wait3A_38 = arith.constant 0 : i32
        %dma_wait3A_39 = tpu.memref_slice %arg8[%dma_wait3A, %dma_wait3A_38] : memref<1024x16xf32, #tpu.memory_space<vmem>> -> memref<400x16xf32, #tpu.memory_space<vmem>>
        %dma_wait3A_40 = arith.constant 0 : i32
        %dma_wait3A_41 = tpu.memref_slice %arg9[%add3A, %dma_wait3A_40] : memref<102400x16xf32, #tpu.memory_space<vmem_shared>> -> memref<400x16xf32, #tpu.memory_space<vmem_shared>>
        %dma_wait3A_42 = arith.constant 0 : i32
        %dma_wait3A_43 = tpu.memref_slice %arg9[%add3A, %dma_wait3A_42] : memref<102400x16xf32, #tpu.memory_space<vmem_shared>> -> memref<400x16xf32, #tpu.memory_space<vmem_shared>>
        %dma_wait3A_44 = arith.constant 0 : i32
        %dma_wait3A_45 = arith.constant 0 : i32
        %dma_wait3A_46 = tpu.memref_slice %arg8[%dma_wait3A_44, %dma_wait3A_45] : memref<1024x16xf32, #tpu.memory_space<vmem>> -> memref<400x16xf32, #tpu.memory_space<vmem>>
        tpu.wait_dma2 semaphore(%run_scoped3A : memref<!tpu.dma_semaphore, #tpu.memory_space<semaphore_mem>>) src(%dma_wait3A_46 : memref<400x16xf32, #tpu.memory_space<vmem>>) dst(%dma_wait3A_43 : memref<400x16xf32, #tpu.memory_space<vmem_shared>>)
        tpu.yield
      }) : () -> ()
      %scan3A_28 = arith.constant 0 : i32
      scf.yield %scan3A_28 : i32
    }
    %scan3A_13 = arith.constant 16 : i32
    %barrier3A = arith.constant 0 : index
    tpu.barrier barrier_id(%barrier3A)
    %mul3A_14 = arith.constant 784 : i32
    %mul3A_15 = arith.muli %arg1, %mul3A_14 : i32
    %scan3A_16 = arith.constant 0 : i32
    %scan3A_17 = arith.constant 0 : i32
    %scan3A_18 = arith.constant 98 : i32
    %scan3A_19 = arith.addi %scan3A_17, %scan3A_18 : i32
    %scan3A_20 = arith.constant 1 : i32
    %scan3A_21 = scf.for %scan3A_24 = %scan3A_17 to %scan3A_19 step %scan3A_20 iter_args(%scan3A_25 = %scan3A_16) -> (i32)  : i32 {
      %mul3A_26 = arith.constant 8 : i32
      %mul3A_27 = arith.muli %scan3A_24, %mul3A_26 : i32
      %add3A = arith.addi %mul3A_15, %mul3A_27 : i32
      "tpu.region"() ({
        %run_scoped3A_194 = tpu.sem_alloc : memref<!tpu.dma_semaphore, #tpu.memory_space<semaphore_mem>>
        %dma_start3A_195 = arith.constant 0 : i32
        %dma_start3A_196 = tpu.memref_slice %arg3[%arg0, %add3A, %dma_start3A_195] : memref<2x12544x128xi32, #tpu.memory_space<hbm>> -> memref<1x8x128xi32, #tpu.memory_space<hbm>>
        %dma_start3A_197 = tpu.memref_squeeze %dma_start3A_196 : memref<1x8x128xi32, #tpu.memory_space<hbm>> -> memref<8x128xi32, #tpu.memory_space<hbm>>
        %dma_start3A_198 = arith.constant 0 : i32
        %dma_start3A_199 = tpu.memref_slice %arg3[%arg0, %add3A, %dma_start3A_198] : memref<2x12544x128xi32, #tpu.memory_space<hbm>> -> memref<1x8x128xi32, #tpu.memory_space<hbm>>
        %dma_start3A_200 = tpu.memref_squeeze %dma_start3A_199 : memref<1x8x128xi32, #tpu.memory_space<hbm>> -> memref<8x128xi32, #tpu.memory_space<hbm>>
        tpu.enqueue_dma source(%dma_start3A_200 : memref<8x128xi32, #tpu.memory_space<hbm>>) target(%arg6 : memref<8x128xi32, #tpu.memory_space<vmem>>) target_semaphore(%run_scoped3A_194 : memref<!tpu.dma_semaphore, #tpu.memory_space<semaphore_mem>>)
        %dma_wait3A_201 = arith.constant 0 : i32
        %dma_wait3A_202 = tpu.memref_slice %arg3[%arg0, %add3A, %dma_wait3A_201] : memref<2x12544x128xi32, #tpu.memory_space<hbm>> -> memref<1x8x128xi32, #tpu.memory_space<hbm>>
        %dma_wait3A_203 = tpu.memref_squeeze %dma_wait3A_202 : memref<1x8x128xi32, #tpu.memory_space<hbm>> -> memref<8x128xi32, #tpu.memory_space<hbm>>
        %dma_wait3A_204 = arith.constant 0 : i32
        %dma_wait3A_205 = tpu.memref_slice %arg3[%arg0, %add3A, %dma_wait3A_204] : memref<2x12544x128xi32, #tpu.memory_space<hbm>> -> memref<1x8x128xi32, #tpu.memory_space<hbm>>
        %dma_wait3A_206 = tpu.memref_squeeze %dma_wait3A_205 : memref<1x8x128xi32, #tpu.memory_space<hbm>> -> memref<8x128xi32, #tpu.memory_space<hbm>>
        tpu.wait_dma2 semaphore(%run_scoped3A_194 : memref<!tpu.dma_semaphore, #tpu.memory_space<semaphore_mem>>) src(%dma_wait3A_206 : memref<8x128xi32, #tpu.memory_space<hbm>>) dst(%arg6 : memref<8x128xi32, #tpu.memory_space<vmem>>)
        tpu.yield
      }) : () -> ()
      "tpu.region"() ({
        %run_scoped3A_194 = tpu.sem_alloc : memref<!tpu.dma_semaphore, #tpu.memory_space<semaphore_mem>>
        %dma_start3A_195 = arith.constant 0 : i32
        %dma_start3A_196 = tpu.memref_slice %arg4[%add3A, %dma_start3A_195] : memref<12544x128xi32, #tpu.memory_space<hbm>> -> memref<8x128xi32, #tpu.memory_space<hbm>>
        %dma_start3A_197 = arith.constant 0 : i32
        %dma_start3A_198 = tpu.memref_slice %arg4[%add3A, %dma_start3A_197] : memref<12544x128xi32, #tpu.memory_space<hbm>> -> memref<8x128xi32, #tpu.memory_space<hbm>>
        tpu.enqueue_dma source(%dma_start3A_198 : memref<8x128xi32, #tpu.memory_space<hbm>>) target(%arg7 : memref<8x128xi32, #tpu.memory_space<vmem>>) target_semaphore(%run_scoped3A_194 : memref<!tpu.dma_semaphore, #tpu.memory_space<semaphore_mem>>)
        %dma_wait3A_199 = arith.constant 0 : i32
        %dma_wait3A_200 = tpu.memref_slice %arg4[%add3A, %dma_wait3A_199] : memref<12544x128xi32, #tpu.memory_space<hbm>> -> memref<8x128xi32, #tpu.memory_space<hbm>>
        %dma_wait3A_201 = arith.constant 0 : i32
        %dma_wait3A_202 = tpu.memref_slice %arg4[%add3A, %dma_wait3A_201] : memref<12544x128xi32, #tpu.memory_space<hbm>> -> memref<8x128xi32, #tpu.memory_space<hbm>>
        tpu.wait_dma2 semaphore(%run_scoped3A_194 : memref<!tpu.dma_semaphore, #tpu.memory_space<semaphore_mem>>) src(%dma_wait3A_202 : memref<8x128xi32, #tpu.memory_space<hbm>>) dst(%arg7 : memref<8x128xi32, #tpu.memory_space<vmem>>)
        tpu.yield
      }) : () -> ()
      %dma_start3A = arith.constant 0 : i32
      %dma_start3A_28 = arith.constant 0 : i32
      %dma_start3A_29 = arith.constant 0 : i32
      %dma_start3A_30 = tpu.memref_slice %arg8[%dma_start3A_28, %dma_start3A_29] : memref<1024x16xf32, #tpu.memory_space<vmem>> -> memref<128x16xf32, #tpu.memory_space<vmem>>
      %dma_start3A_31 = arith.constant 0 : i32
      %dma_start3A_32 = tpu.memref_slice %arg6[%dma_start3A, %dma_start3A_31] : memref<8x128xi32, #tpu.memory_space<vmem>> -> memref<1x128xi32, #tpu.memory_space<vmem>>
      %dma_start3A_33 = tpu.memref_squeeze %dma_start3A_32 : memref<1x128xi32, #tpu.memory_space<vmem>> -> memref<128xi32, #tpu.memory_space<vmem>>
      %dma_start3A_34 = arith.constant 0 : i32
      %dma_start3A_35 = arith.constant 0 : i32
      %dma_start3A_36 = tpu.memref_slice %arg2[%dma_start3A_34, %dma_start3A_35] : memref<204800x16xf32, #tpu.memory_space<hbm>> -> memref<204800x16xf32, #tpu.memory_space<hbm>>
      tpu.enqueue_indirect_dma source(%dma_start3A_36 : memref<204800x16xf32, #tpu.memory_space<hbm>>) target(%dma_start3A_30 : memref<128x16xf32, #tpu.memory_space<vmem>>) offsets(%dma_start3A_33 : memref<128xi32, #tpu.memory_space<vmem>>) semaphore(%arg10 : memref<!tpu.dma_semaphore, #tpu.memory_space<semaphore_mem>>)
      %dma_start3A_37 = arith.constant 1 : i32
      %dma_start3A_38 = arith.constant 128 : i32
      %dma_start3A_39 = arith.constant 0 : i32
      %dma_start3A_40 = tpu.memref_slice %arg8[%dma_start3A_38, %dma_start3A_39] : memref<1024x16xf32, #tpu.memory_space<vmem>> -> memref<128x16xf32, #tpu.memory_space<vmem>>
      %dma_start3A_41 = arith.constant 0 : i32
      %dma_start3A_42 = tpu.memref_slice %arg6[%dma_start3A_37, %dma_start3A_41] : memref<8x128xi32, #tpu.memory_space<vmem>> -> memref<1x128xi32, #tpu.memory_space<vmem>>
      %dma_start3A_43 = tpu.memref_squeeze %dma_start3A_42 : memref<1x128xi32, #tpu.memory_space<vmem>> -> memref<128xi32, #tpu.memory_space<vmem>>
      %dma_start3A_44 = arith.constant 0 : i32
      %dma_start3A_45 = arith.constant 0 : i32
      %dma_start3A_46 = tpu.memref_slice %arg2[%dma_start3A_44, %dma_start3A_45] : memref<204800x16xf32, #tpu.memory_space<hbm>> -> memref<204800x16xf32, #tpu.memory_space<hbm>>
      tpu.enqueue_indirect_dma source(%dma_start3A_46 : memref<204800x16xf32, #tpu.memory_space<hbm>>) target(%dma_start3A_40 : memref<128x16xf32, #tpu.memory_space<vmem>>) offsets(%dma_start3A_43 : memref<128xi32, #tpu.memory_space<vmem>>) semaphore(%arg10 : memref<!tpu.dma_semaphore, #tpu.memory_space<semaphore_mem>>)
      %dma_start3A_47 = arith.constant 2 : i32
      %dma_start3A_48 = arith.constant 256 : i32
      %dma_start3A_49 = arith.constant 0 : i32
      %dma_start3A_50 = tpu.memref_slice %arg8[%dma_start3A_48, %dma_start3A_49] : memref<1024x16xf32, #tpu.memory_space<vmem>> -> memref<128x16xf32, #tpu.memory_space<vmem>>
      %dma_start3A_51 = arith.constant 0 : i32
      %dma_start3A_52 = tpu.memref_slice %arg6[%dma_start3A_47, %dma_start3A_51] : memref<8x128xi32, #tpu.memory_space<vmem>> -> memref<1x128xi32, #tpu.memory_space<vmem>>
      %dma_start3A_53 = tpu.memref_squeeze %dma_start3A_52 : memref<1x128xi32, #tpu.memory_space<vmem>> -> memref<128xi32, #tpu.memory_space<vmem>>
      %dma_start3A_54 = arith.constant 0 : i32
      %dma_start3A_55 = arith.constant 0 : i32
      %dma_start3A_56 = tpu.memref_slice %arg2[%dma_start3A_54, %dma_start3A_55] : memref<204800x16xf32, #tpu.memory_space<hbm>> -> memref<204800x16xf32, #tpu.memory_space<hbm>>
      tpu.enqueue_indirect_dma source(%dma_start3A_56 : memref<204800x16xf32, #tpu.memory_space<hbm>>) target(%dma_start3A_50 : memref<128x16xf32, #tpu.memory_space<vmem>>) offsets(%dma_start3A_53 : memref<128xi32, #tpu.memory_space<vmem>>) semaphore(%arg10 : memref<!tpu.dma_semaphore, #tpu.memory_space<semaphore_mem>>)
      %dma_start3A_57 = arith.constant 3 : i32
      %dma_start3A_58 = arith.constant 384 : i32
      %dma_start3A_59 = arith.constant 0 : i32
      %dma_start3A_60 = tpu.memref_slice %arg8[%dma_start3A_58, %dma_start3A_59] : memref<1024x16xf32, #tpu.memory_space<vmem>> -> memref<128x16xf32, #tpu.memory_space<vmem>>
      %dma_start3A_61 = arith.constant 0 : i32
      %dma_start3A_62 = tpu.memref_slice %arg6[%dma_start3A_57, %dma_start3A_61] : memref<8x128xi32, #tpu.memory_space<vmem>> -> memref<1x128xi32, #tpu.memory_space<vmem>>
      %dma_start3A_63 = tpu.memref_squeeze %dma_start3A_62 : memref<1x128xi32, #tpu.memory_space<vmem>> -> memref<128xi32, #tpu.memory_space<vmem>>
      %dma_start3A_64 = arith.constant 0 : i32
      %dma_start3A_65 = arith.constant 0 : i32
      %dma_start3A_66 = tpu.memref_slice %arg2[%dma_start3A_64, %dma_start3A_65] : memref<204800x16xf32, #tpu.memory_space<hbm>> -> memref<204800x16xf32, #tpu.memory_space<hbm>>
      tpu.enqueue_indirect_dma source(%dma_start3A_66 : memref<204800x16xf32, #tpu.memory_space<hbm>>) target(%dma_start3A_60 : memref<128x16xf32, #tpu.memory_space<vmem>>) offsets(%dma_start3A_63 : memref<128xi32, #tpu.memory_space<vmem>>) semaphore(%arg10 : memref<!tpu.dma_semaphore, #tpu.memory_space<semaphore_mem>>)
      %dma_start3A_67 = arith.constant 4 : i32
      %dma_start3A_68 = arith.constant 512 : i32
      %dma_start3A_69 = arith.constant 0 : i32
      %dma_start3A_70 = tpu.memref_slice %arg8[%dma_start3A_68, %dma_start3A_69] : memref<1024x16xf32, #tpu.memory_space<vmem>> -> memref<128x16xf32, #tpu.memory_space<vmem>>
      %dma_start3A_71 = arith.constant 0 : i32
      %dma_start3A_72 = tpu.memref_slice %arg6[%dma_start3A_67, %dma_start3A_71] : memref<8x128xi32, #tpu.memory_space<vmem>> -> memref<1x128xi32, #tpu.memory_space<vmem>>
      %dma_start3A_73 = tpu.memref_squeeze %dma_start3A_72 : memref<1x128xi32, #tpu.memory_space<vmem>> -> memref<128xi32, #tpu.memory_space<vmem>>
      %dma_start3A_74 = arith.constant 0 : i32
      %dma_start3A_75 = arith.constant 0 : i32
      %dma_start3A_76 = tpu.memref_slice %arg2[%dma_start3A_74, %dma_start3A_75] : memref<204800x16xf32, #tpu.memory_space<hbm>> -> memref<204800x16xf32, #tpu.memory_space<hbm>>
      tpu.enqueue_indirect_dma source(%dma_start3A_76 : memref<204800x16xf32, #tpu.memory_space<hbm>>) target(%dma_start3A_70 : memref<128x16xf32, #tpu.memory_space<vmem>>) offsets(%dma_start3A_73 : memref<128xi32, #tpu.memory_space<vmem>>) semaphore(%arg10 : memref<!tpu.dma_semaphore, #tpu.memory_space<semaphore_mem>>)
      %dma_start3A_77 = arith.constant 5 : i32
      %dma_start3A_78 = arith.constant 640 : i32
      %dma_start3A_79 = arith.constant 0 : i32
      %dma_start3A_80 = tpu.memref_slice %arg8[%dma_start3A_78, %dma_start3A_79] : memref<1024x16xf32, #tpu.memory_space<vmem>> -> memref<128x16xf32, #tpu.memory_space<vmem>>
      %dma_start3A_81 = arith.constant 0 : i32
      %dma_start3A_82 = tpu.memref_slice %arg6[%dma_start3A_77, %dma_start3A_81] : memref<8x128xi32, #tpu.memory_space<vmem>> -> memref<1x128xi32, #tpu.memory_space<vmem>>
      %dma_start3A_83 = tpu.memref_squeeze %dma_start3A_82 : memref<1x128xi32, #tpu.memory_space<vmem>> -> memref<128xi32, #tpu.memory_space<vmem>>
      %dma_start3A_84 = arith.constant 0 : i32
      %dma_start3A_85 = arith.constant 0 : i32
      %dma_start3A_86 = tpu.memref_slice %arg2[%dma_start3A_84, %dma_start3A_85] : memref<204800x16xf32, #tpu.memory_space<hbm>> -> memref<204800x16xf32, #tpu.memory_space<hbm>>
      tpu.enqueue_indirect_dma source(%dma_start3A_86 : memref<204800x16xf32, #tpu.memory_space<hbm>>) target(%dma_start3A_80 : memref<128x16xf32, #tpu.memory_space<vmem>>) offsets(%dma_start3A_83 : memref<128xi32, #tpu.memory_space<vmem>>) semaphore(%arg10 : memref<!tpu.dma_semaphore, #tpu.memory_space<semaphore_mem>>)
      %dma_start3A_87 = arith.constant 6 : i32
      %dma_start3A_88 = arith.constant 768 : i32
      %dma_start3A_89 = arith.constant 0 : i32
      %dma_start3A_90 = tpu.memref_slice %arg8[%dma_start3A_88, %dma_start3A_89] : memref<1024x16xf32, #tpu.memory_space<vmem>> -> memref<128x16xf32, #tpu.memory_space<vmem>>
      %dma_start3A_91 = arith.constant 0 : i32
      %dma_start3A_92 = tpu.memref_slice %arg6[%dma_start3A_87, %dma_start3A_91] : memref<8x128xi32, #tpu.memory_space<vmem>> -> memref<1x128xi32, #tpu.memory_space<vmem>>
      %dma_start3A_93 = tpu.memref_squeeze %dma_start3A_92 : memref<1x128xi32, #tpu.memory_space<vmem>> -> memref<128xi32, #tpu.memory_space<vmem>>
      %dma_start3A_94 = arith.constant 0 : i32
      %dma_start3A_95 = arith.constant 0 : i32
      %dma_start3A_96 = tpu.memref_slice %arg2[%dma_start3A_94, %dma_start3A_95] : memref<204800x16xf32, #tpu.memory_space<hbm>> -> memref<204800x16xf32, #tpu.memory_space<hbm>>
      tpu.enqueue_indirect_dma source(%dma_start3A_96 : memref<204800x16xf32, #tpu.memory_space<hbm>>) target(%dma_start3A_90 : memref<128x16xf32, #tpu.memory_space<vmem>>) offsets(%dma_start3A_93 : memref<128xi32, #tpu.memory_space<vmem>>) semaphore(%arg10 : memref<!tpu.dma_semaphore, #tpu.memory_space<semaphore_mem>>)
      %dma_start3A_97 = arith.constant 7 : i32
      %dma_start3A_98 = arith.constant 896 : i32
      %dma_start3A_99 = arith.constant 0 : i32
      %dma_start3A_100 = tpu.memref_slice %arg8[%dma_start3A_98, %dma_start3A_99] : memref<1024x16xf32, #tpu.memory_space<vmem>> -> memref<128x16xf32, #tpu.memory_space<vmem>>
      %dma_start3A_101 = arith.constant 0 : i32
      %dma_start3A_102 = tpu.memref_slice %arg6[%dma_start3A_97, %dma_start3A_101] : memref<8x128xi32, #tpu.memory_space<vmem>> -> memref<1x128xi32, #tpu.memory_space<vmem>>
      %dma_start3A_103 = tpu.memref_squeeze %dma_start3A_102 : memref<1x128xi32, #tpu.memory_space<vmem>> -> memref<128xi32, #tpu.memory_space<vmem>>
      %dma_start3A_104 = arith.constant 0 : i32
      %dma_start3A_105 = arith.constant 0 : i32
      %dma_start3A_106 = tpu.memref_slice %arg2[%dma_start3A_104, %dma_start3A_105] : memref<204800x16xf32, #tpu.memory_space<hbm>> -> memref<204800x16xf32, #tpu.memory_space<hbm>>
      tpu.enqueue_indirect_dma source(%dma_start3A_106 : memref<204800x16xf32, #tpu.memory_space<hbm>>) target(%dma_start3A_100 : memref<128x16xf32, #tpu.memory_space<vmem>>) offsets(%dma_start3A_103 : memref<128xi32, #tpu.memory_space<vmem>>) semaphore(%arg10 : memref<!tpu.dma_semaphore, #tpu.memory_space<semaphore_mem>>)
      %dma_wait3A = arith.constant 0 : i32
      %dma_wait3A_107 = arith.constant 0 : i32
      %dma_wait3A_108 = arith.constant 0 : i32
      %dma_wait3A_109 = tpu.memref_slice %arg8[%dma_wait3A_107, %dma_wait3A_108] : memref<1024x16xf32, #tpu.memory_space<vmem>> -> memref<128x16xf32, #tpu.memory_space<vmem>>
      %dma_wait3A_110 = arith.constant 0 : i32
      %dma_wait3A_111 = tpu.memref_slice %arg6[%dma_wait3A, %dma_wait3A_110] : memref<8x128xi32, #tpu.memory_space<vmem>> -> memref<1x128xi32, #tpu.memory_space<vmem>>
      %dma_wait3A_112 = tpu.memref_squeeze %dma_wait3A_111 : memref<1x128xi32, #tpu.memory_space<vmem>> -> memref<128xi32, #tpu.memory_space<vmem>>
      %dma_wait3A_113 = arith.constant 0 : i32
      %dma_wait3A_114 = arith.constant 0 : i32
      %dma_wait3A_115 = tpu.memref_slice %arg2[%dma_wait3A_113, %dma_wait3A_114] : memref<204800x16xf32, #tpu.memory_space<hbm>> -> memref<204800x16xf32, #tpu.memory_space<hbm>>
      tpu.wait_indirect_dma semaphore(%arg10 : memref<!tpu.dma_semaphore, #tpu.memory_space<semaphore_mem>>) src(%dma_wait3A_115 : memref<204800x16xf32, #tpu.memory_space<hbm>>) dst(%dma_wait3A_109 : memref<128x16xf32, #tpu.memory_space<vmem>>)
      %dma_wait3A_116 = arith.constant 1 : i32
      %dma_wait3A_117 = arith.constant 128 : i32
      %dma_wait3A_118 = arith.constant 0 : i32
      %dma_wait3A_119 = tpu.memref_slice %arg8[%dma_wait3A_117, %dma_wait3A_118] : memref<1024x16xf32, #tpu.memory_space<vmem>> -> memref<128x16xf32, #tpu.memory_space<vmem>>
      %dma_wait3A_120 = arith.constant 0 : i32
      %dma_wait3A_121 = tpu.memref_slice %arg6[%dma_wait3A_116, %dma_wait3A_120] : memref<8x128xi32, #tpu.memory_space<vmem>> -> memref<1x128xi32, #tpu.memory_space<vmem>>
      %dma_wait3A_122 = tpu.memref_squeeze %dma_wait3A_121 : memref<1x128xi32, #tpu.memory_space<vmem>> -> memref<128xi32, #tpu.memory_space<vmem>>
      %dma_wait3A_123 = arith.constant 0 : i32
      %dma_wait3A_124 = arith.constant 0 : i32
      %dma_wait3A_125 = tpu.memref_slice %arg2[%dma_wait3A_123, %dma_wait3A_124] : memref<204800x16xf32, #tpu.memory_space<hbm>> -> memref<204800x16xf32, #tpu.memory_space<hbm>>
      tpu.wait_indirect_dma semaphore(%arg10 : memref<!tpu.dma_semaphore, #tpu.memory_space<semaphore_mem>>) src(%dma_wait3A_125 : memref<204800x16xf32, #tpu.memory_space<hbm>>) dst(%dma_wait3A_119 : memref<128x16xf32, #tpu.memory_space<vmem>>)
      %dma_wait3A_126 = arith.constant 2 : i32
      %dma_wait3A_127 = arith.constant 256 : i32
      %dma_wait3A_128 = arith.constant 0 : i32
      %dma_wait3A_129 = tpu.memref_slice %arg8[%dma_wait3A_127, %dma_wait3A_128] : memref<1024x16xf32, #tpu.memory_space<vmem>> -> memref<128x16xf32, #tpu.memory_space<vmem>>
      %dma_wait3A_130 = arith.constant 0 : i32
      %dma_wait3A_131 = tpu.memref_slice %arg6[%dma_wait3A_126, %dma_wait3A_130] : memref<8x128xi32, #tpu.memory_space<vmem>> -> memref<1x128xi32, #tpu.memory_space<vmem>>
      %dma_wait3A_132 = tpu.memref_squeeze %dma_wait3A_131 : memref<1x128xi32, #tpu.memory_space<vmem>> -> memref<128xi32, #tpu.memory_space<vmem>>
      %dma_wait3A_133 = arith.constant 0 : i32
      %dma_wait3A_134 = arith.constant 0 : i32
      %dma_wait3A_135 = tpu.memref_slice %arg2[%dma_wait3A_133, %dma_wait3A_134] : memref<204800x16xf32, #tpu.memory_space<hbm>> -> memref<204800x16xf32, #tpu.memory_space<hbm>>
      tpu.wait_indirect_dma semaphore(%arg10 : memref<!tpu.dma_semaphore, #tpu.memory_space<semaphore_mem>>) src(%dma_wait3A_135 : memref<204800x16xf32, #tpu.memory_space<hbm>>) dst(%dma_wait3A_129 : memref<128x16xf32, #tpu.memory_space<vmem>>)
      %dma_wait3A_136 = arith.constant 3 : i32
      %dma_wait3A_137 = arith.constant 384 : i32
      %dma_wait3A_138 = arith.constant 0 : i32
      %dma_wait3A_139 = tpu.memref_slice %arg8[%dma_wait3A_137, %dma_wait3A_138] : memref<1024x16xf32, #tpu.memory_space<vmem>> -> memref<128x16xf32, #tpu.memory_space<vmem>>
      %dma_wait3A_140 = arith.constant 0 : i32
      %dma_wait3A_141 = tpu.memref_slice %arg6[%dma_wait3A_136, %dma_wait3A_140] : memref<8x128xi32, #tpu.memory_space<vmem>> -> memref<1x128xi32, #tpu.memory_space<vmem>>
      %dma_wait3A_142 = tpu.memref_squeeze %dma_wait3A_141 : memref<1x128xi32, #tpu.memory_space<vmem>> -> memref<128xi32, #tpu.memory_space<vmem>>
      %dma_wait3A_143 = arith.constant 0 : i32
      %dma_wait3A_144 = arith.constant 0 : i32
      %dma_wait3A_145 = tpu.memref_slice %arg2[%dma_wait3A_143, %dma_wait3A_144] : memref<204800x16xf32, #tpu.memory_space<hbm>> -> memref<204800x16xf32, #tpu.memory_space<hbm>>
      tpu.wait_indirect_dma semaphore(%arg10 : memref<!tpu.dma_semaphore, #tpu.memory_space<semaphore_mem>>) src(%dma_wait3A_145 : memref<204800x16xf32, #tpu.memory_space<hbm>>) dst(%dma_wait3A_139 : memref<128x16xf32, #tpu.memory_space<vmem>>)
      %dma_wait3A_146 = arith.constant 4 : i32
      %dma_wait3A_147 = arith.constant 512 : i32
      %dma_wait3A_148 = arith.constant 0 : i32
      %dma_wait3A_149 = tpu.memref_slice %arg8[%dma_wait3A_147, %dma_wait3A_148] : memref<1024x16xf32, #tpu.memory_space<vmem>> -> memref<128x16xf32, #tpu.memory_space<vmem>>
      %dma_wait3A_150 = arith.constant 0 : i32
      %dma_wait3A_151 = tpu.memref_slice %arg6[%dma_wait3A_146, %dma_wait3A_150] : memref<8x128xi32, #tpu.memory_space<vmem>> -> memref<1x128xi32, #tpu.memory_space<vmem>>
      %dma_wait3A_152 = tpu.memref_squeeze %dma_wait3A_151 : memref<1x128xi32, #tpu.memory_space<vmem>> -> memref<128xi32, #tpu.memory_space<vmem>>
      %dma_wait3A_153 = arith.constant 0 : i32
      %dma_wait3A_154 = arith.constant 0 : i32
      %dma_wait3A_155 = tpu.memref_slice %arg2[%dma_wait3A_153, %dma_wait3A_154] : memref<204800x16xf32, #tpu.memory_space<hbm>> -> memref<204800x16xf32, #tpu.memory_space<hbm>>
      tpu.wait_indirect_dma semaphore(%arg10 : memref<!tpu.dma_semaphore, #tpu.memory_space<semaphore_mem>>) src(%dma_wait3A_155 : memref<204800x16xf32, #tpu.memory_space<hbm>>) dst(%dma_wait3A_149 : memref<128x16xf32, #tpu.memory_space<vmem>>)
      %dma_wait3A_156 = arith.constant 5 : i32
      %dma_wait3A_157 = arith.constant 640 : i32
      %dma_wait3A_158 = arith.constant 0 : i32
      %dma_wait3A_159 = tpu.memref_slice %arg8[%dma_wait3A_157, %dma_wait3A_158] : memref<1024x16xf32, #tpu.memory_space<vmem>> -> memref<128x16xf32, #tpu.memory_space<vmem>>
      %dma_wait3A_160 = arith.constant 0 : i32
      %dma_wait3A_161 = tpu.memref_slice %arg6[%dma_wait3A_156, %dma_wait3A_160] : memref<8x128xi32, #tpu.memory_space<vmem>> -> memref<1x128xi32, #tpu.memory_space<vmem>>
      %dma_wait3A_162 = tpu.memref_squeeze %dma_wait3A_161 : memref<1x128xi32, #tpu.memory_space<vmem>> -> memref<128xi32, #tpu.memory_space<vmem>>
      %dma_wait3A_163 = arith.constant 0 : i32
      %dma_wait3A_164 = arith.constant 0 : i32
      %dma_wait3A_165 = tpu.memref_slice %arg2[%dma_wait3A_163, %dma_wait3A_164] : memref<204800x16xf32, #tpu.memory_space<hbm>> -> memref<204800x16xf32, #tpu.memory_space<hbm>>
      tpu.wait_indirect_dma semaphore(%arg10 : memref<!tpu.dma_semaphore, #tpu.memory_space<semaphore_mem>>) src(%dma_wait3A_165 : memref<204800x16xf32, #tpu.memory_space<hbm>>) dst(%dma_wait3A_159 : memref<128x16xf32, #tpu.memory_space<vmem>>)
      %dma_wait3A_166 = arith.constant 6 : i32
      %dma_wait3A_167 = arith.constant 768 : i32
      %dma_wait3A_168 = arith.constant 0 : i32
      %dma_wait3A_169 = tpu.memref_slice %arg8[%dma_wait3A_167, %dma_wait3A_168] : memref<1024x16xf32, #tpu.memory_space<vmem>> -> memref<128x16xf32, #tpu.memory_space<vmem>>
      %dma_wait3A_170 = arith.constant 0 : i32
      %dma_wait3A_171 = tpu.memref_slice %arg6[%dma_wait3A_166, %dma_wait3A_170] : memref<8x128xi32, #tpu.memory_space<vmem>> -> memref<1x128xi32, #tpu.memory_space<vmem>>
      %dma_wait3A_172 = tpu.memref_squeeze %dma_wait3A_171 : memref<1x128xi32, #tpu.memory_space<vmem>> -> memref<128xi32, #tpu.memory_space<vmem>>
      %dma_wait3A_173 = arith.constant 0 : i32
      %dma_wait3A_174 = arith.constant 0 : i32
      %dma_wait3A_175 = tpu.memref_slice %arg2[%dma_wait3A_173, %dma_wait3A_174] : memref<204800x16xf32, #tpu.memory_space<hbm>> -> memref<204800x16xf32, #tpu.memory_space<hbm>>
      tpu.wait_indirect_dma semaphore(%arg10 : memref<!tpu.dma_semaphore, #tpu.memory_space<semaphore_mem>>) src(%dma_wait3A_175 : memref<204800x16xf32, #tpu.memory_space<hbm>>) dst(%dma_wait3A_169 : memref<128x16xf32, #tpu.memory_space<vmem>>)
      %dma_wait3A_176 = arith.constant 7 : i32
      %dma_wait3A_177 = arith.constant 896 : i32
      %dma_wait3A_178 = arith.constant 0 : i32
      %dma_wait3A_179 = tpu.memref_slice %arg8[%dma_wait3A_177, %dma_wait3A_178] : memref<1024x16xf32, #tpu.memory_space<vmem>> -> memref<128x16xf32, #tpu.memory_space<vmem>>
      %dma_wait3A_180 = arith.constant 0 : i32
      %dma_wait3A_181 = tpu.memref_slice %arg6[%dma_wait3A_176, %dma_wait3A_180] : memref<8x128xi32, #tpu.memory_space<vmem>> -> memref<1x128xi32, #tpu.memory_space<vmem>>
      %dma_wait3A_182 = tpu.memref_squeeze %dma_wait3A_181 : memref<1x128xi32, #tpu.memory_space<vmem>> -> memref<128xi32, #tpu.memory_space<vmem>>
      %dma_wait3A_183 = arith.constant 0 : i32
      %dma_wait3A_184 = arith.constant 0 : i32
      %dma_wait3A_185 = tpu.memref_slice %arg2[%dma_wait3A_183, %dma_wait3A_184] : memref<204800x16xf32, #tpu.memory_space<hbm>> -> memref<204800x16xf32, #tpu.memory_space<hbm>>
      tpu.wait_indirect_dma semaphore(%arg10 : memref<!tpu.dma_semaphore, #tpu.memory_space<semaphore_mem>>) src(%dma_wait3A_185 : memref<204800x16xf32, #tpu.memory_space<hbm>>) dst(%dma_wait3A_179 : memref<128x16xf32, #tpu.memory_space<vmem>>)
      %run_scoped3A = arith.constant 0 : i32
      "tpu.region"() ({
        %run_scoped3A_194 = tpu.sem_alloc : memref<!tpu.dma_semaphore, #tpu.memory_space<semaphore_mem>>
        %dma_start3A_195 = arith.constant 0 : i32
        %dma_start3A_196 = arith.constant 0 : i32
        %dma_start3A_197 = tpu.memref_slice %arg8[%dma_start3A_195, %dma_start3A_196] : memref<1024x16xf32, #tpu.memory_space<vmem>> -> memref<128x16xf32, #tpu.memory_space<vmem>>
        %dma_start3A_198 = arith.constant 0 : i32
        %dma_start3A_199 = tpu.memref_slice %arg7[%run_scoped3A, %dma_start3A_198] : memref<8x128xi32, #tpu.memory_space<vmem>> -> memref<1x128xi32, #tpu.memory_space<vmem>>
        %dma_start3A_200 = tpu.memref_squeeze %dma_start3A_199 : memref<1x128xi32, #tpu.memory_space<vmem>> -> memref<128xi32, #tpu.memory_space<vmem>>
        %dma_start3A_201 = arith.constant 0 : i32
        %dma_start3A_202 = arith.constant 0 : i32
        %dma_start3A_203 = tpu.memref_slice %arg9[%dma_start3A_201, %dma_start3A_202] : memref<102400x16xf32, #tpu.memory_space<vmem_shared>> -> memref<102400x16xf32, #tpu.memory_space<vmem_shared>>
        tpu.enqueue_indirect_dma source(%dma_start3A_197 : memref<128x16xf32, #tpu.memory_space<vmem>>) target(%dma_start3A_203 : memref<102400x16xf32, #tpu.memory_space<vmem_shared>>) offsets(%dma_start3A_200 : memref<128xi32, #tpu.memory_space<vmem>>) semaphore(%run_scoped3A_194 : memref<!tpu.dma_semaphore, #tpu.memory_space<semaphore_mem>>) {add = true}
        %dma_wait3A_204 = arith.constant 0 : i32
        %dma_wait3A_205 = arith.constant 0 : i32
        %dma_wait3A_206 = tpu.memref_slice %arg8[%dma_wait3A_204, %dma_wait3A_205] : memref<1024x16xf32, #tpu.memory_space<vmem>> -> memref<128x16xf32, #tpu.memory_space<vmem>>
        %dma_wait3A_207 = arith.constant 0 : i32
        %dma_wait3A_208 = tpu.memref_slice %arg7[%run_scoped3A, %dma_wait3A_207] : memref<8x128xi32, #tpu.memory_space<vmem>> -> memref<1x128xi32, #tpu.memory_space<vmem>>
        %dma_wait3A_209 = tpu.memref_squeeze %dma_wait3A_208 : memref<1x128xi32, #tpu.memory_space<vmem>> -> memref<128xi32, #tpu.memory_space<vmem>>
        %dma_wait3A_210 = arith.constant 0 : i32
        %dma_wait3A_211 = arith.constant 0 : i32
        %dma_wait3A_212 = tpu.memref_slice %arg9[%dma_wait3A_210, %dma_wait3A_211] : memref<102400x16xf32, #tpu.memory_space<vmem_shared>> -> memref<102400x16xf32, #tpu.memory_space<vmem_shared>>
        tpu.wait_indirect_dma semaphore(%run_scoped3A_194 : memref<!tpu.dma_semaphore, #tpu.memory_space<semaphore_mem>>) src(%dma_wait3A_206 : memref<128x16xf32, #tpu.memory_space<vmem>>) dst(%dma_wait3A_212 : memref<102400x16xf32, #tpu.memory_space<vmem_shared>>)
        tpu.yield
      }) : () -> ()
      %run_scoped3A_186 = arith.constant 1 : i32
      "tpu.region"() ({
        %run_scoped3A_194 = tpu.sem_alloc : memref<!tpu.dma_semaphore, #tpu.memory_space<semaphore_mem>>
        %dma_start3A_195 = arith.constant 128 : i32
        %dma_start3A_196 = arith.constant 0 : i32
        %dma_start3A_197 = tpu.memref_slice %arg8[%dma_start3A_195, %dma_start3A_196] : memref<1024x16xf32, #tpu.memory_space<vmem>> -> memref<128x16xf32, #tpu.memory_space<vmem>>
        %dma_start3A_198 = arith.constant 0 : i32
        %dma_start3A_199 = tpu.memref_slice %arg7[%run_scoped3A_186, %dma_start3A_198] : memref<8x128xi32, #tpu.memory_space<vmem>> -> memref<1x128xi32, #tpu.memory_space<vmem>>
        %dma_start3A_200 = tpu.memref_squeeze %dma_start3A_199 : memref<1x128xi32, #tpu.memory_space<vmem>> -> memref<128xi32, #tpu.memory_space<vmem>>
        %dma_start3A_201 = arith.constant 0 : i32
        %dma_start3A_202 = arith.constant 0 : i32
        %dma_start3A_203 = tpu.memref_slice %arg9[%dma_start3A_201, %dma_start3A_202] : memref<102400x16xf32, #tpu.memory_space<vmem_shared>> -> memref<102400x16xf32, #tpu.memory_space<vmem_shared>>
        tpu.enqueue_indirect_dma source(%dma_start3A_197 : memref<128x16xf32, #tpu.memory_space<vmem>>) target(%dma_start3A_203 : memref<102400x16xf32, #tpu.memory_space<vmem_shared>>) offsets(%dma_start3A_200 : memref<128xi32, #tpu.memory_space<vmem>>) semaphore(%run_scoped3A_194 : memref<!tpu.dma_semaphore, #tpu.memory_space<semaphore_mem>>) {add = true}
        %dma_wait3A_204 = arith.constant 128 : i32
        %dma_wait3A_205 = arith.constant 0 : i32
        %dma_wait3A_206 = tpu.memref_slice %arg8[%dma_wait3A_204, %dma_wait3A_205] : memref<1024x16xf32, #tpu.memory_space<vmem>> -> memref<128x16xf32, #tpu.memory_space<vmem>>
        %dma_wait3A_207 = arith.constant 0 : i32
        %dma_wait3A_208 = tpu.memref_slice %arg7[%run_scoped3A_186, %dma_wait3A_207] : memref<8x128xi32, #tpu.memory_space<vmem>> -> memref<1x128xi32, #tpu.memory_space<vmem>>
        %dma_wait3A_209 = tpu.memref_squeeze %dma_wait3A_208 : memref<1x128xi32, #tpu.memory_space<vmem>> -> memref<128xi32, #tpu.memory_space<vmem>>
        %dma_wait3A_210 = arith.constant 0 : i32
        %dma_wait3A_211 = arith.constant 0 : i32
        %dma_wait3A_212 = tpu.memref_slice %arg9[%dma_wait3A_210, %dma_wait3A_211] : memref<102400x16xf32, #tpu.memory_space<vmem_shared>> -> memref<102400x16xf32, #tpu.memory_space<vmem_shared>>
        tpu.wait_indirect_dma semaphore(%run_scoped3A_194 : memref<!tpu.dma_semaphore, #tpu.memory_space<semaphore_mem>>) src(%dma_wait3A_206 : memref<128x16xf32, #tpu.memory_space<vmem>>) dst(%dma_wait3A_212 : memref<102400x16xf32, #tpu.memory_space<vmem_shared>>)
        tpu.yield
      }) : () -> ()
      %run_scoped3A_187 = arith.constant 2 : i32
      "tpu.region"() ({
        %run_scoped3A_194 = tpu.sem_alloc : memref<!tpu.dma_semaphore, #tpu.memory_space<semaphore_mem>>
        %dma_start3A_195 = arith.constant 256 : i32
        %dma_start3A_196 = arith.constant 0 : i32
        %dma_start3A_197 = tpu.memref_slice %arg8[%dma_start3A_195, %dma_start3A_196] : memref<1024x16xf32, #tpu.memory_space<vmem>> -> memref<128x16xf32, #tpu.memory_space<vmem>>
        %dma_start3A_198 = arith.constant 0 : i32
        %dma_start3A_199 = tpu.memref_slice %arg7[%run_scoped3A_187, %dma_start3A_198] : memref<8x128xi32, #tpu.memory_space<vmem>> -> memref<1x128xi32, #tpu.memory_space<vmem>>
        %dma_start3A_200 = tpu.memref_squeeze %dma_start3A_199 : memref<1x128xi32, #tpu.memory_space<vmem>> -> memref<128xi32, #tpu.memory_space<vmem>>
        %dma_start3A_201 = arith.constant 0 : i32
        %dma_start3A_202 = arith.constant 0 : i32
        %dma_start3A_203 = tpu.memref_slice %arg9[%dma_start3A_201, %dma_start3A_202] : memref<102400x16xf32, #tpu.memory_space<vmem_shared>> -> memref<102400x16xf32, #tpu.memory_space<vmem_shared>>
        tpu.enqueue_indirect_dma source(%dma_start3A_197 : memref<128x16xf32, #tpu.memory_space<vmem>>) target(%dma_start3A_203 : memref<102400x16xf32, #tpu.memory_space<vmem_shared>>) offsets(%dma_start3A_200 : memref<128xi32, #tpu.memory_space<vmem>>) semaphore(%run_scoped3A_194 : memref<!tpu.dma_semaphore, #tpu.memory_space<semaphore_mem>>) {add = true}
        %dma_wait3A_204 = arith.constant 256 : i32
        %dma_wait3A_205 = arith.constant 0 : i32
        %dma_wait3A_206 = tpu.memref_slice %arg8[%dma_wait3A_204, %dma_wait3A_205] : memref<1024x16xf32, #tpu.memory_space<vmem>> -> memref<128x16xf32, #tpu.memory_space<vmem>>
        %dma_wait3A_207 = arith.constant 0 : i32
        %dma_wait3A_208 = tpu.memref_slice %arg7[%run_scoped3A_187, %dma_wait3A_207] : memref<8x128xi32, #tpu.memory_space<vmem>> -> memref<1x128xi32, #tpu.memory_space<vmem>>
        %dma_wait3A_209 = tpu.memref_squeeze %dma_wait3A_208 : memref<1x128xi32, #tpu.memory_space<vmem>> -> memref<128xi32, #tpu.memory_space<vmem>>
        %dma_wait3A_210 = arith.constant 0 : i32
        %dma_wait3A_211 = arith.constant 0 : i32
        %dma_wait3A_212 = tpu.memref_slice %arg9[%dma_wait3A_210, %dma_wait3A_211] : memref<102400x16xf32, #tpu.memory_space<vmem_shared>> -> memref<102400x16xf32, #tpu.memory_space<vmem_shared>>
        tpu.wait_indirect_dma semaphore(%run_scoped3A_194 : memref<!tpu.dma_semaphore, #tpu.memory_space<semaphore_mem>>) src(%dma_wait3A_206 : memref<128x16xf32, #tpu.memory_space<vmem>>) dst(%dma_wait3A_212 : memref<102400x16xf32, #tpu.memory_space<vmem_shared>>)
        tpu.yield
      }) : () -> ()
      %run_scoped3A_188 = arith.constant 3 : i32
      "tpu.region"() ({
        %run_scoped3A_194 = tpu.sem_alloc : memref<!tpu.dma_semaphore, #tpu.memory_space<semaphore_mem>>
        %dma_start3A_195 = arith.constant 384 : i32
        %dma_start3A_196 = arith.constant 0 : i32
        %dma_start3A_197 = tpu.memref_slice %arg8[%dma_start3A_195, %dma_start3A_196] : memref<1024x16xf32, #tpu.memory_space<vmem>> -> memref<128x16xf32, #tpu.memory_space<vmem>>
        %dma_start3A_198 = arith.constant 0 : i32
        %dma_start3A_199 = tpu.memref_slice %arg7[%run_scoped3A_188, %dma_start3A_198] : memref<8x128xi32, #tpu.memory_space<vmem>> -> memref<1x128xi32, #tpu.memory_space<vmem>>
        %dma_start3A_200 = tpu.memref_squeeze %dma_start3A_199 : memref<1x128xi32, #tpu.memory_space<vmem>> -> memref<128xi32, #tpu.memory_space<vmem>>
        %dma_start3A_201 = arith.constant 0 : i32
        %dma_start3A_202 = arith.constant 0 : i32
        %dma_start3A_203 = tpu.memref_slice %arg9[%dma_start3A_201, %dma_start3A_202] : memref<102400x16xf32, #tpu.memory_space<vmem_shared>> -> memref<102400x16xf32, #tpu.memory_space<vmem_shared>>
        tpu.enqueue_indirect_dma source(%dma_start3A_197 : memref<128x16xf32, #tpu.memory_space<vmem>>) target(%dma_start3A_203 : memref<102400x16xf32, #tpu.memory_space<vmem_shared>>) offsets(%dma_start3A_200 : memref<128xi32, #tpu.memory_space<vmem>>) semaphore(%run_scoped3A_194 : memref<!tpu.dma_semaphore, #tpu.memory_space<semaphore_mem>>) {add = true}
        %dma_wait3A_204 = arith.constant 384 : i32
        %dma_wait3A_205 = arith.constant 0 : i32
        %dma_wait3A_206 = tpu.memref_slice %arg8[%dma_wait3A_204, %dma_wait3A_205] : memref<1024x16xf32, #tpu.memory_space<vmem>> -> memref<128x16xf32, #tpu.memory_space<vmem>>
        %dma_wait3A_207 = arith.constant 0 : i32
        %dma_wait3A_208 = tpu.memref_slice %arg7[%run_scoped3A_188, %dma_wait3A_207] : memref<8x128xi32, #tpu.memory_space<vmem>> -> memref<1x128xi32, #tpu.memory_space<vmem>>
        %dma_wait3A_209 = tpu.memref_squeeze %dma_wait3A_208 : memref<1x128xi32, #tpu.memory_space<vmem>> -> memref<128xi32, #tpu.memory_space<vmem>>
        %dma_wait3A_210 = arith.constant 0 : i32
        %dma_wait3A_211 = arith.constant 0 : i32
        %dma_wait3A_212 = tpu.memref_slice %arg9[%dma_wait3A_210, %dma_wait3A_211] : memref<102400x16xf32, #tpu.memory_space<vmem_shared>> -> memref<102400x16xf32, #tpu.memory_space<vmem_shared>>
        tpu.wait_indirect_dma semaphore(%run_scoped3A_194 : memref<!tpu.dma_semaphore, #tpu.memory_space<semaphore_mem>>) src(%dma_wait3A_206 : memref<128x16xf32, #tpu.memory_space<vmem>>) dst(%dma_wait3A_212 : memref<102400x16xf32, #tpu.memory_space<vmem_shared>>)
        tpu.yield
      }) : () -> ()
      %run_scoped3A_189 = arith.constant 4 : i32
      "tpu.region"() ({
        %run_scoped3A_194 = tpu.sem_alloc : memref<!tpu.dma_semaphore, #tpu.memory_space<semaphore_mem>>
        %dma_start3A_195 = arith.constant 512 : i32
        %dma_start3A_196 = arith.constant 0 : i32
        %dma_start3A_197 = tpu.memref_slice %arg8[%dma_start3A_195, %dma_start3A_196] : memref<1024x16xf32, #tpu.memory_space<vmem>> -> memref<128x16xf32, #tpu.memory_space<vmem>>
        %dma_start3A_198 = arith.constant 0 : i32
        %dma_start3A_199 = tpu.memref_slice %arg7[%run_scoped3A_189, %dma_start3A_198] : memref<8x128xi32, #tpu.memory_space<vmem>> -> memref<1x128xi32, #tpu.memory_space<vmem>>
        %dma_start3A_200 = tpu.memref_squeeze %dma_start3A_199 : memref<1x128xi32, #tpu.memory_space<vmem>> -> memref<128xi32, #tpu.memory_space<vmem>>
        %dma_start3A_201 = arith.constant 0 : i32
        %dma_start3A_202 = arith.constant 0 : i32
        %dma_start3A_203 = tpu.memref_slice %arg9[%dma_start3A_201, %dma_start3A_202] : memref<102400x16xf32, #tpu.memory_space<vmem_shared>> -> memref<102400x16xf32, #tpu.memory_space<vmem_shared>>
        tpu.enqueue_indirect_dma source(%dma_start3A_197 : memref<128x16xf32, #tpu.memory_space<vmem>>) target(%dma_start3A_203 : memref<102400x16xf32, #tpu.memory_space<vmem_shared>>) offsets(%dma_start3A_200 : memref<128xi32, #tpu.memory_space<vmem>>) semaphore(%run_scoped3A_194 : memref<!tpu.dma_semaphore, #tpu.memory_space<semaphore_mem>>) {add = true}
        %dma_wait3A_204 = arith.constant 512 : i32
        %dma_wait3A_205 = arith.constant 0 : i32
        %dma_wait3A_206 = tpu.memref_slice %arg8[%dma_wait3A_204, %dma_wait3A_205] : memref<1024x16xf32, #tpu.memory_space<vmem>> -> memref<128x16xf32, #tpu.memory_space<vmem>>
        %dma_wait3A_207 = arith.constant 0 : i32
        %dma_wait3A_208 = tpu.memref_slice %arg7[%run_scoped3A_189, %dma_wait3A_207] : memref<8x128xi32, #tpu.memory_space<vmem>> -> memref<1x128xi32, #tpu.memory_space<vmem>>
        %dma_wait3A_209 = tpu.memref_squeeze %dma_wait3A_208 : memref<1x128xi32, #tpu.memory_space<vmem>> -> memref<128xi32, #tpu.memory_space<vmem>>
        %dma_wait3A_210 = arith.constant 0 : i32
        %dma_wait3A_211 = arith.constant 0 : i32
        %dma_wait3A_212 = tpu.memref_slice %arg9[%dma_wait3A_210, %dma_wait3A_211] : memref<102400x16xf32, #tpu.memory_space<vmem_shared>> -> memref<102400x16xf32, #tpu.memory_space<vmem_shared>>
        tpu.wait_indirect_dma semaphore(%run_scoped3A_194 : memref<!tpu.dma_semaphore, #tpu.memory_space<semaphore_mem>>) src(%dma_wait3A_206 : memref<128x16xf32, #tpu.memory_space<vmem>>) dst(%dma_wait3A_212 : memref<102400x16xf32, #tpu.memory_space<vmem_shared>>)
        tpu.yield
      }) : () -> ()
      %run_scoped3A_190 = arith.constant 5 : i32
      "tpu.region"() ({
        %run_scoped3A_194 = tpu.sem_alloc : memref<!tpu.dma_semaphore, #tpu.memory_space<semaphore_mem>>
        %dma_start3A_195 = arith.constant 640 : i32
        %dma_start3A_196 = arith.constant 0 : i32
        %dma_start3A_197 = tpu.memref_slice %arg8[%dma_start3A_195, %dma_start3A_196] : memref<1024x16xf32, #tpu.memory_space<vmem>> -> memref<128x16xf32, #tpu.memory_space<vmem>>
        %dma_start3A_198 = arith.constant 0 : i32
        %dma_start3A_199 = tpu.memref_slice %arg7[%run_scoped3A_190, %dma_start3A_198] : memref<8x128xi32, #tpu.memory_space<vmem>> -> memref<1x128xi32, #tpu.memory_space<vmem>>
        %dma_start3A_200 = tpu.memref_squeeze %dma_start3A_199 : memref<1x128xi32, #tpu.memory_space<vmem>> -> memref<128xi32, #tpu.memory_space<vmem>>
        %dma_start3A_201 = arith.constant 0 : i32
        %dma_start3A_202 = arith.constant 0 : i32
        %dma_start3A_203 = tpu.memref_slice %arg9[%dma_start3A_201, %dma_start3A_202] : memref<102400x16xf32, #tpu.memory_space<vmem_shared>> -> memref<102400x16xf32, #tpu.memory_space<vmem_shared>>
        tpu.enqueue_indirect_dma source(%dma_start3A_197 : memref<128x16xf32, #tpu.memory_space<vmem>>) target(%dma_start3A_203 : memref<102400x16xf32, #tpu.memory_space<vmem_shared>>) offsets(%dma_start3A_200 : memref<128xi32, #tpu.memory_space<vmem>>) semaphore(%run_scoped3A_194 : memref<!tpu.dma_semaphore, #tpu.memory_space<semaphore_mem>>) {add = true}
        %dma_wait3A_204 = arith.constant 640 : i32
        %dma_wait3A_205 = arith.constant 0 : i32
        %dma_wait3A_206 = tpu.memref_slice %arg8[%dma_wait3A_204, %dma_wait3A_205] : memref<1024x16xf32, #tpu.memory_space<vmem>> -> memref<128x16xf32, #tpu.memory_space<vmem>>
        %dma_wait3A_207 = arith.constant 0 : i32
        %dma_wait3A_208 = tpu.memref_slice %arg7[%run_scoped3A_190, %dma_wait3A_207] : memref<8x128xi32, #tpu.memory_space<vmem>> -> memref<1x128xi32, #tpu.memory_space<vmem>>
        %dma_wait3A_209 = tpu.memref_squeeze %dma_wait3A_208 : memref<1x128xi32, #tpu.memory_space<vmem>> -> memref<128xi32, #tpu.memory_space<vmem>>
        %dma_wait3A_210 = arith.constant 0 : i32
        %dma_wait3A_211 = arith.constant 0 : i32
        %dma_wait3A_212 = tpu.memref_slice %arg9[%dma_wait3A_210, %dma_wait3A_211] : memref<102400x16xf32, #tpu.memory_space<vmem_shared>> -> memref<102400x16xf32, #tpu.memory_space<vmem_shared>>
        tpu.wait_indirect_dma semaphore(%run_scoped3A_194 : memref<!tpu.dma_semaphore, #tpu.memory_space<semaphore_mem>>) src(%dma_wait3A_206 : memref<128x16xf32, #tpu.memory_space<vmem>>) dst(%dma_wait3A_212 : memref<102400x16xf32, #tpu.memory_space<vmem_shared>>)
        tpu.yield
      }) : () -> ()
      %run_scoped3A_191 = arith.constant 6 : i32
      "tpu.region"() ({
        %run_scoped3A_194 = tpu.sem_alloc : memref<!tpu.dma_semaphore, #tpu.memory_space<semaphore_mem>>
        %dma_start3A_195 = arith.constant 768 : i32
        %dma_start3A_196 = arith.constant 0 : i32
        %dma_start3A_197 = tpu.memref_slice %arg8[%dma_start3A_195, %dma_start3A_196] : memref<1024x16xf32, #tpu.memory_space<vmem>> -> memref<128x16xf32, #tpu.memory_space<vmem>>
        %dma_start3A_198 = arith.constant 0 : i32
        %dma_start3A_199 = tpu.memref_slice %arg7[%run_scoped3A_191, %dma_start3A_198] : memref<8x128xi32, #tpu.memory_space<vmem>> -> memref<1x128xi32, #tpu.memory_space<vmem>>
        %dma_start3A_200 = tpu.memref_squeeze %dma_start3A_199 : memref<1x128xi32, #tpu.memory_space<vmem>> -> memref<128xi32, #tpu.memory_space<vmem>>
        %dma_start3A_201 = arith.constant 0 : i32
        %dma_start3A_202 = arith.constant 0 : i32
        %dma_start3A_203 = tpu.memref_slice %arg9[%dma_start3A_201, %dma_start3A_202] : memref<102400x16xf32, #tpu.memory_space<vmem_shared>> -> memref<102400x16xf32, #tpu.memory_space<vmem_shared>>
        tpu.enqueue_indirect_dma source(%dma_start3A_197 : memref<128x16xf32, #tpu.memory_space<vmem>>) target(%dma_start3A_203 : memref<102400x16xf32, #tpu.memory_space<vmem_shared>>) offsets(%dma_start3A_200 : memref<128xi32, #tpu.memory_space<vmem>>) semaphore(%run_scoped3A_194 : memref<!tpu.dma_semaphore, #tpu.memory_space<semaphore_mem>>) {add = true}
        %dma_wait3A_204 = arith.constant 768 : i32
        %dma_wait3A_205 = arith.constant 0 : i32
        %dma_wait3A_206 = tpu.memref_slice %arg8[%dma_wait3A_204, %dma_wait3A_205] : memref<1024x16xf32, #tpu.memory_space<vmem>> -> memref<128x16xf32, #tpu.memory_space<vmem>>
        %dma_wait3A_207 = arith.constant 0 : i32
        %dma_wait3A_208 = tpu.memref_slice %arg7[%run_scoped3A_191, %dma_wait3A_207] : memref<8x128xi32, #tpu.memory_space<vmem>> -> memref<1x128xi32, #tpu.memory_space<vmem>>
        %dma_wait3A_209 = tpu.memref_squeeze %dma_wait3A_208 : memref<1x128xi32, #tpu.memory_space<vmem>> -> memref<128xi32, #tpu.memory_space<vmem>>
        %dma_wait3A_210 = arith.constant 0 : i32
        %dma_wait3A_211 = arith.constant 0 : i32
        %dma_wait3A_212 = tpu.memref_slice %arg9[%dma_wait3A_210, %dma_wait3A_211] : memref<102400x16xf32, #tpu.memory_space<vmem_shared>> -> memref<102400x16xf32, #tpu.memory_space<vmem_shared>>
        tpu.wait_indirect_dma semaphore(%run_scoped3A_194 : memref<!tpu.dma_semaphore, #tpu.memory_space<semaphore_mem>>) src(%dma_wait3A_206 : memref<128x16xf32, #tpu.memory_space<vmem>>) dst(%dma_wait3A_212 : memref<102400x16xf32, #tpu.memory_space<vmem_shared>>)
        tpu.yield
      }) : () -> ()
      %run_scoped3A_192 = arith.constant 7 : i32
      "tpu.region"() ({
        %run_scoped3A_194 = tpu.sem_alloc : memref<!tpu.dma_semaphore, #tpu.memory_space<semaphore_mem>>
        %dma_start3A_195 = arith.constant 896 : i32
        %dma_start3A_196 = arith.constant 0 : i32
        %dma_start3A_197 = tpu.memref_slice %arg8[%dma_start3A_195, %dma_start3A_196] : memref<1024x16xf32, #tpu.memory_space<vmem>> -> memref<128x16xf32, #tpu.memory_space<vmem>>
        %dma_start3A_198 = arith.constant 0 : i32
        %dma_start3A_199 = tpu.memref_slice %arg7[%run_scoped3A_192, %dma_start3A_198] : memref<8x128xi32, #tpu.memory_space<vmem>> -> memref<1x128xi32, #tpu.memory_space<vmem>>
        %dma_start3A_200 = tpu.memref_squeeze %dma_start3A_199 : memref<1x128xi32, #tpu.memory_space<vmem>> -> memref<128xi32, #tpu.memory_space<vmem>>
        %dma_start3A_201 = arith.constant 0 : i32
        %dma_start3A_202 = arith.constant 0 : i32
        %dma_start3A_203 = tpu.memref_slice %arg9[%dma_start3A_201, %dma_start3A_202] : memref<102400x16xf32, #tpu.memory_space<vmem_shared>> -> memref<102400x16xf32, #tpu.memory_space<vmem_shared>>
        tpu.enqueue_indirect_dma source(%dma_start3A_197 : memref<128x16xf32, #tpu.memory_space<vmem>>) target(%dma_start3A_203 : memref<102400x16xf32, #tpu.memory_space<vmem_shared>>) offsets(%dma_start3A_200 : memref<128xi32, #tpu.memory_space<vmem>>) semaphore(%run_scoped3A_194 : memref<!tpu.dma_semaphore, #tpu.memory_space<semaphore_mem>>) {add = true}
        %dma_wait3A_204 = arith.constant 896 : i32
        %dma_wait3A_205 = arith.constant 0 : i32
        %dma_wait3A_206 = tpu.memref_slice %arg8[%dma_wait3A_204, %dma_wait3A_205] : memref<1024x16xf32, #tpu.memory_space<vmem>> -> memref<128x16xf32, #tpu.memory_space<vmem>>
        %dma_wait3A_207 = arith.constant 0 : i32
        %dma_wait3A_208 = tpu.memref_slice %arg7[%run_scoped3A_192, %dma_wait3A_207] : memref<8x128xi32, #tpu.memory_space<vmem>> -> memref<1x128xi32, #tpu.memory_space<vmem>>
        %dma_wait3A_209 = tpu.memref_squeeze %dma_wait3A_208 : memref<1x128xi32, #tpu.memory_space<vmem>> -> memref<128xi32, #tpu.memory_space<vmem>>
        %dma_wait3A_210 = arith.constant 0 : i32
        %dma_wait3A_211 = arith.constant 0 : i32
        %dma_wait3A_212 = tpu.memref_slice %arg9[%dma_wait3A_210, %dma_wait3A_211] : memref<102400x16xf32, #tpu.memory_space<vmem_shared>> -> memref<102400x16xf32, #tpu.memory_space<vmem_shared>>
        tpu.wait_indirect_dma semaphore(%run_scoped3A_194 : memref<!tpu.dma_semaphore, #tpu.memory_space<semaphore_mem>>) src(%dma_wait3A_206 : memref<128x16xf32, #tpu.memory_space<vmem>>) dst(%dma_wait3A_212 : memref<102400x16xf32, #tpu.memory_space<vmem_shared>>)
        tpu.yield
      }) : () -> ()
      %scan3A_193 = arith.constant 0 : i32
      scf.yield %scan3A_193 : i32
    }
    %scan3A_22 = arith.constant 98 : i32
    %barrier3A_23 = arith.constant 0 : index
    tpu.barrier barrier_id(%barrier3A_23)
    "tpu.region"() ({
      %run_scoped3A = tpu.sem_alloc : memref<!tpu.dma_semaphore, #tpu.memory_space<semaphore_mem>>
      %dma_start3A = arith.constant 0 : i32
      %dma_start3A_24 = tpu.memref_slice %arg5[%arg0, %mul3A_6, %dma_start3A] : memref<2x102400x16xf32, #tpu.memory_space<hbm>> -> memref<1x6400x16xf32, #tpu.memory_space<hbm>>
      %dma_start3A_25 = tpu.memref_squeeze %dma_start3A_24 : memref<1x6400x16xf32, #tpu.memory_space<hbm>> -> memref<6400x16xf32, #tpu.memory_space<hbm>>
      %dma_start3A_26 = arith.constant 0 : i32
      %dma_start3A_27 = tpu.memref_slice %arg9[%mul3A_6, %dma_start3A_26] : memref<102400x16xf32, #tpu.memory_space<vmem_shared>> -> memref<6400x16xf32, #tpu.memory_space<vmem_shared>>
      tpu.enqueue_dma source(%dma_start3A_27 : memref<6400x16xf32, #tpu.memory_space<vmem_shared>>) target(%dma_start3A_25 : memref<6400x16xf32, #tpu.memory_space<hbm>>) target_semaphore(%run_scoped3A : memref<!tpu.dma_semaphore, #tpu.memory_space<semaphore_mem>>)
      %dma_wait3A = arith.constant 0 : i32
      %dma_wait3A_28 = tpu.memref_slice %arg5[%arg0, %mul3A_6, %dma_wait3A] : memref<2x102400x16xf32, #tpu.memory_space<hbm>> -> memref<1x6400x16xf32, #tpu.memory_space<hbm>>
      %dma_wait3A_29 = tpu.memref_squeeze %dma_wait3A_28 : memref<1x6400x16xf32, #tpu.memory_space<hbm>> -> memref<6400x16xf32, #tpu.memory_space<hbm>>
      %dma_wait3A_30 = arith.constant 0 : i32
      %dma_wait3A_31 = tpu.memref_slice %arg9[%mul3A_6, %dma_wait3A_30] : memref<102400x16xf32, #tpu.memory_space<vmem_shared>> -> memref<6400x16xf32, #tpu.memory_space<vmem_shared>>
      tpu.wait_dma2 semaphore(%run_scoped3A : memref<!tpu.dma_semaphore, #tpu.memory_space<semaphore_mem>>) src(%dma_wait3A_31 : memref<6400x16xf32, #tpu.memory_space<vmem_shared>>) dst(%dma_wait3A_29 : memref<6400x16xf32, #tpu.memory_space<hbm>>)
      tpu.yield
    }) : () -> ()
    return
  }
}

module attributes {stable_mosaic.version = 14 : i64} {
  func.func @_h0_body(%arg0: i32, %arg1: memref<512x128xf32, #tpu.memory_space<vmem>>, %arg2: memref<2x512x128xf32, #tpu.memory_space<vmem>>, %arg3: memref<4x128x128xf32, #tpu.memory_space<vmem>>, %arg4: memref<512x128xf32, #tpu.memory_space<vmem>>, %arg5: memref<512x128xf32, #tpu.memory_space<vmem>>) attributes {dimension_semantics = [#tpu.dimension_semantics<arbitrary>], iteration_bounds = array<i64: 25>, scalar_prefetch = 0 : i64, scratch_operands = 0 : i64, tpu.core_type = #tpu.core_type<tc>, window_params = [{transform_indices = @transform_0, window_bounds = array<i64: 512, 128>}, {transform_indices = @transform_1, window_bounds = array<i64: 2, 512, 128>}, {pipeline_mode = #tpu.pipeline_mode<synchronous>, transform_indices = @transform_2, window_bounds = array<i64: 4, 128, 128>}, {transform_indices = @transform_3, window_bounds = array<i64: 512, 128>}, {transform_indices = @transform_4, window_bounds = array<i64: 512, 128>}]} {
    %get3A = arith.constant 0 : index
    %get3A_0 = arith.constant 0 : index
    %get3A_1 = arith.constant 0 : index
    %get3A_2 = vector.load %arg2[%get3A, %get3A_0, %get3A_1] : memref<2x512x128xf32, #tpu.memory_space<vmem>>, vector<1x512x128xf32>
    %get3A_3 = vector.shape_cast %get3A_2 : vector<1x512x128xf32> to vector<512x128xf32>
    %get3A_4 = arith.constant 1 : index
    %get3A_5 = arith.constant 0 : index
    %get3A_6 = arith.constant 0 : index
    %get3A_7 = vector.load %arg2[%get3A_4, %get3A_5, %get3A_6] : memref<2x512x128xf32, #tpu.memory_space<vmem>>, vector<1x512x128xf32>
    %get3A_8 = vector.shape_cast %get3A_7 : vector<1x512x128xf32> to vector<512x128xf32>
    %add3A = arith.addf %get3A_3, %get3A_8 : vector<512x128xf32>
    %get3A_9 = arith.constant 0 : index
    %get3A_10 = arith.constant 0 : index
    %get3A_11 = vector.load %arg1[%get3A_9, %get3A_10] : memref<512x128xf32, #tpu.memory_space<vmem>>, vector<512x128xf32>
    %get3A_12 = arith.constant 0 : index
    %get3A_13 = arith.constant 0 : index
    %get3A_14 = arith.constant 0 : index
    %get3A_15 = vector.load %arg3[%get3A_12, %get3A_13, %get3A_14] : memref<4x128x128xf32, #tpu.memory_space<vmem>>, vector<1x128x128xf32>
    %get3A_16 = vector.shape_cast %get3A_15 : vector<1x128x128xf32> to vector<128x128xf32>
    %dot_general3A = arith.constant dense<0.000000e+00> : vector<512x128xf32>
    %dot_general3A_17 = tpu.matmul %get3A_11, %get3A_16, %dot_general3A {dimension_numbers = #tpu.dot_dimension_numbers<[1], [0], [0], [1], [0, 0, 1, 1], [], []>, precision = #tpu.contract_precision<fp32>, transpose_lhs_hint = false} : vector<512x128xf32>, vector<128x128xf32>, vector<512x128xf32> -> vector<512x128xf32>
    %get3A_18 = arith.constant 2 : index
    %get3A_19 = arith.constant 0 : index
    %get3A_20 = arith.constant 0 : index
    %get3A_21 = vector.load %arg3[%get3A_18, %get3A_19, %get3A_20] : memref<4x128x128xf32, #tpu.memory_space<vmem>>, vector<1x128x128xf32>
    %get3A_22 = vector.shape_cast %get3A_21 : vector<1x128x128xf32> to vector<128x128xf32>
    %dot_general3A_23 = arith.constant dense<0.000000e+00> : vector<512x128xf32>
    %dot_general3A_24 = tpu.matmul %add3A, %get3A_22, %dot_general3A_23 {dimension_numbers = #tpu.dot_dimension_numbers<[1], [0], [0], [1], [0, 0, 1, 1], [], []>, precision = #tpu.contract_precision<fp32>, transpose_lhs_hint = false} : vector<512x128xf32>, vector<128x128xf32>, vector<512x128xf32> -> vector<512x128xf32>
    %add3A_25 = arith.addf %dot_general3A_17, %dot_general3A_24 : vector<512x128xf32>
    %swap3A = arith.constant 0 : index
    %swap3A_26 = arith.constant 0 : index
    %swap3A_27 = vector.load %arg4[%swap3A, %swap3A_26] : memref<512x128xf32, #tpu.memory_space<vmem>>, vector<512x128xf32>
    tpu.vector_store %arg4[%swap3A, %swap3A_26], %add3A_25 {strides = array<i32>} : memref<512x128xf32, #tpu.memory_space<vmem>>, vector<512x128xf32>,
    %get3A_28 = arith.constant 1 : index
    %get3A_29 = arith.constant 0 : index
    %get3A_30 = arith.constant 0 : index
    %get3A_31 = vector.load %arg3[%get3A_28, %get3A_29, %get3A_30] : memref<4x128x128xf32, #tpu.memory_space<vmem>>, vector<1x128x128xf32>
    %get3A_32 = vector.shape_cast %get3A_31 : vector<1x128x128xf32> to vector<128x128xf32>
    %dot_general3A_33 = arith.constant dense<0.000000e+00> : vector<512x128xf32>
    %dot_general3A_34 = tpu.matmul %get3A_11, %get3A_32, %dot_general3A_33 {dimension_numbers = #tpu.dot_dimension_numbers<[1], [0], [0], [1], [0, 0, 1, 1], [], []>, precision = #tpu.contract_precision<fp32>, transpose_lhs_hint = false} : vector<512x128xf32>, vector<128x128xf32>, vector<512x128xf32> -> vector<512x128xf32>
    %get3A_35 = arith.constant 3 : index
    %get3A_36 = arith.constant 0 : index
    %get3A_37 = arith.constant 0 : index
    %get3A_38 = vector.load %arg3[%get3A_35, %get3A_36, %get3A_37] : memref<4x128x128xf32, #tpu.memory_space<vmem>>, vector<1x128x128xf32>
    %get3A_39 = vector.shape_cast %get3A_38 : vector<1x128x128xf32> to vector<128x128xf32>
    %dot_general3A_40 = arith.constant dense<0.000000e+00> : vector<512x128xf32>
    %dot_general3A_41 = tpu.matmul %add3A, %get3A_39, %dot_general3A_40 {dimension_numbers = #tpu.dot_dimension_numbers<[1], [0], [0], [1], [0, 0, 1, 1], [], []>, precision = #tpu.contract_precision<fp32>, transpose_lhs_hint = false} : vector<512x128xf32>, vector<128x128xf32>, vector<512x128xf32> -> vector<512x128xf32>
    %add3A_42 = arith.addf %dot_general3A_34, %dot_general3A_41 : vector<512x128xf32>
    %swap3A_43 = arith.constant 0 : index
    %swap3A_44 = arith.constant 0 : index
    %swap3A_45 = vector.load %arg5[%swap3A_43, %swap3A_44] : memref<512x128xf32, #tpu.memory_space<vmem>>, vector<512x128xf32>
    tpu.vector_store %arg5[%swap3A_43, %swap3A_44], %add3A_42 {strides = array<i32>} : memref<512x128xf32, #tpu.memory_space<vmem>>, vector<512x128xf32>,
    return
  }
  func.func @transform_0(%arg0: i32) -> (i32, i32) {
    %c0_i32 = arith.constant 0 : i32
    %c0_i32_0 = arith.constant 0 : i32
    return %arg0, %c0_i32 : i32, i32
  }
  func.func @transform_1(%arg0: i32) -> (i32, i32, i32) {
    %c0_i32 = arith.constant 0 : i32
    %c0_i32_0 = arith.constant 0 : i32
    %c0_i32_1 = arith.constant 0 : i32
    return %c0_i32, %arg0, %c0_i32_0 : i32, i32, i32
  }
  func.func @transform_2(%arg0: i32) -> (i32, i32, i32) {
    %c0_i32 = arith.constant 0 : i32
    %c0_i32_0 = arith.constant 0 : i32
    %c0_i32_1 = arith.constant 0 : i32
    %c0_i32_2 = arith.constant 0 : i32
    return %c0_i32, %c0_i32_0, %c0_i32_1 : i32, i32, i32
  }
  func.func @transform_3(%arg0: i32) -> (i32, i32) {
    %c0_i32 = arith.constant 0 : i32
    %c0_i32_0 = arith.constant 0 : i32
    return %arg0, %c0_i32 : i32, i32
  }
  func.func @transform_4(%arg0: i32) -> (i32, i32) {
    %c0_i32 = arith.constant 0 : i32
    %c0_i32_0 = arith.constant 0 : i32
    return %arg0, %c0_i32 : i32, i32
  }
}

module attributes {stable_mosaic.version = 14 : i64} {
  func.func @body(%arg0: i32, %arg1: memref<512x128xf32, #tpu.memory_space<vmem>>, %arg2: memref<512x128xf32, #tpu.memory_space<vmem>>, %arg3: memref<2x512x128xf32, #tpu.memory_space<vmem>>, %arg4: memref<8x128x128xf32, #tpu.memory_space<vmem>>, %arg5: memref<512x128xf32, #tpu.memory_space<vmem>>, %arg6: memref<512x128xf32, #tpu.memory_space<vmem>>) attributes {dimension_semantics = [#tpu.dimension_semantics<arbitrary>], iteration_bounds = array<i64: 25>, scalar_prefetch = 0 : i64, scratch_operands = 0 : i64, tpu.core_type = #tpu.core_type<tc>, window_params = [{transform_indices = @transform_0, window_bounds = array<i64: 512, 128>}, {transform_indices = @transform_1, window_bounds = array<i64: 512, 128>}, {transform_indices = @transform_2, window_bounds = array<i64: 2, 512, 128>}, {pipeline_mode = #tpu.pipeline_mode<synchronous>, transform_indices = @transform_3, window_bounds = array<i64: 8, 128, 128>}, {transform_indices = @transform_4, window_bounds = array<i64: 512, 128>}, {transform_indices = @transform_5, window_bounds = array<i64: 512, 128>}]} {
    %get3A = arith.constant 0 : index
    %get3A_0 = arith.constant 0 : index
    %get3A_1 = vector.load %arg1[%get3A, %get3A_0] : memref<512x128xf32, #tpu.memory_space<vmem>>, vector<512x128xf32>
    %get3A_2 = arith.constant 0 : index
    %get3A_3 = arith.constant 0 : index
    %get3A_4 = vector.load %arg2[%get3A_2, %get3A_3] : memref<512x128xf32, #tpu.memory_space<vmem>>, vector<512x128xf32>
    %get3A_5 = arith.constant 0 : index
    %get3A_6 = arith.constant 0 : index
    %get3A_7 = arith.constant 0 : index
    %get3A_8 = vector.load %arg3[%get3A_5, %get3A_6, %get3A_7] : memref<2x512x128xf32, #tpu.memory_space<vmem>>, vector<1x512x128xf32>
    %get3A_9 = vector.shape_cast %get3A_8 : vector<1x512x128xf32> to vector<512x128xf32>
    %get3A_10 = arith.constant 1 : index
    %get3A_11 = arith.constant 0 : index
    %get3A_12 = arith.constant 0 : index
    %get3A_13 = vector.load %arg3[%get3A_10, %get3A_11, %get3A_12] : memref<2x512x128xf32, #tpu.memory_space<vmem>>, vector<1x512x128xf32>
    %get3A_14 = vector.shape_cast %get3A_13 : vector<1x512x128xf32> to vector<512x128xf32>
    %get3A_15 = arith.constant 0 : index
    %get3A_16 = arith.constant 0 : index
    %get3A_17 = arith.constant 0 : index
    %get3A_18 = vector.load %arg4[%get3A_15, %get3A_16, %get3A_17] : memref<8x128x128xf32, #tpu.memory_space<vmem>>, vector<1x128x128xf32>
    %get3A_19 = vector.shape_cast %get3A_18 : vector<1x128x128xf32> to vector<128x128xf32>
    %dot_general3A = arith.constant dense<0.000000e+00> : vector<512x128xf32>
    %dot_general3A_20 = tpu.matmul %get3A_9, %get3A_19, %dot_general3A {dimension_numbers = #tpu.dot_dimension_numbers<[1], [0], [0], [1], [0, 0, 1, 1], [], []>, precision = #tpu.contract_precision<fp32>, transpose_lhs_hint = false} : vector<512x128xf32>, vector<128x128xf32>, vector<512x128xf32> -> vector<512x128xf32>
    %get3A_21 = arith.constant 1 : index
    %get3A_22 = arith.constant 0 : index
    %get3A_23 = arith.constant 0 : index
    %get3A_24 = vector.load %arg4[%get3A_21, %get3A_22, %get3A_23] : memref<8x128x128xf32, #tpu.memory_space<vmem>>, vector<1x128x128xf32>
    %get3A_25 = vector.shape_cast %get3A_24 : vector<1x128x128xf32> to vector<128x128xf32>
    %dot_general3A_26 = arith.constant dense<0.000000e+00> : vector<512x128xf32>
    %dot_general3A_27 = tpu.matmul %get3A_14, %get3A_25, %dot_general3A_26 {dimension_numbers = #tpu.dot_dimension_numbers<[1], [0], [0], [1], [0, 0, 1, 1], [], []>, precision = #tpu.contract_precision<fp32>, transpose_lhs_hint = false} : vector<512x128xf32>, vector<128x128xf32>, vector<512x128xf32> -> vector<512x128xf32>
    %add3A = arith.addf %dot_general3A_20, %dot_general3A_27 : vector<512x128xf32>
    %get3A_28 = arith.constant 2 : index
    %get3A_29 = arith.constant 0 : index
    %get3A_30 = arith.constant 0 : index
    %get3A_31 = vector.load %arg4[%get3A_28, %get3A_29, %get3A_30] : memref<8x128x128xf32, #tpu.memory_space<vmem>>, vector<1x128x128xf32>
    %get3A_32 = vector.shape_cast %get3A_31 : vector<1x128x128xf32> to vector<128x128xf32>
    %dot_general3A_33 = arith.constant dense<0.000000e+00> : vector<512x128xf32>
    %dot_general3A_34 = tpu.matmul %get3A_1, %get3A_32, %dot_general3A_33 {dimension_numbers = #tpu.dot_dimension_numbers<[1], [0], [0], [1], [0, 0, 1, 1], [], []>, precision = #tpu.contract_precision<fp32>, transpose_lhs_hint = false} : vector<512x128xf32>, vector<128x128xf32>, vector<512x128xf32> -> vector<512x128xf32>
    %add3A_35 = arith.addf %add3A, %dot_general3A_34 : vector<512x128xf32>
    %get3A_36 = arith.constant 3 : index
    %get3A_37 = arith.constant 0 : index
    %get3A_38 = arith.constant 0 : index
    %get3A_39 = vector.load %arg4[%get3A_36, %get3A_37, %get3A_38] : memref<8x128x128xf32, #tpu.memory_space<vmem>>, vector<1x128x128xf32>
    %get3A_40 = vector.shape_cast %get3A_39 : vector<1x128x128xf32> to vector<128x128xf32>
    %dot_general3A_41 = arith.constant dense<0.000000e+00> : vector<512x128xf32>
    %dot_general3A_42 = tpu.matmul %get3A_4, %get3A_40, %dot_general3A_41 {dimension_numbers = #tpu.dot_dimension_numbers<[1], [0], [0], [1], [0, 0, 1, 1], [], []>, precision = #tpu.contract_precision<fp32>, transpose_lhs_hint = false} : vector<512x128xf32>, vector<128x128xf32>, vector<512x128xf32> -> vector<512x128xf32>
    %add3A_43 = arith.addf %add3A_35, %dot_general3A_42 : vector<512x128xf32>
    %get3A_44 = arith.constant 4 : index
    %get3A_45 = arith.constant 0 : index
    %get3A_46 = arith.constant 0 : index
    %get3A_47 = vector.load %arg4[%get3A_44, %get3A_45, %get3A_46] : memref<8x128x128xf32, #tpu.memory_space<vmem>>, vector<1x128x128xf32>
    %get3A_48 = vector.shape_cast %get3A_47 : vector<1x128x128xf32> to vector<128x128xf32>
    %dot_general3A_49 = arith.constant dense<0.000000e+00> : vector<512x128xf32>
    %dot_general3A_50 = tpu.matmul %get3A_9, %get3A_48, %dot_general3A_49 {dimension_numbers = #tpu.dot_dimension_numbers<[1], [0], [0], [1], [0, 0, 1, 1], [], []>, precision = #tpu.contract_precision<fp32>, transpose_lhs_hint = false} : vector<512x128xf32>, vector<128x128xf32>, vector<512x128xf32> -> vector<512x128xf32>
    %get3A_51 = arith.constant 5 : index
    %get3A_52 = arith.constant 0 : index
    %get3A_53 = arith.constant 0 : index
    %get3A_54 = vector.load %arg4[%get3A_51, %get3A_52, %get3A_53] : memref<8x128x128xf32, #tpu.memory_space<vmem>>, vector<1x128x128xf32>
    %get3A_55 = vector.shape_cast %get3A_54 : vector<1x128x128xf32> to vector<128x128xf32>
    %dot_general3A_56 = arith.constant dense<0.000000e+00> : vector<512x128xf32>
    %dot_general3A_57 = tpu.matmul %get3A_14, %get3A_55, %dot_general3A_56 {dimension_numbers = #tpu.dot_dimension_numbers<[1], [0], [0], [1], [0, 0, 1, 1], [], []>, precision = #tpu.contract_precision<fp32>, transpose_lhs_hint = false} : vector<512x128xf32>, vector<128x128xf32>, vector<512x128xf32> -> vector<512x128xf32>
    %add3A_58 = arith.addf %dot_general3A_50, %dot_general3A_57 : vector<512x128xf32>
    %get3A_59 = arith.constant 6 : index
    %get3A_60 = arith.constant 0 : index
    %get3A_61 = arith.constant 0 : index
    %get3A_62 = vector.load %arg4[%get3A_59, %get3A_60, %get3A_61] : memref<8x128x128xf32, #tpu.memory_space<vmem>>, vector<1x128x128xf32>
    %get3A_63 = vector.shape_cast %get3A_62 : vector<1x128x128xf32> to vector<128x128xf32>
    %dot_general3A_64 = arith.constant dense<0.000000e+00> : vector<512x128xf32>
    %dot_general3A_65 = tpu.matmul %get3A_1, %get3A_63, %dot_general3A_64 {dimension_numbers = #tpu.dot_dimension_numbers<[1], [0], [0], [1], [0, 0, 1, 1], [], []>, precision = #tpu.contract_precision<fp32>, transpose_lhs_hint = false} : vector<512x128xf32>, vector<128x128xf32>, vector<512x128xf32> -> vector<512x128xf32>
    %add3A_66 = arith.addf %add3A_58, %dot_general3A_65 : vector<512x128xf32>
    %get3A_67 = arith.constant 7 : index
    %get3A_68 = arith.constant 0 : index
    %get3A_69 = arith.constant 0 : index
    %get3A_70 = vector.load %arg4[%get3A_67, %get3A_68, %get3A_69] : memref<8x128x128xf32, #tpu.memory_space<vmem>>, vector<1x128x128xf32>
    %get3A_71 = vector.shape_cast %get3A_70 : vector<1x128x128xf32> to vector<128x128xf32>
    %dot_general3A_72 = arith.constant dense<0.000000e+00> : vector<512x128xf32>
    %dot_general3A_73 = tpu.matmul %get3A_4, %get3A_71, %dot_general3A_72 {dimension_numbers = #tpu.dot_dimension_numbers<[1], [0], [0], [1], [0, 0, 1, 1], [], []>, precision = #tpu.contract_precision<fp32>, transpose_lhs_hint = false} : vector<512x128xf32>, vector<128x128xf32>, vector<512x128xf32> -> vector<512x128xf32>
    %add3A_74 = arith.addf %add3A_66, %dot_general3A_73 : vector<512x128xf32>
    %max3A = arith.constant 0.000000e+00 : f32
    %max3A_75 = vector.broadcast %max3A : f32 to vector<512x128xf32>
    %max3A_76 = arith.maximumf %add3A_43, %max3A_75 : vector<512x128xf32>
    %add3A_77 = arith.addf %get3A_1, %max3A_76 : vector<512x128xf32>
    %max3A_78 = arith.constant 0.000000e+00 : f32
    %max3A_79 = vector.broadcast %max3A_78 : f32 to vector<512x128xf32>
    %max3A_80 = arith.maximumf %add3A_74, %max3A_79 : vector<512x128xf32>
    %add3A_81 = arith.addf %get3A_4, %max3A_80 : vector<512x128xf32>
    %swap3A = arith.constant 0 : index
    %swap3A_82 = arith.constant 0 : index
    %swap3A_83 = vector.load %arg5[%swap3A, %swap3A_82] : memref<512x128xf32, #tpu.memory_space<vmem>>, vector<512x128xf32>
    tpu.vector_store %arg5[%swap3A, %swap3A_82], %add3A_77 {strides = array<i32>} : memref<512x128xf32, #tpu.memory_space<vmem>>, vector<512x128xf32>,
    %swap3A_84 = arith.constant 0 : index
    %swap3A_85 = arith.constant 0 : index
    %swap3A_86 = vector.load %arg6[%swap3A_84, %swap3A_85] : memref<512x128xf32, #tpu.memory_space<vmem>>, vector<512x128xf32>
    tpu.vector_store %arg6[%swap3A_84, %swap3A_85], %add3A_81 {strides = array<i32>} : memref<512x128xf32, #tpu.memory_space<vmem>>, vector<512x128xf32>,
    return
  }
  func.func @transform_0(%arg0: i32) -> (i32, i32) {
    %c0_i32 = arith.constant 0 : i32
    %c0_i32_0 = arith.constant 0 : i32
    return %arg0, %c0_i32 : i32, i32
  }
  func.func @transform_1(%arg0: i32) -> (i32, i32) {
    %c0_i32 = arith.constant 0 : i32
    %c0_i32_0 = arith.constant 0 : i32
    return %arg0, %c0_i32 : i32, i32
  }
  func.func @transform_2(%arg0: i32) -> (i32, i32, i32) {
    %c0_i32 = arith.constant 0 : i32
    %c0_i32_0 = arith.constant 0 : i32
    %c0_i32_1 = arith.constant 0 : i32
    return %c0_i32, %arg0, %c0_i32_0 : i32, i32, i32
  }
  func.func @transform_3(%arg0: i32) -> (i32, i32, i32) {
    %c0_i32 = arith.constant 0 : i32
    %c0_i32_0 = arith.constant 0 : i32
    %c0_i32_1 = arith.constant 0 : i32
    %c0_i32_2 = arith.constant 0 : i32
    return %c0_i32, %c0_i32_0, %c0_i32_1 : i32, i32, i32
  }
  func.func @transform_4(%arg0: i32) -> (i32, i32) {
    %c0_i32 = arith.constant 0 : i32
    %c0_i32_0 = arith.constant 0 : i32
    return %arg0, %c0_i32 : i32, i32
  }
  func.func @transform_5(%arg0: i32) -> (i32, i32) {
    %c0_i32 = arith.constant 0 : i32
    %c0_i32_0 = arith.constant 0 : i32
    return %arg0, %c0_i32 : i32, i32
  }
}

module attributes {stable_mosaic.version = 14 : i64} {
  func.func @body(%arg0: i32, %arg1: memref<512x128xf32, #tpu.memory_space<vmem>>, %arg2: memref<512x128xf32, #tpu.memory_space<vmem>>, %arg3: memref<2x512x128xf32, #tpu.memory_space<vmem>>, %arg4: memref<8x128x128xf32, #tpu.memory_space<vmem>>, %arg5: memref<512x128xf32, #tpu.memory_space<vmem>>, %arg6: memref<512x128xf32, #tpu.memory_space<vmem>>, %arg7: memref<8x128xf32, #tpu.memory_space<vmem>>) attributes {dimension_semantics = [#tpu.dimension_semantics<arbitrary>], iteration_bounds = array<i64: 25>, scalar_prefetch = 0 : i64, scratch_operands = 0 : i64, tpu.core_type = #tpu.core_type<tc>, window_params = [{transform_indices = @transform_0, window_bounds = array<i64: 512, 128>}, {transform_indices = @transform_1, window_bounds = array<i64: 512, 128>}, {transform_indices = @transform_2, window_bounds = array<i64: 2, 512, 128>}, {pipeline_mode = #tpu.pipeline_mode<synchronous>, transform_indices = @transform_3, window_bounds = array<i64: 8, 128, 128>}, {transform_indices = @transform_4, window_bounds = array<i64: 512, 128>}, {transform_indices = @transform_5, window_bounds = array<i64: 512, 128>}, {pipeline_mode = #tpu.pipeline_mode<synchronous>, transform_indices = @transform_6, window_bounds = array<i64: 8, 128>}]} {
    %get3A = arith.constant 0 : index
    %get3A_0 = arith.constant 0 : index
    %get3A_1 = vector.load %arg1[%get3A, %get3A_0] : memref<512x128xf32, #tpu.memory_space<vmem>>, vector<512x128xf32>
    %get3A_2 = arith.constant 0 : index
    %get3A_3 = arith.constant 0 : index
    %get3A_4 = vector.load %arg2[%get3A_2, %get3A_3] : memref<512x128xf32, #tpu.memory_space<vmem>>, vector<512x128xf32>
    %get3A_5 = arith.constant 0 : index
    %get3A_6 = arith.constant 0 : index
    %get3A_7 = arith.constant 0 : index
    %get3A_8 = vector.load %arg3[%get3A_5, %get3A_6, %get3A_7] : memref<2x512x128xf32, #tpu.memory_space<vmem>>, vector<1x512x128xf32>
    %get3A_9 = vector.shape_cast %get3A_8 : vector<1x512x128xf32> to vector<512x128xf32>
    %get3A_10 = arith.constant 1 : index
    %get3A_11 = arith.constant 0 : index
    %get3A_12 = arith.constant 0 : index
    %get3A_13 = vector.load %arg3[%get3A_10, %get3A_11, %get3A_12] : memref<2x512x128xf32, #tpu.memory_space<vmem>>, vector<1x512x128xf32>
    %get3A_14 = vector.shape_cast %get3A_13 : vector<1x512x128xf32> to vector<512x128xf32>
    %get3A_15 = arith.constant 0 : index
    %get3A_16 = arith.constant 0 : index
    %get3A_17 = arith.constant 0 : index
    %get3A_18 = vector.load %arg4[%get3A_15, %get3A_16, %get3A_17] : memref<8x128x128xf32, #tpu.memory_space<vmem>>, vector<1x128x128xf32>
    %get3A_19 = vector.shape_cast %get3A_18 : vector<1x128x128xf32> to vector<128x128xf32>
    %dot_general3A = arith.constant dense<0.000000e+00> : vector<512x128xf32>
    %dot_general3A_20 = tpu.matmul %get3A_9, %get3A_19, %dot_general3A {dimension_numbers = #tpu.dot_dimension_numbers<[1], [0], [0], [1], [0, 0, 1, 1], [], []>, precision = #tpu.contract_precision<fp32>, transpose_lhs_hint = false} : vector<512x128xf32>, vector<128x128xf32>, vector<512x128xf32> -> vector<512x128xf32>
    %get3A_21 = arith.constant 1 : index
    %get3A_22 = arith.constant 0 : index
    %get3A_23 = arith.constant 0 : index
    %get3A_24 = vector.load %arg4[%get3A_21, %get3A_22, %get3A_23] : memref<8x128x128xf32, #tpu.memory_space<vmem>>, vector<1x128x128xf32>
    %get3A_25 = vector.shape_cast %get3A_24 : vector<1x128x128xf32> to vector<128x128xf32>
    %dot_general3A_26 = arith.constant dense<0.000000e+00> : vector<512x128xf32>
    %dot_general3A_27 = tpu.matmul %get3A_14, %get3A_25, %dot_general3A_26 {dimension_numbers = #tpu.dot_dimension_numbers<[1], [0], [0], [1], [0, 0, 1, 1], [], []>, precision = #tpu.contract_precision<fp32>, transpose_lhs_hint = false} : vector<512x128xf32>, vector<128x128xf32>, vector<512x128xf32> -> vector<512x128xf32>
    %add3A = arith.addf %dot_general3A_20, %dot_general3A_27 : vector<512x128xf32>
    %get3A_28 = arith.constant 2 : index
    %get3A_29 = arith.constant 0 : index
    %get3A_30 = arith.constant 0 : index
    %get3A_31 = vector.load %arg4[%get3A_28, %get3A_29, %get3A_30] : memref<8x128x128xf32, #tpu.memory_space<vmem>>, vector<1x128x128xf32>
    %get3A_32 = vector.shape_cast %get3A_31 : vector<1x128x128xf32> to vector<128x128xf32>
    %dot_general3A_33 = arith.constant dense<0.000000e+00> : vector<512x128xf32>
    %dot_general3A_34 = tpu.matmul %get3A_1, %get3A_32, %dot_general3A_33 {dimension_numbers = #tpu.dot_dimension_numbers<[1], [0], [0], [1], [0, 0, 1, 1], [], []>, precision = #tpu.contract_precision<fp32>, transpose_lhs_hint = false} : vector<512x128xf32>, vector<128x128xf32>, vector<512x128xf32> -> vector<512x128xf32>
    %add3A_35 = arith.addf %add3A, %dot_general3A_34 : vector<512x128xf32>
    %get3A_36 = arith.constant 3 : index
    %get3A_37 = arith.constant 0 : index
    %get3A_38 = arith.constant 0 : index
    %get3A_39 = vector.load %arg4[%get3A_36, %get3A_37, %get3A_38] : memref<8x128x128xf32, #tpu.memory_space<vmem>>, vector<1x128x128xf32>
    %get3A_40 = vector.shape_cast %get3A_39 : vector<1x128x128xf32> to vector<128x128xf32>
    %dot_general3A_41 = arith.constant dense<0.000000e+00> : vector<512x128xf32>
    %dot_general3A_42 = tpu.matmul %get3A_4, %get3A_40, %dot_general3A_41 {dimension_numbers = #tpu.dot_dimension_numbers<[1], [0], [0], [1], [0, 0, 1, 1], [], []>, precision = #tpu.contract_precision<fp32>, transpose_lhs_hint = false} : vector<512x128xf32>, vector<128x128xf32>, vector<512x128xf32> -> vector<512x128xf32>
    %add3A_43 = arith.addf %add3A_35, %dot_general3A_42 : vector<512x128xf32>
    %get3A_44 = arith.constant 4 : index
    %get3A_45 = arith.constant 0 : index
    %get3A_46 = arith.constant 0 : index
    %get3A_47 = vector.load %arg4[%get3A_44, %get3A_45, %get3A_46] : memref<8x128x128xf32, #tpu.memory_space<vmem>>, vector<1x128x128xf32>
    %get3A_48 = vector.shape_cast %get3A_47 : vector<1x128x128xf32> to vector<128x128xf32>
    %dot_general3A_49 = arith.constant dense<0.000000e+00> : vector<512x128xf32>
    %dot_general3A_50 = tpu.matmul %get3A_9, %get3A_48, %dot_general3A_49 {dimension_numbers = #tpu.dot_dimension_numbers<[1], [0], [0], [1], [0, 0, 1, 1], [], []>, precision = #tpu.contract_precision<fp32>, transpose_lhs_hint = false} : vector<512x128xf32>, vector<128x128xf32>, vector<512x128xf32> -> vector<512x128xf32>
    %get3A_51 = arith.constant 5 : index
    %get3A_52 = arith.constant 0 : index
    %get3A_53 = arith.constant 0 : index
    %get3A_54 = vector.load %arg4[%get3A_51, %get3A_52, %get3A_53] : memref<8x128x128xf32, #tpu.memory_space<vmem>>, vector<1x128x128xf32>
    %get3A_55 = vector.shape_cast %get3A_54 : vector<1x128x128xf32> to vector<128x128xf32>
    %dot_general3A_56 = arith.constant dense<0.000000e+00> : vector<512x128xf32>
    %dot_general3A_57 = tpu.matmul %get3A_14, %get3A_55, %dot_general3A_56 {dimension_numbers = #tpu.dot_dimension_numbers<[1], [0], [0], [1], [0, 0, 1, 1], [], []>, precision = #tpu.contract_precision<fp32>, transpose_lhs_hint = false} : vector<512x128xf32>, vector<128x128xf32>, vector<512x128xf32> -> vector<512x128xf32>
    %add3A_58 = arith.addf %dot_general3A_50, %dot_general3A_57 : vector<512x128xf32>
    %get3A_59 = arith.constant 6 : index
    %get3A_60 = arith.constant 0 : index
    %get3A_61 = arith.constant 0 : index
    %get3A_62 = vector.load %arg4[%get3A_59, %get3A_60, %get3A_61] : memref<8x128x128xf32, #tpu.memory_space<vmem>>, vector<1x128x128xf32>
    %get3A_63 = vector.shape_cast %get3A_62 : vector<1x128x128xf32> to vector<128x128xf32>
    %dot_general3A_64 = arith.constant dense<0.000000e+00> : vector<512x128xf32>
    %dot_general3A_65 = tpu.matmul %get3A_1, %get3A_63, %dot_general3A_64 {dimension_numbers = #tpu.dot_dimension_numbers<[1], [0], [0], [1], [0, 0, 1, 1], [], []>, precision = #tpu.contract_precision<fp32>, transpose_lhs_hint = false} : vector<512x128xf32>, vector<128x128xf32>, vector<512x128xf32> -> vector<512x128xf32>
    %add3A_66 = arith.addf %add3A_58, %dot_general3A_65 : vector<512x128xf32>
    %get3A_67 = arith.constant 7 : index
    %get3A_68 = arith.constant 0 : index
    %get3A_69 = arith.constant 0 : index
    %get3A_70 = vector.load %arg4[%get3A_67, %get3A_68, %get3A_69] : memref<8x128x128xf32, #tpu.memory_space<vmem>>, vector<1x128x128xf32>
    %get3A_71 = vector.shape_cast %get3A_70 : vector<1x128x128xf32> to vector<128x128xf32>
    %dot_general3A_72 = arith.constant dense<0.000000e+00> : vector<512x128xf32>
    %dot_general3A_73 = tpu.matmul %get3A_4, %get3A_71, %dot_general3A_72 {dimension_numbers = #tpu.dot_dimension_numbers<[1], [0], [0], [1], [0, 0, 1, 1], [], []>, precision = #tpu.contract_precision<fp32>, transpose_lhs_hint = false} : vector<512x128xf32>, vector<128x128xf32>, vector<512x128xf32> -> vector<512x128xf32>
    %add3A_74 = arith.addf %add3A_66, %dot_general3A_73 : vector<512x128xf32>
    %max3A = arith.constant 0.000000e+00 : f32
    %max3A_75 = vector.broadcast %max3A : f32 to vector<512x128xf32>
    %max3A_76 = arith.maximumf %add3A_43, %max3A_75 : vector<512x128xf32>
    %add3A_77 = arith.addf %get3A_1, %max3A_76 : vector<512x128xf32>
    %max3A_78 = arith.constant 0.000000e+00 : f32
    %max3A_79 = vector.broadcast %max3A_78 : f32 to vector<512x128xf32>
    %max3A_80 = arith.maximumf %add3A_74, %max3A_79 : vector<512x128xf32>
    %add3A_81 = arith.addf %get3A_4, %max3A_80 : vector<512x128xf32>
    %swap3A = arith.constant 0 : index
    %swap3A_82 = arith.constant 0 : index
    %swap3A_83 = vector.load %arg5[%swap3A, %swap3A_82] : memref<512x128xf32, #tpu.memory_space<vmem>>, vector<512x128xf32>
    tpu.vector_store %arg5[%swap3A, %swap3A_82], %add3A_77 {strides = array<i32>} : memref<512x128xf32, #tpu.memory_space<vmem>>, vector<512x128xf32>,
    %swap3A_84 = arith.constant 0 : index
    %swap3A_85 = arith.constant 0 : index
    %swap3A_86 = vector.load %arg6[%swap3A_84, %swap3A_85] : memref<512x128xf32, #tpu.memory_space<vmem>>, vector<512x128xf32>
    tpu.vector_store %arg6[%swap3A_84, %swap3A_85], %add3A_81 {strides = array<i32>} : memref<512x128xf32, #tpu.memory_space<vmem>>, vector<512x128xf32>,
    %eq3A = arith.constant 0 : i32
    %eq3A_87 = arith.cmpi eq, %arg0, %eq3A : i32
    %convert_element_type3A = arith.extui %eq3A_87 : i1 to i32
    %cond3A = arith.constant 0 : i32
    %cond3A_88 = arith.cmpi ne, %convert_element_type3A, %cond3A : i32
    scf.if %cond3A_88 {
      %broadcast_in_dim3A = arith.constant 0.000000e+00 : f32
      %broadcast_in_dim3A_110 = vector.broadcast %broadcast_in_dim3A : f32 to vector<8x128xf32>
      %swap3A_111 = arith.constant 0 : index
      %swap3A_112 = arith.constant 0 : index
      %swap3A_113 = vector.load %arg7[%swap3A_111, %swap3A_112] : memref<8x128xf32, #tpu.memory_space<vmem>>, vector<8x128xf32>
      tpu.vector_store %arg7[%swap3A_111, %swap3A_112], %broadcast_in_dim3A_110 {strides = array<i32>} : memref<8x128xf32, #tpu.memory_space<vmem>>, vector<8x128xf32>,
    } else {
    }
    %reduce_sum3A = arith.constant dense<0.000000e+00> : vector<128xf32>
    %reduce_sum3A_89 = vector.multi_reduction <add>, %add3A_77, %reduce_sum3A [0] : vector<512x128xf32> to vector<128xf32>
    %reduce_sum3A_90 = arith.constant dense<0.000000e+00> : vector<128xf32>
    %reduce_sum3A_91 = vector.multi_reduction <add>, %add3A_81, %reduce_sum3A_90 [0] : vector<512x128xf32> to vector<128xf32>
    %mul3A = arith.mulf %add3A_77, %add3A_77 : vector<512x128xf32>
    %reduce_sum3A_92 = arith.constant dense<0.000000e+00> : vector<128xf32>
    %reduce_sum3A_93 = vector.multi_reduction <add>, %mul3A, %reduce_sum3A_92 [0] : vector<512x128xf32> to vector<128xf32>
    %mul3A_94 = arith.mulf %add3A_81, %add3A_81 : vector<512x128xf32>
    %reduce_sum3A_95 = arith.constant dense<0.000000e+00> : vector<128xf32>
    %reduce_sum3A_96 = vector.multi_reduction <add>, %mul3A_94, %reduce_sum3A_95 [0] : vector<512x128xf32> to vector<128xf32>
    %stack3A = vector.shape_cast %reduce_sum3A_89 : vector<128xf32> to vector<1x128xf32>
    %stack3A_97 = vector.shape_cast %reduce_sum3A_91 : vector<128xf32> to vector<1x128xf32>
    %stack3A_98 = vector.shape_cast %reduce_sum3A_93 : vector<128xf32> to vector<1x128xf32>
    %stack3A_99 = vector.shape_cast %reduce_sum3A_96 : vector<128xf32> to vector<1x128xf32>
    %stack3A_100 = tpu.concatenate %stack3A, %stack3A_97, %stack3A_98, %stack3A_99 in 0 : vector<1x128xf32>, vector<1x128xf32>, vector<1x128xf32>, vector<1x128xf32> -> vector<4x128xf32>
    %get3A_101 = arith.constant 0 : index
    %get3A_102 = arith.constant 0 : index
    %get3A_103 = vector.load %arg7[%get3A_101, %get3A_102] : memref<8x128xf32, #tpu.memory_space<vmem>>, vector<8x128xf32>
    %jit3A = arith.constant 0 : i32
    %convert_element_type3A_104 = arith.sitofp %jit3A : i32 to f32
    %pad3A = vector.broadcast %convert_element_type3A_104 : f32 to vector<4x128xf32>
    %pad3A_105 = tpu.concatenate %stack3A_100, %pad3A in 0 : vector<4x128xf32>, vector<4x128xf32> -> vector<8x128xf32>
    %add3A_106 = arith.addf %get3A_103, %pad3A_105 : vector<8x128xf32>
    %swap3A_107 = arith.constant 0 : index
    %swap3A_108 = arith.constant 0 : index
    %swap3A_109 = vector.load %arg7[%swap3A_107, %swap3A_108] : memref<8x128xf32, #tpu.memory_space<vmem>>, vector<8x128xf32>
    tpu.vector_store %arg7[%swap3A_107, %swap3A_108], %add3A_106 {strides = array<i32>} : memref<8x128xf32, #tpu.memory_space<vmem>>, vector<8x128xf32>,
    return
  }
  func.func @transform_0(%arg0: i32) -> (i32, i32) {
    %c0_i32 = arith.constant 0 : i32
    %c0_i32_0 = arith.constant 0 : i32
    return %arg0, %c0_i32 : i32, i32
  }
  func.func @transform_1(%arg0: i32) -> (i32, i32) {
    %c0_i32 = arith.constant 0 : i32
    %c0_i32_0 = arith.constant 0 : i32
    return %arg0, %c0_i32 : i32, i32
  }
  func.func @transform_2(%arg0: i32) -> (i32, i32, i32) {
    %c0_i32 = arith.constant 0 : i32
    %c0_i32_0 = arith.constant 0 : i32
    %c0_i32_1 = arith.constant 0 : i32
    return %c0_i32, %arg0, %c0_i32_0 : i32, i32, i32
  }
  func.func @transform_3(%arg0: i32) -> (i32, i32, i32) {
    %c0_i32 = arith.constant 0 : i32
    %c0_i32_0 = arith.constant 0 : i32
    %c0_i32_1 = arith.constant 0 : i32
    %c0_i32_2 = arith.constant 0 : i32
    return %c0_i32, %c0_i32_0, %c0_i32_1 : i32, i32, i32
  }
  func.func @transform_4(%arg0: i32) -> (i32, i32) {
    %c0_i32 = arith.constant 0 : i32
    %c0_i32_0 = arith.constant 0 : i32
    return %arg0, %c0_i32 : i32, i32
  }
  func.func @transform_5(%arg0: i32) -> (i32, i32) {
    %c0_i32 = arith.constant 0 : i32
    %c0_i32_0 = arith.constant 0 : i32
    return %arg0, %c0_i32 : i32, i32
  }
  func.func @transform_6(%arg0: i32) -> (i32, i32) {
    %c0_i32 = arith.constant 0 : i32
    %c0_i32_0 = arith.constant 0 : i32
    %c0_i32_1 = arith.constant 0 : i32
    return %c0_i32, %c0_i32_0 : i32, i32
  }
}

module attributes {stable_mosaic.version = 14 : i64} {
  func.func @_head_body(%arg0: i32, %arg1: memref<512x128xf32, #tpu.memory_space<vmem>>, %arg2: memref<512x128xf32, #tpu.memory_space<vmem>>, %arg3: memref<4x128xf32, #tpu.memory_space<vmem>>, %arg4: memref<128x160xf32, #tpu.memory_space<vmem>>, %arg5: memref<128x160xf32, #tpu.memory_space<vmem>>, %arg6: memref<1x160xf32, #tpu.memory_space<vmem>>, %arg7: memref<128x256xf32, #tpu.memory_space<vmem>>, %arg8: memref<128x256xf32, #tpu.memory_space<vmem>>, %arg9: memref<1x256xf32, #tpu.memory_space<vmem>>, %arg10: memref<256x256xf32, #tpu.memory_space<vmem>>, %arg11: memref<1x256xf32, #tpu.memory_space<vmem>>, %arg12: memref<256x24xf32, #tpu.memory_space<vmem>>, %arg13: memref<1x24xf32, #tpu.memory_space<vmem>>, %arg14: memref<512x160xf32, #tpu.memory_space<vmem>>, %arg15: memref<512x256xf32, #tpu.memory_space<vmem>>, %arg16: memref<512x24xf32, #tpu.memory_space<vmem>>) attributes {dimension_semantics = [#tpu.dimension_semantics<arbitrary>], iteration_bounds = array<i64: 25>, scalar_prefetch = 0 : i64, scratch_operands = 0 : i64, tpu.core_type = #tpu.core_type<tc>, window_params = [{transform_indices = @transform_0, window_bounds = array<i64: 512, 128>}, {transform_indices = @transform_1, window_bounds = array<i64: 512, 128>}, {pipeline_mode = #tpu.pipeline_mode<synchronous>, transform_indices = @transform_2, window_bounds = array<i64: 4, 128>}, {pipeline_mode = #tpu.pipeline_mode<synchronous>, transform_indices = @transform_3, window_bounds = array<i64: 128, 160>}, {pipeline_mode = #tpu.pipeline_mode<synchronous>, transform_indices = @transform_4, window_bounds = array<i64: 128, 160>}, {pipeline_mode = #tpu.pipeline_mode<synchronous>, transform_indices = @transform_5, window_bounds = array<i64: 1, 160>}, {pipeline_mode = #tpu.pipeline_mode<synchronous>, transform_indices = @transform_6, window_bounds = array<i64: 128, 256>}, {pipeline_mode = #tpu.pipeline_mode<synchronous>, transform_indices = @transform_7, window_bounds = array<i64: 128, 256>}, {pipeline_mode = #tpu.pipeline_mode<synchronous>, transform_indices = @transform_8, window_bounds = array<i64: 1, 256>}, {pipeline_mode = #tpu.pipeline_mode<synchronous>, transform_indices = @transform_9, window_bounds = array<i64: 256, 256>}, {pipeline_mode = #tpu.pipeline_mode<synchronous>, transform_indices = @transform_10, window_bounds = array<i64: 1, 256>}, {pipeline_mode = #tpu.pipeline_mode<synchronous>, transform_indices = @transform_11, window_bounds = array<i64: 256, 24>}, {pipeline_mode = #tpu.pipeline_mode<synchronous>, transform_indices = @transform_12, window_bounds = array<i64: 1, 24>}, {transform_indices = @transform_13, window_bounds = array<i64: 512, 160>}, {transform_indices = @transform_14, window_bounds = array<i64: 512, 256>}, {transform_indices = @transform_15, window_bounds = array<i64: 512, 24>}]} {
    %get3A = arith.constant 0 : index
    %get3A_0 = arith.constant 0 : index
    %get3A_1 = vector.load %arg1[%get3A, %get3A_0] : memref<512x128xf32, #tpu.memory_space<vmem>>, vector<512x128xf32>
    %get3A_2 = arith.constant 0 : index
    %get3A_3 = arith.constant 0 : index
    %get3A_4 = vector.load %arg3[%get3A_2, %get3A_3] : memref<4x128xf32, #tpu.memory_space<vmem>>, vector<1x128xf32>
    %mul3A = vector.broadcast %get3A_4 : vector<1x128xf32> to vector<512x128xf32>
    %mul3A_5 = arith.mulf %get3A_1, %mul3A : vector<512x128xf32>
    %get3A_6 = arith.constant 1 : index
    %get3A_7 = arith.constant 0 : index
    %get3A_8 = vector.load %arg3[%get3A_6, %get3A_7] : memref<4x128xf32, #tpu.memory_space<vmem>>, vector<1x128xf32>
    %add3A = vector.broadcast %get3A_8 : vector<1x128xf32> to vector<512x128xf32>
    %add3A_9 = arith.addf %mul3A_5, %add3A : vector<512x128xf32>
    %max3A = arith.constant 0.000000e+00 : f32
    %max3A_10 = vector.broadcast %max3A : f32 to vector<512x128xf32>
    %max3A_11 = arith.maximumf %add3A_9, %max3A_10 : vector<512x128xf32>
    %get3A_12 = arith.constant 0 : index
    %get3A_13 = arith.constant 0 : index
    %get3A_14 = vector.load %arg2[%get3A_12, %get3A_13] : memref<512x128xf32, #tpu.memory_space<vmem>>, vector<512x128xf32>
    %get3A_15 = arith.constant 2 : index
    %get3A_16 = arith.constant 0 : index
    %get3A_17 = vector.load %arg3[%get3A_15, %get3A_16] : memref<4x128xf32, #tpu.memory_space<vmem>>, vector<1x128xf32>
    %mul3A_18 = vector.broadcast %get3A_17 : vector<1x128xf32> to vector<512x128xf32>
    %mul3A_19 = arith.mulf %get3A_14, %mul3A_18 : vector<512x128xf32>
    %get3A_20 = arith.constant 3 : index
    %get3A_21 = arith.constant 0 : index
    %get3A_22 = vector.load %arg3[%get3A_20, %get3A_21] : memref<4x128xf32, #tpu.memory_space<vmem>>, vector<1x128xf32>
    %add3A_23 = vector.broadcast %get3A_22 : vector<1x128xf32> to vector<512x128xf32>
    %add3A_24 = arith.addf %mul3A_19, %add3A_23 : vector<512x128xf32>
    %max3A_25 = arith.constant 0.000000e+00 : f32
    %max3A_26 = vector.broadcast %max3A_25 : f32 to vector<512x128xf32>
    %max3A_27 = arith.maximumf %add3A_24, %max3A_26 : vector<512x128xf32>
    %get3A_28 = arith.constant 0 : index
    %get3A_29 = arith.constant 0 : index
    %get3A_30 = vector.load %arg4[%get3A_28, %get3A_29] : memref<128x160xf32, #tpu.memory_space<vmem>>, vector<128x160xf32>
    %dot_general3A = arith.constant dense<0.000000e+00> : vector<512x160xf32>
    %dot_general3A_31 = tpu.matmul %max3A_11, %get3A_30, %dot_general3A {dimension_numbers = #tpu.dot_dimension_numbers<[1], [0], [0], [1], [0, 0, 1, 1], [], []>, precision = #tpu.contract_precision<fp32>, transpose_lhs_hint = false} : vector<512x128xf32>, vector<128x160xf32>, vector<512x160xf32> -> vector<512x160xf32>
    %get3A_32 = arith.constant 0 : index
    %get3A_33 = arith.constant 0 : index
    %get3A_34 = vector.load %arg5[%get3A_32, %get3A_33] : memref<128x160xf32, #tpu.memory_space<vmem>>, vector<128x160xf32>
    %dot_general3A_35 = arith.constant dense<0.000000e+00> : vector<512x160xf32>
    %dot_general3A_36 = tpu.matmul %max3A_27, %get3A_34, %dot_general3A_35 {dimension_numbers = #tpu.dot_dimension_numbers<[1], [0], [0], [1], [0, 0, 1, 1], [], []>, precision = #tpu.contract_precision<fp32>, transpose_lhs_hint = false} : vector<512x128xf32>, vector<128x160xf32>, vector<512x160xf32> -> vector<512x160xf32>
    %add3A_37 = arith.addf %dot_general3A_31, %dot_general3A_36 : vector<512x160xf32>
    %get3A_38 = arith.constant 0 : index
    %get3A_39 = arith.constant 0 : index
    %get3A_40 = vector.load %arg6[%get3A_38, %get3A_39] : memref<1x160xf32, #tpu.memory_space<vmem>>, vector<1x160xf32>
    %add3A_41 = vector.broadcast %get3A_40 : vector<1x160xf32> to vector<512x160xf32>
    %add3A_42 = arith.addf %add3A_37, %add3A_41 : vector<512x160xf32>
    %swap3A = arith.constant 0 : index
    %swap3A_43 = arith.constant 0 : index
    %swap3A_44 = vector.load %arg14[%swap3A, %swap3A_43] : memref<512x160xf32, #tpu.memory_space<vmem>>, vector<512x160xf32>
    tpu.vector_store %arg14[%swap3A, %swap3A_43], %add3A_42 {strides = array<i32>} : memref<512x160xf32, #tpu.memory_space<vmem>>, vector<512x160xf32>,
    %get3A_45 = arith.constant 0 : index
    %get3A_46 = arith.constant 0 : index
    %get3A_47 = vector.load %arg7[%get3A_45, %get3A_46] : memref<128x256xf32, #tpu.memory_space<vmem>>, vector<128x256xf32>
    %dot_general3A_48 = arith.constant dense<0.000000e+00> : vector<512x256xf32>
    %dot_general3A_49 = tpu.matmul %max3A_11, %get3A_47, %dot_general3A_48 {dimension_numbers = #tpu.dot_dimension_numbers<[1], [0], [0], [1], [0, 0, 1, 1], [], []>, precision = #tpu.contract_precision<fp32>, transpose_lhs_hint = false} : vector<512x128xf32>, vector<128x256xf32>, vector<512x256xf32> -> vector<512x256xf32>
    %get3A_50 = arith.constant 0 : index
    %get3A_51 = arith.constant 0 : index
    %get3A_52 = vector.load %arg8[%get3A_50, %get3A_51] : memref<128x256xf32, #tpu.memory_space<vmem>>, vector<128x256xf32>
    %dot_general3A_53 = arith.constant dense<0.000000e+00> : vector<512x256xf32>
    %dot_general3A_54 = tpu.matmul %max3A_27, %get3A_52, %dot_general3A_53 {dimension_numbers = #tpu.dot_dimension_numbers<[1], [0], [0], [1], [0, 0, 1, 1], [], []>, precision = #tpu.contract_precision<fp32>, transpose_lhs_hint = false} : vector<512x128xf32>, vector<128x256xf32>, vector<512x256xf32> -> vector<512x256xf32>
    %add3A_55 = arith.addf %dot_general3A_49, %dot_general3A_54 : vector<512x256xf32>
    %get3A_56 = arith.constant 0 : index
    %get3A_57 = arith.constant 0 : index
    %get3A_58 = vector.load %arg9[%get3A_56, %get3A_57] : memref<1x256xf32, #tpu.memory_space<vmem>>, vector<1x256xf32>
    %add3A_59 = vector.broadcast %get3A_58 : vector<1x256xf32> to vector<512x256xf32>
    %add3A_60 = arith.addf %add3A_55, %add3A_59 : vector<512x256xf32>
    %swap3A_61 = arith.constant 0 : index
    %swap3A_62 = arith.constant 0 : index
    %swap3A_63 = vector.load %arg15[%swap3A_61, %swap3A_62] : memref<512x256xf32, #tpu.memory_space<vmem>>, vector<512x256xf32>
    tpu.vector_store %arg15[%swap3A_61, %swap3A_62], %add3A_60 {strides = array<i32>} : memref<512x256xf32, #tpu.memory_space<vmem>>, vector<512x256xf32>,
    %get3A_64 = arith.constant 0 : index
    %get3A_65 = arith.constant 0 : index
    %get3A_66 = vector.load %arg10[%get3A_64, %get3A_65] : memref<256x256xf32, #tpu.memory_space<vmem>>, vector<256x256xf32>
    %dot_general3A_67 = arith.constant dense<0.000000e+00> : vector<512x256xf32>
    %dot_general3A_68 = tpu.matmul %add3A_60, %get3A_66, %dot_general3A_67 {dimension_numbers = #tpu.dot_dimension_numbers<[1], [0], [0], [1], [0, 0, 1, 1], [], []>, precision = #tpu.contract_precision<fp32>, transpose_lhs_hint = false} : vector<512x256xf32>, vector<256x256xf32>, vector<512x256xf32> -> vector<512x256xf32>
    %get3A_69 = arith.constant 0 : index
    %get3A_70 = arith.constant 0 : index
    %get3A_71 = vector.load %arg11[%get3A_69, %get3A_70] : memref<1x256xf32, #tpu.memory_space<vmem>>, vector<1x256xf32>
    %add3A_72 = vector.broadcast %get3A_71 : vector<1x256xf32> to vector<512x256xf32>
    %add3A_73 = arith.addf %dot_general3A_68, %add3A_72 : vector<512x256xf32>
    %max3A_74 = arith.constant 0.000000e+00 : f32
    %max3A_75 = vector.broadcast %max3A_74 : f32 to vector<512x256xf32>
    %max3A_76 = arith.maximumf %add3A_73, %max3A_75 : vector<512x256xf32>
    %get3A_77 = arith.constant 0 : index
    %get3A_78 = arith.constant 0 : index
    %get3A_79 = vector.load %arg12[%get3A_77, %get3A_78] : memref<256x24xf32, #tpu.memory_space<vmem>>, vector<256x24xf32>
    %dot_general3A_80 = arith.constant dense<0.000000e+00> : vector<512x24xf32>
    %dot_general3A_81 = tpu.matmul %max3A_76, %get3A_79, %dot_general3A_80 {dimension_numbers = #tpu.dot_dimension_numbers<[1], [0], [0], [1], [0, 0, 1, 1], [], []>, precision = #tpu.contract_precision<fp32>, transpose_lhs_hint = false} : vector<512x256xf32>, vector<256x24xf32>, vector<512x24xf32> -> vector<512x24xf32>
    %get3A_82 = arith.constant 0 : index
    %get3A_83 = arith.constant 0 : index
    %get3A_84 = vector.load %arg13[%get3A_82, %get3A_83] : memref<1x24xf32, #tpu.memory_space<vmem>>, vector<1x24xf32>
    %add3A_85 = vector.broadcast %get3A_84 : vector<1x24xf32> to vector<512x24xf32>
    %add3A_86 = arith.addf %dot_general3A_81, %add3A_85 : vector<512x24xf32>
    %swap3A_87 = arith.constant 0 : index
    %swap3A_88 = arith.constant 0 : index
    %swap3A_89 = vector.load %arg16[%swap3A_87, %swap3A_88] : memref<512x24xf32, #tpu.memory_space<vmem>>, vector<512x24xf32>
    tpu.vector_store %arg16[%swap3A_87, %swap3A_88], %add3A_86 {strides = array<i32>} : memref<512x24xf32, #tpu.memory_space<vmem>>, vector<512x24xf32>,
    return
  }
  func.func @transform_0(%arg0: i32) -> (i32, i32) {
    %c0_i32 = arith.constant 0 : i32
    %c0_i32_0 = arith.constant 0 : i32
    return %arg0, %c0_i32 : i32, i32
  }
  func.func @transform_1(%arg0: i32) -> (i32, i32) {
    %c0_i32 = arith.constant 0 : i32
    %c0_i32_0 = arith.constant 0 : i32
    return %arg0, %c0_i32 : i32, i32
  }
  func.func @transform_2(%arg0: i32) -> (i32, i32) {
    %c0_i32 = arith.constant 0 : i32
    %c0_i32_0 = arith.constant 0 : i32
    %c0_i32_1 = arith.constant 0 : i32
    return %c0_i32, %c0_i32_0 : i32, i32
  }
  func.func @transform_3(%arg0: i32) -> (i32, i32) {
    %c0_i32 = arith.constant 0 : i32
    %c0_i32_0 = arith.constant 0 : i32
    %c0_i32_1 = arith.constant 0 : i32
    return %c0_i32, %c0_i32_0 : i32, i32
  }
  func.func @transform_4(%arg0: i32) -> (i32, i32) {
    %c0_i32 = arith.constant 0 : i32
    %c0_i32_0 = arith.constant 0 : i32
    %c0_i32_1 = arith.constant 0 : i32
    return %c0_i32, %c0_i32_0 : i32, i32
  }
  func.func @transform_5(%arg0: i32) -> (i32, i32) {
    %c0_i32 = arith.constant 0 : i32
    %c0_i32_0 = arith.constant 0 : i32
    %c0_i32_1 = arith.constant 0 : i32
    return %c0_i32, %c0_i32_0 : i32, i32
  }
  func.func @transform_6(%arg0: i32) -> (i32, i32) {
    %c0_i32 = arith.constant 0 : i32
    %c0_i32_0 = arith.constant 0 : i32
    %c0_i32_1 = arith.constant 0 : i32
    return %c0_i32, %c0_i32_0 : i32, i32
  }
  func.func @transform_7(%arg0: i32) -> (i32, i32) {
    %c0_i32 = arith.constant 0 : i32
    %c0_i32_0 = arith.constant 0 : i32
    %c0_i32_1 = arith.constant 0 : i32
    return %c0_i32, %c0_i32_0 : i32, i32
  }
  func.func @transform_8(%arg0: i32) -> (i32, i32) {
    %c0_i32 = arith.constant 0 : i32
    %c0_i32_0 = arith.constant 0 : i32
    %c0_i32_1 = arith.constant 0 : i32
    return %c0_i32, %c0_i32_0 : i32, i32
  }
  func.func @transform_9(%arg0: i32) -> (i32, i32) {
    %c0_i32 = arith.constant 0 : i32
    %c0_i32_0 = arith.constant 0 : i32
    %c0_i32_1 = arith.constant 0 : i32
    return %c0_i32, %c0_i32_0 : i32, i32
  }
  func.func @transform_10(%arg0: i32) -> (i32, i32) {
    %c0_i32 = arith.constant 0 : i32
    %c0_i32_0 = arith.constant 0 : i32
    %c0_i32_1 = arith.constant 0 : i32
    return %c0_i32, %c0_i32_0 : i32, i32
  }
  func.func @transform_11(%arg0: i32) -> (i32, i32) {
    %c0_i32 = arith.constant 0 : i32
    %c0_i32_0 = arith.constant 0 : i32
    %c0_i32_1 = arith.constant 0 : i32
    return %c0_i32, %c0_i32_0 : i32, i32
  }
  func.func @transform_12(%arg0: i32) -> (i32, i32) {
    %c0_i32 = arith.constant 0 : i32
    %c0_i32_0 = arith.constant 0 : i32
    %c0_i32_1 = arith.constant 0 : i32
    return %c0_i32, %c0_i32_0 : i32, i32
  }
  func.func @transform_13(%arg0: i32) -> (i32, i32) {
    %c0_i32 = arith.constant 0 : i32
    %c0_i32_0 = arith.constant 0 : i32
    return %arg0, %c0_i32 : i32, i32
  }
  func.func @transform_14(%arg0: i32) -> (i32, i32) {
    %c0_i32 = arith.constant 0 : i32
    %c0_i32_0 = arith.constant 0 : i32
    return %arg0, %c0_i32 : i32, i32
  }
  func.func @transform_15(%arg0: i32) -> (i32, i32) {
    %c0_i32 = arith.constant 0 : i32
    %c0_i32_0 = arith.constant 0 : i32
    return %arg0, %c0_i32 : i32, i32
  }
}

</mosaic_0001>

<sc_bundles>
// kernel: kernel.12.cloned.1.call-start
scs
__scs_entry_jumppad:
0x0: {  	(pc) =	sbr.rel $0x88, $3  }
0x1: {  	(tag) =	ssettag $0x0;
	lr =	simm.s32 $0x1  }
0x2: {  	[smem:$0x3F8F] =	sst lr;
	_ =	strace $0xD0000000  }
0x3: {  	_ = 	snop  }
0x4: {  	_ = 	snop  }
0x5: {  	_ = 	snop  }
0x6: {  	_ = 	snop  }
0x7: {  	_ = 	snop  }
__scs_overlays_trampoline_lowered:
0x8: {  	[smem:$0x3F9E] =	sst s0  }
0x9: {  	[smem:$0x3F9F] =	sst s1  }
0xa: {  	[smem:$0x3FA0] =	sst s2  }
0xb: {  	[smem:$0x3FA1] =	sst s3  }
0xc: {  	[smem:$0x3FA2] =	sst s4  }
0xd: {  	[smem:$0x3FA3] =	sst s5  }
0xe: {  	[smem:$0x3FA4] =	sst s6  }
0xf: {  	[smem:$0x3FA5] =	sst s7  }
0x10: {  	[smem:$0x3FA6] =	sst s8  }
0x11: {  	[smem:$0x3FA7] =	sst s9;
	s0 =	simm.s32 @!p0 $0x0  }
0x12: {  	s1 =	sld [smem:$0x3F8D];
	s0 =	simm.s32 @p0 $0x1  }
0x13: {  	[smem:$0x3FA8] =	sst s0;
	s0 =	simm.s32 @!p1 $0x0  }
0x14: {  	s2 =	sld [smem:$0x3F8C];
	s0 =	simm.s32 @p1 $0x1  }
0x15: {  	[smem:$0x3FA9] =	sst s0;
	s0 =	simm.s32 @!p2 $0x0  }
0x16: {  	s3 =	sld [smem:$0x3FDB];
	s0 =	simm.s32 @p2 $0x1  }
0x17: {  	s4 =	simm.s32 $0x1BF5;
	[smem:$0x3FAB] =	sst s0  }
0x18: {  	s0 =	sld [smem:$0x3F8E];
	_ =	swait.ge [sflag:s4], $0x0  }
0x19: {  	s7 =	sld [smem:$0x3F8F]  }
0x1a: {  	s8 =	sadd.s32 $0xFFFFE003, lr  }
0x1b: {  	s9 =	sadd.s32 $0xFFFFFEF7, lr;
	s5 =	simm.s32 $0xFFFFFFFF;
	p2 =	slt.u32 s8, $0xFFFFF086  }
0x1c: {  	p1 =	slt.u32 s9, $0xF7A;
	s5 =	simm.s32 @!p2 $0x0  }
0x1d: {  	s5 =	simm.s32 @p1 $0x1;
	p0 =	seq.s32 s7, s2  }
0x1e: {  	s7 =	smul.u32 @!p0 $0xF7A, s2;
	p2 =	seq.s32 @!p0 s5, $0x0  }
0x1f: {  	s9 =	smul.u32 $0xF7A, s1;
	s8 =	simm.s32 @!p0 $0x1BF5;
	p2 =	por !p2, p0  }
0x20: {  	[sflag:s8] =	ssyncset.s32 @!p0 $0xFFFFF086;
	s6 =	sadd.s32 @!p0 s3, s7;
	s7 =	simm.s32 @!p0 $0x108  }
0x21: {  	s3 =	sadd.s32 s3, s9;
	s6 =	sadd.s32 @!p0 $0x88, s6;
	s7 =	simm.s32 @p2 $0x1082  }
0x22: {  	[simem:s7], [sflag:s8] =	dma.local @!p0 [hbm:s6], $0xF7A  }
0x23: {  	s9 =	sor.u32 $0xD0000000, s2;
	s6 =	simm.s32 $0x108;
	_ =	swait.ge @!p0 [sflag:s8], $0x0  }
0x24: {  	s3 =	sadd.s32 $0x88, s3;
	s6 =	simm.s32 @!p1 $0x1082;
	[sflag:s4] =	ssyncset.s32 $0xFFFFF086  }
0x25: {  	[simem:s6], [sflag:s4] =	dma.local [hbm:s3], $0xF7A  }
0x26: {  	[smem:$0x3F8F] =	sst s1;
	(tag) =	ssettag s2;
	_ =	strace s9  }
0x27: {  	s1 =	sld [smem:$0x3F9F]  }
0x28: {  	s2 =	sld [smem:$0x3FA0]  }
0x29: {  	s4 =	sld [smem:$0x3FA2]  }
0x2a: {  	p0 =	seq.s32 s5, $0x0;
	s5 =	sld [smem:$0x3FA3]  }
0x2b: {  	s6 =	sld [smem:$0x3FA4]  }
0x2c: {  	s7 =	sld [smem:$0x3FA5]  }
0x2d: {  	s3 =	simm.s32 $0x108;
	s8 =	sld [smem:$0x3FA6]  }
0x2e: {  	s3 =	simm.s32 @!p0 $0x1082;
	s9 =	sld [smem:$0x3FA7]  }
0x2f: {  	lr =	sadd.s32 s0, s3;
	s0 =	sld [smem:$0x3F9E]  }
0x30: {  	s3 =	sld [smem:$0x3FA1]  }
0x31: {  	[smem:$0x3FAA] =	sst s10  }
0x32: {  	s10 =	sld [smem:$0x3FA8];
	_ =	sdelay $0x3  }
0x33: {  	p0 =	seq.s32 s10, $0x1;
	s10 =	sld [smem:$0x3FAA];
	_ =	sdelay $0x3  }
0x34: {  	[smem:$0x3FAA] =	sst s10  }
0x35: {  	s10 =	sld [smem:$0x3FA9];
	_ =	sdelay $0x3  }
0x36: {  	p1 =	seq.s32 s10, $0x1;
	s10 =	sld [smem:$0x3FAA];
	_ =	sdelay $0x3  }
0x37: {  	[smem:$0x3FAA] =	sst s10  }
0x38: {  	s10 =	sld [smem:$0x3FAB]  }
0x39: {  	_ = 	snop;
	(pc) =	sbr.ind lr, $3  }
0x3a: {  	_ = 	snop  }
0x3b: {  	_ = 	snop  }
0x3c: {  	p2 =	seq.s32 s10, $0x1;
	s10 =	sld [smem:$0x3FAA]  }
0x3d: {  	_ =	shalt  }
0x3e: {  	_ =	shalt  }
0x3f: {  	_ =	shalt  }
0x40: {  	_ =	shalt  }
0x41: {  	_ =	shalt  }
0x42: {  	_ =	shalt  }
0x43: {  	_ =	shalt  }
0x44: {  	_ =	shalt  }
0x45: {  	_ =	shalt  }
0x46: {  	_ =	shalt  }
0x47: {  	_ =	shalt  }
0x48: {  	_ =	shalt  }
0x49: {  	_ =	shalt  }
0x4a: {  	_ =	shalt  }
0x4b: {  	_ =	shalt  }
0x4c: {  	_ =	shalt  }
0x4d: {  	_ =	shalt  }
0x4e: {  	_ =	shalt  }
0x4f: {  	_ =	shalt  }
0x50: {  	_ =	shalt  }
0x51: {  	_ =	shalt  }
0x52: {  	_ =	shalt  }
0x53: {  	_ =	shalt  }
0x54: {  	_ =	shalt  }
0x55: {  	_ =	shalt  }
0x56: {  	_ =	shalt  }
0x57: {  	_ =	shalt  }
0x58: {  	_ =	shalt  }
0x59: {  	_ =	shalt  }
0x5a: {  	_ =	shalt  }
0x5b: {  	_ =	shalt  }
0x5c: {  	_ =	shalt  }
0x5d: {  	_ =	shalt  }
0x5e: {  	_ =	shalt  }
0x5f: {  	_ =	shalt  }
0x60: {  	_ =	shalt  }
0x61: {  	_ =	shalt  }
0x62: {  	_ =	shalt  }
0x63: {  	_ =	shalt  }
0x64: {  	_ =	shalt  }
0x65: {  	_ =	shalt  }
0x66: {  	_ =	shalt  }
0x67: {  	_ =	shalt  }
0x68: {  	_ =	shalt  }
0x69: {  	_ =	shalt  }
0x6a: {  	_ =	shalt  }
0x6b: {  	_ =	shalt  }
0x6c: {  	_ =	shalt  }
0x6d: {  	_ =	shalt  }
0x6e: {  	_ =	shalt  }
0x6f: {  	_ =	shalt  }
0x70: {  	_ =	shalt  }
0x71: {  	_ =	shalt  }
0x72: {  	_ =	shalt  }
0x73: {  	_ =	shalt  }
0x74: {  	_ =	shalt  }
0x75: {  	_ =	shalt  }
0x76: {  	_ =	shalt  }
0x77: {  	_ =	shalt  }
0x78: {  	_ =	shalt  }
0x79: {  	_ =	shalt  }
0x7a: {  	_ =	shalt  }
0x7b: {  	_ =	shalt  }
0x7c: {  	_ =	shalt  }
0x7d: {  	_ =	shalt  }
0x7e: {  	_ =	shalt  }
0x7f: {  	_ =	shalt  }
0x80: {  	_ =	shalt  }
0x81: {  	_ =	shalt  }
0x82: {  	_ =	shalt  }
0x83: {  	_ =	shalt  }
0x84: {  	_ =	shalt  }
0x85: {  	_ =	shalt  }
0x86: {  	_ =	shalt  }
0x87: {  	_ =	shalt  }
.Lfunc_end0:
.L_simem_size_0:
called_computation.1_lowered:
.L_overlay_start_0:
0x88: {  	s2 =	sld [smem:$0x3FD9]  }
0x89: {  	s3 =	sld [smem:$0x3FFE];
	_ =	sdelay $0x1  }
0x8a: {  	s1 =	srdreg.scid  }
0x8b: {  	s0 =	sand.u32 $0x1, s1  }
0x8c: {  	s16 =	sshll.u32 s0, $0xA;
	s2 =	sadd.s32 s3, s2  }
0x8d: {  	s2 =	sadd.s32 s2, s16  }
0x8e: {  	[smem:$0x3FB6] =	sst s2  }
0x8f: {  	_ = 	snop  }
0x90: {  	(tm) =	ssettm $0x1  }
0x91: {  	s17 =	sld [smem:$0x3FFB];
	_ =	sdelay $0x3  }
0x92: {  	_ =	strace s17  }
0x93: {  	s2 =	sld [smem:$0x3FFC];
	_ =	sdelay $0x3  }
0x94: {  	_ =	strace s2  }
0x95: {  	s2 =	sld [smem:$0x3FFD];
	_ =	sdelay $0x3  }
0x96: {  	_ =	strace s2  }
0x97: {  	_ =	strace $0x8FFFFFFF  }
0x98: {  	s18 =	sld [smem:$0x3FDB];
	_ =	sdelay $0x1  }
0x99: {  	s19 =	simm.s32 $_scs_section_size  }
0x9a: {  	s4 =	simm.s32 $_size__tile_overlayer_lowered;
	s5 =	simm.s32 $_tile_overlayer_lowered  }
0x9b: {  	s22 =	simm.s32 $0x1BFF;
	s21 =	sshll.u32 s5, $0x1;
	s2 =	sadd.s32 s19, s18  }
0x9c: {  	s6 =	simm.s32 $0x0;
	s20 =	sshll.u32 s4, $0x1;
	s4 =	sadd.s32 s21, s2  }
0x9d: {  	[timem:s6], [sflag:s22] =	dma.local [hbm:s4], s20  }
0x9e: {  	_ =	swait.ge [sflag:s22], s20  }
0x9f: {  	s3 =	ssub.s32 $0x0, s20;
	[sflag:s22] =	ssyncset.done $0x0  }
0xa0: {  	[sflag:s22] =	ssyncadd.s32 s3;
	_ =	sdelay $0x1  }
0xa1: {  	s23 =	simm.s32 $0x1B8B  }
0xa2: {  	_ =	swait.ge [sflag:s23], $0x1  }
0xa3: {  	[sflag:s23] =	ssyncset.done $0x0  }
0xa4: {  	s25 =	simm.s32 $0x1B8E;
	s24 =	sld [smem:$0x3FFE];
	[sflag:s23] =	ssyncadd.s32 $0xFFFFFFFF  }
0xa5: {  	s26 =	simm.s32 $execute0_lowered;
	[smem:$0x3FD2] =	sst s25  }
0xa6: {  	s4 =	sshll.u32 s26, $0x1;
	_ =	strace $0x80000049;
	[dreg:$0x1] =	wrdreg $0xFFFFFFFF  }
0xa7: {  	s28 =	simm.s32 $_size_execute0_lowered;
	s2 =	sadd.s32 s2, s4;
	[dreg:$0x0] =	wrdreg $0x0  }
0xa8: {  	s4 =	sshll.u32 s28, $0x1;
	[dreg:$0x2] =	wrdreg s2  }
0xa9: {  	[dreg:$0x3] =	wrdreg s4  }
0xaa: {  	[dreg:$0x4] =	wrdreg $0xC0  }
0xab: {  	_ =	task [dreg:s6], $0x5FFFF  }
0xac: {  	[dreg:$0x1] =	wrdreg $0xFFFFFFFF  }
0xad: {  	[dreg:$0x0] =	wrdreg $0x60  }
0xae: {  	[dreg:$0x2] =	wrdreg s24  }
0xaf: {  	[dreg:$0x3] =	wrdreg $0x48000  }
0xb0: {  	[dreg:$0x4] =	wrdreg $0x9  }
0xb1: {  	_ =	task.clear_ibuf [dreg:s6], $0x5FFFF;
	_ =	strace $0x90000049  }
0xb2: {  	s29 =	simm.s32 $0x9;
	_ =	strace $0x8000004B  }
0xb3: {  	_ =	swait.ge [sflag:s29], $0x1  }
0xb4: {  	[sflag:s29] =	ssyncadd.s32 $0xFFFFFFFF  }
0xb5: {  	_ =	strace $0x9000004B  }
0xb6: {  	_ =	sfence  }
0xb7: {  	s30 =	sld [smem:$0x0];
	_ =	sdelay $0x2  }
0xb8: {  	s31 =	sshll.u32 s1, $0xD;
	s1 =	sshrl.u32 s1, $0x2  }
0xb9: {  	s3 =	sand.u32 $0x4000, s31;
	s1 =	sadd.s32 s1, s30  }
0xba: {  	s0 =	sor.u32 s3, s0;
	s1 =	sshll.u32 s1, $0x11  }
0xbb: {  	s0 =	sor.u32 s1, s0  }
0xbc: {  	s0 =	sadd.s32 $0x8F2B, s0  }
0xbd: {  	[sflag:s0] =	ssyncadd.remote.s32 $0x1  }
0xbe: {  	_ =	sfence.sel $0xFFFF  }
0xbf: {  	[dreg:$0x0] =	wrdreg $0xFFFFFFFF;
	(pc) =	sbr.abs _section_cstart, $3  }
0xc0: {  	[dreg:$0x1] =	wrdreg $0xFFFFFFFF  }
0xc1: {  	_ =	task.clear_ibuf [dreg:s6], $0x2FFFF;
	_ =	strace $0x9FFFFFFF  }
0xc2: {  	(tm) =	ssettm $0x7FFFFFFF  }
0xc3: {  	_ =	shalt  }
tec
execute0_lowered:
.L_overlay_start_1:
0x0: {  	(tag) =	ssettag $0x1  }
0x1: {  	s9 =	stileid.u32  }
0x2: {  	s4 =	smul.u32 $0x18800, s9  }
0x3: {  	s7 =	smul.u32 $0x19000, s9  }
0x4: {  	s0 =	srdreg.scid;
	s8 =	smul.u32 $0x3100, s9  }
0x5: {  	s1 =	rddreg [dreg:$0x0];
	s0 =	sand.u32 $0x1, s0;
	s9 =	smul.u32 $0x64000, s9  }
0x6: {  	s2 =	rddreg [dreg:$0x1];
	s3 =	simm.s32 $0x0;
	s5 =	smul.u32 $0x188000, s0  }
0x7: {  	[smem:$0x7FF] =	sst s3;
	s24 =	smul.u32 $0x190000, s0  }
0x8: {  	_ =	strace $0x8000004A;
	s0 =	ssub.s32 $0x2, s0;
	s8 =	sadd.s32 s8, s1  }
0x9: {  	s10 =	sshrl.u32 s0, $0x1;
	s25 =	sshrl.u32 s9, $0x2;
	s26 =	sadd.s32 s7, s2  }
0xa: {  	s4 =	sadd.s32 s4, s5;
	s5 =	sadd.s32 s7, s24;
	s0 =	ssub.s32 s0, s10  }
0xb: {  	s22 =	sadd.s32 $0x4600, s8;
	s26 =	sshrl.u32 s26, $0x3;
	s6 =	sshrl.u32 s4, $0x3  }
0xc: {  	s4 =	sadd.s32 $0x35600, s1;
	s5 =	sshrl.u32 s5, $0x3;
	[dreg:$0x3] =	wrdreg s22  }
0xd: {  	s0 =	smax.u32 s0, $0x1;
	[dreg:$0x18] =	wrdreg s26;
	s6 =	sadd.s32 s6, s1  }
0xe: {  	s1 =	sadd.s32 s5, s1;
	s5 =	sadd.s32 s25, s2;
	[dreg:$0x8] =	wrdreg s0  }
0xf: {  	s25 =	simm.s32 $0x100;
	[dreg:$0x7] =	wrdreg s5  }
0x10: {  	s1 =	sadd.s32 $0xFB600, s1;
	[dreg:$0x5] =	wrdreg s25  }
0x11: {  	s9 =	sadd.s32 $0x1900, s5;
	[dreg:$0x6] =	wrdreg s1  }
0x12: {  	s10 =	sadd.s32 $0x3200, s5;
	[dreg:$0x9] =	wrdreg s9  }
0x13: {  	s11 =	sadd.s32 $0x4B00, s5;
	[dreg:$0xa] =	wrdreg s10  }
0x14: {  	s12 =	sadd.s32 $0x6400, s5;
	[dreg:$0xb] =	wrdreg s11  }
0x15: {  	s13 =	sadd.s32 $0x7D00, s5;
	[dreg:$0xc] =	wrdreg s12  }
0x16: {  	s14 =	sadd.s32 $0x9600, s5;
	[dreg:$0xd] =	wrdreg s13  }
0x17: {  	s15 =	sadd.s32 $0xAF00, s5;
	[dreg:$0xe] =	wrdreg s14  }
0x18: {  	s16 =	sadd.s32 $0xC800, s5;
	[dreg:$0xf] =	wrdreg s15  }
0x19: {  	s28 =	simm.s32 $0x80;
	s17 =	sadd.s32 $0xE100, s5;
	[dreg:$0x10] =	wrdreg s16  }
0x1a: {  	s29 =	simm.s32 $0x1000;
	s18 =	sadd.s32 $0xFA00, s5;
	[dreg:$0x11] =	wrdreg s17  }
0x1b: {  	s30 =	simm.s32 $0x1800;
	s19 =	sadd.s32 $0x11300, s5;
	[dreg:$0x12] =	wrdreg s18  }
0x1c: {  	s31 =	simm.s32 $0x180;
	s20 =	sadd.s32 $0x12C00, s5;
	[dreg:$0x13] =	wrdreg s19  }
0x1d: {  	s7 =	simm.s32 $0x280;
	s21 =	sadd.s32 $0x14500, s5;
	[dreg:$0x14] =	wrdreg s20  }
0x1e: {  	s8 =	simm.s32 $0x3000;
	s23 =	sadd.s32 $0x15E00, s5;
	[dreg:$0x15] =	wrdreg s21  }
0x1f: {  	s26 =	simm.s32 $0x400;
	s5 =	sadd.s32 $0x17700, s5;
	[dreg:$0x16] =	wrdreg s23  }
0x20: {  	s0 =	simm.s32 $0x200;
	s24 =	sadd.s32 $0x99600, s6;
	[dreg:$0x17] =	wrdreg s5  }
0x21: {  	[dreg:$0x4] =	wrdreg s24;
	s23 =	simm.s32 $0x800;
	s24 =	simm.s32 $0x2  }
0x22: {  	s1 =	simm.s32 $0x2000;
	s5 =	simm.s32 $0x2800;
	s9 =	simm.s32 $0x300  }
0x23: {  	s10 =	simm.s32 $0x3800;
	s11 =	simm.s32 $0x380;
	s12 =	simm.s32 $0x4000  }
0x24: {  	s13 =	simm.s32 $0x1;
	s14 =	simm.s32 $0x480;
	s15 =	simm.s32 $0x500  }
0x25: {  	s16 =	simm.s32 $0x580;
	s17 =	simm.s32 $0x600;
	s18 =	simm.s32 $0x680  }
0x26: {  	v0 =	vimm.f32 $0.0e+00;
	s19 =	simm.s32 $0x700;
	s20 =	simm.s32 $0x780;
	s21 =	simm.s32 $0x0  }
.LBB2_1:
0x27: {  	s6 =	simm.s32 $0x40;
	s22 =	simm.s32 $0x0  }
.LBB2_2:
0x28: {  	p0 =	sne.s32 s6, $0x63C0;
	[tilespmem:s22+$0x800] =	vst v0;
	s22 =	smov.u32 s6;
	s6 =	sadd.s32 $0x40, s6  }
.Ltmp0:
0x29: {  	(pc) =	sbr.rel @p0 .LBB2_2-.Ltmp0, $2  }
0x2a: {  	_ =	sdelay $0x2  }
0x2b: {  	s22 =	sshra.s32 s22, $0x2  }
0x2c: {  	[dreg:$0x19] =	wrdreg s21  }
0x2d: {  	[tilespmem:s22+$0x800] =	vst v0;
	s6 =	rddreg [dreg:$0x7]  }
0x2e: {  	[spmem:s6] =	stream.linear.scatter [tilespmem:s23], [sflag:$0x2], $0x1900, $0x38;
	[tilespmem:$0x1D800] =	vst v63  }
0x2f: {  	_ =	swait.ge [sflag:s24], $0x1900  }
0x30: {  	[sflag:s24] =	ssyncset.done $0x0  }
0x31: {  	s21 =	rddreg [dreg:$0x9];
	[sflag:s24] =	ssyncadd.s32 $0xFFFFE700  }
0x32: {  	[spmem:s21] =	stream.linear.scatter [tilespmem:s23], [sflag:$0x2], $0x1900, $0x38;
	[tilespmem:$0x1D800] =	vst v63  }
0x33: {  	_ =	swait.ge [sflag:s24], $0x1900  }
0x34: {  	[sflag:s24] =	ssyncset.done $0x0  }
0x35: {  	s22 =	rddreg [dreg:$0xa];
	[sflag:s24] =	ssyncadd.s32 $0xFFFFE700  }
0x36: {  	[spmem:s22] =	stream.linear.scatter [tilespmem:s23], [sflag:$0x2], $0x1900, $0x38;
	[tilespmem:$0x1D800] =	vst v63  }
0x37: {  	_ =	swait.ge [sflag:s24], $0x1900  }
0x38: {  	[sflag:s24] =	ssyncset.done $0x0  }
0x39: {  	s25 =	rddreg [dreg:$0xb];
	[sflag:s24] =	ssyncadd.s32 $0xFFFFE700  }
0x3a: {  	[spmem:s25] =	stream.linear.scatter [tilespmem:s23], [sflag:$0x2], $0x1900, $0x38;
	[tilespmem:$0x1D800] =	vst v63  }
0x3b: {  	_ =	swait.ge [sflag:s24], $0x1900  }
0x3c: {  	[sflag:s24] =	ssyncset.done $0x0  }
0x3d: {  	s21 =	rddreg [dreg:$0xc];
	[sflag:s24] =	ssyncadd.s32 $0xFFFFE700  }
0x3e: {  	[spmem:s21] =	stream.linear.scatter [tilespmem:s23], [sflag:$0x2], $0x1900, $0x38;
	[tilespmem:$0x1D800] =	vst v63  }
0x3f: {  	_ =	swait.ge [sflag:s24], $0x1900  }
0x40: {  	[sflag:s24] =	ssyncset.done $0x0  }
0x41: {  	s22 =	rddreg [dreg:$0xd];
	[sflag:s24] =	ssyncadd.s32 $0xFFFFE700  }
0x42: {  	[spmem:s22] =	stream.linear.scatter [tilespmem:s23], [sflag:$0x2], $0x1900, $0x38;
	[tilespmem:$0x1D800] =	vst v63  }
0x43: {  	_ =	swait.ge [sflag:s24], $0x1900  }
0x44: {  	[sflag:s24] =	ssyncset.done $0x0  }
0x45: {  	s25 =	rddreg [dreg:$0xe];
	[sflag:s24] =	ssyncadd.s32 $0xFFFFE700  }
0x46: {  	[spmem:s25] =	stream.linear.scatter [tilespmem:s23], [sflag:$0x2], $0x1900, $0x38;
	[tilespmem:$0x1D800] =	vst v63  }
0x47: {  	_ =	swait.ge [sflag:s24], $0x1900  }
0x48: {  	[sflag:s24] =	ssyncset.done $0x0  }
0x49: {  	s21 =	rddreg [dreg:$0xf];
	[sflag:s24] =	ssyncadd.s32 $0xFFFFE700  }
0x4a: {  	[spmem:s21] =	stream.linear.scatter [tilespmem:s23], [sflag:$0x2], $0x1900, $0x38;
	[tilespmem:$0x1D800] =	vst v63  }
0x4b: {  	_ =	swait.ge [sflag:s24], $0x1900  }
0x4c: {  	[sflag:s24] =	ssyncset.done $0x0  }
0x4d: {  	s22 =	rddreg [dreg:$0x10];
	[sflag:s24] =	ssyncadd.s32 $0xFFFFE700  }
0x4e: {  	[spmem:s22] =	stream.linear.scatter [tilespmem:s23], [sflag:$0x2], $0x1900, $0x38;
	[tilespmem:$0x1D800] =	vst v63  }
0x4f: {  	_ =	swait.ge [sflag:s24], $0x1900  }
0x50: {  	[sflag:s24] =	ssyncset.done $0x0  }
0x51: {  	s25 =	rddreg [dreg:$0x11];
	[sflag:s24] =	ssyncadd.s32 $0xFFFFE700  }
0x52: {  	[spmem:s25] =	stream.linear.scatter [tilespmem:s23], [sflag:$0x2], $0x1900, $0x38;
	[tilespmem:$0x1D800] =	vst v63  }
0x53: {  	_ =	swait.ge [sflag:s24], $0x1900  }
0x54: {  	[sflag:s24] =	ssyncset.done $0x0  }
0x55: {  	s21 =	rddreg [dreg:$0x12];
	[sflag:s24] =	ssyncadd.s32 $0xFFFFE700  }
0x56: {  	[spmem:s21] =	stream.linear.scatter [tilespmem:s23], [sflag:$0x2], $0x1900, $0x38;
	[tilespmem:$0x1D800] =	vst v63  }
0x57: {  	_ =	swait.ge [sflag:s24], $0x1900  }
0x58: {  	[sflag:s24] =	ssyncset.done $0x0  }
0x59: {  	s22 =	rddreg [dreg:$0x13];
	[sflag:s24] =	ssyncadd.s32 $0xFFFFE700  }
0x5a: {  	[spmem:s22] =	stream.linear.scatter [tilespmem:s23], [sflag:$0x2], $0x1900, $0x38;
	[tilespmem:$0x1D800] =	vst v63  }
0x5b: {  	_ =	swait.ge [sflag:s24], $0x1900  }
0x5c: {  	[sflag:s24] =	ssyncset.done $0x0  }
0x5d: {  	s25 =	rddreg [dreg:$0x14];
	[sflag:s24] =	ssyncadd.s32 $0xFFFFE700  }
0x5e: {  	[spmem:s25] =	stream.linear.scatter [tilespmem:s23], [sflag:$0x2], $0x1900, $0x38;
	[tilespmem:$0x1D800] =	vst v63  }
0x5f: {  	_ =	swait.ge [sflag:s24], $0x1900  }
0x60: {  	[sflag:s24] =	ssyncset.done $0x0  }
0x61: {  	s21 =	rddreg [dreg:$0x15];
	[sflag:s24] =	ssyncadd.s32 $0xFFFFE700  }
0x62: {  	[spmem:s21] =	stream.linear.scatter [tilespmem:s23], [sflag:$0x2], $0x1900, $0x38;
	[tilespmem:$0x1D800] =	vst v63  }
0x63: {  	_ =	swait.ge [sflag:s24], $0x1900  }
0x64: {  	[sflag:s24] =	ssyncset.done $0x0  }
0x65: {  	s22 =	rddreg [dreg:$0x16];
	[sflag:s24] =	ssyncadd.s32 $0xFFFFE700  }
0x66: {  	[spmem:s22] =	stream.linear.scatter [tilespmem:s23], [sflag:$0x2], $0x1900, $0x38;
	[tilespmem:$0x1D800] =	vst v63  }
0x67: {  	_ =	swait.ge [sflag:s24], $0x1900  }
0x68: {  	[sflag:s24] =	ssyncset.done $0x0  }
0x69: {  	s25 =	rddreg [dreg:$0x17];
	[sflag:s24] =	ssyncadd.s32 $0xFFFFE700  }
0x6a: {  	[spmem:s25] =	stream.linear.scatter [tilespmem:s23], [sflag:$0x2], $0x1900, $0x38;
	[tilespmem:$0x1D800] =	vst v63  }
0x6b: {  	_ =	swait.ge [sflag:s24], $0x1900  }
0x6c: {  	[sflag:s24] =	ssyncset.done $0x0  }
0x6d: {  	[sflag:s24] =	ssyncadd.s32 $0xFFFFE700  }
0x6e: {  	[bflag:$0x0] =	sbarrier.arrive $0xFFFF  }
0x6f: {  	s21 =	rddreg [dreg:$0x4]  }
0x70: {  	s6 =	sadd.s32 $0x0, s21  }
0x71: {  	[tilespmem:s3], [sflag:$0x2] =	stream.linear.gather [hbm4b:s6+s3], $0x400, $0x38;
	[tilespmem:$0x1D800] =	vst v63  }
0x72: {  	_ =	swait.ge [sflag:s24], $0x400  }
0x73: {  	s22 =	rddreg [dreg:$0x3];
	[sflag:s24] =	ssyncset.done $0x0  }
0x74: {  	[sflag:s24] =	ssyncadd.s32 $0xFFFFFC00;
	s6 =	sadd.s32 $0x0, s22  }
0x75: {  	[tilespmem:s26], [sflag:$0x2] =	stream.linear.gather [hbm4b:s6+s3], $0x400, $0x38;
	[tilespmem:$0x1D800] =	vst v63  }
0x76: {  	_ =	swait.ge [sflag:s24], $0x400  }
0x77: {  	[sflag:s24] =	ssyncset.done $0x0  }
0x78: {  	[sflag:s24] =	ssyncadd.s32 $0xFFFFFC00  }
0x79: {  	[tilespmem:s23], [sflag:$0x1] =	stream.indirect.gather [hbm4b:s4+s28], $0x10, s3, s28, $0xb8;
	[tilespmem:$0x1D800] =	vst v63  }
0x7a: {  	_ = 	snop  }
0x7b: {  	[tilespmem:s29], [sflag:$0x1] =	stream.indirect.gather [hbm4b:s4+s28], $0x10, s28, s28, $0xb8;
	[tilespmem:$0x1D800] =	vst v63  }
0x7c: {  	s25 =	rddreg [dreg:$0x5]  }
0x7d: {  	[tilespmem:s30], [sflag:$0x1] =	stream.indirect.gather [hbm4b:s4+s28], $0x10, s25, s28, $0xb8;
	[tilespmem:$0x1D800] =	vst v63  }
0x7e: {  	_ = 	snop  }
0x7f: {  	[tilespmem:s1], [sflag:$0x1] =	stream.indirect.gather [hbm4b:s4+s28], $0x10, s31, s28, $0xb8;
	[tilespmem:$0x1D800] =	vst v63  }
0x80: {  	_ = 	snop  }
0x81: {  	[tilespmem:s5], [sflag:$0x1] =	stream.indirect.gather [hbm4b:s4+s28], $0x10, s0, s28, $0xb8;
	[tilespmem:$0x1D800] =	vst v63  }
0x82: {  	_ = 	snop  }
0x83: {  	[tilespmem:s8], [sflag:$0x1] =	stream.indirect.gather [hbm4b:s4+s28], $0x10, s7, s28, $0xb8;
	[tilespmem:$0x1D800] =	vst v63  }
0x84: {  	_ = 	snop  }
0x85: {  	[tilespmem:s10], [sflag:$0x1] =	stream.indirect.gather [hbm4b:s4+s28], $0x10, s9, s28, $0xb8;
	[tilespmem:$0x1D800] =	vst v63  }
0x86: {  	_ = 	snop  }
0x87: {  	[tilespmem:s12], [sflag:$0x1] =	stream.indirect.gather [hbm4b:s4+s28], $0x10, s11, s28, $0xb8;
	[tilespmem:$0x1D800] =	vst v63  }
0x88: {  	_ =	swait.ge [sflag:s13], $0x800  }
0x89: {  	[sflag:s13] =	ssyncset.done $0x0  }
0x8a: {  	[sflag:s13] =	ssyncadd.s32 $0xFFFFF800  }
0x8b: {  	_ =	swait.ge [sflag:s13], $0x800  }
0x8c: {  	[sflag:s13] =	ssyncset.done $0x0  }
0x8d: {  	[sflag:s13] =	ssyncadd.s32 $0xFFFFF800  }
0x8e: {  	_ =	swait.ge [sflag:s13], $0x800  }
0x8f: {  	[sflag:s13] =	ssyncset.done $0x0  }
0x90: {  	[sflag:s13] =	ssyncadd.s32 $0xFFFFF800  }
0x91: {  	_ =	swait.ge [sflag:s13], $0x800  }
0x92: {  	[sflag:s13] =	ssyncset.done $0x0  }
0x93: {  	[sflag:s13] =	ssyncadd.s32 $0xFFFFF800  }
0x94: {  	_ =	swait.ge [sflag:s13], $0x800  }
0x95: {  	[sflag:s13] =	ssyncset.done $0x0  }
0x96: {  	[sflag:s13] =	ssyncadd.s32 $0xFFFFF800  }
0x97: {  	_ =	swait.ge [sflag:s13], $0x800  }
0x98: {  	[sflag:s13] =	ssyncset.done $0x0  }
0x99: {  	[sflag:s13] =	ssyncadd.s32 $0xFFFFF800  }
0x9a: {  	_ =	swait.ge [sflag:s13], $0x800  }
0x9b: {  	[sflag:s13] =	ssyncset.done $0x0  }
0x9c: {  	[sflag:s13] =	ssyncadd.s32 $0xFFFFF800  }
0x9d: {  	_ =	swait.ge [sflag:s13], $0x800  }
0x9e: {  	[sflag:s13] =	ssyncset.done $0x0  }
0x9f: {  	[sflag:s13] =	ssyncadd.s32 $0xFFFFF800  }
0xa0: {  	[spmem:s2] =	stream.indirect.scatter.add.f32 [tilespmem:s23], [sflag:$0x2], $0x10, s26, s28, $0xb8;
	[tilespmem:$0x1D800] =	vst v63  }
0xa1: {  	_ =	swait.ge [sflag:s24], $0x800  }
0xa2: {  	[sflag:s24] =	ssyncset.done $0x0  }
0xa3: {  	[sflag:s24] =	ssyncadd.s32 $0xFFFFF800  }
0xa4: {  	[spmem:s2] =	stream.indirect.scatter.add.f32 [tilespmem:s29], [sflag:$0x2], $0x10, s14, s28, $0xb8;
	[tilespmem:$0x1D800] =	vst v63  }
0xa5: {  	_ =	swait.ge [sflag:s24], $0x800  }
0xa6: {  	[sflag:s24] =	ssyncset.done $0x0  }
0xa7: {  	[sflag:s24] =	ssyncadd.s32 $0xFFFFF800  }
0xa8: {  	[spmem:s2] =	stream.indirect.scatter.add.f32 [tilespmem:s30], [sflag:$0x2], $0x10, s15, s28, $0xb8;
	[tilespmem:$0x1D800] =	vst v63  }
0xa9: {  	_ =	swait.ge [sflag:s24], $0x800  }
0xaa: {  	[sflag:s24] =	ssyncset.done $0x0  }
0xab: {  	[sflag:s24] =	ssyncadd.s32 $0xFFFFF800  }
0xac: {  	[spmem:s2] =	stream.indirect.scatter.add.f32 [tilespmem:s1], [sflag:$0x2], $0x10, s16, s28, $0xb8;
	[tilespmem:$0x1D800] =	vst v63  }
0xad: {  	_ =	swait.ge [sflag:s24], $0x800  }
0xae: {  	[sflag:s24] =	ssyncset.done $0x0  }
0xaf: {  	[sflag:s24] =	ssyncadd.s32 $0xFFFFF800  }
0xb0: {  	[spmem:s2] =	stream.indirect.scatter.add.f32 [tilespmem:s5], [sflag:$0x2], $0x10, s17, s28, $0xb8;
	[tilespmem:$0x1D800] =	vst v63  }
0xb1: {  	_ =	swait.ge [sflag:s24], $0x800  }
0xb2: {  	[sflag:s24] =	ssyncset.done $0x0  }
0xb3: {  	[sflag:s24] =	ssyncadd.s32 $0xFFFFF800  }
0xb4: {  	[spmem:s2] =	stream.indirect.scatter.add.f32 [tilespmem:s8], [sflag:$0x2], $0x10, s18, s28, $0xb8;
	[tilespmem:$0x1D800] =	vst v63  }
0xb5: {  	_ =	swait.ge [sflag:s24], $0x800  }
0xb6: {  	[sflag:s24] =	ssyncset.done $0x0  }
0xb7: {  	[sflag:s24] =	ssyncadd.s32 $0xFFFFF800  }
0xb8: {  	[spmem:s2] =	stream.indirect.scatter.add.f32 [tilespmem:s10], [sflag:$0x2], $0x10, s19, s28, $0xb8;
	[tilespmem:$0x1D800] =	vst v63  }
0xb9: {  	_ =	swait.ge [sflag:s24], $0x800  }
0xba: {  	[sflag:s24] =	ssyncset.done $0x0  }
0xbb: {  	[sflag:s24] =	ssyncadd.s32 $0xFFFFF800  }
0xbc: {  	[spmem:s2] =	stream.indirect.scatter.add.f32 [tilespmem:s12], [sflag:$0x2], $0x10, s20, s28, $0xb8;
	[tilespmem:$0x1D800] =	vst v63  }
0xbd: {  	s22 =	simm.s32 $0x80;
	_ =	swait.ge [sflag:s24], $0x800  }
0xbe: {  	s25 =	simm.s32 $0x100;
	s6 =	rddreg [dreg:$0x4];
	[sflag:s24] =	ssyncset.done $0x0  }
.LBB2_4:
0xbf: {  	[sflag:s24] =	ssyncadd.s32 $0xFFFFF800;
	s6 =	sadd.s32 s22, s6  }
0xc0: {  	[tilespmem:s3], [sflag:$0x2] =	stream.linear.gather [hbm4b:s6+s3], $0x400, $0x38;
	[tilespmem:$0x1D800] =	vst v63  }
0xc1: {  	_ =	swait.ge [sflag:s24], $0x400  }
0xc2: {  	s6 =	rddreg [dreg:$0x3];
	[sflag:s24] =	ssyncset.done $0x0  }
0xc3: {  	[sflag:s24] =	ssyncadd.s32 $0xFFFFFC00;
	s6 =	sadd.s32 s22, s6  }
0xc4: {  	[tilespmem:s26], [sflag:$0x2] =	stream.linear.gather [hbm4b:s6+s3], $0x400, $0x38;
	[tilespmem:$0x1D800] =	vst v63  }
0xc5: {  	_ =	swait.ge [sflag:s24], $0x400  }
0xc6: {  	[sflag:s24] =	ssyncset.done $0x0  }
0xc7: {  	[sflag:s24] =	ssyncadd.s32 $0xFFFFFC00  }
0xc8: {  	[tilespmem:s23], [sflag:$0x1] =	stream.indirect.gather [hbm4b:s4+s28], $0x10, s3, s28, $0xb8;
	[tilespmem:$0x1D800] =	vst v63  }
0xc9: {  	s21 =	smov.u32 s25  }
0xca: {  	[tilespmem:s29], [sflag:$0x1] =	stream.indirect.gather [hbm4b:s4+s28], $0x10, s28, s28, $0xb8;
	[tilespmem:$0x1D800] =	vst v63  }
0xcb: {  	s22 =	smov.u32 s21;
	s21 =	rddreg [dreg:$0x5]  }
0xcc: {  	[tilespmem:s30], [sflag:$0x1] =	stream.indirect.gather [hbm4b:s4+s28], $0x10, s21, s28, $0xb8;
	[tilespmem:$0x1D800] =	vst v63  }
0xcd: {  	_ = 	snop  }
0xce: {  	[tilespmem:s1], [sflag:$0x1] =	stream.indirect.gather [hbm4b:s4+s28], $0x10, s31, s28, $0xb8;
	[tilespmem:$0x1D800] =	vst v63  }
0xcf: {  	_ = 	snop  }
0xd0: {  	[tilespmem:s5], [sflag:$0x1] =	stream.indirect.gather [hbm4b:s4+s28], $0x10, s0, s28, $0xb8;
	[tilespmem:$0x1D800] =	vst v63  }
0xd1: {  	_ = 	snop  }
0xd2: {  	[tilespmem:s8], [sflag:$0x1] =	stream.indirect.gather [hbm4b:s4+s28], $0x10, s7, s28, $0xb8;
	[tilespmem:$0x1D800] =	vst v63  }
0xd3: {  	_ = 	snop  }
0xd4: {  	[tilespmem:s10], [sflag:$0x1] =	stream.indirect.gather [hbm4b:s4+s28], $0x10, s9, s28, $0xb8;
	[tilespmem:$0x1D800] =	vst v63  }
0xd5: {  	_ = 	snop  }
0xd6: {  	[tilespmem:s12], [sflag:$0x1] =	stream.indirect.gather [hbm4b:s4+s28], $0x10, s11, s28, $0xb8;
	[tilespmem:$0x1D800] =	vst v63  }
0xd7: {  	_ =	swait.ge [sflag:s13], $0x800  }
0xd8: {  	[sflag:s13] =	ssyncset.done $0x0  }
0xd9: {  	[sflag:s13] =	ssyncadd.s32 $0xFFFFF800  }
0xda: {  	_ =	swait.ge [sflag:s13], $0x800  }
0xdb: {  	[sflag:s13] =	ssyncset.done $0x0  }
0xdc: {  	[sflag:s13] =	ssyncadd.s32 $0xFFFFF800  }
0xdd: {  	_ =	swait.ge [sflag:s13], $0x800  }
0xde: {  	[sflag:s13] =	ssyncset.done $0x0  }
0xdf: {  	[sflag:s13] =	ssyncadd.s32 $0xFFFFF800  }
0xe0: {  	_ =	swait.ge [sflag:s13], $0x800  }
0xe1: {  	[sflag:s13] =	ssyncset.done $0x0  }
0xe2: {  	[sflag:s13] =	ssyncadd.s32 $0xFFFFF800  }
0xe3: {  	_ =	swait.ge [sflag:s13], $0x800  }
0xe4: {  	[sflag:s13] =	ssyncset.done $0x0  }
0xe5: {  	[sflag:s13] =	ssyncadd.s32 $0xFFFFF800  }
0xe6: {  	_ =	swait.ge [sflag:s13], $0x800  }
0xe7: {  	[sflag:s13] =	ssyncset.done $0x0  }
0xe8: {  	[sflag:s13] =	ssyncadd.s32 $0xFFFFF800  }
0xe9: {  	_ =	swait.ge [sflag:s13], $0x800  }
0xea: {  	[sflag:s13] =	ssyncset.done $0x0  }
0xeb: {  	[sflag:s13] =	ssyncadd.s32 $0xFFFFF800  }
0xec: {  	_ =	swait.ge [sflag:s13], $0x800  }
0xed: {  	[sflag:s13] =	ssyncset.done $0x0  }
0xee: {  	[sflag:s13] =	ssyncadd.s32 $0xFFFFF800  }
0xef: {  	[spmem:s2] =	stream.indirect.scatter.add.f32 [tilespmem:s23], [sflag:$0x2], $0x10, s26, s28, $0xb8;
	[tilespmem:$0x1D800] =	vst v63  }
0xf0: {  	_ =	swait.ge [sflag:s24], $0x800  }
0xf1: {  	[sflag:s24] =	ssyncset.done $0x0  }
0xf2: {  	[sflag:s24] =	ssyncadd.s32 $0xFFFFF800  }
0xf3: {  	[spmem:s2] =	stream.indirect.scatter.add.f32 [tilespmem:s29], [sflag:$0x2], $0x10, s14, s28, $0xb8;
	[tilespmem:$0x1D800] =	vst v63  }
0xf4: {  	_ =	swait.ge [sflag:s24], $0x800  }
0xf5: {  	[sflag:s24] =	ssyncset.done $0x0  }
0xf6: {  	[sflag:s24] =	ssyncadd.s32 $0xFFFFF800  }
0xf7: {  	[spmem:s2] =	stream.indirect.scatter.add.f32 [tilespmem:s30], [sflag:$0x2], $0x10, s15, s28, $0xb8;
	[tilespmem:$0x1D800] =	vst v63  }
0xf8: {  	_ =	swait.ge [sflag:s24], $0x800  }
0xf9: {  	[sflag:s24] =	ssyncset.done $0x0  }
0xfa: {  	[sflag:s24] =	ssyncadd.s32 $0xFFFFF800  }
0xfb: {  	[spmem:s2] =	stream.indirect.scatter.add.f32 [tilespmem:s1], [sflag:$0x2], $0x10, s16, s28, $0xb8;
	[tilespmem:$0x1D800] =	vst v63  }
0xfc: {  	_ =	swait.ge [sflag:s24], $0x800  }
0xfd: {  	[sflag:s24] =	ssyncset.done $0x0  }
0xfe: {  	[sflag:s24] =	ssyncadd.s32 $0xFFFFF800  }
0xff: {  	[spmem:s2] =	stream.indirect.scatter.add.f32 [tilespmem:s5], [sflag:$0x2], $0x10, s17, s28, $0xb8;
	[tilespmem:$0x1D800] =	vst v63  }
0x100: {  	_ =	swait.ge [sflag:s24], $0x800  }
0x101: {  	[sflag:s24] =	ssyncset.done $0x0  }
0x102: {  	[sflag:s24] =	ssyncadd.s32 $0xFFFFF800  }
0x103: {  	[spmem:s2] =	stream.indirect.scatter.add.f32 [tilespmem:s8], [sflag:$0x2], $0x10, s18, s28, $0xb8;
	[tilespmem:$0x1D800] =	vst v63  }
0x104: {  	_ =	swait.ge [sflag:s24], $0x800  }
0x105: {  	[sflag:s24] =	ssyncset.done $0x0  }
0x106: {  	[sflag:s24] =	ssyncadd.s32 $0xFFFFF800  }
0x107: {  	[spmem:s2] =	stream.indirect.scatter.add.f32 [tilespmem:s10], [sflag:$0x2], $0x10, s19, s28, $0xb8;
	[tilespmem:$0x1D800] =	vst v63  }
0x108: {  	p0 =	sne.s32 s25, $0x3080;
	_ =	swait.ge [sflag:s24], $0x800  }
.Ltmp1:
0x109: {  	[sflag:s24] =	ssyncset.done $0x0;
	(pc) =	sbr.rel @p0 .LBB2_4-.Ltmp1, $4  }
0x10a: {  	[sflag:s24] =	ssyncadd.s32 $0xFFFFF800  }
0x10b: {  	[spmem:s2] =	stream.indirect.scatter.add.f32 [tilespmem:s12], [sflag:$0x2], $0x10, s20, s28, $0xb8;
	[tilespmem:$0x1D800] =	vst v63  }
0x10c: {  	_ =	swait.ge [sflag:s24], $0x800  }
0x10d: {  	s25 =	sadd.s32 $0x80, s25;
	s6 =	rddreg [dreg:$0x4];
	[sflag:s24] =	ssyncset.done $0x0  }
0x10e: {  	[sflag:s24] =	ssyncadd.s32 $0xFFFFF800;
	s6 =	sadd.s32 s22, s6  }
0x10f: {  	[tilespmem:s3], [sflag:$0x2] =	stream.linear.gather [hbm4b:s6+s3], $0x400, $0x38;
	[tilespmem:$0x1D800] =	vst v63  }
0x110: {  	_ =	swait.ge [sflag:s24], $0x400  }
0x111: {  	s25 =	rddreg [dreg:$0x3];
	[sflag:s24] =	ssyncset.done $0x0  }
0x112: {  	s6 =	sadd.s32 s22, s25;
	[sflag:s24] =	ssyncadd.s32 $0xFFFFFC00  }
0x113: {  	[tilespmem:s26], [sflag:$0x2] =	stream.linear.gather [hbm4b:s6+s3], $0x400, $0x38;
	[tilespmem:$0x1D800] =	vst v63  }
0x114: {  	_ =	swait.ge [sflag:s24], $0x400  }
0x115: {  	[sflag:s24] =	ssyncset.done $0x0  }
0x116: {  	[sflag:s24] =	ssyncadd.s32 $0xFFFFFC00  }
0x117: {  	[tilespmem:s23], [sflag:$0x1] =	stream.indirect.gather [hbm4b:s4+s28], $0x10, s3, s28, $0xb8;
	[tilespmem:$0x1D800] =	vst v63  }
0x118: {  	_ = 	snop  }
0x119: {  	[tilespmem:s29], [sflag:$0x1] =	stream.indirect.gather [hbm4b:s4+s28], $0x10, s28, s28, $0xb8;
	[tilespmem:$0x1D800] =	vst v63  }
0x11a: {  	s21 =	rddreg [dreg:$0x5]  }
0x11b: {  	[tilespmem:s30], [sflag:$0x1] =	stream.indirect.gather [hbm4b:s4+s28], $0x10, s21, s28, $0xb8;
	[tilespmem:$0x1D800] =	vst v63  }
0x11c: {  	_ = 	snop  }
0x11d: {  	[tilespmem:s1], [sflag:$0x1] =	stream.indirect.gather [hbm4b:s4+s28], $0x10, s31, s28, $0xb8;
	[tilespmem:$0x1D800] =	vst v63  }
0x11e: {  	_ = 	snop  }
0x11f: {  	[tilespmem:s5], [sflag:$0x1] =	stream.indirect.gather [hbm4b:s4+s28], $0x10, s0, s28, $0xb8;
	[tilespmem:$0x1D800] =	vst v63  }
0x120: {  	_ = 	snop  }
0x121: {  	[tilespmem:s8], [sflag:$0x1] =	stream.indirect.gather [hbm4b:s4+s28], $0x10, s7, s28, $0xb8;
	[tilespmem:$0x1D800] =	vst v63  }
0x122: {  	_ = 	snop  }
0x123: {  	[tilespmem:s10], [sflag:$0x1] =	stream.indirect.gather [hbm4b:s4+s28], $0x10, s9, s28, $0xb8;
	[tilespmem:$0x1D800] =	vst v63  }
0x124: {  	_ = 	snop  }
0x125: {  	[tilespmem:s12], [sflag:$0x1] =	stream.indirect.gather [hbm4b:s4+s28], $0x10, s11, s28, $0xb8;
	[tilespmem:$0x1D800] =	vst v63  }
0x126: {  	_ =	swait.ge [sflag:s13], $0x800  }
0x127: {  	[sflag:s13] =	ssyncset.done $0x0  }
0x128: {  	[sflag:s13] =	ssyncadd.s32 $0xFFFFF800  }
0x129: {  	_ =	swait.ge [sflag:s13], $0x800  }
0x12a: {  	[sflag:s13] =	ssyncset.done $0x0  }
0x12b: {  	[sflag:s13] =	ssyncadd.s32 $0xFFFFF800  }
0x12c: {  	_ =	swait.ge [sflag:s13], $0x800  }
0x12d: {  	[sflag:s13] =	ssyncset.done $0x0  }
0x12e: {  	[sflag:s13] =	ssyncadd.s32 $0xFFFFF800  }
0x12f: {  	_ =	swait.ge [sflag:s13], $0x800  }
0x130: {  	[sflag:s13] =	ssyncset.done $0x0  }
0x131: {  	[sflag:s13] =	ssyncadd.s32 $0xFFFFF800  }
0x132: {  	_ =	swait.ge [sflag:s13], $0x800  }
0x133: {  	[sflag:s13] =	ssyncset.done $0x0  }
0x134: {  	[sflag:s13] =	ssyncadd.s32 $0xFFFFF800  }
0x135: {  	_ =	swait.ge [sflag:s13], $0x800  }
0x136: {  	[sflag:s13] =	ssyncset.done $0x0  }
0x137: {  	[sflag:s13] =	ssyncadd.s32 $0xFFFFF800  }
0x138: {  	_ =	swait.ge [sflag:s13], $0x800  }
0x139: {  	[sflag:s13] =	ssyncset.done $0x0  }
0x13a: {  	[sflag:s13] =	ssyncadd.s32 $0xFFFFF800  }
0x13b: {  	_ =	swait.ge [sflag:s13], $0x800  }
0x13c: {  	[sflag:s13] =	ssyncset.done $0x0  }
0x13d: {  	[sflag:s13] =	ssyncadd.s32 $0xFFFFF800  }
0x13e: {  	[spmem:s2] =	stream.indirect.scatter.add.f32 [tilespmem:s23], [sflag:$0x2], $0x10, s26, s28, $0xb8;
	[tilespmem:$0x1D800] =	vst v63  }
0x13f: {  	_ =	swait.ge [sflag:s24], $0x800  }
0x140: {  	[sflag:s24] =	ssyncset.done $0x0  }
0x141: {  	[sflag:s24] =	ssyncadd.s32 $0xFFFFF800  }
0x142: {  	[spmem:s2] =	stream.indirect.scatter.add.f32 [tilespmem:s29], [sflag:$0x2], $0x10, s14, s28, $0xb8;
	[tilespmem:$0x1D800] =	vst v63  }
0x143: {  	_ =	swait.ge [sflag:s24], $0x800  }
0x144: {  	[sflag:s24] =	ssyncset.done $0x0  }
0x145: {  	[sflag:s24] =	ssyncadd.s32 $0xFFFFF800  }
0x146: {  	[spmem:s2] =	stream.indirect.scatter.add.f32 [tilespmem:s30], [sflag:$0x2], $0x10, s15, s28, $0xb8;
	[tilespmem:$0x1D800] =	vst v63  }
0x147: {  	_ =	swait.ge [sflag:s24], $0x800  }
0x148: {  	[sflag:s24] =	ssyncset.done $0x0  }
0x149: {  	[sflag:s24] =	ssyncadd.s32 $0xFFFFF800  }
0x14a: {  	[spmem:s2] =	stream.indirect.scatter.add.f32 [tilespmem:s1], [sflag:$0x2], $0x10, s16, s28, $0xb8;
	[tilespmem:$0x1D800] =	vst v63  }
0x14b: {  	_ =	swait.ge [sflag:s24], $0x800  }
0x14c: {  	[sflag:s24] =	ssyncset.done $0x0  }
0x14d: {  	[sflag:s24] =	ssyncadd.s32 $0xFFFFF800  }
0x14e: {  	[spmem:s2] =	stream.indirect.scatter.add.f32 [tilespmem:s5], [sflag:$0x2], $0x10, s17, s28, $0xb8;
	[tilespmem:$0x1D800] =	vst v63  }
0x14f: {  	_ =	swait.ge [sflag:s24], $0x800  }
0x150: {  	[sflag:s24] =	ssyncset.done $0x0  }
0x151: {  	[sflag:s24] =	ssyncadd.s32 $0xFFFFF800  }
0x152: {  	[spmem:s2] =	stream.indirect.scatter.add.f32 [tilespmem:s8], [sflag:$0x2], $0x10, s18, s28, $0xb8;
	[tilespmem:$0x1D800] =	vst v63  }
0x153: {  	_ =	swait.ge [sflag:s24], $0x800  }
0x154: {  	[sflag:s24] =	ssyncset.done $0x0  }
0x155: {  	[sflag:s24] =	ssyncadd.s32 $0xFFFFF800  }
0x156: {  	[spmem:s2] =	stream.indirect.scatter.add.f32 [tilespmem:s10], [sflag:$0x2], $0x10, s19, s28, $0xb8;
	[tilespmem:$0x1D800] =	vst v63  }
0x157: {  	_ =	swait.ge [sflag:s24], $0x800  }
0x158: {  	[sflag:s24] =	ssyncset.done $0x0  }
0x159: {  	[sflag:s24] =	ssyncadd.s32 $0xFFFFF800  }
0x15a: {  	[spmem:s2] =	stream.indirect.scatter.add.f32 [tilespmem:s12], [sflag:$0x2], $0x10, s20, s28, $0xb8;
	[tilespmem:$0x1D800] =	vst v63  }
0x15b: {  	_ =	swait.ge [sflag:s24], $0x800  }
0x15c: {  	[sflag:s24] =	ssyncset.done $0x0  }
0x15d: {  	[sflag:s24] =	ssyncadd.s32 $0xFFFFF800  }
0x15e: {  	s22 =	stileid.u32;
	[bflag:$0x0] =	sbarrier.arrive $0xFFFF  }
0x15f: {  	s6 =	sshll.u32 s22, $0x6;
	s21 =	rddreg [dreg:$0x6]  }
0x160: {  	s6 =	sor.u32 $0x1C02, s6;
	s25 =	rddreg [dreg:$0x18]  }
0x161: {  	[hbm:s21], [sflag:s6] =	dma.local [spmem:s25], $0x3200  }
0x162: {  	_ =	swait.ge [sflag:s24], $0x3200  }
0x163: {  	s22 =	rddreg [dreg:$0x19]  }
0x164: {  	s25 =	rddreg [dreg:$0x8];
	s21 =	sadd.s32 $0x1, s22  }
0x165: {  	p0 =	sne.s32 s21, s25  }
.Ltmp2:
0x166: {  	_ = 	snop;
	(pc) =	sbr.rel @p0 .LBB2_1-.Ltmp2, $3  }
0x167: {  	_ =	sdelay $0x1  }
0x168: {  	[sflag:s24] =	ssyncset.done $0x0  }
0x169: {  	[sflag:s24] =	ssyncadd.s32 $0xFFFFCE00  }
0x16a: {  	_ =	sfence.sel $0x180000  }
0x16b: {  	[bflag:$0x0] =	sbarrier.arrive $0xFFFF  }
0x16c: {  	_ =	strace $0x9000004A  }
0x16d: {  	s0 =	stileid.u32;
	[bflag:$0x2] =	sbarrier.arrive $0xFFFF  }
0x16e: {  	p0 =	sne.s32 s0, $0x0;
	s0 =	rddreg [dreg:$0x2]  }
0x16f: {  	s0 =	sadd.s32 @!p0 $0x100000, s0  }
0x170: {  	[sflag:s0] =	ssyncadd.tile.s32 @!p0 $0x1;
	_ =	shalt  }
.Lfunc_end2:
_tile_overlayer_lowered:
.L_overlay_start_2:
0x171: {  	(tag) =	ssettag $0x2  }
0x172: {  	s0 =	rddreg [dreg:$0x0];
	s2 =	stileid.u32  }
0x173: {  	s1 =	rddreg [dreg:$0x1];
	p0 =	sne.s32 s2, $0x0  }
0x174: {  	s3 =	rddreg [dreg:$0x2];
	[bflag:$0x3] =	sbarrier.arrive $0xFFFF;
	s2 =	simm.s32 @!p0 $0x1C02  }
0x175: {  	[timem:s3], [sflag:s2] =	dma.local @!p0 [hbm:s0], s1  }
0x176: {  	s0 =	simm.s32 @!p0 $0x2  }
0x177: {  	_ =	swait.ge @!p0 [sflag:s0], s1  }
0x178: {  	s1 =	ssub.s32 @!p0 $0x0, s1;
	[sflag:s0] =	ssyncset.done @!p0 $0x0  }
0x179: {  	[sflag:s0] =	ssyncadd.s32 @!p0 s1  }
0x17a: {  	[bflag:$0x3] =	sbarrier.arrive $0xFFFF  }
0x17b: {  	_ =	shalt  }

// kernel: kernel.15.cloned.1.call-start
scs
__scs_entry_jumppad:
0x0: {  	(pc) =	sbr.rel $0x88, $3  }
0x1: {  	(tag) =	ssettag $0x0;
	lr =	simm.s32 $0x1  }
0x2: {  	[smem:$0x3F8F] =	sst lr;
	_ =	strace $0xD0000000  }
0x3: {  	_ = 	snop  }
0x4: {  	_ = 	snop  }
0x5: {  	_ = 	snop  }
0x6: {  	_ = 	snop  }
0x7: {  	_ = 	snop  }
__scs_overlays_trampoline_lowered:
0x8: {  	[smem:$0x3F9E] =	sst s0  }
0x9: {  	[smem:$0x3F9F] =	sst s1  }
0xa: {  	[smem:$0x3FA0] =	sst s2  }
0xb: {  	[smem:$0x3FA1] =	sst s3  }
0xc: {  	[smem:$0x3FA2] =	sst s4  }
0xd: {  	[smem:$0x3FA3] =	sst s5  }
0xe: {  	[smem:$0x3FA4] =	sst s6  }
0xf: {  	[smem:$0x3FA5] =	sst s7  }
0x10: {  	[smem:$0x3FA6] =	sst s8  }
0x11: {  	[smem:$0x3FA7] =	sst s9;
	s0 =	simm.s32 @!p0 $0x0  }
0x12: {  	s1 =	sld [smem:$0x3F8D];
	s0 =	simm.s32 @p0 $0x1  }
0x13: {  	[smem:$0x3FA8] =	sst s0;
	s0 =	simm.s32 @!p1 $0x0  }
0x14: {  	s2 =	sld [smem:$0x3F8C];
	s0 =	simm.s32 @p1 $0x1  }
0x15: {  	[smem:$0x3FA9] =	sst s0;
	s0 =	simm.s32 @!p2 $0x0  }
0x16: {  	s3 =	sld [smem:$0x3FDB];
	s0 =	simm.s32 @p2 $0x1  }
0x17: {  	s4 =	simm.s32 $0x1BF5;
	[smem:$0x3FAB] =	sst s0  }
0x18: {  	s0 =	sld [smem:$0x3F8E];
	_ =	swait.ge [sflag:s4], $0x0  }
0x19: {  	s7 =	sld [smem:$0x3F8F]  }
0x1a: {  	s8 =	sadd.s32 $0xFFFFE003, lr  }
0x1b: {  	s9 =	sadd.s32 $0xFFFFFEF7, lr;
	s5 =	simm.s32 $0xFFFFFFFF;
	p2 =	slt.u32 s8, $0xFFFFF086  }
0x1c: {  	p1 =	slt.u32 s9, $0xF7A;
	s5 =	simm.s32 @!p2 $0x0  }
0x1d: {  	s5 =	simm.s32 @p1 $0x1;
	p0 =	seq.s32 s7, s2  }
0x1e: {  	s7 =	smul.u32 @!p0 $0xF7A, s2;
	p2 =	seq.s32 @!p0 s5, $0x0  }
0x1f: {  	s9 =	smul.u32 $0xF7A, s1;
	s8 =	simm.s32 @!p0 $0x1BF5;
	p2 =	por !p2, p0  }
0x20: {  	[sflag:s8] =	ssyncset.s32 @!p0 $0xFFFFF086;
	s6 =	sadd.s32 @!p0 s3, s7;
	s7 =	simm.s32 @!p0 $0x108  }
0x21: {  	s3 =	sadd.s32 s3, s9;
	s6 =	sadd.s32 @!p0 $0x88, s6;
	s7 =	simm.s32 @p2 $0x1082  }
0x22: {  	[simem:s7], [sflag:s8] =	dma.local @!p0 [hbm:s6], $0xF7A  }
0x23: {  	s9 =	sor.u32 $0xD0000000, s2;
	s6 =	simm.s32 $0x108;
	_ =	swait.ge @!p0 [sflag:s8], $0x0  }
0x24: {  	s3 =	sadd.s32 $0x88, s3;
	s6 =	simm.s32 @!p1 $0x1082;
	[sflag:s4] =	ssyncset.s32 $0xFFFFF086  }
0x25: {  	[simem:s6], [sflag:s4] =	dma.local [hbm:s3], $0xF7A  }
0x26: {  	[smem:$0x3F8F] =	sst s1;
	(tag) =	ssettag s2;
	_ =	strace s9  }
0x27: {  	s1 =	sld [smem:$0x3F9F]  }
0x28: {  	s2 =	sld [smem:$0x3FA0]  }
0x29: {  	s4 =	sld [smem:$0x3FA2]  }
0x2a: {  	p0 =	seq.s32 s5, $0x0;
	s5 =	sld [smem:$0x3FA3]  }
0x2b: {  	s6 =	sld [smem:$0x3FA4]  }
0x2c: {  	s7 =	sld [smem:$0x3FA5]  }
0x2d: {  	s3 =	simm.s32 $0x108;
	s8 =	sld [smem:$0x3FA6]  }
0x2e: {  	s3 =	simm.s32 @!p0 $0x1082;
	s9 =	sld [smem:$0x3FA7]  }
0x2f: {  	lr =	sadd.s32 s0, s3;
	s0 =	sld [smem:$0x3F9E]  }
0x30: {  	s3 =	sld [smem:$0x3FA1]  }
0x31: {  	[smem:$0x3FAA] =	sst s10  }
0x32: {  	s10 =	sld [smem:$0x3FA8];
	_ =	sdelay $0x3  }
0x33: {  	p0 =	seq.s32 s10, $0x1;
	s10 =	sld [smem:$0x3FAA];
	_ =	sdelay $0x3  }
0x34: {  	[smem:$0x3FAA] =	sst s10  }
0x35: {  	s10 =	sld [smem:$0x3FA9];
	_ =	sdelay $0x3  }
0x36: {  	p1 =	seq.s32 s10, $0x1;
	s10 =	sld [smem:$0x3FAA];
	_ =	sdelay $0x3  }
0x37: {  	[smem:$0x3FAA] =	sst s10  }
0x38: {  	s10 =	sld [smem:$0x3FAB]  }
0x39: {  	_ = 	snop;
	(pc) =	sbr.ind lr, $3  }
0x3a: {  	_ = 	snop  }
0x3b: {  	_ = 	snop  }
0x3c: {  	p2 =	seq.s32 s10, $0x1;
	s10 =	sld [smem:$0x3FAA]  }
0x3d: {  	_ =	shalt  }
0x3e: {  	_ =	shalt  }
0x3f: {  	_ =	shalt  }
0x40: {  	_ =	shalt  }
0x41: {  	_ =	shalt  }
0x42: {  	_ =	shalt  }
0x43: {  	_ =	shalt  }
0x44: {  	_ =	shalt  }
0x45: {  	_ =	shalt  }
0x46: {  	_ =	shalt  }
0x47: {  	_ =	shalt  }
0x48: {  	_ =	shalt  }
0x49: {  	_ =	shalt  }
0x4a: {  	_ =	shalt  }
0x4b: {  	_ =	shalt  }
0x4c: {  	_ =	shalt  }
0x4d: {  	_ =	shalt  }
0x4e: {  	_ =	shalt  }
0x4f: {  	_ =	shalt  }
0x50: {  	_ =	shalt  }
0x51: {  	_ =	shalt  }
0x52: {  	_ =	shalt  }
0x53: {  	_ =	shalt  }
0x54: {  	_ =	shalt  }
0x55: {  	_ =	shalt  }
0x56: {  	_ =	shalt  }
0x57: {  	_ =	shalt  }
0x58: {  	_ =	shalt  }
0x59: {  	_ =	shalt  }
0x5a: {  	_ =	shalt  }
0x5b: {  	_ =	shalt  }
0x5c: {  	_ =	shalt  }
0x5d: {  	_ =	shalt  }
0x5e: {  	_ =	shalt  }
0x5f: {  	_ =	shalt  }
0x60: {  	_ =	shalt  }
0x61: {  	_ =	shalt  }
0x62: {  	_ =	shalt  }
0x63: {  	_ =	shalt  }
0x64: {  	_ =	shalt  }
0x65: {  	_ =	shalt  }
0x66: {  	_ =	shalt  }
0x67: {  	_ =	shalt  }
0x68: {  	_ =	shalt  }
0x69: {  	_ =	shalt  }
0x6a: {  	_ =	shalt  }
0x6b: {  	_ =	shalt  }
0x6c: {  	_ =	shalt  }
0x6d: {  	_ =	shalt  }
0x6e: {  	_ =	shalt  }
0x6f: {  	_ =	shalt  }
0x70: {  	_ =	shalt  }
0x71: {  	_ =	shalt  }
0x72: {  	_ =	shalt  }
0x73: {  	_ =	shalt  }
0x74: {  	_ =	shalt  }
0x75: {  	_ =	shalt  }
0x76: {  	_ =	shalt  }
0x77: {  	_ =	shalt  }
0x78: {  	_ =	shalt  }
0x79: {  	_ =	shalt  }
0x7a: {  	_ =	shalt  }
0x7b: {  	_ =	shalt  }
0x7c: {  	_ =	shalt  }
0x7d: {  	_ =	shalt  }
0x7e: {  	_ =	shalt  }
0x7f: {  	_ =	shalt  }
0x80: {  	_ =	shalt  }
0x81: {  	_ =	shalt  }
0x82: {  	_ =	shalt  }
0x83: {  	_ =	shalt  }
0x84: {  	_ =	shalt  }
0x85: {  	_ =	shalt  }
0x86: {  	_ =	shalt  }
0x87: {  	_ =	shalt  }
.Lfunc_end0:
.L_simem_size_0:
called_computation.2_lowered:
.L_overlay_start_0:
0x88: {  	s2 =	sld [smem:$0x3FD9]  }
0x89: {  	s3 =	sld [smem:$0x3FFE];
	_ =	sdelay $0x1  }
0x8a: {  	s1 =	srdreg.scid  }
0x8b: {  	s0 =	sand.u32 $0x1, s1  }
0x8c: {  	s16 =	sshll.u32 s0, $0xA;
	s2 =	sadd.s32 s3, s2  }
0x8d: {  	s2 =	sadd.s32 s2, s16  }
0x8e: {  	[smem:$0x3FB6] =	sst s2  }
0x8f: {  	_ = 	snop  }
0x90: {  	(tm) =	ssettm $0x1  }
0x91: {  	s17 =	sld [smem:$0x3FFB];
	_ =	sdelay $0x3  }
0x92: {  	_ =	strace s17  }
0x93: {  	s2 =	sld [smem:$0x3FFC];
	_ =	sdelay $0x3  }
0x94: {  	_ =	strace s2  }
0x95: {  	s2 =	sld [smem:$0x3FFD];
	_ =	sdelay $0x3  }
0x96: {  	_ =	strace s2  }
0x97: {  	_ =	strace $0x8FFFFFFF  }
0x98: {  	s18 =	sld [smem:$0x3FDB];
	_ =	sdelay $0x1  }
0x99: {  	s19 =	simm.s32 $_scs_section_size  }
0x9a: {  	s4 =	simm.s32 $_size__tile_overlayer_lowered;
	s5 =	simm.s32 $_tile_overlayer_lowered  }
0x9b: {  	s22 =	simm.s32 $0x1BFF;
	s21 =	sshll.u32 s5, $0x1;
	s2 =	sadd.s32 s19, s18  }
0x9c: {  	s6 =	simm.s32 $0x0;
	s20 =	sshll.u32 s4, $0x1;
	s4 =	sadd.s32 s21, s2  }
0x9d: {  	[timem:s6], [sflag:s22] =	dma.local [hbm:s4], s20  }
0x9e: {  	_ =	swait.ge [sflag:s22], s20  }
0x9f: {  	s3 =	ssub.s32 $0x0, s20;
	[sflag:s22] =	ssyncset.done $0x0  }
0xa0: {  	[sflag:s22] =	ssyncadd.s32 s3;
	_ =	sdelay $0x1  }
0xa1: {  	s23 =	simm.s32 $0x1B8B  }
0xa2: {  	_ =	swait.ge [sflag:s23], $0x1  }
0xa3: {  	[sflag:s23] =	ssyncset.done $0x0  }
0xa4: {  	s25 =	simm.s32 $0x1B8E;
	s24 =	sld [smem:$0x3FFE];
	[sflag:s23] =	ssyncadd.s32 $0xFFFFFFFF  }
0xa5: {  	s26 =	simm.s32 $execute0_lowered;
	[smem:$0x3FD2] =	sst s25  }
0xa6: {  	s4 =	sshll.u32 s26, $0x1;
	_ =	strace $0x8000004C;
	[dreg:$0x1] =	wrdreg $0xFFFFFFFF  }
0xa7: {  	s28 =	simm.s32 $_size_execute0_lowered;
	s2 =	sadd.s32 s2, s4;
	[dreg:$0x0] =	wrdreg $0x0  }
0xa8: {  	s4 =	sshll.u32 s28, $0x1;
	[dreg:$0x2] =	wrdreg s2  }
0xa9: {  	[dreg:$0x3] =	wrdreg s4  }
0xaa: {  	[dreg:$0x4] =	wrdreg $0xC0  }
0xab: {  	_ =	task [dreg:s6], $0x5FFFF  }
0xac: {  	[dreg:$0x1] =	wrdreg $0xFFFFFFFF  }
0xad: {  	[dreg:$0x0] =	wrdreg $0x60  }
0xae: {  	[dreg:$0x2] =	wrdreg s24  }
0xaf: {  	[dreg:$0x3] =	wrdreg $0x48000  }
0xb0: {  	[dreg:$0x4] =	wrdreg $0x9  }
0xb1: {  	_ =	task.clear_ibuf [dreg:s6], $0x5FFFF;
	_ =	strace $0x9000004C  }
0xb2: {  	s29 =	simm.s32 $0x9;
	_ =	strace $0x8000004E  }
0xb3: {  	_ =	swait.ge [sflag:s29], $0x1  }
0xb4: {  	[sflag:s29] =	ssyncadd.s32 $0xFFFFFFFF  }
0xb5: {  	_ =	strace $0x9000004E  }
0xb6: {  	_ =	sfence  }
0xb7: {  	s30 =	sld [smem:$0x0];
	_ =	sdelay $0x2  }
0xb8: {  	s31 =	sshll.u32 s1, $0xD;
	s1 =	sshrl.u32 s1, $0x2  }
0xb9: {  	s3 =	sand.u32 $0x4000, s31;
	s1 =	sadd.s32 s1, s30  }
0xba: {  	s0 =	sor.u32 s3, s0;
	s1 =	sshll.u32 s1, $0x11  }
0xbb: {  	s0 =	sor.u32 s1, s0  }
0xbc: {  	s0 =	sadd.s32 $0x8F2B, s0  }
0xbd: {  	[sflag:s0] =	ssyncadd.remote.s32 $0x1  }
0xbe: {  	_ =	sfence.sel $0xFFFF  }
0xbf: {  	[dreg:$0x0] =	wrdreg $0xFFFFFFFF;
	(pc) =	sbr.abs _section_cstart, $3  }
0xc0: {  	[dreg:$0x1] =	wrdreg $0xFFFFFFFF  }
0xc1: {  	_ =	task.clear_ibuf [dreg:s6], $0x2FFFF;
	_ =	strace $0x9FFFFFFF  }
0xc2: {  	(tm) =	ssettm $0x7FFFFFFF  }
0xc3: {  	_ =	shalt  }
tec
execute0_lowered:
.L_overlay_start_1:
0x0: {  	(tag) =	ssettag $0x1  }
0x1: {  	s9 =	stileid.u32  }
0x2: {  	s4 =	smul.u32 $0x18800, s9  }
0x3: {  	s7 =	smul.u32 $0x19000, s9  }
0x4: {  	s0 =	srdreg.scid;
	s8 =	smul.u32 $0x3100, s9  }
0x5: {  	s1 =	rddreg [dreg:$0x0];
	s0 =	sand.u32 $0x1, s0;
	s9 =	smul.u32 $0x64000, s9  }
0x6: {  	s2 =	rddreg [dreg:$0x1];
	s3 =	simm.s32 $0x0;
	s5 =	smul.u32 $0x188000, s0  }
0x7: {  	[smem:$0x7FF] =	sst s3;
	s24 =	smul.u32 $0x190000, s0  }
0x8: {  	_ =	strace $0x8000004D;
	s0 =	ssub.s32 $0x2, s0;
	s8 =	sadd.s32 s8, s1  }
0x9: {  	s10 =	sshrl.u32 s0, $0x1;
	s25 =	sshrl.u32 s9, $0x2;
	s26 =	sadd.s32 s7, s2  }
0xa: {  	s4 =	sadd.s32 s4, s5;
	s5 =	sadd.s32 s7, s24;
	s0 =	ssub.s32 s0, s10  }
0xb: {  	s22 =	sadd.s32 $0x4600, s8;
	s26 =	sshrl.u32 s26, $0x3;
	s6 =	sshrl.u32 s4, $0x3  }
0xc: {  	s4 =	sadd.s32 $0x35600, s1;
	s5 =	sshrl.u32 s5, $0x3;
	[dreg:$0x3] =	wrdreg s22  }
0xd: {  	s0 =	smax.u32 s0, $0x1;
	[dreg:$0x18] =	wrdreg s26;
	s6 =	sadd.s32 s6, s1  }
0xe: {  	s1 =	sadd.s32 s5, s1;
	s5 =	sadd.s32 s25, s2;
	[dreg:$0x8] =	wrdreg s0  }
0xf: {  	s25 =	simm.s32 $0x100;
	[dreg:$0x7] =	wrdreg s5  }
0x10: {  	s1 =	sadd.s32 $0xFB600, s1;
	[dreg:$0x5] =	wrdreg s25  }
0x11: {  	s9 =	sadd.s32 $0x1900, s5;
	[dreg:$0x6] =	wrdreg s1  }
0x12: {  	s10 =	sadd.s32 $0x3200, s5;
	[dreg:$0x9] =	wrdreg s9  }
0x13: {  	s11 =	sadd.s32 $0x4B00, s5;
	[dreg:$0xa] =	wrdreg s10  }
0x14: {  	s12 =	sadd.s32 $0x6400, s5;
	[dreg:$0xb] =	wrdreg s11  }
0x15: {  	s13 =	sadd.s32 $0x7D00, s5;
	[dreg:$0xc] =	wrdreg s12  }
0x16: {  	s14 =	sadd.s32 $0x9600, s5;
	[dreg:$0xd] =	wrdreg s13  }
0x17: {  	s15 =	sadd.s32 $0xAF00, s5;
	[dreg:$0xe] =	wrdreg s14  }
0x18: {  	s16 =	sadd.s32 $0xC800, s5;
	[dreg:$0xf] =	wrdreg s15  }
0x19: {  	s28 =	simm.s32 $0x80;
	s17 =	sadd.s32 $0xE100, s5;
	[dreg:$0x10] =	wrdreg s16  }
0x1a: {  	s29 =	simm.s32 $0x1000;
	s18 =	sadd.s32 $0xFA00, s5;
	[dreg:$0x11] =	wrdreg s17  }
0x1b: {  	s30 =	simm.s32 $0x1800;
	s19 =	sadd.s32 $0x11300, s5;
	[dreg:$0x12] =	wrdreg s18  }
0x1c: {  	s31 =	simm.s32 $0x180;
	s20 =	sadd.s32 $0x12C00, s5;
	[dreg:$0x13] =	wrdreg s19  }
0x1d: {  	s7 =	simm.s32 $0x280;
	s21 =	sadd.s32 $0x14500, s5;
	[dreg:$0x14] =	wrdreg s20  }
0x1e: {  	s8 =	simm.s32 $0x3000;
	s23 =	sadd.s32 $0x15E00, s5;
	[dreg:$0x15] =	wrdreg s21  }
0x1f: {  	s26 =	simm.s32 $0x400;
	s5 =	sadd.s32 $0x17700, s5;
	[dreg:$0x16] =	wrdreg s23  }
0x20: {  	s0 =	simm.s32 $0x200;
	s24 =	sadd.s32 $0x99600, s6;
	[dreg:$0x17] =	wrdreg s5  }
0x21: {  	[dreg:$0x4] =	wrdreg s24;
	s23 =	simm.s32 $0x800;
	s24 =	simm.s32 $0x2  }
0x22: {  	s1 =	simm.s32 $0x2000;
	s5 =	simm.s32 $0x2800;
	s9 =	simm.s32 $0x300  }
0x23: {  	s10 =	simm.s32 $0x3800;
	s11 =	simm.s32 $0x380;
	s12 =	simm.s32 $0x4000  }
0x24: {  	s13 =	simm.s32 $0x1;
	s14 =	simm.s32 $0x480;
	s15 =	simm.s32 $0x500  }
0x25: {  	s16 =	simm.s32 $0x580;
	s17 =	simm.s32 $0x600;
	s18 =	simm.s32 $0x680  }
0x26: {  	v0 =	vimm.f32 $0.0e+00;
	s19 =	simm.s32 $0x700;
	s20 =	simm.s32 $0x780;
	s21 =	simm.s32 $0x0  }
.LBB2_1:
0x27: {  	s6 =	simm.s32 $0x40;
	s22 =	simm.s32 $0x0  }
.LBB2_2:
0x28: {  	p0 =	sne.s32 s6, $0x63C0;
	[tilespmem:s22+$0x800] =	vst v0;
	s22 =	smov.u32 s6;
	s6 =	sadd.s32 $0x40, s6  }
.Ltmp0:
0x29: {  	(pc) =	sbr.rel @p0 .LBB2_2-.Ltmp0, $2  }
0x2a: {  	_ =	sdelay $0x2  }
0x2b: {  	s22 =	sshra.s32 s22, $0x2  }
0x2c: {  	[dreg:$0x19] =	wrdreg s21  }
0x2d: {  	[tilespmem:s22+$0x800] =	vst v0;
	s6 =	rddreg [dreg:$0x7]  }
0x2e: {  	[spmem:s6] =	stream.linear.scatter [tilespmem:s23], [sflag:$0x2], $0x1900, $0x38;
	[tilespmem:$0x1D800] =	vst v63  }
0x2f: {  	_ =	swait.ge [sflag:s24], $0x1900  }
0x30: {  	[sflag:s24] =	ssyncset.done $0x0  }
0x31: {  	s21 =	rddreg [dreg:$0x9];
	[sflag:s24] =	ssyncadd.s32 $0xFFFFE700  }
0x32: {  	[spmem:s21] =	stream.linear.scatter [tilespmem:s23], [sflag:$0x2], $0x1900, $0x38;
	[tilespmem:$0x1D800] =	vst v63  }
0x33: {  	_ =	swait.ge [sflag:s24], $0x1900  }
0x34: {  	[sflag:s24] =	ssyncset.done $0x0  }
0x35: {  	s22 =	rddreg [dreg:$0xa];
	[sflag:s24] =	ssyncadd.s32 $0xFFFFE700  }
0x36: {  	[spmem:s22] =	stream.linear.scatter [tilespmem:s23], [sflag:$0x2], $0x1900, $0x38;
	[tilespmem:$0x1D800] =	vst v63  }
0x37: {  	_ =	swait.ge [sflag:s24], $0x1900  }
0x38: {  	[sflag:s24] =	ssyncset.done $0x0  }
0x39: {  	s25 =	rddreg [dreg:$0xb];
	[sflag:s24] =	ssyncadd.s32 $0xFFFFE700  }
0x3a: {  	[spmem:s25] =	stream.linear.scatter [tilespmem:s23], [sflag:$0x2], $0x1900, $0x38;
	[tilespmem:$0x1D800] =	vst v63  }
0x3b: {  	_ =	swait.ge [sflag:s24], $0x1900  }
0x3c: {  	[sflag:s24] =	ssyncset.done $0x0  }
0x3d: {  	s21 =	rddreg [dreg:$0xc];
	[sflag:s24] =	ssyncadd.s32 $0xFFFFE700  }
0x3e: {  	[spmem:s21] =	stream.linear.scatter [tilespmem:s23], [sflag:$0x2], $0x1900, $0x38;
	[tilespmem:$0x1D800] =	vst v63  }
0x3f: {  	_ =	swait.ge [sflag:s24], $0x1900  }
0x40: {  	[sflag:s24] =	ssyncset.done $0x0  }
0x41: {  	s22 =	rddreg [dreg:$0xd];
	[sflag:s24] =	ssyncadd.s32 $0xFFFFE700  }
0x42: {  	[spmem:s22] =	stream.linear.scatter [tilespmem:s23], [sflag:$0x2], $0x1900, $0x38;
	[tilespmem:$0x1D800] =	vst v63  }
0x43: {  	_ =	swait.ge [sflag:s24], $0x1900  }
0x44: {  	[sflag:s24] =	ssyncset.done $0x0  }
0x45: {  	s25 =	rddreg [dreg:$0xe];
	[sflag:s24] =	ssyncadd.s32 $0xFFFFE700  }
0x46: {  	[spmem:s25] =	stream.linear.scatter [tilespmem:s23], [sflag:$0x2], $0x1900, $0x38;
	[tilespmem:$0x1D800] =	vst v63  }
0x47: {  	_ =	swait.ge [sflag:s24], $0x1900  }
0x48: {  	[sflag:s24] =	ssyncset.done $0x0  }
0x49: {  	s21 =	rddreg [dreg:$0xf];
	[sflag:s24] =	ssyncadd.s32 $0xFFFFE700  }
0x4a: {  	[spmem:s21] =	stream.linear.scatter [tilespmem:s23], [sflag:$0x2], $0x1900, $0x38;
	[tilespmem:$0x1D800] =	vst v63  }
0x4b: {  	_ =	swait.ge [sflag:s24], $0x1900  }
0x4c: {  	[sflag:s24] =	ssyncset.done $0x0  }
0x4d: {  	s22 =	rddreg [dreg:$0x10];
	[sflag:s24] =	ssyncadd.s32 $0xFFFFE700  }
0x4e: {  	[spmem:s22] =	stream.linear.scatter [tilespmem:s23], [sflag:$0x2], $0x1900, $0x38;
	[tilespmem:$0x1D800] =	vst v63  }
0x4f: {  	_ =	swait.ge [sflag:s24], $0x1900  }
0x50: {  	[sflag:s24] =	ssyncset.done $0x0  }
0x51: {  	s25 =	rddreg [dreg:$0x11];
	[sflag:s24] =	ssyncadd.s32 $0xFFFFE700  }
0x52: {  	[spmem:s25] =	stream.linear.scatter [tilespmem:s23], [sflag:$0x2], $0x1900, $0x38;
	[tilespmem:$0x1D800] =	vst v63  }
0x53: {  	_ =	swait.ge [sflag:s24], $0x1900  }
0x54: {  	[sflag:s24] =	ssyncset.done $0x0  }
0x55: {  	s21 =	rddreg [dreg:$0x12];
	[sflag:s24] =	ssyncadd.s32 $0xFFFFE700  }
0x56: {  	[spmem:s21] =	stream.linear.scatter [tilespmem:s23], [sflag:$0x2], $0x1900, $0x38;
	[tilespmem:$0x1D800] =	vst v63  }
0x57: {  	_ =	swait.ge [sflag:s24], $0x1900  }
0x58: {  	[sflag:s24] =	ssyncset.done $0x0  }
0x59: {  	s22 =	rddreg [dreg:$0x13];
	[sflag:s24] =	ssyncadd.s32 $0xFFFFE700  }
0x5a: {  	[spmem:s22] =	stream.linear.scatter [tilespmem:s23], [sflag:$0x2], $0x1900, $0x38;
	[tilespmem:$0x1D800] =	vst v63  }
0x5b: {  	_ =	swait.ge [sflag:s24], $0x1900  }
0x5c: {  	[sflag:s24] =	ssyncset.done $0x0  }
0x5d: {  	s25 =	rddreg [dreg:$0x14];
	[sflag:s24] =	ssyncadd.s32 $0xFFFFE700  }
0x5e: {  	[spmem:s25] =	stream.linear.scatter [tilespmem:s23], [sflag:$0x2], $0x1900, $0x38;
	[tilespmem:$0x1D800] =	vst v63  }
0x5f: {  	_ =	swait.ge [sflag:s24], $0x1900  }
0x60: {  	[sflag:s24] =	ssyncset.done $0x0  }
0x61: {  	s21 =	rddreg [dreg:$0x15];
	[sflag:s24] =	ssyncadd.s32 $0xFFFFE700  }
0x62: {  	[spmem:s21] =	stream.linear.scatter [tilespmem:s23], [sflag:$0x2], $0x1900, $0x38;
	[tilespmem:$0x1D800] =	vst v63  }
0x63: {  	_ =	swait.ge [sflag:s24], $0x1900  }
0x64: {  	[sflag:s24] =	ssyncset.done $0x0  }
0x65: {  	s22 =	rddreg [dreg:$0x16];
	[sflag:s24] =	ssyncadd.s32 $0xFFFFE700  }
0x66: {  	[spmem:s22] =	stream.linear.scatter [tilespmem:s23], [sflag:$0x2], $0x1900, $0x38;
	[tilespmem:$0x1D800] =	vst v63  }
0x67: {  	_ =	swait.ge [sflag:s24], $0x1900  }
0x68: {  	[sflag:s24] =	ssyncset.done $0x0  }
0x69: {  	s25 =	rddreg [dreg:$0x17];
	[sflag:s24] =	ssyncadd.s32 $0xFFFFE700  }
0x6a: {  	[spmem:s25] =	stream.linear.scatter [tilespmem:s23], [sflag:$0x2], $0x1900, $0x38;
	[tilespmem:$0x1D800] =	vst v63  }
0x6b: {  	_ =	swait.ge [sflag:s24], $0x1900  }
0x6c: {  	[sflag:s24] =	ssyncset.done $0x0  }
0x6d: {  	[sflag:s24] =	ssyncadd.s32 $0xFFFFE700  }
0x6e: {  	[bflag:$0x0] =	sbarrier.arrive $0xFFFF  }
0x6f: {  	s21 =	rddreg [dreg:$0x4]  }
0x70: {  	s6 =	sadd.s32 $0x0, s21  }
0x71: {  	[tilespmem:s3], [sflag:$0x2] =	stream.linear.gather [hbm4b:s6+s3], $0x400, $0x38;
	[tilespmem:$0x1D800] =	vst v63  }
0x72: {  	_ =	swait.ge [sflag:s24], $0x400  }
0x73: {  	s22 =	rddreg [dreg:$0x3];
	[sflag:s24] =	ssyncset.done $0x0  }
0x74: {  	[sflag:s24] =	ssyncadd.s32 $0xFFFFFC00;
	s6 =	sadd.s32 $0x0, s22  }
0x75: {  	[tilespmem:s26], [sflag:$0x2] =	stream.linear.gather [hbm4b:s6+s3], $0x400, $0x38;
	[tilespmem:$0x1D800] =	vst v63  }
0x76: {  	_ =	swait.ge [sflag:s24], $0x400  }
0x77: {  	[sflag:s24] =	ssyncset.done $0x0  }
0x78: {  	[sflag:s24] =	ssyncadd.s32 $0xFFFFFC00  }
0x79: {  	[tilespmem:s23], [sflag:$0x1] =	stream.indirect.gather [hbm4b:s4+s28], $0x10, s3, s28, $0xb8;
	[tilespmem:$0x1D800] =	vst v63  }
0x7a: {  	_ = 	snop  }
0x7b: {  	[tilespmem:s29], [sflag:$0x1] =	stream.indirect.gather [hbm4b:s4+s28], $0x10, s28, s28, $0xb8;
	[tilespmem:$0x1D800] =	vst v63  }
0x7c: {  	s25 =	rddreg [dreg:$0x5]  }
0x7d: {  	[tilespmem:s30], [sflag:$0x1] =	stream.indirect.gather [hbm4b:s4+s28], $0x10, s25, s28, $0xb8;
	[tilespmem:$0x1D800] =	vst v63  }
0x7e: {  	_ = 	snop  }
0x7f: {  	[tilespmem:s1], [sflag:$0x1] =	stream.indirect.gather [hbm4b:s4+s28], $0x10, s31, s28, $0xb8;
	[tilespmem:$0x1D800] =	vst v63  }
0x80: {  	_ = 	snop  }
0x81: {  	[tilespmem:s5], [sflag:$0x1] =	stream.indirect.gather [hbm4b:s4+s28], $0x10, s0, s28, $0xb8;
	[tilespmem:$0x1D800] =	vst v63  }
0x82: {  	_ = 	snop  }
0x83: {  	[tilespmem:s8], [sflag:$0x1] =	stream.indirect.gather [hbm4b:s4+s28], $0x10, s7, s28, $0xb8;
	[tilespmem:$0x1D800] =	vst v63  }
0x84: {  	_ = 	snop  }
0x85: {  	[tilespmem:s10], [sflag:$0x1] =	stream.indirect.gather [hbm4b:s4+s28], $0x10, s9, s28, $0xb8;
	[tilespmem:$0x1D800] =	vst v63  }
0x86: {  	_ = 	snop  }
0x87: {  	[tilespmem:s12], [sflag:$0x1] =	stream.indirect.gather [hbm4b:s4+s28], $0x10, s11, s28, $0xb8;
	[tilespmem:$0x1D800] =	vst v63  }
0x88: {  	_ =	swait.ge [sflag:s13], $0x800  }
0x89: {  	[sflag:s13] =	ssyncset.done $0x0  }
0x8a: {  	[sflag:s13] =	ssyncadd.s32 $0xFFFFF800  }
0x8b: {  	_ =	swait.ge [sflag:s13], $0x800  }
0x8c: {  	[sflag:s13] =	ssyncset.done $0x0  }
0x8d: {  	[sflag:s13] =	ssyncadd.s32 $0xFFFFF800  }
0x8e: {  	_ =	swait.ge [sflag:s13], $0x800  }
0x8f: {  	[sflag:s13] =	ssyncset.done $0x0  }
0x90: {  	[sflag:s13] =	ssyncadd.s32 $0xFFFFF800  }
0x91: {  	_ =	swait.ge [sflag:s13], $0x800  }
0x92: {  	[sflag:s13] =	ssyncset.done $0x0  }
0x93: {  	[sflag:s13] =	ssyncadd.s32 $0xFFFFF800  }
0x94: {  	_ =	swait.ge [sflag:s13], $0x800  }
0x95: {  	[sflag:s13] =	ssyncset.done $0x0  }
0x96: {  	[sflag:s13] =	ssyncadd.s32 $0xFFFFF800  }
0x97: {  	_ =	swait.ge [sflag:s13], $0x800  }
0x98: {  	[sflag:s13] =	ssyncset.done $0x0  }
0x99: {  	[sflag:s13] =	ssyncadd.s32 $0xFFFFF800  }
0x9a: {  	_ =	swait.ge [sflag:s13], $0x800  }
0x9b: {  	[sflag:s13] =	ssyncset.done $0x0  }
0x9c: {  	[sflag:s13] =	ssyncadd.s32 $0xFFFFF800  }
0x9d: {  	_ =	swait.ge [sflag:s13], $0x800  }
0x9e: {  	[sflag:s13] =	ssyncset.done $0x0  }
0x9f: {  	[sflag:s13] =	ssyncadd.s32 $0xFFFFF800  }
0xa0: {  	[spmem:s2] =	stream.indirect.scatter.add.f32 [tilespmem:s23], [sflag:$0x2], $0x10, s26, s28, $0xb8;
	[tilespmem:$0x1D800] =	vst v63  }
0xa1: {  	_ =	swait.ge [sflag:s24], $0x800  }
0xa2: {  	[sflag:s24] =	ssyncset.done $0x0  }
0xa3: {  	[sflag:s24] =	ssyncadd.s32 $0xFFFFF800  }
0xa4: {  	[spmem:s2] =	stream.indirect.scatter.add.f32 [tilespmem:s29], [sflag:$0x2], $0x10, s14, s28, $0xb8;
	[tilespmem:$0x1D800] =	vst v63  }
0xa5: {  	_ =	swait.ge [sflag:s24], $0x800  }
0xa6: {  	[sflag:s24] =	ssyncset.done $0x0  }
0xa7: {  	[sflag:s24] =	ssyncadd.s32 $0xFFFFF800  }
0xa8: {  	[spmem:s2] =	stream.indirect.scatter.add.f32 [tilespmem:s30], [sflag:$0x2], $0x10, s15, s28, $0xb8;
	[tilespmem:$0x1D800] =	vst v63  }
0xa9: {  	_ =	swait.ge [sflag:s24], $0x800  }
0xaa: {  	[sflag:s24] =	ssyncset.done $0x0  }
0xab: {  	[sflag:s24] =	ssyncadd.s32 $0xFFFFF800  }
0xac: {  	[spmem:s2] =	stream.indirect.scatter.add.f32 [tilespmem:s1], [sflag:$0x2], $0x10, s16, s28, $0xb8;
	[tilespmem:$0x1D800] =	vst v63  }
0xad: {  	_ =	swait.ge [sflag:s24], $0x800  }
0xae: {  	[sflag:s24] =	ssyncset.done $0x0  }
0xaf: {  	[sflag:s24] =	ssyncadd.s32 $0xFFFFF800  }
0xb0: {  	[spmem:s2] =	stream.indirect.scatter.add.f32 [tilespmem:s5], [sflag:$0x2], $0x10, s17, s28, $0xb8;
	[tilespmem:$0x1D800] =	vst v63  }
0xb1: {  	_ =	swait.ge [sflag:s24], $0x800  }
0xb2: {  	[sflag:s24] =	ssyncset.done $0x0  }
0xb3: {  	[sflag:s24] =	ssyncadd.s32 $0xFFFFF800  }
0xb4: {  	[spmem:s2] =	stream.indirect.scatter.add.f32 [tilespmem:s8], [sflag:$0x2], $0x10, s18, s28, $0xb8;
	[tilespmem:$0x1D800] =	vst v63  }
0xb5: {  	_ =	swait.ge [sflag:s24], $0x800  }
0xb6: {  	[sflag:s24] =	ssyncset.done $0x0  }
0xb7: {  	[sflag:s24] =	ssyncadd.s32 $0xFFFFF800  }
0xb8: {  	[spmem:s2] =	stream.indirect.scatter.add.f32 [tilespmem:s10], [sflag:$0x2], $0x10, s19, s28, $0xb8;
	[tilespmem:$0x1D800] =	vst v63  }
0xb9: {  	_ =	swait.ge [sflag:s24], $0x800  }
0xba: {  	[sflag:s24] =	ssyncset.done $0x0  }
0xbb: {  	[sflag:s24] =	ssyncadd.s32 $0xFFFFF800  }
0xbc: {  	[spmem:s2] =	stream.indirect.scatter.add.f32 [tilespmem:s12], [sflag:$0x2], $0x10, s20, s28, $0xb8;
	[tilespmem:$0x1D800] =	vst v63  }
0xbd: {  	s22 =	simm.s32 $0x80;
	_ =	swait.ge [sflag:s24], $0x800  }
0xbe: {  	s25 =	simm.s32 $0x100;
	s6 =	rddreg [dreg:$0x4];
	[sflag:s24] =	ssyncset.done $0x0  }
.LBB2_4:
0xbf: {  	[sflag:s24] =	ssyncadd.s32 $0xFFFFF800;
	s6 =	sadd.s32 s22, s6  }
0xc0: {  	[tilespmem:s3], [sflag:$0x2] =	stream.linear.gather [hbm4b:s6+s3], $0x400, $0x38;
	[tilespmem:$0x1D800] =	vst v63  }
0xc1: {  	_ =	swait.ge [sflag:s24], $0x400  }
0xc2: {  	s6 =	rddreg [dreg:$0x3];
	[sflag:s24] =	ssyncset.done $0x0  }
0xc3: {  	[sflag:s24] =	ssyncadd.s32 $0xFFFFFC00;
	s6 =	sadd.s32 s22, s6  }
0xc4: {  	[tilespmem:s26], [sflag:$0x2] =	stream.linear.gather [hbm4b:s6+s3], $0x400, $0x38;
	[tilespmem:$0x1D800] =	vst v63  }
0xc5: {  	_ =	swait.ge [sflag:s24], $0x400  }
0xc6: {  	[sflag:s24] =	ssyncset.done $0x0  }
0xc7: {  	[sflag:s24] =	ssyncadd.s32 $0xFFFFFC00  }
0xc8: {  	[tilespmem:s23], [sflag:$0x1] =	stream.indirect.gather [hbm4b:s4+s28], $0x10, s3, s28, $0xb8;
	[tilespmem:$0x1D800] =	vst v63  }
0xc9: {  	s21 =	smov.u32 s25  }
0xca: {  	[tilespmem:s29], [sflag:$0x1] =	stream.indirect.gather [hbm4b:s4+s28], $0x10, s28, s28, $0xb8;
	[tilespmem:$0x1D800] =	vst v63  }
0xcb: {  	s22 =	smov.u32 s21;
	s21 =	rddreg [dreg:$0x5]  }
0xcc: {  	[tilespmem:s30], [sflag:$0x1] =	stream.indirect.gather [hbm4b:s4+s28], $0x10, s21, s28, $0xb8;
	[tilespmem:$0x1D800] =	vst v63  }
0xcd: {  	_ = 	snop  }
0xce: {  	[tilespmem:s1], [sflag:$0x1] =	stream.indirect.gather [hbm4b:s4+s28], $0x10, s31, s28, $0xb8;
	[tilespmem:$0x1D800] =	vst v63  }
0xcf: {  	_ = 	snop  }
0xd0: {  	[tilespmem:s5], [sflag:$0x1] =	stream.indirect.gather [hbm4b:s4+s28], $0x10, s0, s28, $0xb8;
	[tilespmem:$0x1D800] =	vst v63  }
0xd1: {  	_ = 	snop  }
0xd2: {  	[tilespmem:s8], [sflag:$0x1] =	stream.indirect.gather [hbm4b:s4+s28], $0x10, s7, s28, $0xb8;
	[tilespmem:$0x1D800] =	vst v63  }
0xd3: {  	_ = 	snop  }
0xd4: {  	[tilespmem:s10], [sflag:$0x1] =	stream.indirect.gather [hbm4b:s4+s28], $0x10, s9, s28, $0xb8;
	[tilespmem:$0x1D800] =	vst v63  }
0xd5: {  	_ = 	snop  }
0xd6: {  	[tilespmem:s12], [sflag:$0x1] =	stream.indirect.gather [hbm4b:s4+s28], $0x10, s11, s28, $0xb8;
	[tilespmem:$0x1D800] =	vst v63  }
0xd7: {  	_ =	swait.ge [sflag:s13], $0x800  }
0xd8: {  	[sflag:s13] =	ssyncset.done $0x0  }
0xd9: {  	[sflag:s13] =	ssyncadd.s32 $0xFFFFF800  }
0xda: {  	_ =	swait.ge [sflag:s13], $0x800  }
0xdb: {  	[sflag:s13] =	ssyncset.done $0x0  }
0xdc: {  	[sflag:s13] =	ssyncadd.s32 $0xFFFFF800  }
0xdd: {  	_ =	swait.ge [sflag:s13], $0x800  }
0xde: {  	[sflag:s13] =	ssyncset.done $0x0  }
0xdf: {  	[sflag:s13] =	ssyncadd.s32 $0xFFFFF800  }
0xe0: {  	_ =	swait.ge [sflag:s13], $0x800  }
0xe1: {  	[sflag:s13] =	ssyncset.done $0x0  }
0xe2: {  	[sflag:s13] =	ssyncadd.s32 $0xFFFFF800  }
0xe3: {  	_ =	swait.ge [sflag:s13], $0x800  }
0xe4: {  	[sflag:s13] =	ssyncset.done $0x0  }
0xe5: {  	[sflag:s13] =	ssyncadd.s32 $0xFFFFF800  }
0xe6: {  	_ =	swait.ge [sflag:s13], $0x800  }
0xe7: {  	[sflag:s13] =	ssyncset.done $0x0  }
0xe8: {  	[sflag:s13] =	ssyncadd.s32 $0xFFFFF800  }
0xe9: {  	_ =	swait.ge [sflag:s13], $0x800  }
0xea: {  	[sflag:s13] =	ssyncset.done $0x0  }
0xeb: {  	[sflag:s13] =	ssyncadd.s32 $0xFFFFF800  }
0xec: {  	_ =	swait.ge [sflag:s13], $0x800  }
0xed: {  	[sflag:s13] =	ssyncset.done $0x0  }
0xee: {  	[sflag:s13] =	ssyncadd.s32 $0xFFFFF800  }
0xef: {  	[spmem:s2] =	stream.indirect.scatter.add.f32 [tilespmem:s23], [sflag:$0x2], $0x10, s26, s28, $0xb8;
	[tilespmem:$0x1D800] =	vst v63  }
0xf0: {  	_ =	swait.ge [sflag:s24], $0x800  }
0xf1: {  	[sflag:s24] =	ssyncset.done $0x0  }
0xf2: {  	[sflag:s24] =	ssyncadd.s32 $0xFFFFF800  }
0xf3: {  	[spmem:s2] =	stream.indirect.scatter.add.f32 [tilespmem:s29], [sflag:$0x2], $0x10, s14, s28, $0xb8;
	[tilespmem:$0x1D800] =	vst v63  }
0xf4: {  	_ =	swait.ge [sflag:s24], $0x800  }
0xf5: {  	[sflag:s24] =	ssyncset.done $0x0  }
0xf6: {  	[sflag:s24] =	ssyncadd.s32 $0xFFFFF800  }
0xf7: {  	[spmem:s2] =	stream.indirect.scatter.add.f32 [tilespmem:s30], [sflag:$0x2], $0x10, s15, s28, $0xb8;
	[tilespmem:$0x1D800] =	vst v63  }
0xf8: {  	_ =	swait.ge [sflag:s24], $0x800  }
0xf9: {  	[sflag:s24] =	ssyncset.done $0x0  }
0xfa: {  	[sflag:s24] =	ssyncadd.s32 $0xFFFFF800  }
0xfb: {  	[spmem:s2] =	stream.indirect.scatter.add.f32 [tilespmem:s1], [sflag:$0x2], $0x10, s16, s28, $0xb8;
	[tilespmem:$0x1D800] =	vst v63  }
0xfc: {  	_ =	swait.ge [sflag:s24], $0x800  }
0xfd: {  	[sflag:s24] =	ssyncset.done $0x0  }
0xfe: {  	[sflag:s24] =	ssyncadd.s32 $0xFFFFF800  }
0xff: {  	[spmem:s2] =	stream.indirect.scatter.add.f32 [tilespmem:s5], [sflag:$0x2], $0x10, s17, s28, $0xb8;
	[tilespmem:$0x1D800] =	vst v63  }
0x100: {  	_ =	swait.ge [sflag:s24], $0x800  }
0x101: {  	[sflag:s24] =	ssyncset.done $0x0  }
0x102: {  	[sflag:s24] =	ssyncadd.s32 $0xFFFFF800  }
0x103: {  	[spmem:s2] =	stream.indirect.scatter.add.f32 [tilespmem:s8], [sflag:$0x2], $0x10, s18, s28, $0xb8;
	[tilespmem:$0x1D800] =	vst v63  }
0x104: {  	_ =	swait.ge [sflag:s24], $0x800  }
0x105: {  	[sflag:s24] =	ssyncset.done $0x0  }
0x106: {  	[sflag:s24] =	ssyncadd.s32 $0xFFFFF800  }
0x107: {  	[spmem:s2] =	stream.indirect.scatter.add.f32 [tilespmem:s10], [sflag:$0x2], $0x10, s19, s28, $0xb8;
	[tilespmem:$0x1D800] =	vst v63  }
0x108: {  	p0 =	sne.s32 s25, $0x3080;
	_ =	swait.ge [sflag:s24], $0x800  }
.Ltmp1:
0x109: {  	[sflag:s24] =	ssyncset.done $0x0;
	(pc) =	sbr.rel @p0 .LBB2_4-.Ltmp1, $4  }
0x10a: {  	[sflag:s24] =	ssyncadd.s32 $0xFFFFF800  }
0x10b: {  	[spmem:s2] =	stream.indirect.scatter.add.f32 [tilespmem:s12], [sflag:$0x2], $0x10, s20, s28, $0xb8;
	[tilespmem:$0x1D800] =	vst v63  }
0x10c: {  	_ =	swait.ge [sflag:s24], $0x800  }
0x10d: {  	s25 =	sadd.s32 $0x80, s25;
	s6 =	rddreg [dreg:$0x4];
	[sflag:s24] =	ssyncset.done $0x0  }
0x10e: {  	[sflag:s24] =	ssyncadd.s32 $0xFFFFF800;
	s6 =	sadd.s32 s22, s6  }
0x10f: {  	[tilespmem:s3], [sflag:$0x2] =	stream.linear.gather [hbm4b:s6+s3], $0x400, $0x38;
	[tilespmem:$0x1D800] =	vst v63  }
0x110: {  	_ =	swait.ge [sflag:s24], $0x400  }
0x111: {  	s25 =	rddreg [dreg:$0x3];
	[sflag:s24] =	ssyncset.done $0x0  }
0x112: {  	s6 =	sadd.s32 s22, s25;
	[sflag:s24] =	ssyncadd.s32 $0xFFFFFC00  }
0x113: {  	[tilespmem:s26], [sflag:$0x2] =	stream.linear.gather [hbm4b:s6+s3], $0x400, $0x38;
	[tilespmem:$0x1D800] =	vst v63  }
0x114: {  	_ =	swait.ge [sflag:s24], $0x400  }
0x115: {  	[sflag:s24] =	ssyncset.done $0x0  }
0x116: {  	[sflag:s24] =	ssyncadd.s32 $0xFFFFFC00  }
0x117: {  	[tilespmem:s23], [sflag:$0x1] =	stream.indirect.gather [hbm4b:s4+s28], $0x10, s3, s28, $0xb8;
	[tilespmem:$0x1D800] =	vst v63  }
0x118: {  	_ = 	snop  }
0x119: {  	[tilespmem:s29], [sflag:$0x1] =	stream.indirect.gather [hbm4b:s4+s28], $0x10, s28, s28, $0xb8;
	[tilespmem:$0x1D800] =	vst v63  }
0x11a: {  	s21 =	rddreg [dreg:$0x5]  }
0x11b: {  	[tilespmem:s30], [sflag:$0x1] =	stream.indirect.gather [hbm4b:s4+s28], $0x10, s21, s28, $0xb8;
	[tilespmem:$0x1D800] =	vst v63  }
0x11c: {  	_ = 	snop  }
0x11d: {  	[tilespmem:s1], [sflag:$0x1] =	stream.indirect.gather [hbm4b:s4+s28], $0x10, s31, s28, $0xb8;
	[tilespmem:$0x1D800] =	vst v63  }
0x11e: {  	_ = 	snop  }
0x11f: {  	[tilespmem:s5], [sflag:$0x1] =	stream.indirect.gather [hbm4b:s4+s28], $0x10, s0, s28, $0xb8;
	[tilespmem:$0x1D800] =	vst v63  }
0x120: {  	_ = 	snop  }
0x121: {  	[tilespmem:s8], [sflag:$0x1] =	stream.indirect.gather [hbm4b:s4+s28], $0x10, s7, s28, $0xb8;
	[tilespmem:$0x1D800] =	vst v63  }
0x122: {  	_ = 	snop  }
0x123: {  	[tilespmem:s10], [sflag:$0x1] =	stream.indirect.gather [hbm4b:s4+s28], $0x10, s9, s28, $0xb8;
	[tilespmem:$0x1D800] =	vst v63  }
0x124: {  	_ = 	snop  }
0x125: {  	[tilespmem:s12], [sflag:$0x1] =	stream.indirect.gather [hbm4b:s4+s28], $0x10, s11, s28, $0xb8;
	[tilespmem:$0x1D800] =	vst v63  }
0x126: {  	_ =	swait.ge [sflag:s13], $0x800  }
0x127: {  	[sflag:s13] =	ssyncset.done $0x0  }
0x128: {  	[sflag:s13] =	ssyncadd.s32 $0xFFFFF800  }
0x129: {  	_ =	swait.ge [sflag:s13], $0x800  }
0x12a: {  	[sflag:s13] =	ssyncset.done $0x0  }
0x12b: {  	[sflag:s13] =	ssyncadd.s32 $0xFFFFF800  }
0x12c: {  	_ =	swait.ge [sflag:s13], $0x800  }
0x12d: {  	[sflag:s13] =	ssyncset.done $0x0  }
0x12e: {  	[sflag:s13] =	ssyncadd.s32 $0xFFFFF800  }
0x12f: {  	_ =	swait.ge [sflag:s13], $0x800  }
0x130: {  	[sflag:s13] =	ssyncset.done $0x0  }
0x131: {  	[sflag:s13] =	ssyncadd.s32 $0xFFFFF800  }
0x132: {  	_ =	swait.ge [sflag:s13], $0x800  }
0x133: {  	[sflag:s13] =	ssyncset.done $0x0  }
0x134: {  	[sflag:s13] =	ssyncadd.s32 $0xFFFFF800  }
0x135: {  	_ =	swait.ge [sflag:s13], $0x800  }
0x136: {  	[sflag:s13] =	ssyncset.done $0x0  }
0x137: {  	[sflag:s13] =	ssyncadd.s32 $0xFFFFF800  }
0x138: {  	_ =	swait.ge [sflag:s13], $0x800  }
0x139: {  	[sflag:s13] =	ssyncset.done $0x0  }
0x13a: {  	[sflag:s13] =	ssyncadd.s32 $0xFFFFF800  }
0x13b: {  	_ =	swait.ge [sflag:s13], $0x800  }
0x13c: {  	[sflag:s13] =	ssyncset.done $0x0  }
0x13d: {  	[sflag:s13] =	ssyncadd.s32 $0xFFFFF800  }
0x13e: {  	[spmem:s2] =	stream.indirect.scatter.add.f32 [tilespmem:s23], [sflag:$0x2], $0x10, s26, s28, $0xb8;
	[tilespmem:$0x1D800] =	vst v63  }
0x13f: {  	_ =	swait.ge [sflag:s24], $0x800  }
0x140: {  	[sflag:s24] =	ssyncset.done $0x0  }
0x141: {  	[sflag:s24] =	ssyncadd.s32 $0xFFFFF800  }
0x142: {  	[spmem:s2] =	stream.indirect.scatter.add.f32 [tilespmem:s29], [sflag:$0x2], $0x10, s14, s28, $0xb8;
	[tilespmem:$0x1D800] =	vst v63  }
0x143: {  	_ =	swait.ge [sflag:s24], $0x800  }
0x144: {  	[sflag:s24] =	ssyncset.done $0x0  }
0x145: {  	[sflag:s24] =	ssyncadd.s32 $0xFFFFF800  }
0x146: {  	[spmem:s2] =	stream.indirect.scatter.add.f32 [tilespmem:s30], [sflag:$0x2], $0x10, s15, s28, $0xb8;
	[tilespmem:$0x1D800] =	vst v63  }
0x147: {  	_ =	swait.ge [sflag:s24], $0x800  }
0x148: {  	[sflag:s24] =	ssyncset.done $0x0  }
0x149: {  	[sflag:s24] =	ssyncadd.s32 $0xFFFFF800  }
0x14a: {  	[spmem:s2] =	stream.indirect.scatter.add.f32 [tilespmem:s1], [sflag:$0x2], $0x10, s16, s28, $0xb8;
	[tilespmem:$0x1D800] =	vst v63  }
0x14b: {  	_ =	swait.ge [sflag:s24], $0x800  }
0x14c: {  	[sflag:s24] =	ssyncset.done $0x0  }
0x14d: {  	[sflag:s24] =	ssyncadd.s32 $0xFFFFF800  }
0x14e: {  	[spmem:s2] =	stream.indirect.scatter.add.f32 [tilespmem:s5], [sflag:$0x2], $0x10, s17, s28, $0xb8;
	[tilespmem:$0x1D800] =	vst v63  }
0x14f: {  	_ =	swait.ge [sflag:s24], $0x800  }
0x150: {  	[sflag:s24] =	ssyncset.done $0x0  }
0x151: {  	[sflag:s24] =	ssyncadd.s32 $0xFFFFF800  }
0x152: {  	[spmem:s2] =	stream.indirect.scatter.add.f32 [tilespmem:s8], [sflag:$0x2], $0x10, s18, s28, $0xb8;
	[tilespmem:$0x1D800] =	vst v63  }
0x153: {  	_ =	swait.ge [sflag:s24], $0x800  }
0x154: {  	[sflag:s24] =	ssyncset.done $0x0  }
0x155: {  	[sflag:s24] =	ssyncadd.s32 $0xFFFFF800  }
0x156: {  	[spmem:s2] =	stream.indirect.scatter.add.f32 [tilespmem:s10], [sflag:$0x2], $0x10, s19, s28, $0xb8;
	[tilespmem:$0x1D800] =	vst v63  }
0x157: {  	_ =	swait.ge [sflag:s24], $0x800  }
0x158: {  	[sflag:s24] =	ssyncset.done $0x0  }
0x159: {  	[sflag:s24] =	ssyncadd.s32 $0xFFFFF800  }
0x15a: {  	[spmem:s2] =	stream.indirect.scatter.add.f32 [tilespmem:s12], [sflag:$0x2], $0x10, s20, s28, $0xb8;
	[tilespmem:$0x1D800] =	vst v63  }
0x15b: {  	_ =	swait.ge [sflag:s24], $0x800  }
0x15c: {  	[sflag:s24] =	ssyncset.done $0x0  }
0x15d: {  	[sflag:s24] =	ssyncadd.s32 $0xFFFFF800  }
0x15e: {  	s22 =	stileid.u32;
	[bflag:$0x0] =	sbarrier.arrive $0xFFFF  }
0x15f: {  	s6 =	sshll.u32 s22, $0x6;
	s21 =	rddreg [dreg:$0x6]  }
0x160: {  	s6 =	sor.u32 $0x1C02, s6;
	s25 =	rddreg [dreg:$0x18]  }
0x161: {  	[hbm:s21], [sflag:s6] =	dma.local [spmem:s25], $0x3200  }
0x162: {  	_ =	swait.ge [sflag:s24], $0x3200  }
0x163: {  	s22 =	rddreg [dreg:$0x19]  }
0x164: {  	s25 =	rddreg [dreg:$0x8];
	s21 =	sadd.s32 $0x1, s22  }
0x165: {  	p0 =	sne.s32 s21, s25  }
.Ltmp2:
0x166: {  	_ = 	snop;
	(pc) =	sbr.rel @p0 .LBB2_1-.Ltmp2, $3  }
0x167: {  	_ =	sdelay $0x1  }
0x168: {  	[sflag:s24] =	ssyncset.done $0x0  }
0x169: {  	[sflag:s24] =	ssyncadd.s32 $0xFFFFCE00  }
0x16a: {  	_ =	sfence.sel $0x180000  }
0x16b: {  	[bflag:$0x0] =	sbarrier.arrive $0xFFFF  }
0x16c: {  	_ =	strace $0x9000004D  }
0x16d: {  	s0 =	stileid.u32;
	[bflag:$0x2] =	sbarrier.arrive $0xFFFF  }
0x16e: {  	p0 =	sne.s32 s0, $0x0;
	s0 =	rddreg [dreg:$0x2]  }
0x16f: {  	s0 =	sadd.s32 @!p0 $0x100000, s0  }
0x170: {  	[sflag:s0] =	ssyncadd.tile.s32 @!p0 $0x1;
	_ =	shalt  }
.Lfunc_end2:
_tile_overlayer_lowered:
.L_overlay_start_2:
0x171: {  	(tag) =	ssettag $0x2  }
0x172: {  	s0 =	rddreg [dreg:$0x0];
	s2 =	stileid.u32  }
0x173: {  	s1 =	rddreg [dreg:$0x1];
	p0 =	sne.s32 s2, $0x0  }
0x174: {  	s3 =	rddreg [dreg:$0x2];
	[bflag:$0x3] =	sbarrier.arrive $0xFFFF;
	s2 =	simm.s32 @!p0 $0x1C02  }
0x175: {  	[timem:s3], [sflag:s2] =	dma.local @!p0 [hbm:s0], s1  }
0x176: {  	s0 =	simm.s32 @!p0 $0x2  }
0x177: {  	_ =	swait.ge @!p0 [sflag:s0], s1  }
0x178: {  	s1 =	ssub.s32 @!p0 $0x0, s1;
	[sflag:s0] =	ssyncset.done @!p0 $0x0  }
0x179: {  	[sflag:s0] =	ssyncadd.s32 @!p0 s1  }
0x17a: {  	[bflag:$0x3] =	sbarrier.arrive $0xFFFF  }
0x17b: {  	_ =	shalt  }

// kernel: kernel.9.cloned.1.call-start
scs
__scs_entry_jumppad:
0x0: {  	(pc) =	sbr.rel $0x88, $3  }
0x1: {  	(tag) =	ssettag $0x0;
	lr =	simm.s32 $0x1  }
0x2: {  	[smem:$0x3F8F] =	sst lr;
	_ =	strace $0xD0000000  }
0x3: {  	_ = 	snop  }
0x4: {  	_ = 	snop  }
0x5: {  	_ = 	snop  }
0x6: {  	_ = 	snop  }
0x7: {  	_ = 	snop  }
__scs_overlays_trampoline_lowered:
0x8: {  	[smem:$0x3F9E] =	sst s0  }
0x9: {  	[smem:$0x3F9F] =	sst s1  }
0xa: {  	[smem:$0x3FA0] =	sst s2  }
0xb: {  	[smem:$0x3FA1] =	sst s3  }
0xc: {  	[smem:$0x3FA2] =	sst s4  }
0xd: {  	[smem:$0x3FA3] =	sst s5  }
0xe: {  	[smem:$0x3FA4] =	sst s6  }
0xf: {  	[smem:$0x3FA5] =	sst s7  }
0x10: {  	[smem:$0x3FA6] =	sst s8  }
0x11: {  	[smem:$0x3FA7] =	sst s9;
	s0 =	simm.s32 @!p0 $0x0  }
0x12: {  	s1 =	sld [smem:$0x3F8D];
	s0 =	simm.s32 @p0 $0x1  }
0x13: {  	[smem:$0x3FA8] =	sst s0;
	s0 =	simm.s32 @!p1 $0x0  }
0x14: {  	s2 =	sld [smem:$0x3F8C];
	s0 =	simm.s32 @p1 $0x1  }
0x15: {  	[smem:$0x3FA9] =	sst s0;
	s0 =	simm.s32 @!p2 $0x0  }
0x16: {  	s3 =	sld [smem:$0x3FDB];
	s0 =	simm.s32 @p2 $0x1  }
0x17: {  	s4 =	simm.s32 $0x1BF5;
	[smem:$0x3FAB] =	sst s0  }
0x18: {  	s0 =	sld [smem:$0x3F8E];
	_ =	swait.ge [sflag:s4], $0x0  }
0x19: {  	s7 =	sld [smem:$0x3F8F]  }
0x1a: {  	s8 =	sadd.s32 $0xFFFFE003, lr  }
0x1b: {  	s9 =	sadd.s32 $0xFFFFFEF7, lr;
	s5 =	simm.s32 $0xFFFFFFFF;
	p2 =	slt.u32 s8, $0xFFFFF086  }
0x1c: {  	p1 =	slt.u32 s9, $0xF7A;
	s5 =	simm.s32 @!p2 $0x0  }
0x1d: {  	s5 =	simm.s32 @p1 $0x1;
	p0 =	seq.s32 s7, s2  }
0x1e: {  	s7 =	smul.u32 @!p0 $0xF7A, s2;
	p2 =	seq.s32 @!p0 s5, $0x0  }
0x1f: {  	s9 =	smul.u32 $0xF7A, s1;
	s8 =	simm.s32 @!p0 $0x1BF5;
	p2 =	por !p2, p0  }
0x20: {  	[sflag:s8] =	ssyncset.s32 @!p0 $0xFFFFF086;
	s6 =	sadd.s32 @!p0 s3, s7;
	s7 =	simm.s32 @!p0 $0x108  }
0x21: {  	s3 =	sadd.s32 s3, s9;
	s6 =	sadd.s32 @!p0 $0x88, s6;
	s7 =	simm.s32 @p2 $0x1082  }
0x22: {  	[simem:s7], [sflag:s8] =	dma.local @!p0 [hbm:s6], $0xF7A  }
0x23: {  	s9 =	sor.u32 $0xD0000000, s2;
	s6 =	simm.s32 $0x108;
	_ =	swait.ge @!p0 [sflag:s8], $0x0  }
0x24: {  	s3 =	sadd.s32 $0x88, s3;
	s6 =	simm.s32 @!p1 $0x1082;
	[sflag:s4] =	ssyncset.s32 $0xFFFFF086  }
0x25: {  	[simem:s6], [sflag:s4] =	dma.local [hbm:s3], $0xF7A  }
0x26: {  	[smem:$0x3F8F] =	sst s1;
	(tag) =	ssettag s2;
	_ =	strace s9  }
0x27: {  	s1 =	sld [smem:$0x3F9F]  }
0x28: {  	s2 =	sld [smem:$0x3FA0]  }
0x29: {  	s4 =	sld [smem:$0x3FA2]  }
0x2a: {  	p0 =	seq.s32 s5, $0x0;
	s5 =	sld [smem:$0x3FA3]  }
0x2b: {  	s6 =	sld [smem:$0x3FA4]  }
0x2c: {  	s7 =	sld [smem:$0x3FA5]  }
0x2d: {  	s3 =	simm.s32 $0x108;
	s8 =	sld [smem:$0x3FA6]  }
0x2e: {  	s3 =	simm.s32 @!p0 $0x1082;
	s9 =	sld [smem:$0x3FA7]  }
0x2f: {  	lr =	sadd.s32 s0, s3;
	s0 =	sld [smem:$0x3F9E]  }
0x30: {  	s3 =	sld [smem:$0x3FA1]  }
0x31: {  	[smem:$0x3FAA] =	sst s10  }
0x32: {  	s10 =	sld [smem:$0x3FA8];
	_ =	sdelay $0x3  }
0x33: {  	p0 =	seq.s32 s10, $0x1;
	s10 =	sld [smem:$0x3FAA];
	_ =	sdelay $0x3  }
0x34: {  	[smem:$0x3FAA] =	sst s10  }
0x35: {  	s10 =	sld [smem:$0x3FA9];
	_ =	sdelay $0x3  }
0x36: {  	p1 =	seq.s32 s10, $0x1;
	s10 =	sld [smem:$0x3FAA];
	_ =	sdelay $0x3  }
0x37: {  	[smem:$0x3FAA] =	sst s10  }
0x38: {  	s10 =	sld [smem:$0x3FAB]  }
0x39: {  	_ = 	snop;
	(pc) =	sbr.ind lr, $3  }
0x3a: {  	_ = 	snop  }
0x3b: {  	_ = 	snop  }
0x3c: {  	p2 =	seq.s32 s10, $0x1;
	s10 =	sld [smem:$0x3FAA]  }
0x3d: {  	_ =	shalt  }
0x3e: {  	_ =	shalt  }
0x3f: {  	_ =	shalt  }
0x40: {  	_ =	shalt  }
0x41: {  	_ =	shalt  }
0x42: {  	_ =	shalt  }
0x43: {  	_ =	shalt  }
0x44: {  	_ =	shalt  }
0x45: {  	_ =	shalt  }
0x46: {  	_ =	shalt  }
0x47: {  	_ =	shalt  }
0x48: {  	_ =	shalt  }
0x49: {  	_ =	shalt  }
0x4a: {  	_ =	shalt  }
0x4b: {  	_ =	shalt  }
0x4c: {  	_ =	shalt  }
0x4d: {  	_ =	shalt  }
0x4e: {  	_ =	shalt  }
0x4f: {  	_ =	shalt  }
0x50: {  	_ =	shalt  }
0x51: {  	_ =	shalt  }
0x52: {  	_ =	shalt  }
0x53: {  	_ =	shalt  }
0x54: {  	_ =	shalt  }
0x55: {  	_ =	shalt  }
0x56: {  	_ =	shalt  }
0x57: {  	_ =	shalt  }
0x58: {  	_ =	shalt  }
0x59: {  	_ =	shalt  }
0x5a: {  	_ =	shalt  }
0x5b: {  	_ =	shalt  }
0x5c: {  	_ =	shalt  }
0x5d: {  	_ =	shalt  }
0x5e: {  	_ =	shalt  }
0x5f: {  	_ =	shalt  }
0x60: {  	_ =	shalt  }
0x61: {  	_ =	shalt  }
0x62: {  	_ =	shalt  }
0x63: {  	_ =	shalt  }
0x64: {  	_ =	shalt  }
0x65: {  	_ =	shalt  }
0x66: {  	_ =	shalt  }
0x67: {  	_ =	shalt  }
0x68: {  	_ =	shalt  }
0x69: {  	_ =	shalt  }
0x6a: {  	_ =	shalt  }
0x6b: {  	_ =	shalt  }
0x6c: {  	_ =	shalt  }
0x6d: {  	_ =	shalt  }
0x6e: {  	_ =	shalt  }
0x6f: {  	_ =	shalt  }
0x70: {  	_ =	shalt  }
0x71: {  	_ =	shalt  }
0x72: {  	_ =	shalt  }
0x73: {  	_ =	shalt  }
0x74: {  	_ =	shalt  }
0x75: {  	_ =	shalt  }
0x76: {  	_ =	shalt  }
0x77: {  	_ =	shalt  }
0x78: {  	_ =	shalt  }
0x79: {  	_ =	shalt  }
0x7a: {  	_ =	shalt  }
0x7b: {  	_ =	shalt  }
0x7c: {  	_ =	shalt  }
0x7d: {  	_ =	shalt  }
0x7e: {  	_ =	shalt  }
0x7f: {  	_ =	shalt  }
0x80: {  	_ =	shalt  }
0x81: {  	_ =	shalt  }
0x82: {  	_ =	shalt  }
0x83: {  	_ =	shalt  }
0x84: {  	_ =	shalt  }
0x85: {  	_ =	shalt  }
0x86: {  	_ =	shalt  }
0x87: {  	_ =	shalt  }
.Lfunc_end0:
.L_simem_size_0:
called_computation_lowered:
.L_overlay_start_0:
0x88: {  	s2 =	sld [smem:$0x3FD9]  }
0x89: {  	s3 =	sld [smem:$0x3FFE];
	_ =	sdelay $0x1  }
0x8a: {  	s1 =	srdreg.scid  }
0x8b: {  	s0 =	sand.u32 $0x1, s1  }
0x8c: {  	s14 =	sshll.u32 s0, $0xA;
	s2 =	sadd.s32 s3, s2  }
0x8d: {  	s2 =	sadd.s32 s2, s14  }
0x8e: {  	[smem:$0x3FB6] =	sst s2  }
0x8f: {  	_ = 	snop  }
0x90: {  	s2 =	sld [smem:$0x3FD0];
	_ =	sdelay $0x2  }
0x91: {  	s15 =	simm.s32 $0xA;
	s4 =	simm.s32 $0x10  }
0x92: {  	[smem:s4], [sflag:s15] =	dma.local [hbm:s2], $0x1  }
0x93: {  	_ =	swait.eq [sflag:s15], $0x1  }
0x94: {  	[sflag:s15] =	ssyncset.done $0x0  }
0x95: {  	s16 =	sld [smem:$0x10];
	[sflag:s15] =	ssyncadd.s32 $0xFFFFFFFF  }
0x96: {  	s17 =	sld [smem:$0x11];
	(tm) =	ssettm $0x1  }
0x97: {  	s18 =	sld [smem:$0x3FFB];
	_ =	sdelay $0x3  }
0x98: {  	_ =	strace s18  }
0x99: {  	s4 =	sld [smem:$0x3FFC];
	_ =	sdelay $0x3  }
0x9a: {  	_ =	strace s4  }
0x9b: {  	s4 =	sld [smem:$0x3FFD];
	_ =	sdelay $0x3  }
0x9c: {  	_ =	strace s4  }
0x9d: {  	_ =	strace $0x8FFFFFFF  }
0x9e: {  	s19 =	sld [smem:$0x3FDB];
	_ =	sdelay $0x1  }
0x9f: {  	s5 =	simm.s32 $_scs_section_size  }
0xa0: {  	s6 =	simm.s32 $_size__tile_overlayer_lowered;
	s7 =	simm.s32 $_tile_overlayer_lowered  }
0xa1: {  	s22 =	simm.s32 $0x1BFF;
	s21 =	sshll.u32 s7, $0x1;
	s4 =	sadd.s32 s5, s19  }
0xa2: {  	s8 =	simm.s32 $0x0;
	s20 =	sshll.u32 s6, $0x1;
	s6 =	sadd.s32 s21, s4  }
0xa3: {  	[timem:s8], [sflag:s22] =	dma.local [hbm:s6], s20  }
0xa4: {  	_ =	swait.ge [sflag:s22], s20  }
0xa5: {  	s5 =	ssub.s32 $0x0, s20;
	[sflag:s22] =	ssyncset.done $0x0  }
0xa6: {  	[sflag:s22] =	ssyncadd.s32 s5;
	_ =	sdelay $0x1  }
0xa7: {  	s23 =	simm.s32 $0x1B8B  }
0xa8: {  	_ =	swait.ge [sflag:s23], $0x1  }
0xa9: {  	[sflag:s23] =	ssyncset.done $0x0  }
0xaa: {  	s25 =	simm.s32 $0x1B8E;
	s24 =	sld [smem:$0x3FFE];
	[sflag:s23] =	ssyncadd.s32 $0xFFFFFFFF  }
0xab: {  	s26 =	simm.s32 $execute0_lowered;
	[smem:$0x3FD2] =	sst s25  }
0xac: {  	s6 =	sshll.u32 s26, $0x1;
	_ =	strace $0x80000046;
	[dreg:$0x1] =	wrdreg $0xFFFFFFFF  }
0xad: {  	s28 =	simm.s32 $_size_execute0_lowered;
	s4 =	sadd.s32 s4, s6;
	[dreg:$0x0] =	wrdreg $0x0  }
0xae: {  	s6 =	sshll.u32 s28, $0x1;
	[dreg:$0x2] =	wrdreg s4  }
0xaf: {  	[dreg:$0x3] =	wrdreg s6  }
0xb0: {  	[dreg:$0x4] =	wrdreg $0xC0  }
0xb1: {  	_ =	task [dreg:s8], $0x5FFFF  }
0xb2: {  	[dreg:$0x1] =	wrdreg $0xFFFFFFFF  }
0xb3: {  	[dreg:$0x0] =	wrdreg $0x60  }
0xb4: {  	[dreg:$0x2] =	wrdreg s16  }
0xb5: {  	[dreg:$0x3] =	wrdreg s17  }
0xb6: {  	[dreg:$0x4] =	wrdreg s24  }
0xb7: {  	[dreg:$0x5] =	wrdreg $0x48000  }
0xb8: {  	[dreg:$0x6] =	wrdreg $0x9  }
0xb9: {  	_ =	task.clear_ibuf [dreg:s8], $0x7FFFF;
	_ =	strace $0x90000046  }
0xba: {  	s29 =	simm.s32 $0x9;
	_ =	strace $0x80000048  }
0xbb: {  	_ =	swait.ge [sflag:s29], $0x1  }
0xbc: {  	[sflag:s29] =	ssyncadd.s32 $0xFFFFFFFF  }
0xbd: {  	_ =	strace $0x90000048  }
0xbe: {  	_ =	sfence  }
0xbf: {  	s30 =	sld [smem:$0x0];
	_ =	sdelay $0x2  }
0xc0: {  	s31 =	sshll.u32 s1, $0xD;
	s1 =	sshrl.u32 s1, $0x2  }
0xc1: {  	s3 =	sand.u32 $0x4000, s31;
	s1 =	sadd.s32 s1, s30  }
0xc2: {  	s0 =	sor.u32 s3, s0;
	s1 =	sshll.u32 s1, $0x11  }
0xc3: {  	s0 =	sor.u32 s1, s0  }
0xc4: {  	s0 =	sadd.s32 $0x8F2B, s0  }
0xc5: {  	[sflag:s0] =	ssyncadd.remote.s32 $0x1  }
0xc6: {  	_ =	sfence.sel $0xFFFF  }
0xc7: {  	[dreg:$0x0] =	wrdreg $0xFFFFFFFF;
	(pc) =	sbr.abs _section_cstart, $3  }
0xc8: {  	[dreg:$0x1] =	wrdreg $0xFFFFFFFF  }
0xc9: {  	_ =	task.clear_ibuf [dreg:s8], $0x2FFFF;
	_ =	strace $0x9FFFFFFF  }
0xca: {  	(tm) =	ssettm $0x7FFFFFFF  }
0xcb: {  	_ =	shalt  }
tec
execute0_lowered:
.L_overlay_start_1:
0x0: {  	(tag) =	ssettag $0x1  }
0x1: {  	s0 =	rddreg [dreg:$0x0]  }
0x2: {  	s1 =	rddreg [dreg:$0x1]  }
0x3: {  	s2 =	srdreg.scid;
	s9 =	stileid.u32  }
0x4: {  	s5 =	rddreg [dreg:$0x2];
	s7 =	smul.u32 $0xC400, s9  }
0x5: {  	s3 =	rddreg [dreg:$0x3];
	s24 =	smul.u32 $0x19000, s9  }
0x6: {  	s4 =	simm.s32 $0x0;
	s2 =	sand.u32 $0x1, s2;
	s9 =	smul.u32 $0x64000, s9  }
0x7: {  	[smem:$0x7FF] =	sst s4;
	s6 =	smul.u32 $0xC4000, s2  }
0x8: {  	s8 =	smul.u32 $0x190000, s2;
	s2 =	ssub.s32 $0x2, s2;
	s25 =	sshrl.u32 s9, $0x2  }
0x9: {  	_ =	strace $0x80000047;
	s11 =	sshrl.u32 s2, $0x1;
	s26 =	sadd.s32 s25, s3  }
0xa: {  	s2 =	ssub.s32 s2, s11;
	s25 =	simm.s32 $0x100;
	[dreg:$0x9] =	wrdreg s26  }
0xb: {  	s2 =	smax.u32 s2, $0x1;
	[dreg:$0x7] =	wrdreg s25  }
0xc: {  	s9 =	sadd.s32 $0x1900, s26;
	[dreg:$0xa] =	wrdreg s2  }
0xd: {  	s11 =	sadd.s32 $0x3200, s26;
	[dreg:$0xb] =	wrdreg s9  }
0xe: {  	s12 =	sadd.s32 $0x4B00, s26;
	[dreg:$0xc] =	wrdreg s11  }
0xf: {  	s13 =	sadd.s32 $0x6400, s26;
	[dreg:$0xd] =	wrdreg s12  }
0x10: {  	s28 =	simm.s32 $0x80;
	s14 =	sadd.s32 $0x7D00, s26;
	[dreg:$0xe] =	wrdreg s13  }
0x11: {  	s29 =	simm.s32 $0x1000;
	s15 =	sadd.s32 $0x9600, s26;
	[dreg:$0xf] =	wrdreg s14  }
0x12: {  	s30 =	simm.s32 $0x1800;
	s16 =	sadd.s32 $0xAF00, s26;
	[dreg:$0x10] =	wrdreg s15  }
0x13: {  	s31 =	simm.s32 $0x180;
	s17 =	sadd.s32 $0xC800, s26;
	[dreg:$0x11] =	wrdreg s16  }
0x14: {  	s6 =	sadd.s32 s7, s6;
	s18 =	sadd.s32 $0xE100, s26;
	[dreg:$0x12] =	wrdreg s17  }
0x15: {  	s8 =	sadd.s32 s24, s8;
	s19 =	sadd.s32 $0xFA00, s26;
	[dreg:$0x13] =	wrdreg s18  }
0x16: {  	s7 =	simm.s32 $0x280;
	s20 =	sadd.s32 $0x11300, s26;
	[dreg:$0x14] =	wrdreg s19  }
0x17: {  	s6 =	sshrl.u32 s6, $0x3;
	s21 =	sadd.s32 $0x12C00, s26;
	[dreg:$0x15] =	wrdreg s20  }
0x18: {  	s8 =	sshrl.u32 s8, $0x3;
	s22 =	sadd.s32 $0x14500, s26;
	[dreg:$0x16] =	wrdreg s21  }
0x19: {  	s10 =	sadd.s32 s6, s5;
	s5 =	sadd.s32 s8, s5;
	[dreg:$0x17] =	wrdreg s22  }
0x1a: {  	s8 =	sadd.s32 $0x15E00, s26;
	s1 =	sadd.s32 s6, s1;
	s2 =	simm.s32 $0x2000  }
0x1b: {  	s9 =	simm.s32 $0x300;
	s11 =	simm.s32 $0x380;
	s12 =	simm.s32 $0x4000  }
0x1c: {  	s13 =	simm.s32 $0x1;
	s14 =	simm.s32 $0x480;
	s15 =	simm.s32 $0x500  }
0x1d: {  	s16 =	simm.s32 $0x580;
	s17 =	simm.s32 $0x600;
	s18 =	simm.s32 $0x680  }
0x1e: {  	s19 =	simm.s32 $0x700;
	s20 =	simm.s32 $0x780;
	s21 =	simm.s32 $0x0  }
0x1f: {  	s5 =	sadd.s32 $0x35600, s5;
	s23 =	sadd.s32 $0x4600, s10;
	[dreg:$0x18] =	wrdreg s8  }
0x20: {  	[dreg:$0x6] =	wrdreg s1;
	s1 =	simm.s32 $0x200;
	s8 =	simm.s32 $0x3000  }
0x21: {  	s10 =	simm.s32 $0x3800;
	[dreg:$0x8] =	wrdreg s5;
	s5 =	sadd.s32 s24, s3  }
0x22: {  	[dreg:$0x5] =	wrdreg s23;
	s24 =	sadd.s32 $0x17700, s26;
	s23 =	simm.s32 $0x800  }
0x23: {  	[dreg:$0x19] =	wrdreg s24;
	s24 =	simm.s32 $0x2;
	s26 =	sshrl.u32 s5, $0x3  }
0x24: {  	v0 =	vimm.f32 $0.0e+00;
	s5 =	simm.s32 $0x2800;
	[dreg:$0x1a] =	wrdreg s26;
	s26 =	simm.s32 $0x400  }
.LBB2_1:
0x25: {  	s6 =	simm.s32 $0x40;
	s22 =	simm.s32 $0x0  }
.LBB2_2:
0x26: {  	p0 =	sne.s32 s6, $0x63C0;
	[tilespmem:s22+$0x800] =	vst v0;
	s22 =	smov.u32 s6;
	s6 =	sadd.s32 $0x40, s6  }
.Ltmp0:
0x27: {  	(pc) =	sbr.rel @p0 .LBB2_2-.Ltmp0, $2  }
0x28: {  	_ =	sdelay $0x2  }
0x29: {  	s22 =	sshra.s32 s22, $0x2  }
0x2a: {  	[dreg:$0x1b] =	wrdreg s21  }
0x2b: {  	[tilespmem:s22+$0x800] =	vst v0;
	s6 =	rddreg [dreg:$0x9]  }
0x2c: {  	[spmem:s6] =	stream.linear.scatter [tilespmem:s23], [sflag:$0x2], $0x1900, $0x38;
	[tilespmem:$0x1D800] =	vst v63  }
0x2d: {  	_ =	swait.ge [sflag:s24], $0x1900  }
0x2e: {  	[sflag:s24] =	ssyncset.done $0x0  }
0x2f: {  	s21 =	rddreg [dreg:$0xb];
	[sflag:s24] =	ssyncadd.s32 $0xFFFFE700  }
0x30: {  	[spmem:s21] =	stream.linear.scatter [tilespmem:s23], [sflag:$0x2], $0x1900, $0x38;
	[tilespmem:$0x1D800] =	vst v63  }
0x31: {  	_ =	swait.ge [sflag:s24], $0x1900  }
0x32: {  	[sflag:s24] =	ssyncset.done $0x0  }
0x33: {  	s22 =	rddreg [dreg:$0xc];
	[sflag:s24] =	ssyncadd.s32 $0xFFFFE700  }
0x34: {  	[spmem:s22] =	stream.linear.scatter [tilespmem:s23], [sflag:$0x2], $0x1900, $0x38;
	[tilespmem:$0x1D800] =	vst v63  }
0x35: {  	_ =	swait.ge [sflag:s24], $0x1900  }
0x36: {  	[sflag:s24] =	ssyncset.done $0x0  }
0x37: {  	s25 =	rddreg [dreg:$0xd];
	[sflag:s24] =	ssyncadd.s32 $0xFFFFE700  }
0x38: {  	[spmem:s25] =	stream.linear.scatter [tilespmem:s23], [sflag:$0x2], $0x1900, $0x38;
	[tilespmem:$0x1D800] =	vst v63  }
0x39: {  	_ =	swait.ge [sflag:s24], $0x1900  }
0x3a: {  	[sflag:s24] =	ssyncset.done $0x0  }
0x3b: {  	s21 =	rddreg [dreg:$0xe];
	[sflag:s24] =	ssyncadd.s32 $0xFFFFE700  }
0x3c: {  	[spmem:s21] =	stream.linear.scatter [tilespmem:s23], [sflag:$0x2], $0x1900, $0x38;
	[tilespmem:$0x1D800] =	vst v63  }
0x3d: {  	_ =	swait.ge [sflag:s24], $0x1900  }
0x3e: {  	[sflag:s24] =	ssyncset.done $0x0  }
0x3f: {  	s22 =	rddreg [dreg:$0xf];
	[sflag:s24] =	ssyncadd.s32 $0xFFFFE700  }
0x40: {  	[spmem:s22] =	stream.linear.scatter [tilespmem:s23], [sflag:$0x2], $0x1900, $0x38;
	[tilespmem:$0x1D800] =	vst v63  }
0x41: {  	_ =	swait.ge [sflag:s24], $0x1900  }
0x42: {  	[sflag:s24] =	ssyncset.done $0x0  }
0x43: {  	s25 =	rddreg [dreg:$0x10];
	[sflag:s24] =	ssyncadd.s32 $0xFFFFE700  }
0x44: {  	[spmem:s25] =	stream.linear.scatter [tilespmem:s23], [sflag:$0x2], $0x1900, $0x38;
	[tilespmem:$0x1D800] =	vst v63  }
0x45: {  	_ =	swait.ge [sflag:s24], $0x1900  }
0x46: {  	[sflag:s24] =	ssyncset.done $0x0  }
0x47: {  	s21 =	rddreg [dreg:$0x11];
	[sflag:s24] =	ssyncadd.s32 $0xFFFFE700  }
0x48: {  	[spmem:s21] =	stream.linear.scatter [tilespmem:s23], [sflag:$0x2], $0x1900, $0x38;
	[tilespmem:$0x1D800] =	vst v63  }
0x49: {  	_ =	swait.ge [sflag:s24], $0x1900  }
0x4a: {  	[sflag:s24] =	ssyncset.done $0x0  }
0x4b: {  	s22 =	rddreg [dreg:$0x12];
	[sflag:s24] =	ssyncadd.s32 $0xFFFFE700  }
0x4c: {  	[spmem:s22] =	stream.linear.scatter [tilespmem:s23], [sflag:$0x2], $0x1900, $0x38;
	[tilespmem:$0x1D800] =	vst v63  }
0x4d: {  	_ =	swait.ge [sflag:s24], $0x1900  }
0x4e: {  	[sflag:s24] =	ssyncset.done $0x0  }
0x4f: {  	s25 =	rddreg [dreg:$0x13];
	[sflag:s24] =	ssyncadd.s32 $0xFFFFE700  }
0x50: {  	[spmem:s25] =	stream.linear.scatter [tilespmem:s23], [sflag:$0x2], $0x1900, $0x38;
	[tilespmem:$0x1D800] =	vst v63  }
0x51: {  	_ =	swait.ge [sflag:s24], $0x1900  }
0x52: {  	[sflag:s24] =	ssyncset.done $0x0  }
0x53: {  	s21 =	rddreg [dreg:$0x14];
	[sflag:s24] =	ssyncadd.s32 $0xFFFFE700  }
0x54: {  	[spmem:s21] =	stream.linear.scatter [tilespmem:s23], [sflag:$0x2], $0x1900, $0x38;
	[tilespmem:$0x1D800] =	vst v63  }
0x55: {  	_ =	swait.ge [sflag:s24], $0x1900  }
0x56: {  	[sflag:s24] =	ssyncset.done $0x0  }
0x57: {  	s22 =	rddreg [dreg:$0x15];
	[sflag:s24] =	ssyncadd.s32 $0xFFFFE700  }
0x58: {  	[spmem:s22] =	stream.linear.scatter [tilespmem:s23], [sflag:$0x2], $0x1900, $0x38;
	[tilespmem:$0x1D800] =	vst v63  }
0x59: {  	_ =	swait.ge [sflag:s24], $0x1900  }
0x5a: {  	[sflag:s24] =	ssyncset.done $0x0  }
0x5b: {  	s25 =	rddreg [dreg:$0x16];
	[sflag:s24] =	ssyncadd.s32 $0xFFFFE700  }
0x5c: {  	[spmem:s25] =	stream.linear.scatter [tilespmem:s23], [sflag:$0x2], $0x1900, $0x38;
	[tilespmem:$0x1D800] =	vst v63  }
0x5d: {  	_ =	swait.ge [sflag:s24], $0x1900  }
0x5e: {  	[sflag:s24] =	ssyncset.done $0x0  }
0x5f: {  	s21 =	rddreg [dreg:$0x17];
	[sflag:s24] =	ssyncadd.s32 $0xFFFFE700  }
0x60: {  	[spmem:s21] =	stream.linear.scatter [tilespmem:s23], [sflag:$0x2], $0x1900, $0x38;
	[tilespmem:$0x1D800] =	vst v63  }
0x61: {  	_ =	swait.ge [sflag:s24], $0x1900  }
0x62: {  	[sflag:s24] =	ssyncset.done $0x0  }
0x63: {  	s22 =	rddreg [dreg:$0x18];
	[sflag:s24] =	ssyncadd.s32 $0xFFFFE700  }
0x64: {  	[spmem:s22] =	stream.linear.scatter [tilespmem:s23], [sflag:$0x2], $0x1900, $0x38;
	[tilespmem:$0x1D800] =	vst v63  }
0x65: {  	_ =	swait.ge [sflag:s24], $0x1900  }
0x66: {  	[sflag:s24] =	ssyncset.done $0x0  }
0x67: {  	s25 =	rddreg [dreg:$0x19];
	[sflag:s24] =	ssyncadd.s32 $0xFFFFE700  }
0x68: {  	[spmem:s25] =	stream.linear.scatter [tilespmem:s23], [sflag:$0x2], $0x1900, $0x38;
	[tilespmem:$0x1D800] =	vst v63  }
0x69: {  	_ =	swait.ge [sflag:s24], $0x1900  }
0x6a: {  	[sflag:s24] =	ssyncset.done $0x0  }
0x6b: {  	[sflag:s24] =	ssyncadd.s32 $0xFFFFE700  }
0x6c: {  	[bflag:$0x0] =	sbarrier.arrive $0xFFFF  }
0x6d: {  	s21 =	rddreg [dreg:$0x6]  }
0x6e: {  	s6 =	sadd.s32 $0x0, s21  }
0x6f: {  	[tilespmem:s4], [sflag:$0x2] =	stream.linear.gather [hbm4b:s6+s4], $0x400, $0x38;
	[tilespmem:$0x1D800] =	vst v63  }
0x70: {  	_ =	swait.ge [sflag:s24], $0x400  }
0x71: {  	s22 =	rddreg [dreg:$0x5];
	[sflag:s24] =	ssyncset.done $0x0  }
0x72: {  	[sflag:s24] =	ssyncadd.s32 $0xFFFFFC00;
	s6 =	sadd.s32 $0x0, s22  }
0x73: {  	[tilespmem:s26], [sflag:$0x2] =	stream.linear.gather [hbm4b:s6+s4], $0x400, $0x38;
	[tilespmem:$0x1D800] =	vst v63  }
0x74: {  	_ =	swait.ge [sflag:s24], $0x400  }
0x75: {  	[sflag:s24] =	ssyncset.done $0x0  }
0x76: {  	[sflag:s24] =	ssyncadd.s32 $0xFFFFFC00  }
0x77: {  	[tilespmem:s23], [sflag:$0x1] =	stream.indirect.gather [hbm4b:s0+s28], $0x10, s4, s28, $0xb8;
	[tilespmem:$0x1D800] =	vst v63  }
0x78: {  	_ = 	snop  }
0x79: {  	[tilespmem:s29], [sflag:$0x1] =	stream.indirect.gather [hbm4b:s0+s28], $0x10, s28, s28, $0xb8;
	[tilespmem:$0x1D800] =	vst v63  }
0x7a: {  	s25 =	rddreg [dreg:$0x7]  }
0x7b: {  	[tilespmem:s30], [sflag:$0x1] =	stream.indirect.gather [hbm4b:s0+s28], $0x10, s25, s28, $0xb8;
	[tilespmem:$0x1D800] =	vst v63  }
0x7c: {  	_ = 	snop  }
0x7d: {  	[tilespmem:s2], [sflag:$0x1] =	stream.indirect.gather [hbm4b:s0+s28], $0x10, s31, s28, $0xb8;
	[tilespmem:$0x1D800] =	vst v63  }
0x7e: {  	_ = 	snop  }
0x7f: {  	[tilespmem:s5], [sflag:$0x1] =	stream.indirect.gather [hbm4b:s0+s28], $0x10, s1, s28, $0xb8;
	[tilespmem:$0x1D800] =	vst v63  }
0x80: {  	_ = 	snop  }
0x81: {  	[tilespmem:s8], [sflag:$0x1] =	stream.indirect.gather [hbm4b:s0+s28], $0x10, s7, s28, $0xb8;
	[tilespmem:$0x1D800] =	vst v63  }
0x82: {  	_ = 	snop  }
0x83: {  	[tilespmem:s10], [sflag:$0x1] =	stream.indirect.gather [hbm4b:s0+s28], $0x10, s9, s28, $0xb8;
	[tilespmem:$0x1D800] =	vst v63  }
0x84: {  	_ = 	snop  }
0x85: {  	[tilespmem:s12], [sflag:$0x1] =	stream.indirect.gather [hbm4b:s0+s28], $0x10, s11, s28, $0xb8;
	[tilespmem:$0x1D800] =	vst v63  }
0x86: {  	_ =	swait.ge [sflag:s13], $0x800  }
0x87: {  	[sflag:s13] =	ssyncset.done $0x0  }
0x88: {  	[sflag:s13] =	ssyncadd.s32 $0xFFFFF800  }
0x89: {  	_ =	swait.ge [sflag:s13], $0x800  }
0x8a: {  	[sflag:s13] =	ssyncset.done $0x0  }
0x8b: {  	[sflag:s13] =	ssyncadd.s32 $0xFFFFF800  }
0x8c: {  	_ =	swait.ge [sflag:s13], $0x800  }
0x8d: {  	[sflag:s13] =	ssyncset.done $0x0  }
0x8e: {  	[sflag:s13] =	ssyncadd.s32 $0xFFFFF800  }
0x8f: {  	_ =	swait.ge [sflag:s13], $0x800  }
0x90: {  	[sflag:s13] =	ssyncset.done $0x0  }
0x91: {  	[sflag:s13] =	ssyncadd.s32 $0xFFFFF800  }
0x92: {  	_ =	swait.ge [sflag:s13], $0x800  }
0x93: {  	[sflag:s13] =	ssyncset.done $0x0  }
0x94: {  	[sflag:s13] =	ssyncadd.s32 $0xFFFFF800  }
0x95: {  	_ =	swait.ge [sflag:s13], $0x800  }
0x96: {  	[sflag:s13] =	ssyncset.done $0x0  }
0x97: {  	[sflag:s13] =	ssyncadd.s32 $0xFFFFF800  }
0x98: {  	_ =	swait.ge [sflag:s13], $0x800  }
0x99: {  	[sflag:s13] =	ssyncset.done $0x0  }
0x9a: {  	[sflag:s13] =	ssyncadd.s32 $0xFFFFF800  }
0x9b: {  	_ =	swait.ge [sflag:s13], $0x800  }
0x9c: {  	[sflag:s13] =	ssyncset.done $0x0  }
0x9d: {  	[sflag:s13] =	ssyncadd.s32 $0xFFFFF800  }
0x9e: {  	[spmem:s3] =	stream.indirect.scatter.add.f32 [tilespmem:s23], [sflag:$0x2], $0x10, s26, s28, $0xb8;
	[tilespmem:$0x1D800] =	vst v63  }
0x9f: {  	_ =	swait.ge [sflag:s24], $0x800  }
0xa0: {  	[sflag:s24] =	ssyncset.done $0x0  }
0xa1: {  	[sflag:s24] =	ssyncadd.s32 $0xFFFFF800  }
0xa2: {  	[spmem:s3] =	stream.indirect.scatter.add.f32 [tilespmem:s29], [sflag:$0x2], $0x10, s14, s28, $0xb8;
	[tilespmem:$0x1D800] =	vst v63  }
0xa3: {  	_ =	swait.ge [sflag:s24], $0x800  }
0xa4: {  	[sflag:s24] =	ssyncset.done $0x0  }
0xa5: {  	[sflag:s24] =	ssyncadd.s32 $0xFFFFF800  }
0xa6: {  	[spmem:s3] =	stream.indirect.scatter.add.f32 [tilespmem:s30], [sflag:$0x2], $0x10, s15, s28, $0xb8;
	[tilespmem:$0x1D800] =	vst v63  }
0xa7: {  	_ =	swait.ge [sflag:s24], $0x800  }
0xa8: {  	[sflag:s24] =	ssyncset.done $0x0  }
0xa9: {  	[sflag:s24] =	ssyncadd.s32 $0xFFFFF800  }
0xaa: {  	[spmem:s3] =	stream.indirect.scatter.add.f32 [tilespmem:s2], [sflag:$0x2], $0x10, s16, s28, $0xb8;
	[tilespmem:$0x1D800] =	vst v63  }
0xab: {  	_ =	swait.ge [sflag:s24], $0x800  }
0xac: {  	[sflag:s24] =	ssyncset.done $0x0  }
0xad: {  	[sflag:s24] =	ssyncadd.s32 $0xFFFFF800  }
0xae: {  	[spmem:s3] =	stream.indirect.scatter.add.f32 [tilespmem:s5], [sflag:$0x2], $0x10, s17, s28, $0xb8;
	[tilespmem:$0x1D800] =	vst v63  }
0xaf: {  	_ =	swait.ge [sflag:s24], $0x800  }
0xb0: {  	[sflag:s24] =	ssyncset.done $0x0  }
0xb1: {  	[sflag:s24] =	ssyncadd.s32 $0xFFFFF800  }
0xb2: {  	[spmem:s3] =	stream.indirect.scatter.add.f32 [tilespmem:s8], [sflag:$0x2], $0x10, s18, s28, $0xb8;
	[tilespmem:$0x1D800] =	vst v63  }
0xb3: {  	_ =	swait.ge [sflag:s24], $0x800  }
0xb4: {  	[sflag:s24] =	ssyncset.done $0x0  }
0xb5: {  	[sflag:s24] =	ssyncadd.s32 $0xFFFFF800  }
0xb6: {  	[spmem:s3] =	stream.indirect.scatter.add.f32 [tilespmem:s10], [sflag:$0x2], $0x10, s19, s28, $0xb8;
	[tilespmem:$0x1D800] =	vst v63  }
0xb7: {  	_ =	swait.ge [sflag:s24], $0x800  }
0xb8: {  	[sflag:s24] =	ssyncset.done $0x0  }
0xb9: {  	[sflag:s24] =	ssyncadd.s32 $0xFFFFF800  }
0xba: {  	[spmem:s3] =	stream.indirect.scatter.add.f32 [tilespmem:s12], [sflag:$0x2], $0x10, s20, s28, $0xb8;
	[tilespmem:$0x1D800] =	vst v63  }
0xbb: {  	s22 =	simm.s32 $0x80;
	_ =	swait.ge [sflag:s24], $0x800  }
0xbc: {  	s25 =	simm.s32 $0x100;
	s6 =	rddreg [dreg:$0x6];
	[sflag:s24] =	ssyncset.done $0x0  }
.LBB2_4:
0xbd: {  	[sflag:s24] =	ssyncadd.s32 $0xFFFFF800;
	s6 =	sadd.s32 s22, s6  }
0xbe: {  	[tilespmem:s4], [sflag:$0x2] =	stream.linear.gather [hbm4b:s6+s4], $0x400, $0x38;
	[tilespmem:$0x1D800] =	vst v63  }
0xbf: {  	_ =	swait.ge [sflag:s24], $0x400  }
0xc0: {  	s6 =	rddreg [dreg:$0x5];
	[sflag:s24] =	ssyncset.done $0x0  }
0xc1: {  	[sflag:s24] =	ssyncadd.s32 $0xFFFFFC00;
	s6 =	sadd.s32 s22, s6  }
0xc2: {  	[tilespmem:s26], [sflag:$0x2] =	stream.linear.gather [hbm4b:s6+s4], $0x400, $0x38;
	[tilespmem:$0x1D800] =	vst v63  }
0xc3: {  	_ =	swait.ge [sflag:s24], $0x400  }
0xc4: {  	[sflag:s24] =	ssyncset.done $0x0  }
0xc5: {  	[sflag:s24] =	ssyncadd.s32 $0xFFFFFC00  }
0xc6: {  	[tilespmem:s23], [sflag:$0x1] =	stream.indirect.gather [hbm4b:s0+s28], $0x10, s4, s28, $0xb8;
	[tilespmem:$0x1D800] =	vst v63  }
0xc7: {  	s21 =	smov.u32 s25  }
0xc8: {  	[tilespmem:s29], [sflag:$0x1] =	stream.indirect.gather [hbm4b:s0+s28], $0x10, s28, s28, $0xb8;
	[tilespmem:$0x1D800] =	vst v63  }
0xc9: {  	s22 =	smov.u32 s21;
	s21 =	rddreg [dreg:$0x7]  }
0xca: {  	[tilespmem:s30], [sflag:$0x1] =	stream.indirect.gather [hbm4b:s0+s28], $0x10, s21, s28, $0xb8;
	[tilespmem:$0x1D800] =	vst v63  }
0xcb: {  	_ = 	snop  }
0xcc: {  	[tilespmem:s2], [sflag:$0x1] =	stream.indirect.gather [hbm4b:s0+s28], $0x10, s31, s28, $0xb8;
	[tilespmem:$0x1D800] =	vst v63  }
0xcd: {  	_ = 	snop  }
0xce: {  	[tilespmem:s5], [sflag:$0x1] =	stream.indirect.gather [hbm4b:s0+s28], $0x10, s1, s28, $0xb8;
	[tilespmem:$0x1D800] =	vst v63  }
0xcf: {  	_ = 	snop  }
0xd0: {  	[tilespmem:s8], [sflag:$0x1] =	stream.indirect.gather [hbm4b:s0+s28], $0x10, s7, s28, $0xb8;
	[tilespmem:$0x1D800] =	vst v63  }
0xd1: {  	_ = 	snop  }
0xd2: {  	[tilespmem:s10], [sflag:$0x1] =	stream.indirect.gather [hbm4b:s0+s28], $0x10, s9, s28, $0xb8;
	[tilespmem:$0x1D800] =	vst v63  }
0xd3: {  	_ = 	snop  }
0xd4: {  	[tilespmem:s12], [sflag:$0x1] =	stream.indirect.gather [hbm4b:s0+s28], $0x10, s11, s28, $0xb8;
	[tilespmem:$0x1D800] =	vst v63  }
0xd5: {  	_ =	swait.ge [sflag:s13], $0x800  }
0xd6: {  	[sflag:s13] =	ssyncset.done $0x0  }
0xd7: {  	[sflag:s13] =	ssyncadd.s32 $0xFFFFF800  }
0xd8: {  	_ =	swait.ge [sflag:s13], $0x800  }
0xd9: {  	[sflag:s13] =	ssyncset.done $0x0  }
0xda: {  	[sflag:s13] =	ssyncadd.s32 $0xFFFFF800  }
0xdb: {  	_ =	swait.ge [sflag:s13], $0x800  }
0xdc: {  	[sflag:s13] =	ssyncset.done $0x0  }
0xdd: {  	[sflag:s13] =	ssyncadd.s32 $0xFFFFF800  }
0xde: {  	_ =	swait.ge [sflag:s13], $0x800  }
0xdf: {  	[sflag:s13] =	ssyncset.done $0x0  }
0xe0: {  	[sflag:s13] =	ssyncadd.s32 $0xFFFFF800  }
0xe1: {  	_ =	swait.ge [sflag:s13], $0x800  }
0xe2: {  	[sflag:s13] =	ssyncset.done $0x0  }
0xe3: {  	[sflag:s13] =	ssyncadd.s32 $0xFFFFF800  }
0xe4: {  	_ =	swait.ge [sflag:s13], $0x800  }
0xe5: {  	[sflag:s13] =	ssyncset.done $0x0  }
0xe6: {  	[sflag:s13] =	ssyncadd.s32 $0xFFFFF800  }
0xe7: {  	_ =	swait.ge [sflag:s13], $0x800  }
0xe8: {  	[sflag:s13] =	ssyncset.done $0x0  }
0xe9: {  	[sflag:s13] =	ssyncadd.s32 $0xFFFFF800  }
0xea: {  	_ =	swait.ge [sflag:s13], $0x800  }
0xeb: {  	[sflag:s13] =	ssyncset.done $0x0  }
0xec: {  	[sflag:s13] =	ssyncadd.s32 $0xFFFFF800  }
0xed: {  	[spmem:s3] =	stream.indirect.scatter.add.f32 [tilespmem:s23], [sflag:$0x2], $0x10, s26, s28, $0xb8;
	[tilespmem:$0x1D800] =	vst v63  }
0xee: {  	_ =	swait.ge [sflag:s24], $0x800  }
0xef: {  	[sflag:s24] =	ssyncset.done $0x0  }
0xf0: {  	[sflag:s24] =	ssyncadd.s32 $0xFFFFF800  }
0xf1: {  	[spmem:s3] =	stream.indirect.scatter.add.f32 [tilespmem:s29], [sflag:$0x2], $0x10, s14, s28, $0xb8;
	[tilespmem:$0x1D800] =	vst v63  }
0xf2: {  	_ =	swait.ge [sflag:s24], $0x800  }
0xf3: {  	[sflag:s24] =	ssyncset.done $0x0  }
0xf4: {  	[sflag:s24] =	ssyncadd.s32 $0xFFFFF800  }
0xf5: {  	[spmem:s3] =	stream.indirect.scatter.add.f32 [tilespmem:s30], [sflag:$0x2], $0x10, s15, s28, $0xb8;
	[tilespmem:$0x1D800] =	vst v63  }
0xf6: {  	_ =	swait.ge [sflag:s24], $0x800  }
0xf7: {  	[sflag:s24] =	ssyncset.done $0x0  }
0xf8: {  	[sflag:s24] =	ssyncadd.s32 $0xFFFFF800  }
0xf9: {  	[spmem:s3] =	stream.indirect.scatter.add.f32 [tilespmem:s2], [sflag:$0x2], $0x10, s16, s28, $0xb8;
	[tilespmem:$0x1D800] =	vst v63  }
0xfa: {  	_ =	swait.ge [sflag:s24], $0x800  }
0xfb: {  	[sflag:s24] =	ssyncset.done $0x0  }
0xfc: {  	[sflag:s24] =	ssyncadd.s32 $0xFFFFF800  }
0xfd: {  	[spmem:s3] =	stream.indirect.scatter.add.f32 [tilespmem:s5], [sflag:$0x2], $0x10, s17, s28, $0xb8;
	[tilespmem:$0x1D800] =	vst v63  }
0xfe: {  	_ =	swait.ge [sflag:s24], $0x800  }
0xff: {  	[sflag:s24] =	ssyncset.done $0x0  }
0x100: {  	[sflag:s24] =	ssyncadd.s32 $0xFFFFF800  }
0x101: {  	[spmem:s3] =	stream.indirect.scatter.add.f32 [tilespmem:s8], [sflag:$0x2], $0x10, s18, s28, $0xb8;
	[tilespmem:$0x1D800] =	vst v63  }
0x102: {  	_ =	swait.ge [sflag:s24], $0x800  }
0x103: {  	[sflag:s24] =	ssyncset.done $0x0  }
0x104: {  	[sflag:s24] =	ssyncadd.s32 $0xFFFFF800  }
0x105: {  	[spmem:s3] =	stream.indirect.scatter.add.f32 [tilespmem:s10], [sflag:$0x2], $0x10, s19, s28, $0xb8;
	[tilespmem:$0x1D800] =	vst v63  }
0x106: {  	p0 =	sne.s32 s25, $0x1800;
	_ =	swait.ge [sflag:s24], $0x800  }
.Ltmp1:
0x107: {  	[sflag:s24] =	ssyncset.done $0x0;
	(pc) =	sbr.rel @p0 .LBB2_4-.Ltmp1, $4  }
0x108: {  	[sflag:s24] =	ssyncadd.s32 $0xFFFFF800  }
0x109: {  	[spmem:s3] =	stream.indirect.scatter.add.f32 [tilespmem:s12], [sflag:$0x2], $0x10, s20, s28, $0xb8;
	[tilespmem:$0x1D800] =	vst v63  }
0x10a: {  	_ =	swait.ge [sflag:s24], $0x800  }
0x10b: {  	s25 =	sadd.s32 $0x80, s25;
	s6 =	rddreg [dreg:$0x6];
	[sflag:s24] =	ssyncset.done $0x0  }
0x10c: {  	[sflag:s24] =	ssyncadd.s32 $0xFFFFF800;
	s6 =	sadd.s32 s22, s6  }
0x10d: {  	[tilespmem:s4], [sflag:$0x2] =	stream.linear.gather [hbm4b:s6+s4], $0x400, $0x38;
	[tilespmem:$0x1D800] =	vst v63  }
0x10e: {  	_ =	swait.ge [sflag:s24], $0x400  }
0x10f: {  	s25 =	rddreg [dreg:$0x5];
	[sflag:s24] =	ssyncset.done $0x0  }
0x110: {  	s6 =	sadd.s32 s22, s25;
	[sflag:s24] =	ssyncadd.s32 $0xFFFFFC00  }
0x111: {  	[tilespmem:s26], [sflag:$0x2] =	stream.linear.gather [hbm4b:s6+s4], $0x400, $0x38;
	[tilespmem:$0x1D800] =	vst v63  }
0x112: {  	_ =	swait.ge [sflag:s24], $0x400  }
0x113: {  	[sflag:s24] =	ssyncset.done $0x0  }
0x114: {  	[sflag:s24] =	ssyncadd.s32 $0xFFFFFC00  }
0x115: {  	[tilespmem:s23], [sflag:$0x1] =	stream.indirect.gather [hbm4b:s0+s28], $0x10, s4, s28, $0xb8;
	[tilespmem:$0x1D800] =	vst v63  }
0x116: {  	_ = 	snop  }
0x117: {  	[tilespmem:s29], [sflag:$0x1] =	stream.indirect.gather [hbm4b:s0+s28], $0x10, s28, s28, $0xb8;
	[tilespmem:$0x1D800] =	vst v63  }
0x118: {  	s21 =	rddreg [dreg:$0x7]  }
0x119: {  	[tilespmem:s30], [sflag:$0x1] =	stream.indirect.gather [hbm4b:s0+s28], $0x10, s21, s28, $0xb8;
	[tilespmem:$0x1D800] =	vst v63  }
0x11a: {  	_ = 	snop  }
0x11b: {  	[tilespmem:s2], [sflag:$0x1] =	stream.indirect.gather [hbm4b:s0+s28], $0x10, s31, s28, $0xb8;
	[tilespmem:$0x1D800] =	vst v63  }
0x11c: {  	_ = 	snop  }
0x11d: {  	[tilespmem:s5], [sflag:$0x1] =	stream.indirect.gather [hbm4b:s0+s28], $0x10, s1, s28, $0xb8;
	[tilespmem:$0x1D800] =	vst v63  }
0x11e: {  	_ = 	snop  }
0x11f: {  	[tilespmem:s8], [sflag:$0x1] =	stream.indirect.gather [hbm4b:s0+s28], $0x10, s7, s28, $0xb8;
	[tilespmem:$0x1D800] =	vst v63  }
0x120: {  	_ = 	snop  }
0x121: {  	[tilespmem:s10], [sflag:$0x1] =	stream.indirect.gather [hbm4b:s0+s28], $0x10, s9, s28, $0xb8;
	[tilespmem:$0x1D800] =	vst v63  }
0x122: {  	_ = 	snop  }
0x123: {  	[tilespmem:s12], [sflag:$0x1] =	stream.indirect.gather [hbm4b:s0+s28], $0x10, s11, s28, $0xb8;
	[tilespmem:$0x1D800] =	vst v63  }
0x124: {  	_ =	swait.ge [sflag:s13], $0x800  }
0x125: {  	[sflag:s13] =	ssyncset.done $0x0  }
0x126: {  	[sflag:s13] =	ssyncadd.s32 $0xFFFFF800  }
0x127: {  	_ =	swait.ge [sflag:s13], $0x800  }
0x128: {  	[sflag:s13] =	ssyncset.done $0x0  }
0x129: {  	[sflag:s13] =	ssyncadd.s32 $0xFFFFF800  }
0x12a: {  	_ =	swait.ge [sflag:s13], $0x800  }
0x12b: {  	[sflag:s13] =	ssyncset.done $0x0  }
0x12c: {  	[sflag:s13] =	ssyncadd.s32 $0xFFFFF800  }
0x12d: {  	_ =	swait.ge [sflag:s13], $0x800  }
0x12e: {  	[sflag:s13] =	ssyncset.done $0x0  }
0x12f: {  	[sflag:s13] =	ssyncadd.s32 $0xFFFFF800  }
0x130: {  	_ =	swait.ge [sflag:s13], $0x800  }
0x131: {  	[sflag:s13] =	ssyncset.done $0x0  }
0x132: {  	[sflag:s13] =	ssyncadd.s32 $0xFFFFF800  }
0x133: {  	_ =	swait.ge [sflag:s13], $0x800  }
0x134: {  	[sflag:s13] =	ssyncset.done $0x0  }
0x135: {  	[sflag:s13] =	ssyncadd.s32 $0xFFFFF800  }
0x136: {  	_ =	swait.ge [sflag:s13], $0x800  }
0x137: {  	[sflag:s13] =	ssyncset.done $0x0  }
0x138: {  	[sflag:s13] =	ssyncadd.s32 $0xFFFFF800  }
0x139: {  	_ =	swait.ge [sflag:s13], $0x800  }
0x13a: {  	[sflag:s13] =	ssyncset.done $0x0  }
0x13b: {  	[sflag:s13] =	ssyncadd.s32 $0xFFFFF800  }
0x13c: {  	[spmem:s3] =	stream.indirect.scatter.add.f32 [tilespmem:s23], [sflag:$0x2], $0x10, s26, s28, $0xb8;
	[tilespmem:$0x1D800] =	vst v63  }
0x13d: {  	_ =	swait.ge [sflag:s24], $0x800  }
0x13e: {  	[sflag:s24] =	ssyncset.done $0x0  }
0x13f: {  	[sflag:s24] =	ssyncadd.s32 $0xFFFFF800  }
0x140: {  	[spmem:s3] =	stream.indirect.scatter.add.f32 [tilespmem:s29], [sflag:$0x2], $0x10, s14, s28, $0xb8;
	[tilespmem:$0x1D800] =	vst v63  }
0x141: {  	_ =	swait.ge [sflag:s24], $0x800  }
0x142: {  	[sflag:s24] =	ssyncset.done $0x0  }
0x143: {  	[sflag:s24] =	ssyncadd.s32 $0xFFFFF800  }
0x144: {  	[spmem:s3] =	stream.indirect.scatter.add.f32 [tilespmem:s30], [sflag:$0x2], $0x10, s15, s28, $0xb8;
	[tilespmem:$0x1D800] =	vst v63  }
0x145: {  	_ =	swait.ge [sflag:s24], $0x800  }
0x146: {  	[sflag:s24] =	ssyncset.done $0x0  }
0x147: {  	[sflag:s24] =	ssyncadd.s32 $0xFFFFF800  }
0x148: {  	[spmem:s3] =	stream.indirect.scatter.add.f32 [tilespmem:s2], [sflag:$0x2], $0x10, s16, s28, $0xb8;
	[tilespmem:$0x1D800] =	vst v63  }
0x149: {  	_ =	swait.ge [sflag:s24], $0x800  }
0x14a: {  	[sflag:s24] =	ssyncset.done $0x0  }
0x14b: {  	[sflag:s24] =	ssyncadd.s32 $0xFFFFF800  }
0x14c: {  	[spmem:s3] =	stream.indirect.scatter.add.f32 [tilespmem:s5], [sflag:$0x2], $0x10, s17, s28, $0xb8;
	[tilespmem:$0x1D800] =	vst v63  }
0x14d: {  	_ =	swait.ge [sflag:s24], $0x800  }
0x14e: {  	[sflag:s24] =	ssyncset.done $0x0  }
0x14f: {  	[sflag:s24] =	ssyncadd.s32 $0xFFFFF800  }
0x150: {  	[spmem:s3] =	stream.indirect.scatter.add.f32 [tilespmem:s8], [sflag:$0x2], $0x10, s18, s28, $0xb8;
	[tilespmem:$0x1D800] =	vst v63  }
0x151: {  	_ =	swait.ge [sflag:s24], $0x800  }
0x152: {  	[sflag:s24] =	ssyncset.done $0x0  }
0x153: {  	[sflag:s24] =	ssyncadd.s32 $0xFFFFF800  }
0x154: {  	[spmem:s3] =	stream.indirect.scatter.add.f32 [tilespmem:s10], [sflag:$0x2], $0x10, s19, s28, $0xb8;
	[tilespmem:$0x1D800] =	vst v63  }
0x155: {  	_ =	swait.ge [sflag:s24], $0x800  }
0x156: {  	[sflag:s24] =	ssyncset.done $0x0  }
0x157: {  	[sflag:s24] =	ssyncadd.s32 $0xFFFFF800  }
0x158: {  	[spmem:s3] =	stream.indirect.scatter.add.f32 [tilespmem:s12], [sflag:$0x2], $0x10, s20, s28, $0xb8;
	[tilespmem:$0x1D800] =	vst v63  }
0x159: {  	_ =	swait.ge [sflag:s24], $0x800  }
0x15a: {  	[sflag:s24] =	ssyncset.done $0x0  }
0x15b: {  	[sflag:s24] =	ssyncadd.s32 $0xFFFFF800  }
0x15c: {  	s22 =	stileid.u32;
	[bflag:$0x0] =	sbarrier.arrive $0xFFFF  }
0x15d: {  	s6 =	sshll.u32 s22, $0x6;
	s21 =	rddreg [dreg:$0x8]  }
0x15e: {  	s6 =	sor.u32 $0x1C02, s6;
	s25 =	rddreg [dreg:$0x1a]  }
0x15f: {  	[hbm:s21], [sflag:s6] =	dma.local [spmem:s25], $0x3200  }
0x160: {  	_ =	swait.ge [sflag:s24], $0x3200  }
0x161: {  	s22 =	rddreg [dreg:$0x1b]  }
0x162: {  	s25 =	rddreg [dreg:$0xa];
	s21 =	sadd.s32 $0x1, s22  }
0x163: {  	p0 =	sne.s32 s21, s25  }
.Ltmp2:
0x164: {  	_ = 	snop;
	(pc) =	sbr.rel @p0 .LBB2_1-.Ltmp2, $3  }
0x165: {  	_ =	sdelay $0x1  }
0x166: {  	[sflag:s24] =	ssyncset.done $0x0  }
0x167: {  	[sflag:s24] =	ssyncadd.s32 $0xFFFFCE00  }
0x168: {  	_ =	sfence.sel $0x180000  }
0x169: {  	[bflag:$0x0] =	sbarrier.arrive $0xFFFF  }
0x16a: {  	_ =	strace $0x90000047  }
0x16b: {  	s0 =	stileid.u32;
	[bflag:$0x2] =	sbarrier.arrive $0xFFFF  }
0x16c: {  	p0 =	sne.s32 s0, $0x0;
	s0 =	rddreg [dreg:$0x4]  }
0x16d: {  	s0 =	sadd.s32 @!p0 $0x100000, s0  }
0x16e: {  	[sflag:s0] =	ssyncadd.tile.s32 @!p0 $0x1;
	_ =	shalt  }
.Lfunc_end2:
_tile_overlayer_lowered:
.L_overlay_start_2:
0x16f: {  	(tag) =	ssettag $0x2  }
0x170: {  	s0 =	rddreg [dreg:$0x0];
	s2 =	stileid.u32  }
0x171: {  	s1 =	rddreg [dreg:$0x1];
	p0 =	sne.s32 s2, $0x0  }
0x172: {  	s3 =	rddreg [dreg:$0x2];
	[bflag:$0x3] =	sbarrier.arrive $0xFFFF;
	s2 =	simm.s32 @!p0 $0x1C02  }
0x173: {  	[timem:s3], [sflag:s2] =	dma.local @!p0 [hbm:s0], s1  }
0x174: {  	s0 =	simm.s32 @!p0 $0x2  }
0x175: {  	_ =	swait.ge @!p0 [sflag:s0], s1  }
0x176: {  	s1 =	ssub.s32 @!p0 $0x0, s1;
	[sflag:s0] =	ssyncset.done @!p0 $0x0  }
0x177: {  	[sflag:s0] =	ssyncadd.s32 @!p0 s1  }
0x178: {  	[bflag:$0x3] =	sbarrier.arrive $0xFFFF  }
0x179: {  	_ =	shalt  }

</sc_bundles>
